<compile_context>
chip_gen: v7x
topology: tpu7x:2x2x1
jax: 0.10.2.dev20260603
libtpu: 0.0.44.dev20260713+nightly
codegen_flags: <defaults>
</compile_context>

<pallas_src>
import functools

import jax
import jax.numpy as jnp
from jax import lax
from jax.experimental import pallas as pl
from jax.experimental.pallas import tpu as pltpu
from jax.experimental.pallas import tpu_sc as plsc

B, D, H, W = 16, 10, 128, 128
M = 500
HW = H * W
MP = 512
NW = 32
CHUNK = 256
NV = CHUNK // 16
NG = D * CHUNK
GB = 512
NS = NG // GB

_mesh = plsc.VectorSubcoreMesh(core_axis_name="c", subcore_axis_name="s")


@functools.partial(
    pl.kernel,
    out_type=jax.ShapeDtypeStruct((NW, 12, 16), jnp.float32),
    mesh=_mesh,
    scratch_types=[
        pltpu.VMEM((CHUNK,), jnp.float32),
        pltpu.VMEM((D * CHUNK,), jnp.float32),
        pltpu.VMEM((NV, 16), jnp.float32),
        pltpu.VMEM((NG,), jnp.int32),
        pltpu.VMEM((NG,), jnp.float32),
        pltpu.VMEM((12, 16), jnp.float32),
        pltpu.SemaphoreType.DMA,
        pltpu.SemaphoreType.DMA,
    ],
)
def _sc_partials(flat_hbm, im_hbm, tgt_hbm, out_hbm,
                 imv, tv, mbuf, idx2, pred2, part, sem, sem2):
    wid = lax.axis_index("c") * 16 + lax.axis_index("s")
    b = wid // 2
    a = pl.multiple_of(wid * CHUNK, 256)
    pltpu.sync_copy(im_hbm.at[pl.ds(a, CHUNK)], imv)
    tcopies = [
        pltpu.async_copy(tgt_hbm.at[pl.ds(d * B * MP + a, CHUNK)],
                         tv.at[pl.ds(d * CHUNK, CHUNK)], sem2)
        for d in range(D)
    ]
    zeros = jnp.zeros((16,), jnp.float32)
    nacc = zeros
    gcopies = [None] * NS
    for i in range(NV):
        pk = imv[pl.ds(i * 16, 16)].astype(jnp.int32)
        v = pk & (HW - 1)
        for d in range(D):
            p = d * CHUNK + i * 16
            idx2[pl.ds(p, 16)] = v + (b * D + d) * HW
        mvec = lax.shift_right_logical(pk, 14).astype(jnp.float32)
        nacc = nacc + mvec
        mbuf[i, :] = mvec
    for g in range(NS):
        gcopies[g] = pltpu.async_copy(
            flat_hbm.at[idx2.at[pl.ds(g * GB, GB)]],
            pred2.at[pl.ds(g * GB, GB)], sem)
    for c in tcopies:
        c.wait()
    dacc = [zeros for _ in range(D)]
    for g in range(NS):
        gcopies[g].wait()
        for q in range(GB // 16):
            p = g * GB + q * 16
            d = p // CHUNK
            i = (p % CHUNK) // 16
            pv = pred2[pl.ds(p, 16)]
            t = tv[pl.ds(p, 16)]
            dacc[d] = dacc[d] + jnp.abs(pv - t) * mbuf[i, :]
    for d in range(D):
        part[d, :] = dacc[d]
    part[10, :] = nacc
    part[11, :] = zeros
    pltpu.sync_copy(part, out_hbm.at[wid])


def _finish(p_ref, o_ref):
    x = p_ref[...]
    s = jnp.sum(x, axis=(0, 2))
    o_ref[...] = s[:10] / (s[10] + 1e-4)


@jax.jit
def kernel(output, mask, ind, target):
    flat = output.reshape(B * D * HW)
    pad = ((0, 0), (0, MP - M))
    packed = (jnp.pad(ind.astype(jnp.int32), pad)
              + jnp.pad(mask.astype(jnp.int32), pad) * HW).astype(jnp.float32)
    tgt_t = jnp.pad(target, (pad[0], pad[1], (0, 0))).transpose(2, 0, 1)
    parts = _sc_partials(flat, packed.reshape(B * MP),
                         tgt_t.reshape(D * B * MP))
    return pl.pallas_call(
        _finish,
        out_shape=jax.ShapeDtypeStruct((10,), jnp.float32),
    )(parts)

# --- scband reference (transcript-rebuilt; emitter-appended) ---
"""Pipeline reference for scband-center-net-reg-loss-45896020525955 (READ-ONLY COPY).

The authoritative reference and input builder live on the scoring server;
editing this copy changes nothing except your own understanding.
"""

import jax, jax.numpy as jnp
import numpy as np

B, D, H, W = 16, 10, 128, 128
M = 500

def setup_inputs(seed: int = 0) -> dict:
    key = jax.random.key(seed)
    k1, k2, k3, k4 = jax.random.split(key, 4)
    output = jax.random.normal(k1, (B, D, H, W), dtype=jnp.float32)
    mask = jax.random.randint(k2, (B, M), 0, 2, dtype=jnp.int64)
    ind = jax.random.randint(k3, (B, M), 0, H * W, dtype=jnp.int64)
    target = jax.random.normal(k4, (B, M, D), dtype=jnp.float32)
    return {"output": output, "mask": mask, "ind": ind, "target": target}

def reference(output, mask, ind, target):
    # _transpose_and_gather_feat: (B, D, H, W) -> (B, H*W, D), gather rows at ind
    feat = jnp.transpose(output, (0, 2, 3, 1)).reshape(B, H * W, D)
    pred = jnp.take_along_axis(feat, ind[:, :, None], axis=1)  # (B, M, D)
    # _reg_loss
    num = mask.astype(jnp.float32).sum()
    maskf = jnp.broadcast_to(mask[:, :, None].astype(jnp.float32), target.shape)
    isnotnan = (~jnp.isnan(target)).astype(jnp.float32)
    maskf = maskf * isnotnan
    regr = pred * maskf
    gt_regr = target * maskf
    loss = jnp.abs(regr - gt_regr)
    # transpose(2,0) -> (D, M, B); sum dim=2 -> (D, M); sum dim=1 -> (D,)
    loss = jnp.transpose(loss, (2, 1, 0))
    loss = jnp.sum(loss, axis=2)
    loss = jnp.sum(loss, axis=1)
    loss = loss / (num + 0.0001)
    return loss

if __name__ == "__main__":
    import jax
    _d = setup_inputs()
    print(jax.jit(kernel)(*tuple(_d.values())))

</pallas_src>

<mosaic_0001>
#map = affine_map<(d0, d1) -> (0)>
#map1 = affine_map<(d0, d1) -> (0, 0, 0)>
module attributes {stable_mosaic.version = 14 : i64} {
  func.func @_sc_partials(%arg0: i32, %arg1: i32, %arg2: memref<2621440xf32, #tpu.memory_space<hbm>>, %arg3: memref<8192xf32, #tpu.memory_space<hbm>>, %arg4: memref<81920xf32, #tpu.memory_space<hbm>>, %arg5: memref<32x12x16xf32, #tpu.memory_space<hbm>>, %arg6: memref<256xf32, #tpu.memory_space<vmem>>, %arg7: memref<2560xf32, #tpu.memory_space<vmem>>, %arg8: memref<16x16xf32, #tpu.memory_space<vmem>>, %arg9: memref<2560xi32, #tpu.memory_space<vmem>>, %arg10: memref<2560xf32, #tpu.memory_space<vmem>>, %arg11: memref<12x16xf32, #tpu.memory_space<vmem>>, %arg12: memref<!tpu.dma_semaphore, #tpu.memory_space<semaphore_mem>>, %arg13: memref<!tpu.dma_semaphore, #tpu.memory_space<semaphore_mem>>) attributes {dimension_semantics = [#tpu.dimension_semantics<core_parallel>, #tpu.dimension_semantics<subcore_parallel>], iteration_bounds = array<i64: 2, 16>, scalar_prefetch = 0 : i64, scratch_operands = 8 : i64, tpu.core_type = #tpu.core_type<sc_vector_subcore>, window_params = [{transform_indices = #map}, {transform_indices = #map}, {transform_indices = #map}, {transform_indices = #map1}]} {
    %mul3A = arith.constant 16 : i32
    %mul3A_0 = arith.muli %arg0, %mul3A : i32
    %add3A = arith.addi %mul3A_0, %arg1 : i32
    %jit3A = arith.constant 2 : i32
    %div3A = arith.divsi %add3A, %jit3A : i32
    %sign3A = arith.constant 0 : i32
    %sign3A_1 = arith.cmpi sgt, %add3A, %sign3A : i32
    %sign3A_2 = arith.extui %sign3A_1 : i1 to i32
    %sign3A_3 = arith.constant 0 : i32
    %sign3A_4 = arith.cmpi slt, %add3A, %sign3A_3 : i32
    %sign3A_5 = arith.extui %sign3A_4 : i1 to i32
    %sign3A_6 = arith.subi %sign3A_2, %sign3A_5 : i32
    %sign3A_7 = arith.constant 0 : i32
    %sign3A_8 = arith.cmpi sgt, %jit3A, %sign3A_7 : i32
    %sign3A_9 = arith.extui %sign3A_8 : i1 to i32
    %sign3A_10 = arith.constant 0 : i32
    %sign3A_11 = arith.cmpi slt, %jit3A, %sign3A_10 : i32
    %sign3A_12 = arith.extui %sign3A_11 : i1 to i32
    %sign3A_13 = arith.subi %sign3A_9, %sign3A_12 : i32
    %ne3A = arith.cmpi ne, %sign3A_6, %sign3A_13 : i32
    %rem3A = arith.remsi %add3A, %jit3A : i32
    %ne3A_14 = arith.constant 0 : i32
    %ne3A_15 = arith.cmpi ne, %rem3A, %ne3A_14 : i32
    %and3A = arith.andi %ne3A, %ne3A_15 : i1
    %sub3A = arith.constant 1 : i32
    %sub3A_16 = arith.subi %div3A, %sub3A : i32
    %select_n3A = arith.select %and3A, %sub3A_16, %div3A : i32
    %mul3A_17 = arith.constant 256 : i32
    %mul3A_18 = arith.muli %add3A, %mul3A_17 : i32
    %multiple_of3A = tpu.assume_multiple %mul3A_18, 256 : i32
    "tpu.region"() ({
      %run_scoped3A = tpu.sem_alloc : memref<!tpu.dma_semaphore, #tpu.memory_space<semaphore_mem>>
      %dma_start3A_4893 = tpu.memref_slice %arg3[%multiple_of3A] : memref<8192xf32, #tpu.memory_space<hbm>> -> memref<256xf32, #tpu.memory_space<hbm>>
      %dma_start3A_4894 = tpu.memref_slice %arg3[%multiple_of3A] : memref<8192xf32, #tpu.memory_space<hbm>> -> memref<256xf32, #tpu.memory_space<hbm>>
      tpu.enqueue_dma source(%dma_start3A_4894 : memref<256xf32, #tpu.memory_space<hbm>>) target(%arg6 : memref<256xf32, #tpu.memory_space<vmem>>) target_semaphore(%run_scoped3A : memref<!tpu.dma_semaphore, #tpu.memory_space<semaphore_mem>>)
      %dma_wait3A_4895 = tpu.memref_slice %arg3[%multiple_of3A] : memref<8192xf32, #tpu.memory_space<hbm>> -> memref<256xf32, #tpu.memory_space<hbm>>
      %dma_wait3A_4896 = tpu.memref_slice %arg3[%multiple_of3A] : memref<8192xf32, #tpu.memory_space<hbm>> -> memref<256xf32, #tpu.memory_space<hbm>>
      tpu.wait_dma2 semaphore(%run_scoped3A : memref<!tpu.dma_semaphore, #tpu.memory_space<semaphore_mem>>) src(%dma_wait3A_4896 : memref<256xf32, #tpu.memory_space<hbm>>) dst(%arg6 : memref<256xf32, #tpu.memory_space<vmem>>)
      tpu.yield
    }) : () -> ()
    %add3A_19 = arith.constant 0 : i32
    %add3A_20 = arith.addi %add3A_19, %multiple_of3A : i32
    %dma_start3A = arith.constant 0 : i32
    %dma_start3A_21 = tpu.memref_slice %arg7[%dma_start3A] : memref<2560xf32, #tpu.memory_space<vmem>> -> memref<256xf32, #tpu.memory_space<vmem>>
    %dma_start3A_22 = tpu.memref_slice %arg4[%add3A_20] : memref<81920xf32, #tpu.memory_space<hbm>> -> memref<256xf32, #tpu.memory_space<hbm>>
    %dma_start3A_23 = arith.constant 0 : i32
    %dma_start3A_24 = tpu.memref_slice %arg7[%dma_start3A_23] : memref<2560xf32, #tpu.memory_space<vmem>> -> memref<256xf32, #tpu.memory_space<vmem>>
    %dma_start3A_25 = tpu.memref_slice %arg4[%add3A_20] : memref<81920xf32, #tpu.memory_space<hbm>> -> memref<256xf32, #tpu.memory_space<hbm>>
    tpu.enqueue_dma source(%dma_start3A_25 : memref<256xf32, #tpu.memory_space<hbm>>) target(%dma_start3A_24 : memref<256xf32, #tpu.memory_space<vmem>>) target_semaphore(%arg13 : memref<!tpu.dma_semaphore, #tpu.memory_space<semaphore_mem>>)
    %add3A_26 = arith.constant 8192 : i32
    %add3A_27 = arith.addi %add3A_26, %multiple_of3A : i32
    %dma_start3A_28 = arith.constant 256 : i32
    %dma_start3A_29 = tpu.memref_slice %arg7[%dma_start3A_28] : memref<2560xf32, #tpu.memory_space<vmem>> -> memref<256xf32, #tpu.memory_space<vmem>>
    %dma_start3A_30 = tpu.memref_slice %arg4[%add3A_27] : memref<81920xf32, #tpu.memory_space<hbm>> -> memref<256xf32, #tpu.memory_space<hbm>>
    %dma_start3A_31 = arith.constant 256 : i32
    %dma_start3A_32 = tpu.memref_slice %arg7[%dma_start3A_31] : memref<2560xf32, #tpu.memory_space<vmem>> -> memref<256xf32, #tpu.memory_space<vmem>>
    %dma_start3A_33 = tpu.memref_slice %arg4[%add3A_27] : memref<81920xf32, #tpu.memory_space<hbm>> -> memref<256xf32, #tpu.memory_space<hbm>>
    tpu.enqueue_dma source(%dma_start3A_33 : memref<256xf32, #tpu.memory_space<hbm>>) target(%dma_start3A_32 : memref<256xf32, #tpu.memory_space<vmem>>) target_semaphore(%arg13 : memref<!tpu.dma_semaphore, #tpu.memory_space<semaphore_mem>>)
    %add3A_34 = arith.constant 16384 : i32
    %add3A_35 = arith.addi %add3A_34, %multiple_of3A : i32
    %dma_start3A_36 = arith.constant 512 : i32
    %dma_start3A_37 = tpu.memref_slice %arg7[%dma_start3A_36] : memref<2560xf32, #tpu.memory_space<vmem>> -> memref<256xf32, #tpu.memory_space<vmem>>
    %dma_start3A_38 = tpu.memref_slice %arg4[%add3A_35] : memref<81920xf32, #tpu.memory_space<hbm>> -> memref<256xf32, #tpu.memory_space<hbm>>
    %dma_start3A_39 = arith.constant 512 : i32
    %dma_start3A_40 = tpu.memref_slice %arg7[%dma_start3A_39] : memref<2560xf32, #tpu.memory_space<vmem>> -> memref<256xf32, #tpu.memory_space<vmem>>
    %dma_start3A_41 = tpu.memref_slice %arg4[%add3A_35] : memref<81920xf32, #tpu.memory_space<hbm>> -> memref<256xf32, #tpu.memory_space<hbm>>
    tpu.enqueue_dma source(%dma_start3A_41 : memref<256xf32, #tpu.memory_space<hbm>>) target(%dma_start3A_40 : memref<256xf32, #tpu.memory_space<vmem>>) target_semaphore(%arg13 : memref<!tpu.dma_semaphore, #tpu.memory_space<semaphore_mem>>)
    %add3A_42 = arith.constant 24576 : i32
    %add3A_43 = arith.addi %add3A_42, %multiple_of3A : i32
    %dma_start3A_44 = arith.constant 768 : i32
    %dma_start3A_45 = tpu.memref_slice %arg7[%dma_start3A_44] : memref<2560xf32, #tpu.memory_space<vmem>> -> memref<256xf32, #tpu.memory_space<vmem>>
    %dma_start3A_46 = tpu.memref_slice %arg4[%add3A_43] : memref<81920xf32, #tpu.memory_space<hbm>> -> memref<256xf32, #tpu.memory_space<hbm>>
    %dma_start3A_47 = arith.constant 768 : i32
    %dma_start3A_48 = tpu.memref_slice %arg7[%dma_start3A_47] : memref<2560xf32, #tpu.memory_space<vmem>> -> memref<256xf32, #tpu.memory_space<vmem>>
    %dma_start3A_49 = tpu.memref_slice %arg4[%add3A_43] : memref<81920xf32, #tpu.memory_space<hbm>> -> memref<256xf32, #tpu.memory_space<hbm>>
    tpu.enqueue_dma source(%dma_start3A_49 : memref<256xf32, #tpu.memory_space<hbm>>) target(%dma_start3A_48 : memref<256xf32, #tpu.memory_space<vmem>>) target_semaphore(%arg13 : memref<!tpu.dma_semaphore, #tpu.memory_space<semaphore_mem>>)
    %add3A_50 = arith.constant 32768 : i32
    %add3A_51 = arith.addi %add3A_50, %multiple_of3A : i32
    %dma_start3A_52 = arith.constant 1024 : i32
    %dma_start3A_53 = tpu.memref_slice %arg7[%dma_start3A_52] : memref<2560xf32, #tpu.memory_space<vmem>> -> memref<256xf32, #tpu.memory_space<vmem>>
    %dma_start3A_54 = tpu.memref_slice %arg4[%add3A_51] : memref<81920xf32, #tpu.memory_space<hbm>> -> memref<256xf32, #tpu.memory_space<hbm>>
    %dma_start3A_55 = arith.constant 1024 : i32
    %dma_start3A_56 = tpu.memref_slice %arg7[%dma_start3A_55] : memref<2560xf32, #tpu.memory_space<vmem>> -> memref<256xf32, #tpu.memory_space<vmem>>
    %dma_start3A_57 = tpu.memref_slice %arg4[%add3A_51] : memref<81920xf32, #tpu.memory_space<hbm>> -> memref<256xf32, #tpu.memory_space<hbm>>
    tpu.enqueue_dma source(%dma_start3A_57 : memref<256xf32, #tpu.memory_space<hbm>>) target(%dma_start3A_56 : memref<256xf32, #tpu.memory_space<vmem>>) target_semaphore(%arg13 : memref<!tpu.dma_semaphore, #tpu.memory_space<semaphore_mem>>)
    %add3A_58 = arith.constant 40960 : i32
    %add3A_59 = arith.addi %add3A_58, %multiple_of3A : i32
    %dma_start3A_60 = arith.constant 1280 : i32
    %dma_start3A_61 = tpu.memref_slice %arg7[%dma_start3A_60] : memref<2560xf32, #tpu.memory_space<vmem>> -> memref<256xf32, #tpu.memory_space<vmem>>
    %dma_start3A_62 = tpu.memref_slice %arg4[%add3A_59] : memref<81920xf32, #tpu.memory_space<hbm>> -> memref<256xf32, #tpu.memory_space<hbm>>
    %dma_start3A_63 = arith.constant 1280 : i32
    %dma_start3A_64 = tpu.memref_slice %arg7[%dma_start3A_63] : memref<2560xf32, #tpu.memory_space<vmem>> -> memref<256xf32, #tpu.memory_space<vmem>>
    %dma_start3A_65 = tpu.memref_slice %arg4[%add3A_59] : memref<81920xf32, #tpu.memory_space<hbm>> -> memref<256xf32, #tpu.memory_space<hbm>>
    tpu.enqueue_dma source(%dma_start3A_65 : memref<256xf32, #tpu.memory_space<hbm>>) target(%dma_start3A_64 : memref<256xf32, #tpu.memory_space<vmem>>) target_semaphore(%arg13 : memref<!tpu.dma_semaphore, #tpu.memory_space<semaphore_mem>>)
    %add3A_66 = arith.constant 49152 : i32
    %add3A_67 = arith.addi %add3A_66, %multiple_of3A : i32
    %dma_start3A_68 = arith.constant 1536 : i32
    %dma_start3A_69 = tpu.memref_slice %arg7[%dma_start3A_68] : memref<2560xf32, #tpu.memory_space<vmem>> -> memref<256xf32, #tpu.memory_space<vmem>>
    %dma_start3A_70 = tpu.memref_slice %arg4[%add3A_67] : memref<81920xf32, #tpu.memory_space<hbm>> -> memref<256xf32, #tpu.memory_space<hbm>>
    %dma_start3A_71 = arith.constant 1536 : i32
    %dma_start3A_72 = tpu.memref_slice %arg7[%dma_start3A_71] : memref<2560xf32, #tpu.memory_space<vmem>> -> memref<256xf32, #tpu.memory_space<vmem>>
    %dma_start3A_73 = tpu.memref_slice %arg4[%add3A_67] : memref<81920xf32, #tpu.memory_space<hbm>> -> memref<256xf32, #tpu.memory_space<hbm>>
    tpu.enqueue_dma source(%dma_start3A_73 : memref<256xf32, #tpu.memory_space<hbm>>) target(%dma_start3A_72 : memref<256xf32, #tpu.memory_space<vmem>>) target_semaphore(%arg13 : memref<!tpu.dma_semaphore, #tpu.memory_space<semaphore_mem>>)
    %add3A_74 = arith.constant 57344 : i32
    %add3A_75 = arith.addi %add3A_74, %multiple_of3A : i32
    %dma_start3A_76 = arith.constant 1792 : i32
    %dma_start3A_77 = tpu.memref_slice %arg7[%dma_start3A_76] : memref<2560xf32, #tpu.memory_space<vmem>> -> memref<256xf32, #tpu.memory_space<vmem>>
    %dma_start3A_78 = tpu.memref_slice %arg4[%add3A_75] : memref<81920xf32, #tpu.memory_space<hbm>> -> memref<256xf32, #tpu.memory_space<hbm>>
    %dma_start3A_79 = arith.constant 1792 : i32
    %dma_start3A_80 = tpu.memref_slice %arg7[%dma_start3A_79] : memref<2560xf32, #tpu.memory_space<vmem>> -> memref<256xf32, #tpu.memory_space<vmem>>
    %dma_start3A_81 = tpu.memref_slice %arg4[%add3A_75] : memref<81920xf32, #tpu.memory_space<hbm>> -> memref<256xf32, #tpu.memory_space<hbm>>
    tpu.enqueue_dma source(%dma_start3A_81 : memref<256xf32, #tpu.memory_space<hbm>>) target(%dma_start3A_80 : memref<256xf32, #tpu.memory_space<vmem>>) target_semaphore(%arg13 : memref<!tpu.dma_semaphore, #tpu.memory_space<semaphore_mem>>)
    %add3A_82 = arith.constant 65536 : i32
    %add3A_83 = arith.addi %add3A_82, %multiple_of3A : i32
    %dma_start3A_84 = arith.constant 2048 : i32
    %dma_start3A_85 = tpu.memref_slice %arg7[%dma_start3A_84] : memref<2560xf32, #tpu.memory_space<vmem>> -> memref<256xf32, #tpu.memory_space<vmem>>
    %dma_start3A_86 = tpu.memref_slice %arg4[%add3A_83] : memref<81920xf32, #tpu.memory_space<hbm>> -> memref<256xf32, #tpu.memory_space<hbm>>
    %dma_start3A_87 = arith.constant 2048 : i32
    %dma_start3A_88 = tpu.memref_slice %arg7[%dma_start3A_87] : memref<2560xf32, #tpu.memory_space<vmem>> -> memref<256xf32, #tpu.memory_space<vmem>>
    %dma_start3A_89 = tpu.memref_slice %arg4[%add3A_83] : memref<81920xf32, #tpu.memory_space<hbm>> -> memref<256xf32, #tpu.memory_space<hbm>>
    tpu.enqueue_dma source(%dma_start3A_89 : memref<256xf32, #tpu.memory_space<hbm>>) target(%dma_start3A_88 : memref<256xf32, #tpu.memory_space<vmem>>) target_semaphore(%arg13 : memref<!tpu.dma_semaphore, #tpu.memory_space<semaphore_mem>>)
    %add3A_90 = arith.constant 73728 : i32
    %add3A_91 = arith.addi %add3A_90, %multiple_of3A : i32
    %dma_start3A_92 = arith.constant 2304 : i32
    %dma_start3A_93 = tpu.memref_slice %arg7[%dma_start3A_92] : memref<2560xf32, #tpu.memory_space<vmem>> -> memref<256xf32, #tpu.memory_space<vmem>>
    %dma_start3A_94 = tpu.memref_slice %arg4[%add3A_91] : memref<81920xf32, #tpu.memory_space<hbm>> -> memref<256xf32, #tpu.memory_space<hbm>>
    %dma_start3A_95 = arith.constant 2304 : i32
    %dma_start3A_96 = tpu.memref_slice %arg7[%dma_start3A_95] : memref<2560xf32, #tpu.memory_space<vmem>> -> memref<256xf32, #tpu.memory_space<vmem>>
    %dma_start3A_97 = tpu.memref_slice %arg4[%add3A_91] : memref<81920xf32, #tpu.memory_space<hbm>> -> memref<256xf32, #tpu.memory_space<hbm>>
    tpu.enqueue_dma source(%dma_start3A_97 : memref<256xf32, #tpu.memory_space<hbm>>) target(%dma_start3A_96 : memref<256xf32, #tpu.memory_space<vmem>>) target_semaphore(%arg13 : memref<!tpu.dma_semaphore, #tpu.memory_space<semaphore_mem>>)
    %broadcast_in_dim3A = arith.constant 0.000000e+00 : f32
    %broadcast_in_dim3A_98 = vector.broadcast %broadcast_in_dim3A : f32 to vector<16xf32>
    %get3A = arith.constant 0 : index
    %get3A_99 = tpu.vector_load %arg6[%get3A] {strides = array<i32>} : memref<256xf32, #tpu.memory_space<vmem>>, vector<16xf32>,
    %get3A_100 = vector.shape_cast %get3A_99 : vector<16xf32> to vector<16xf32>
    %convert_element_type3A = arith.fptosi %get3A_100 : vector<16xf32> to vector<16xi32>
    %and3A_101 = arith.constant 16383 : i32
    %and3A_102 = vector.broadcast %and3A_101 : i32 to vector<16xi32>
    %and3A_103 = arith.andi %convert_element_type3A, %and3A_102 : vector<16xi32>
    %mul3A_104 = arith.constant 10 : i32
    %mul3A_105 = arith.muli %select_n3A, %mul3A_104 : i32
    %add3A_106 = arith.constant 0 : i32
    %add3A_107 = arith.addi %mul3A_105, %add3A_106 : i32
    %mul3A_108 = arith.constant 16384 : i32
    %mul3A_109 = arith.muli %add3A_107, %mul3A_108 : i32
    %add3A_110 = vector.broadcast %mul3A_109 : i32 to vector<16xi32>
    %add3A_111 = arith.addi %and3A_103, %add3A_110 : vector<16xi32>
    %swap3A = arith.constant 0 : index
    %swap3A_112 = tpu.vector_load %arg9[%swap3A] {strides = array<i32>} : memref<2560xi32, #tpu.memory_space<vmem>>, vector<16xi32>,
    %swap3A_113 = vector.shape_cast %swap3A_112 : vector<16xi32> to vector<16xi32>
    %swap3A_114 = vector.shape_cast %add3A_111 : vector<16xi32> to vector<16xi32>
    tpu.vector_store %arg9[%swap3A], %swap3A_114 {strides = array<i32>} : memref<2560xi32, #tpu.memory_space<vmem>>, vector<16xi32>,
    %mul3A_115 = arith.constant 10 : i32
    %mul3A_116 = arith.muli %select_n3A, %mul3A_115 : i32
    %add3A_117 = arith.constant 1 : i32
    %add3A_118 = arith.addi %mul3A_116, %add3A_117 : i32
    %mul3A_119 = arith.constant 16384 : i32
    %mul3A_120 = arith.muli %add3A_118, %mul3A_119 : i32
    %add3A_121 = vector.broadcast %mul3A_120 : i32 to vector<16xi32>
    %add3A_122 = arith.addi %and3A_103, %add3A_121 : vector<16xi32>
    %swap3A_123 = arith.constant 256 : index
    %swap3A_124 = tpu.vector_load %arg9[%swap3A_123] {strides = array<i32>} : memref<2560xi32, #tpu.memory_space<vmem>>, vector<16xi32>,
    %swap3A_125 = vector.shape_cast %swap3A_124 : vector<16xi32> to vector<16xi32>
    %swap3A_126 = vector.shape_cast %add3A_122 : vector<16xi32> to vector<16xi32>
    tpu.vector_store %arg9[%swap3A_123], %swap3A_126 {strides = array<i32>} : memref<2560xi32, #tpu.memory_space<vmem>>, vector<16xi32>,
    %mul3A_127 = arith.constant 10 : i32
    %mul3A_128 = arith.muli %select_n3A, %mul3A_127 : i32
    %add3A_129 = arith.constant 2 : i32
    %add3A_130 = arith.addi %mul3A_128, %add3A_129 : i32
    %mul3A_131 = arith.constant 16384 : i32
    %mul3A_132 = arith.muli %add3A_130, %mul3A_131 : i32
    %add3A_133 = vector.broadcast %mul3A_132 : i32 to vector<16xi32>
    %add3A_134 = arith.addi %and3A_103, %add3A_133 : vector<16xi32>
    %swap3A_135 = arith.constant 512 : index
    %swap3A_136 = tpu.vector_load %arg9[%swap3A_135] {strides = array<i32>} : memref<2560xi32, #tpu.memory_space<vmem>>, vector<16xi32>,
    %swap3A_137 = vector.shape_cast %swap3A_136 : vector<16xi32> to vector<16xi32>
    %swap3A_138 = vector.shape_cast %add3A_134 : vector<16xi32> to vector<16xi32>
    tpu.vector_store %arg9[%swap3A_135], %swap3A_138 {strides = array<i32>} : memref<2560xi32, #tpu.memory_space<vmem>>, vector<16xi32>,
    %mul3A_139 = arith.constant 10 : i32
    %mul3A_140 = arith.muli %select_n3A, %mul3A_139 : i32
    %add3A_141 = arith.constant 3 : i32
    %add3A_142 = arith.addi %mul3A_140, %add3A_141 : i32
    %mul3A_143 = arith.constant 16384 : i32
    %mul3A_144 = arith.muli %add3A_142, %mul3A_143 : i32
    %add3A_145 = vector.broadcast %mul3A_144 : i32 to vector<16xi32>
    %add3A_146 = arith.addi %and3A_103, %add3A_145 : vector<16xi32>
    %swap3A_147 = arith.constant 768 : index
    %swap3A_148 = tpu.vector_load %arg9[%swap3A_147] {strides = array<i32>} : memref<2560xi32, #tpu.memory_space<vmem>>, vector<16xi32>,
    %swap3A_149 = vector.shape_cast %swap3A_148 : vector<16xi32> to vector<16xi32>
    %swap3A_150 = vector.shape_cast %add3A_146 : vector<16xi32> to vector<16xi32>
    tpu.vector_store %arg9[%swap3A_147], %swap3A_150 {strides = array<i32>} : memref<2560xi32, #tpu.memory_space<vmem>>, vector<16xi32>,
    %mul3A_151 = arith.constant 10 : i32
    %mul3A_152 = arith.muli %select_n3A, %mul3A_151 : i32
    %add3A_153 = arith.constant 4 : i32
    %add3A_154 = arith.addi %mul3A_152, %add3A_153 : i32
    %mul3A_155 = arith.constant 16384 : i32
    %mul3A_156 = arith.muli %add3A_154, %mul3A_155 : i32
    %add3A_157 = vector.broadcast %mul3A_156 : i32 to vector<16xi32>
    %add3A_158 = arith.addi %and3A_103, %add3A_157 : vector<16xi32>
    %swap3A_159 = arith.constant 1024 : index
    %swap3A_160 = tpu.vector_load %arg9[%swap3A_159] {strides = array<i32>} : memref<2560xi32, #tpu.memory_space<vmem>>, vector<16xi32>,
    %swap3A_161 = vector.shape_cast %swap3A_160 : vector<16xi32> to vector<16xi32>
    %swap3A_162 = vector.shape_cast %add3A_158 : vector<16xi32> to vector<16xi32>
    tpu.vector_store %arg9[%swap3A_159], %swap3A_162 {strides = array<i32>} : memref<2560xi32, #tpu.memory_space<vmem>>, vector<16xi32>,
    %mul3A_163 = arith.constant 10 : i32
    %mul3A_164 = arith.muli %select_n3A, %mul3A_163 : i32
    %add3A_165 = arith.constant 5 : i32
    %add3A_166 = arith.addi %mul3A_164, %add3A_165 : i32
    %mul3A_167 = arith.constant 16384 : i32
    %mul3A_168 = arith.muli %add3A_166, %mul3A_167 : i32
    %add3A_169 = vector.broadcast %mul3A_168 : i32 to vector<16xi32>
    %add3A_170 = arith.addi %and3A_103, %add3A_169 : vector<16xi32>
    %swap3A_171 = arith.constant 1280 : index
    %swap3A_172 = tpu.vector_load %arg9[%swap3A_171] {strides = array<i32>} : memref<2560xi32, #tpu.memory_space<vmem>>, vector<16xi32>,
    %swap3A_173 = vector.shape_cast %swap3A_172 : vector<16xi32> to vector<16xi32>
    %swap3A_174 = vector.shape_cast %add3A_170 : vector<16xi32> to vector<16xi32>
    tpu.vector_store %arg9[%swap3A_171], %swap3A_174 {strides = array<i32>} : memref<2560xi32, #tpu.memory_space<vmem>>, vector<16xi32>,
    %mul3A_175 = arith.constant 10 : i32
    %mul3A_176 = arith.muli %select_n3A, %mul3A_175 : i32
    %add3A_177 = arith.constant 6 : i32
    %add3A_178 = arith.addi %mul3A_176, %add3A_177 : i32
    %mul3A_179 = arith.constant 16384 : i32
    %mul3A_180 = arith.muli %add3A_178, %mul3A_179 : i32
    %add3A_181 = vector.broadcast %mul3A_180 : i32 to vector<16xi32>
    %add3A_182 = arith.addi %and3A_103, %add3A_181 : vector<16xi32>
    %swap3A_183 = arith.constant 1536 : index
    %swap3A_184 = tpu.vector_load %arg9[%swap3A_183] {strides = array<i32>} : memref<2560xi32, #tpu.memory_space<vmem>>, vector<16xi32>,
    %swap3A_185 = vector.shape_cast %swap3A_184 : vector<16xi32> to vector<16xi32>
    %swap3A_186 = vector.shape_cast %add3A_182 : vector<16xi32> to vector<16xi32>
    tpu.vector_store %arg9[%swap3A_183], %swap3A_186 {strides = array<i32>} : memref<2560xi32, #tpu.memory_space<vmem>>, vector<16xi32>,
    %mul3A_187 = arith.constant 10 : i32
    %mul3A_188 = arith.muli %select_n3A, %mul3A_187 : i32
    %add3A_189 = arith.constant 7 : i32
    %add3A_190 = arith.addi %mul3A_188, %add3A_189 : i32
    %mul3A_191 = arith.constant 16384 : i32
    %mul3A_192 = arith.muli %add3A_190, %mul3A_191 : i32
    %add3A_193 = vector.broadcast %mul3A_192 : i32 to vector<16xi32>
    %add3A_194 = arith.addi %and3A_103, %add3A_193 : vector<16xi32>
    %swap3A_195 = arith.constant 1792 : index
    %swap3A_196 = tpu.vector_load %arg9[%swap3A_195] {strides = array<i32>} : memref<2560xi32, #tpu.memory_space<vmem>>, vector<16xi32>,
    %swap3A_197 = vector.shape_cast %swap3A_196 : vector<16xi32> to vector<16xi32>
    %swap3A_198 = vector.shape_cast %add3A_194 : vector<16xi32> to vector<16xi32>
    tpu.vector_store %arg9[%swap3A_195], %swap3A_198 {strides = array<i32>} : memref<2560xi32, #tpu.memory_space<vmem>>, vector<16xi32>,
    %mul3A_199 = arith.constant 10 : i32
    %mul3A_200 = arith.muli %select_n3A, %mul3A_199 : i32
    %add3A_201 = arith.constant 8 : i32
    %add3A_202 = arith.addi %mul3A_200, %add3A_201 : i32
    %mul3A_203 = arith.constant 16384 : i32
    %mul3A_204 = arith.muli %add3A_202, %mul3A_203 : i32
    %add3A_205 = vector.broadcast %mul3A_204 : i32 to vector<16xi32>
    %add3A_206 = arith.addi %and3A_103, %add3A_205 : vector<16xi32>
    %swap3A_207 = arith.constant 2048 : index
    %swap3A_208 = tpu.vector_load %arg9[%swap3A_207] {strides = array<i32>} : memref<2560xi32, #tpu.memory_space<vmem>>, vector<16xi32>,
    %swap3A_209 = vector.shape_cast %swap3A_208 : vector<16xi32> to vector<16xi32>
    %swap3A_210 = vector.shape_cast %add3A_206 : vector<16xi32> to vector<16xi32>
    tpu.vector_store %arg9[%swap3A_207], %swap3A_210 {strides = array<i32>} : memref<2560xi32, #tpu.memory_space<vmem>>, vector<16xi32>,
    %mul3A_211 = arith.constant 10 : i32
    %mul3A_212 = arith.muli %select_n3A, %mul3A_211 : i32
    %add3A_213 = arith.constant 9 : i32
    %add3A_214 = arith.addi %mul3A_212, %add3A_213 : i32
    %mul3A_215 = arith.constant 16384 : i32
    %mul3A_216 = arith.muli %add3A_214, %mul3A_215 : i32
    %add3A_217 = vector.broadcast %mul3A_216 : i32 to vector<16xi32>
    %add3A_218 = arith.addi %and3A_103, %add3A_217 : vector<16xi32>
    %swap3A_219 = arith.constant 2304 : index
    %swap3A_220 = tpu.vector_load %arg9[%swap3A_219] {strides = array<i32>} : memref<2560xi32, #tpu.memory_space<vmem>>, vector<16xi32>,
    %swap3A_221 = vector.shape_cast %swap3A_220 : vector<16xi32> to vector<16xi32>
    %swap3A_222 = vector.shape_cast %add3A_218 : vector<16xi32> to vector<16xi32>
    tpu.vector_store %arg9[%swap3A_219], %swap3A_222 {strides = array<i32>} : memref<2560xi32, #tpu.memory_space<vmem>>, vector<16xi32>,
    %shift_right_logical3A = arith.constant 14 : i32
    %shift_right_logical3A_223 = vector.broadcast %shift_right_logical3A : i32 to vector<16xi32>
    %shift_right_logical3A_224 = arith.shrui %convert_element_type3A, %shift_right_logical3A_223 : vector<16xi32>
    %convert_element_type3A_225 = arith.sitofp %shift_right_logical3A_224 : vector<16xi32> to vector<16xf32>
    %add3A_226 = arith.addf %broadcast_in_dim3A_98, %convert_element_type3A_225 : vector<16xf32>
    %swap3A_227 = arith.constant 0 : i32
    %swap3A_228 = arith.index_cast %swap3A_227 : i32 to index
    %swap3A_229 = arith.constant 0 : index
    %swap3A_230 = tpu.vector_load %arg8[%swap3A_228, %swap3A_229] {strides = array<i32>} : memref<16x16xf32, #tpu.memory_space<vmem>>, vector<1x16xf32>,
    %swap3A_231 = vector.shape_cast %swap3A_230 : vector<1x16xf32> to vector<16xf32>
    %swap3A_232 = vector.shape_cast %convert_element_type3A_225 : vector<16xf32> to vector<1x16xf32>
    tpu.vector_store %arg8[%swap3A_228, %swap3A_229], %swap3A_232 {strides = array<i32>} : memref<16x16xf32, #tpu.memory_space<vmem>>, vector<1x16xf32>,
    %get3A_233 = arith.constant 16 : index
    %get3A_234 = tpu.vector_load %arg6[%get3A_233] {strides = array<i32>} : memref<256xf32, #tpu.memory_space<vmem>>, vector<16xf32>,
    %get3A_235 = vector.shape_cast %get3A_234 : vector<16xf32> to vector<16xf32>
    %convert_element_type3A_236 = arith.fptosi %get3A_235 : vector<16xf32> to vector<16xi32>
    %and3A_237 = arith.constant 16383 : i32
    %and3A_238 = vector.broadcast %and3A_237 : i32 to vector<16xi32>
    %and3A_239 = arith.andi %convert_element_type3A_236, %and3A_238 : vector<16xi32>
    %mul3A_240 = arith.constant 10 : i32
    %mul3A_241 = arith.muli %select_n3A, %mul3A_240 : i32
    %add3A_242 = arith.constant 0 : i32
    %add3A_243 = arith.addi %mul3A_241, %add3A_242 : i32
    %mul3A_244 = arith.constant 16384 : i32
    %mul3A_245 = arith.muli %add3A_243, %mul3A_244 : i32
    %add3A_246 = vector.broadcast %mul3A_245 : i32 to vector<16xi32>
    %add3A_247 = arith.addi %and3A_239, %add3A_246 : vector<16xi32>
    %swap3A_248 = arith.constant 16 : index
    %swap3A_249 = tpu.vector_load %arg9[%swap3A_248] {strides = array<i32>} : memref<2560xi32, #tpu.memory_space<vmem>>, vector<16xi32>,
    %swap3A_250 = vector.shape_cast %swap3A_249 : vector<16xi32> to vector<16xi32>
    %swap3A_251 = vector.shape_cast %add3A_247 : vector<16xi32> to vector<16xi32>
    tpu.vector_store %arg9[%swap3A_248], %swap3A_251 {strides = array<i32>} : memref<2560xi32, #tpu.memory_space<vmem>>, vector<16xi32>,
    %mul3A_252 = arith.constant 10 : i32
    %mul3A_253 = arith.muli %select_n3A, %mul3A_252 : i32
    %add3A_254 = arith.constant 1 : i32
    %add3A_255 = arith.addi %mul3A_253, %add3A_254 : i32
    %mul3A_256 = arith.constant 16384 : i32
    %mul3A_257 = arith.muli %add3A_255, %mul3A_256 : i32
    %add3A_258 = vector.broadcast %mul3A_257 : i32 to vector<16xi32>
    %add3A_259 = arith.addi %and3A_239, %add3A_258 : vector<16xi32>
    %swap3A_260 = arith.constant 272 : index
    %swap3A_261 = tpu.vector_load %arg9[%swap3A_260] {strides = array<i32>} : memref<2560xi32, #tpu.memory_space<vmem>>, vector<16xi32>,
    %swap3A_262 = vector.shape_cast %swap3A_261 : vector<16xi32> to vector<16xi32>
    %swap3A_263 = vector.shape_cast %add3A_259 : vector<16xi32> to vector<16xi32>
    tpu.vector_store %arg9[%swap3A_260], %swap3A_263 {strides = array<i32>} : memref<2560xi32, #tpu.memory_space<vmem>>, vector<16xi32>,
    %mul3A_264 = arith.constant 10 : i32
    %mul3A_265 = arith.muli %select_n3A, %mul3A_264 : i32
    %add3A_266 = arith.constant 2 : i32
    %add3A_267 = arith.addi %mul3A_265, %add3A_266 : i32
    %mul3A_268 = arith.constant 16384 : i32
    %mul3A_269 = arith.muli %add3A_267, %mul3A_268 : i32
    %add3A_270 = vector.broadcast %mul3A_269 : i32 to vector<16xi32>
    %add3A_271 = arith.addi %and3A_239, %add3A_270 : vector<16xi32>
    %swap3A_272 = arith.constant 528 : index
    %swap3A_273 = tpu.vector_load %arg9[%swap3A_272] {strides = array<i32>} : memref<2560xi32, #tpu.memory_space<vmem>>, vector<16xi32>,
    %swap3A_274 = vector.shape_cast %swap3A_273 : vector<16xi32> to vector<16xi32>
    %swap3A_275 = vector.shape_cast %add3A_271 : vector<16xi32> to vector<16xi32>
    tpu.vector_store %arg9[%swap3A_272], %swap3A_275 {strides = array<i32>} : memref<2560xi32, #tpu.memory_space<vmem>>, vector<16xi32>,
    %mul3A_276 = arith.constant 10 : i32
    %mul3A_277 = arith.muli %select_n3A, %mul3A_276 : i32
    %add3A_278 = arith.constant 3 : i32
    %add3A_279 = arith.addi %mul3A_277, %add3A_278 : i32
    %mul3A_280 = arith.constant 16384 : i32
    %mul3A_281 = arith.muli %add3A_279, %mul3A_280 : i32
    %add3A_282 = vector.broadcast %mul3A_281 : i32 to vector<16xi32>
    %add3A_283 = arith.addi %and3A_239, %add3A_282 : vector<16xi32>
    %swap3A_284 = arith.constant 784 : index
    %swap3A_285 = tpu.vector_load %arg9[%swap3A_284] {strides = array<i32>} : memref<2560xi32, #tpu.memory_space<vmem>>, vector<16xi32>,
    %swap3A_286 = vector.shape_cast %swap3A_285 : vector<16xi32> to vector<16xi32>
    %swap3A_287 = vector.shape_cast %add3A_283 : vector<16xi32> to vector<16xi32>
    tpu.vector_store %arg9[%swap3A_284], %swap3A_287 {strides = array<i32>} : memref<2560xi32, #tpu.memory_space<vmem>>, vector<16xi32>,
    %mul3A_288 = arith.constant 10 : i32
    %mul3A_289 = arith.muli %select_n3A, %mul3A_288 : i32
    %add3A_290 = arith.constant 4 : i32
    %add3A_291 = arith.addi %mul3A_289, %add3A_290 : i32
    %mul3A_292 = arith.constant 16384 : i32
    %mul3A_293 = arith.muli %add3A_291, %mul3A_292 : i32
    %add3A_294 = vector.broadcast %mul3A_293 : i32 to vector<16xi32>
    %add3A_295 = arith.addi %and3A_239, %add3A_294 : vector<16xi32>
    %swap3A_296 = arith.constant 1040 : index
    %swap3A_297 = tpu.vector_load %arg9[%swap3A_296] {strides = array<i32>} : memref<2560xi32, #tpu.memory_space<vmem>>, vector<16xi32>,
    %swap3A_298 = vector.shape_cast %swap3A_297 : vector<16xi32> to vector<16xi32>
    %swap3A_299 = vector.shape_cast %add3A_295 : vector<16xi32> to vector<16xi32>
    tpu.vector_store %arg9[%swap3A_296], %swap3A_299 {strides = array<i32>} : memref<2560xi32, #tpu.memory_space<vmem>>, vector<16xi32>,
    %mul3A_300 = arith.constant 10 : i32
    %mul3A_301 = arith.muli %select_n3A, %mul3A_300 : i32
    %add3A_302 = arith.constant 5 : i32
    %add3A_303 = arith.addi %mul3A_301, %add3A_302 : i32
    %mul3A_304 = arith.constant 16384 : i32
    %mul3A_305 = arith.muli %add3A_303, %mul3A_304 : i32
    %add3A_306 = vector.broadcast %mul3A_305 : i32 to vector<16xi32>
    %add3A_307 = arith.addi %and3A_239, %add3A_306 : vector<16xi32>
    %swap3A_308 = arith.constant 1296 : index
    %swap3A_309 = tpu.vector_load %arg9[%swap3A_308] {strides = array<i32>} : memref<2560xi32, #tpu.memory_space<vmem>>, vector<16xi32>,
    %swap3A_310 = vector.shape_cast %swap3A_309 : vector<16xi32> to vector<16xi32>
    %swap3A_311 = vector.shape_cast %add3A_307 : vector<16xi32> to vector<16xi32>
    tpu.vector_store %arg9[%swap3A_308], %swap3A_311 {strides = array<i32>} : memref<2560xi32, #tpu.memory_space<vmem>>, vector<16xi32>,
    %mul3A_312 = arith.constant 10 : i32
    %mul3A_313 = arith.muli %select_n3A, %mul3A_312 : i32
    %add3A_314 = arith.constant 6 : i32
    %add3A_315 = arith.addi %mul3A_313, %add3A_314 : i32
    %mul3A_316 = arith.constant 16384 : i32
    %mul3A_317 = arith.muli %add3A_315, %mul3A_316 : i32
    %add3A_318 = vector.broadcast %mul3A_317 : i32 to vector<16xi32>
    %add3A_319 = arith.addi %and3A_239, %add3A_318 : vector<16xi32>
    %swap3A_320 = arith.constant 1552 : index
    %swap3A_321 = tpu.vector_load %arg9[%swap3A_320] {strides = array<i32>} : memref<2560xi32, #tpu.memory_space<vmem>>, vector<16xi32>,
    %swap3A_322 = vector.shape_cast %swap3A_321 : vector<16xi32> to vector<16xi32>
    %swap3A_323 = vector.shape_cast %add3A_319 : vector<16xi32> to vector<16xi32>
    tpu.vector_store %arg9[%swap3A_320], %swap3A_323 {strides = array<i32>} : memref<2560xi32, #tpu.memory_space<vmem>>, vector<16xi32>,
    %mul3A_324 = arith.constant 10 : i32
    %mul3A_325 = arith.muli %select_n3A, %mul3A_324 : i32
    %add3A_326 = arith.constant 7 : i32
    %add3A_327 = arith.addi %mul3A_325, %add3A_326 : i32
    %mul3A_328 = arith.constant 16384 : i32
    %mul3A_329 = arith.muli %add3A_327, %mul3A_328 : i32
    %add3A_330 = vector.broadcast %mul3A_329 : i32 to vector<16xi32>
    %add3A_331 = arith.addi %and3A_239, %add3A_330 : vector<16xi32>
    %swap3A_332 = arith.constant 1808 : index
    %swap3A_333 = tpu.vector_load %arg9[%swap3A_332] {strides = array<i32>} : memref<2560xi32, #tpu.memory_space<vmem>>, vector<16xi32>,
    %swap3A_334 = vector.shape_cast %swap3A_333 : vector<16xi32> to vector<16xi32>
    %swap3A_335 = vector.shape_cast %add3A_331 : vector<16xi32> to vector<16xi32>
    tpu.vector_store %arg9[%swap3A_332], %swap3A_335 {strides = array<i32>} : memref<2560xi32, #tpu.memory_space<vmem>>, vector<16xi32>,
    %mul3A_336 = arith.constant 10 : i32
    %mul3A_337 = arith.muli %select_n3A, %mul3A_336 : i32
    %add3A_338 = arith.constant 8 : i32
    %add3A_339 = arith.addi %mul3A_337, %add3A_338 : i32
    %mul3A_340 = arith.constant 16384 : i32
    %mul3A_341 = arith.muli %add3A_339, %mul3A_340 : i32
    %add3A_342 = vector.broadcast %mul3A_341 : i32 to vector<16xi32>
    %add3A_343 = arith.addi %and3A_239, %add3A_342 : vector<16xi32>
    %swap3A_344 = arith.constant 2064 : index
    %swap3A_345 = tpu.vector_load %arg9[%swap3A_344] {strides = array<i32>} : memref<2560xi32, #tpu.memory_space<vmem>>, vector<16xi32>,
    %swap3A_346 = vector.shape_cast %swap3A_345 : vector<16xi32> to vector<16xi32>
    %swap3A_347 = vector.shape_cast %add3A_343 : vector<16xi32> to vector<16xi32>
    tpu.vector_store %arg9[%swap3A_344], %swap3A_347 {strides = array<i32>} : memref<2560xi32, #tpu.memory_space<vmem>>, vector<16xi32>,
    %mul3A_348 = arith.constant 10 : i32
    %mul3A_349 = arith.muli %select_n3A, %mul3A_348 : i32
    %add3A_350 = arith.constant 9 : i32
    %add3A_351 = arith.addi %mul3A_349, %add3A_350 : i32
    %mul3A_352 = arith.constant 16384 : i32
    %mul3A_353 = arith.muli %add3A_351, %mul3A_352 : i32
    %add3A_354 = vector.broadcast %mul3A_353 : i32 to vector<16xi32>
    %add3A_355 = arith.addi %and3A_239, %add3A_354 : vector<16xi32>
    %swap3A_356 = arith.constant 2320 : index
    %swap3A_357 = tpu.vector_load %arg9[%swap3A_356] {strides = array<i32>} : memref<2560xi32, #tpu.memory_space<vmem>>, vector<16xi32>,
    %swap3A_358 = vector.shape_cast %swap3A_357 : vector<16xi32> to vector<16xi32>
    %swap3A_359 = vector.shape_cast %add3A_355 : vector<16xi32> to vector<16xi32>
    tpu.vector_store %arg9[%swap3A_356], %swap3A_359 {strides = array<i32>} : memref<2560xi32, #tpu.memory_space<vmem>>, vector<16xi32>,
    %shift_right_logical3A_360 = arith.constant 14 : i32
    %shift_right_logical3A_361 = vector.broadcast %shift_right_logical3A_360 : i32 to vector<16xi32>
    %shift_right_logical3A_362 = arith.shrui %convert_element_type3A_236, %shift_right_logical3A_361 : vector<16xi32>
    %convert_element_type3A_363 = arith.sitofp %shift_right_logical3A_362 : vector<16xi32> to vector<16xf32>
    %add3A_364 = arith.addf %add3A_226, %convert_element_type3A_363 : vector<16xf32>
    %swap3A_365 = arith.constant 1 : i32
    %swap3A_366 = arith.index_cast %swap3A_365 : i32 to index
    %swap3A_367 = arith.constant 0 : index
    %swap3A_368 = tpu.vector_load %arg8[%swap3A_366, %swap3A_367] {strides = array<i32>} : memref<16x16xf32, #tpu.memory_space<vmem>>, vector<1x16xf32>,
    %swap3A_369 = vector.shape_cast %swap3A_368 : vector<1x16xf32> to vector<16xf32>
    %swap3A_370 = vector.shape_cast %convert_element_type3A_363 : vector<16xf32> to vector<1x16xf32>
    tpu.vector_store %arg8[%swap3A_366, %swap3A_367], %swap3A_370 {strides = array<i32>} : memref<16x16xf32, #tpu.memory_space<vmem>>, vector<1x16xf32>,
    %get3A_371 = arith.constant 32 : index
    %get3A_372 = tpu.vector_load %arg6[%get3A_371] {strides = array<i32>} : memref<256xf32, #tpu.memory_space<vmem>>, vector<16xf32>,
    %get3A_373 = vector.shape_cast %get3A_372 : vector<16xf32> to vector<16xf32>
    %convert_element_type3A_374 = arith.fptosi %get3A_373 : vector<16xf32> to vector<16xi32>
    %and3A_375 = arith.constant 16383 : i32
    %and3A_376 = vector.broadcast %and3A_375 : i32 to vector<16xi32>
    %and3A_377 = arith.andi %convert_element_type3A_374, %and3A_376 : vector<16xi32>
    %mul3A_378 = arith.constant 10 : i32
    %mul3A_379 = arith.muli %select_n3A, %mul3A_378 : i32
    %add3A_380 = arith.constant 0 : i32
    %add3A_381 = arith.addi %mul3A_379, %add3A_380 : i32
    %mul3A_382 = arith.constant 16384 : i32
    %mul3A_383 = arith.muli %add3A_381, %mul3A_382 : i32
    %add3A_384 = vector.broadcast %mul3A_383 : i32 to vector<16xi32>
    %add3A_385 = arith.addi %and3A_377, %add3A_384 : vector<16xi32>
    %swap3A_386 = arith.constant 32 : index
    %swap3A_387 = tpu.vector_load %arg9[%swap3A_386] {strides = array<i32>} : memref<2560xi32, #tpu.memory_space<vmem>>, vector<16xi32>,
    %swap3A_388 = vector.shape_cast %swap3A_387 : vector<16xi32> to vector<16xi32>
    %swap3A_389 = vector.shape_cast %add3A_385 : vector<16xi32> to vector<16xi32>
    tpu.vector_store %arg9[%swap3A_386], %swap3A_389 {strides = array<i32>} : memref<2560xi32, #tpu.memory_space<vmem>>, vector<16xi32>,
    %mul3A_390 = arith.constant 10 : i32
    %mul3A_391 = arith.muli %select_n3A, %mul3A_390 : i32
    %add3A_392 = arith.constant 1 : i32
    %add3A_393 = arith.addi %mul3A_391, %add3A_392 : i32
    %mul3A_394 = arith.constant 16384 : i32
    %mul3A_395 = arith.muli %add3A_393, %mul3A_394 : i32
    %add3A_396 = vector.broadcast %mul3A_395 : i32 to vector<16xi32>
    %add3A_397 = arith.addi %and3A_377, %add3A_396 : vector<16xi32>
    %swap3A_398 = arith.constant 288 : index
    %swap3A_399 = tpu.vector_load %arg9[%swap3A_398] {strides = array<i32>} : memref<2560xi32, #tpu.memory_space<vmem>>, vector<16xi32>,
    %swap3A_400 = vector.shape_cast %swap3A_399 : vector<16xi32> to vector<16xi32>
    %swap3A_401 = vector.shape_cast %add3A_397 : vector<16xi32> to vector<16xi32>
    tpu.vector_store %arg9[%swap3A_398], %swap3A_401 {strides = array<i32>} : memref<2560xi32, #tpu.memory_space<vmem>>, vector<16xi32>,
    %mul3A_402 = arith.constant 10 : i32
    %mul3A_403 = arith.muli %select_n3A, %mul3A_402 : i32
    %add3A_404 = arith.constant 2 : i32
    %add3A_405 = arith.addi %mul3A_403, %add3A_404 : i32
    %mul3A_406 = arith.constant 16384 : i32
    %mul3A_407 = arith.muli %add3A_405, %mul3A_406 : i32
    %add3A_408 = vector.broadcast %mul3A_407 : i32 to vector<16xi32>
    %add3A_409 = arith.addi %and3A_377, %add3A_408 : vector<16xi32>
    %swap3A_410 = arith.constant 544 : index
    %swap3A_411 = tpu.vector_load %arg9[%swap3A_410] {strides = array<i32>} : memref<2560xi32, #tpu.memory_space<vmem>>, vector<16xi32>,
    %swap3A_412 = vector.shape_cast %swap3A_411 : vector<16xi32> to vector<16xi32>
    %swap3A_413 = vector.shape_cast %add3A_409 : vector<16xi32> to vector<16xi32>
    tpu.vector_store %arg9[%swap3A_410], %swap3A_413 {strides = array<i32>} : memref<2560xi32, #tpu.memory_space<vmem>>, vector<16xi32>,
    %mul3A_414 = arith.constant 10 : i32
    %mul3A_415 = arith.muli %select_n3A, %mul3A_414 : i32
    %add3A_416 = arith.constant 3 : i32
    %add3A_417 = arith.addi %mul3A_415, %add3A_416 : i32
    %mul3A_418 = arith.constant 16384 : i32
    %mul3A_419 = arith.muli %add3A_417, %mul3A_418 : i32
    %add3A_420 = vector.broadcast %mul3A_419 : i32 to vector<16xi32>
    %add3A_421 = arith.addi %and3A_377, %add3A_420 : vector<16xi32>
    %swap3A_422 = arith.constant 800 : index
    %swap3A_423 = tpu.vector_load %arg9[%swap3A_422] {strides = array<i32>} : memref<2560xi32, #tpu.memory_space<vmem>>, vector<16xi32>,
    %swap3A_424 = vector.shape_cast %swap3A_423 : vector<16xi32> to vector<16xi32>
    %swap3A_425 = vector.shape_cast %add3A_421 : vector<16xi32> to vector<16xi32>
    tpu.vector_store %arg9[%swap3A_422], %swap3A_425 {strides = array<i32>} : memref<2560xi32, #tpu.memory_space<vmem>>, vector<16xi32>,
    %mul3A_426 = arith.constant 10 : i32
    %mul3A_427 = arith.muli %select_n3A, %mul3A_426 : i32
    %add3A_428 = arith.constant 4 : i32
    %add3A_429 = arith.addi %mul3A_427, %add3A_428 : i32
    %mul3A_430 = arith.constant 16384 : i32
    %mul3A_431 = arith.muli %add3A_429, %mul3A_430 : i32
    %add3A_432 = vector.broadcast %mul3A_431 : i32 to vector<16xi32>
    %add3A_433 = arith.addi %and3A_377, %add3A_432 : vector<16xi32>
    %swap3A_434 = arith.constant 1056 : index
    %swap3A_435 = tpu.vector_load %arg9[%swap3A_434] {strides = array<i32>} : memref<2560xi32, #tpu.memory_space<vmem>>, vector<16xi32>,
    %swap3A_436 = vector.shape_cast %swap3A_435 : vector<16xi32> to vector<16xi32>
    %swap3A_437 = vector.shape_cast %add3A_433 : vector<16xi32> to vector<16xi32>
    tpu.vector_store %arg9[%swap3A_434], %swap3A_437 {strides = array<i32>} : memref<2560xi32, #tpu.memory_space<vmem>>, vector<16xi32>,
    %mul3A_438 = arith.constant 10 : i32
    %mul3A_439 = arith.muli %select_n3A, %mul3A_438 : i32
    %add3A_440 = arith.constant 5 : i32
    %add3A_441 = arith.addi %mul3A_439, %add3A_440 : i32
    %mul3A_442 = arith.constant 16384 : i32
    %mul3A_443 = arith.muli %add3A_441, %mul3A_442 : i32
    %add3A_444 = vector.broadcast %mul3A_443 : i32 to vector<16xi32>
    %add3A_445 = arith.addi %and3A_377, %add3A_444 : vector<16xi32>
    %swap3A_446 = arith.constant 1312 : index
    %swap3A_447 = tpu.vector_load %arg9[%swap3A_446] {strides = array<i32>} : memref<2560xi32, #tpu.memory_space<vmem>>, vector<16xi32>,
    %swap3A_448 = vector.shape_cast %swap3A_447 : vector<16xi32> to vector<16xi32>
    %swap3A_449 = vector.shape_cast %add3A_445 : vector<16xi32> to vector<16xi32>
    tpu.vector_store %arg9[%swap3A_446], %swap3A_449 {strides = array<i32>} : memref<2560xi32, #tpu.memory_space<vmem>>, vector<16xi32>,
    %mul3A_450 = arith.constant 10 : i32
    %mul3A_451 = arith.muli %select_n3A, %mul3A_450 : i32
    %add3A_452 = arith.constant 6 : i32
    %add3A_453 = arith.addi %mul3A_451, %add3A_452 : i32
    %mul3A_454 = arith.constant 16384 : i32
    %mul3A_455 = arith.muli %add3A_453, %mul3A_454 : i32
    %add3A_456 = vector.broadcast %mul3A_455 : i32 to vector<16xi32>
    %add3A_457 = arith.addi %and3A_377, %add3A_456 : vector<16xi32>
    %swap3A_458 = arith.constant 1568 : index
    %swap3A_459 = tpu.vector_load %arg9[%swap3A_458] {strides = array<i32>} : memref<2560xi32, #tpu.memory_space<vmem>>, vector<16xi32>,
    %swap3A_460 = vector.shape_cast %swap3A_459 : vector<16xi32> to vector<16xi32>
    %swap3A_461 = vector.shape_cast %add3A_457 : vector<16xi32> to vector<16xi32>
    tpu.vector_store %arg9[%swap3A_458], %swap3A_461 {strides = array<i32>} : memref<2560xi32, #tpu.memory_space<vmem>>, vector<16xi32>,
    %mul3A_462 = arith.constant 10 : i32
    %mul3A_463 = arith.muli %select_n3A, %mul3A_462 : i32
    %add3A_464 = arith.constant 7 : i32
    %add3A_465 = arith.addi %mul3A_463, %add3A_464 : i32
    %mul3A_466 = arith.constant 16384 : i32
    %mul3A_467 = arith.muli %add3A_465, %mul3A_466 : i32
    %add3A_468 = vector.broadcast %mul3A_467 : i32 to vector<16xi32>
    %add3A_469 = arith.addi %and3A_377, %add3A_468 : vector<16xi32>
    %swap3A_470 = arith.constant 1824 : index
    %swap3A_471 = tpu.vector_load %arg9[%swap3A_470] {strides = array<i32>} : memref<2560xi32, #tpu.memory_space<vmem>>, vector<16xi32>,
    %swap3A_472 = vector.shape_cast %swap3A_471 : vector<16xi32> to vector<16xi32>
    %swap3A_473 = vector.shape_cast %add3A_469 : vector<16xi32> to vector<16xi32>
    tpu.vector_store %arg9[%swap3A_470], %swap3A_473 {strides = array<i32>} : memref<2560xi32, #tpu.memory_space<vmem>>, vector<16xi32>,
    %mul3A_474 = arith.constant 10 : i32
    %mul3A_475 = arith.muli %select_n3A, %mul3A_474 : i32
    %add3A_476 = arith.constant 8 : i32
    %add3A_477 = arith.addi %mul3A_475, %add3A_476 : i32
    %mul3A_478 = arith.constant 16384 : i32
    %mul3A_479 = arith.muli %add3A_477, %mul3A_478 : i32
    %add3A_480 = vector.broadcast %mul3A_479 : i32 to vector<16xi32>
    %add3A_481 = arith.addi %and3A_377, %add3A_480 : vector<16xi32>
    %swap3A_482 = arith.constant 2080 : index
    %swap3A_483 = tpu.vector_load %arg9[%swap3A_482] {strides = array<i32>} : memref<2560xi32, #tpu.memory_space<vmem>>, vector<16xi32>,
    %swap3A_484 = vector.shape_cast %swap3A_483 : vector<16xi32> to vector<16xi32>
    %swap3A_485 = vector.shape_cast %add3A_481 : vector<16xi32> to vector<16xi32>
    tpu.vector_store %arg9[%swap3A_482], %swap3A_485 {strides = array<i32>} : memref<2560xi32, #tpu.memory_space<vmem>>, vector<16xi32>,
    %mul3A_486 = arith.constant 10 : i32
    %mul3A_487 = arith.muli %select_n3A, %mul3A_486 : i32
    %add3A_488 = arith.constant 9 : i32
    %add3A_489 = arith.addi %mul3A_487, %add3A_488 : i32
    %mul3A_490 = arith.constant 16384 : i32
    %mul3A_491 = arith.muli %add3A_489, %mul3A_490 : i32
    %add3A_492 = vector.broadcast %mul3A_491 : i32 to vector<16xi32>
    %add3A_493 = arith.addi %and3A_377, %add3A_492 : vector<16xi32>
    %swap3A_494 = arith.constant 2336 : index
    %swap3A_495 = tpu.vector_load %arg9[%swap3A_494] {strides = array<i32>} : memref<2560xi32, #tpu.memory_space<vmem>>, vector<16xi32>,
    %swap3A_496 = vector.shape_cast %swap3A_495 : vector<16xi32> to vector<16xi32>
    %swap3A_497 = vector.shape_cast %add3A_493 : vector<16xi32> to vector<16xi32>
    tpu.vector_store %arg9[%swap3A_494], %swap3A_497 {strides = array<i32>} : memref<2560xi32, #tpu.memory_space<vmem>>, vector<16xi32>,
    %shift_right_logical3A_498 = arith.constant 14 : i32
    %shift_right_logical3A_499 = vector.broadcast %shift_right_logical3A_498 : i32 to vector<16xi32>
    %shift_right_logical3A_500 = arith.shrui %convert_element_type3A_374, %shift_right_logical3A_499 : vector<16xi32>
    %convert_element_type3A_501 = arith.sitofp %shift_right_logical3A_500 : vector<16xi32> to vector<16xf32>
    %add3A_502 = arith.addf %add3A_364, %convert_element_type3A_501 : vector<16xf32>
    %swap3A_503 = arith.constant 2 : i32
    %swap3A_504 = arith.index_cast %swap3A_503 : i32 to index
    %swap3A_505 = arith.constant 0 : index
    %swap3A_506 = tpu.vector_load %arg8[%swap3A_504, %swap3A_505] {strides = array<i32>} : memref<16x16xf32, #tpu.memory_space<vmem>>, vector<1x16xf32>,
    %swap3A_507 = vector.shape_cast %swap3A_506 : vector<1x16xf32> to vector<16xf32>
    %swap3A_508 = vector.shape_cast %convert_element_type3A_501 : vector<16xf32> to vector<1x16xf32>
    tpu.vector_store %arg8[%swap3A_504, %swap3A_505], %swap3A_508 {strides = array<i32>} : memref<16x16xf32, #tpu.memory_space<vmem>>, vector<1x16xf32>,
    %get3A_509 = arith.constant 48 : index
    %get3A_510 = tpu.vector_load %arg6[%get3A_509] {strides = array<i32>} : memref<256xf32, #tpu.memory_space<vmem>>, vector<16xf32>,
    %get3A_511 = vector.shape_cast %get3A_510 : vector<16xf32> to vector<16xf32>
    %convert_element_type3A_512 = arith.fptosi %get3A_511 : vector<16xf32> to vector<16xi32>
    %and3A_513 = arith.constant 16383 : i32
    %and3A_514 = vector.broadcast %and3A_513 : i32 to vector<16xi32>
    %and3A_515 = arith.andi %convert_element_type3A_512, %and3A_514 : vector<16xi32>
    %mul3A_516 = arith.constant 10 : i32
    %mul3A_517 = arith.muli %select_n3A, %mul3A_516 : i32
    %add3A_518 = arith.constant 0 : i32
    %add3A_519 = arith.addi %mul3A_517, %add3A_518 : i32
    %mul3A_520 = arith.constant 16384 : i32
    %mul3A_521 = arith.muli %add3A_519, %mul3A_520 : i32
    %add3A_522 = vector.broadcast %mul3A_521 : i32 to vector<16xi32>
    %add3A_523 = arith.addi %and3A_515, %add3A_522 : vector<16xi32>
    %swap3A_524 = arith.constant 48 : index
    %swap3A_525 = tpu.vector_load %arg9[%swap3A_524] {strides = array<i32>} : memref<2560xi32, #tpu.memory_space<vmem>>, vector<16xi32>,
    %swap3A_526 = vector.shape_cast %swap3A_525 : vector<16xi32> to vector<16xi32>
    %swap3A_527 = vector.shape_cast %add3A_523 : vector<16xi32> to vector<16xi32>
    tpu.vector_store %arg9[%swap3A_524], %swap3A_527 {strides = array<i32>} : memref<2560xi32, #tpu.memory_space<vmem>>, vector<16xi32>,
    %mul3A_528 = arith.constant 10 : i32
    %mul3A_529 = arith.muli %select_n3A, %mul3A_528 : i32
    %add3A_530 = arith.constant 1 : i32
    %add3A_531 = arith.addi %mul3A_529, %add3A_530 : i32
    %mul3A_532 = arith.constant 16384 : i32
    %mul3A_533 = arith.muli %add3A_531, %mul3A_532 : i32
    %add3A_534 = vector.broadcast %mul3A_533 : i32 to vector<16xi32>
    %add3A_535 = arith.addi %and3A_515, %add3A_534 : vector<16xi32>
    %swap3A_536 = arith.constant 304 : index
    %swap3A_537 = tpu.vector_load %arg9[%swap3A_536] {strides = array<i32>} : memref<2560xi32, #tpu.memory_space<vmem>>, vector<16xi32>,
    %swap3A_538 = vector.shape_cast %swap3A_537 : vector<16xi32> to vector<16xi32>
    %swap3A_539 = vector.shape_cast %add3A_535 : vector<16xi32> to vector<16xi32>
    tpu.vector_store %arg9[%swap3A_536], %swap3A_539 {strides = array<i32>} : memref<2560xi32, #tpu.memory_space<vmem>>, vector<16xi32>,
    %mul3A_540 = arith.constant 10 : i32
    %mul3A_541 = arith.muli %select_n3A, %mul3A_540 : i32
    %add3A_542 = arith.constant 2 : i32
    %add3A_543 = arith.addi %mul3A_541, %add3A_542 : i32
    %mul3A_544 = arith.constant 16384 : i32
    %mul3A_545 = arith.muli %add3A_543, %mul3A_544 : i32
    %add3A_546 = vector.broadcast %mul3A_545 : i32 to vector<16xi32>
    %add3A_547 = arith.addi %and3A_515, %add3A_546 : vector<16xi32>
    %swap3A_548 = arith.constant 560 : index
    %swap3A_549 = tpu.vector_load %arg9[%swap3A_548] {strides = array<i32>} : memref<2560xi32, #tpu.memory_space<vmem>>, vector<16xi32>,
    %swap3A_550 = vector.shape_cast %swap3A_549 : vector<16xi32> to vector<16xi32>
    %swap3A_551 = vector.shape_cast %add3A_547 : vector<16xi32> to vector<16xi32>
    tpu.vector_store %arg9[%swap3A_548], %swap3A_551 {strides = array<i32>} : memref<2560xi32, #tpu.memory_space<vmem>>, vector<16xi32>,
    %mul3A_552 = arith.constant 10 : i32
    %mul3A_553 = arith.muli %select_n3A, %mul3A_552 : i32
    %add3A_554 = arith.constant 3 : i32
    %add3A_555 = arith.addi %mul3A_553, %add3A_554 : i32
    %mul3A_556 = arith.constant 16384 : i32
    %mul3A_557 = arith.muli %add3A_555, %mul3A_556 : i32
    %add3A_558 = vector.broadcast %mul3A_557 : i32 to vector<16xi32>
    %add3A_559 = arith.addi %and3A_515, %add3A_558 : vector<16xi32>
    %swap3A_560 = arith.constant 816 : index
    %swap3A_561 = tpu.vector_load %arg9[%swap3A_560] {strides = array<i32>} : memref<2560xi32, #tpu.memory_space<vmem>>, vector<16xi32>,
    %swap3A_562 = vector.shape_cast %swap3A_561 : vector<16xi32> to vector<16xi32>
    %swap3A_563 = vector.shape_cast %add3A_559 : vector<16xi32> to vector<16xi32>
    tpu.vector_store %arg9[%swap3A_560], %swap3A_563 {strides = array<i32>} : memref<2560xi32, #tpu.memory_space<vmem>>, vector<16xi32>,
    %mul3A_564 = arith.constant 10 : i32
    %mul3A_565 = arith.muli %select_n3A, %mul3A_564 : i32
    %add3A_566 = arith.constant 4 : i32
    %add3A_567 = arith.addi %mul3A_565, %add3A_566 : i32
    %mul3A_568 = arith.constant 16384 : i32
    %mul3A_569 = arith.muli %add3A_567, %mul3A_568 : i32
    %add3A_570 = vector.broadcast %mul3A_569 : i32 to vector<16xi32>
    %add3A_571 = arith.addi %and3A_515, %add3A_570 : vector<16xi32>
    %swap3A_572 = arith.constant 1072 : index
    %swap3A_573 = tpu.vector_load %arg9[%swap3A_572] {strides = array<i32>} : memref<2560xi32, #tpu.memory_space<vmem>>, vector<16xi32>,
    %swap3A_574 = vector.shape_cast %swap3A_573 : vector<16xi32> to vector<16xi32>
    %swap3A_575 = vector.shape_cast %add3A_571 : vector<16xi32> to vector<16xi32>
    tpu.vector_store %arg9[%swap3A_572], %swap3A_575 {strides = array<i32>} : memref<2560xi32, #tpu.memory_space<vmem>>, vector<16xi32>,
    %mul3A_576 = arith.constant 10 : i32
    %mul3A_577 = arith.muli %select_n3A, %mul3A_576 : i32
    %add3A_578 = arith.constant 5 : i32
    %add3A_579 = arith.addi %mul3A_577, %add3A_578 : i32
    %mul3A_580 = arith.constant 16384 : i32
    %mul3A_581 = arith.muli %add3A_579, %mul3A_580 : i32
    %add3A_582 = vector.broadcast %mul3A_581 : i32 to vector<16xi32>
    %add3A_583 = arith.addi %and3A_515, %add3A_582 : vector<16xi32>
    %swap3A_584 = arith.constant 1328 : index
    %swap3A_585 = tpu.vector_load %arg9[%swap3A_584] {strides = array<i32>} : memref<2560xi32, #tpu.memory_space<vmem>>, vector<16xi32>,
    %swap3A_586 = vector.shape_cast %swap3A_585 : vector<16xi32> to vector<16xi32>
    %swap3A_587 = vector.shape_cast %add3A_583 : vector<16xi32> to vector<16xi32>
    tpu.vector_store %arg9[%swap3A_584], %swap3A_587 {strides = array<i32>} : memref<2560xi32, #tpu.memory_space<vmem>>, vector<16xi32>,
    %mul3A_588 = arith.constant 10 : i32
    %mul3A_589 = arith.muli %select_n3A, %mul3A_588 : i32
    %add3A_590 = arith.constant 6 : i32
    %add3A_591 = arith.addi %mul3A_589, %add3A_590 : i32
    %mul3A_592 = arith.constant 16384 : i32
    %mul3A_593 = arith.muli %add3A_591, %mul3A_592 : i32
    %add3A_594 = vector.broadcast %mul3A_593 : i32 to vector<16xi32>
    %add3A_595 = arith.addi %and3A_515, %add3A_594 : vector<16xi32>
    %swap3A_596 = arith.constant 1584 : index
    %swap3A_597 = tpu.vector_load %arg9[%swap3A_596] {strides = array<i32>} : memref<2560xi32, #tpu.memory_space<vmem>>, vector<16xi32>,
    %swap3A_598 = vector.shape_cast %swap3A_597 : vector<16xi32> to vector<16xi32>
    %swap3A_599 = vector.shape_cast %add3A_595 : vector<16xi32> to vector<16xi32>
    tpu.vector_store %arg9[%swap3A_596], %swap3A_599 {strides = array<i32>} : memref<2560xi32, #tpu.memory_space<vmem>>, vector<16xi32>,
    %mul3A_600 = arith.constant 10 : i32
    %mul3A_601 = arith.muli %select_n3A, %mul3A_600 : i32
    %add3A_602 = arith.constant 7 : i32
    %add3A_603 = arith.addi %mul3A_601, %add3A_602 : i32
    %mul3A_604 = arith.constant 16384 : i32
    %mul3A_605 = arith.muli %add3A_603, %mul3A_604 : i32
    %add3A_606 = vector.broadcast %mul3A_605 : i32 to vector<16xi32>
    %add3A_607 = arith.addi %and3A_515, %add3A_606 : vector<16xi32>
    %swap3A_608 = arith.constant 1840 : index
    %swap3A_609 = tpu.vector_load %arg9[%swap3A_608] {strides = array<i32>} : memref<2560xi32, #tpu.memory_space<vmem>>, vector<16xi32>,
    %swap3A_610 = vector.shape_cast %swap3A_609 : vector<16xi32> to vector<16xi32>
    %swap3A_611 = vector.shape_cast %add3A_607 : vector<16xi32> to vector<16xi32>
    tpu.vector_store %arg9[%swap3A_608], %swap3A_611 {strides = array<i32>} : memref<2560xi32, #tpu.memory_space<vmem>>, vector<16xi32>,
    %mul3A_612 = arith.constant 10 : i32
    %mul3A_613 = arith.muli %select_n3A, %mul3A_612 : i32
    %add3A_614 = arith.constant 8 : i32
    %add3A_615 = arith.addi %mul3A_613, %add3A_614 : i32
    %mul3A_616 = arith.constant 16384 : i32
    %mul3A_617 = arith.muli %add3A_615, %mul3A_616 : i32
    %add3A_618 = vector.broadcast %mul3A_617 : i32 to vector<16xi32>
    %add3A_619 = arith.addi %and3A_515, %add3A_618 : vector<16xi32>
    %swap3A_620 = arith.constant 2096 : index
    %swap3A_621 = tpu.vector_load %arg9[%swap3A_620] {strides = array<i32>} : memref<2560xi32, #tpu.memory_space<vmem>>, vector<16xi32>,
    %swap3A_622 = vector.shape_cast %swap3A_621 : vector<16xi32> to vector<16xi32>
    %swap3A_623 = vector.shape_cast %add3A_619 : vector<16xi32> to vector<16xi32>
    tpu.vector_store %arg9[%swap3A_620], %swap3A_623 {strides = array<i32>} : memref<2560xi32, #tpu.memory_space<vmem>>, vector<16xi32>,
    %mul3A_624 = arith.constant 10 : i32
    %mul3A_625 = arith.muli %select_n3A, %mul3A_624 : i32
    %add3A_626 = arith.constant 9 : i32
    %add3A_627 = arith.addi %mul3A_625, %add3A_626 : i32
    %mul3A_628 = arith.constant 16384 : i32
    %mul3A_629 = arith.muli %add3A_627, %mul3A_628 : i32
    %add3A_630 = vector.broadcast %mul3A_629 : i32 to vector<16xi32>
    %add3A_631 = arith.addi %and3A_515, %add3A_630 : vector<16xi32>
    %swap3A_632 = arith.constant 2352 : index
    %swap3A_633 = tpu.vector_load %arg9[%swap3A_632] {strides = array<i32>} : memref<2560xi32, #tpu.memory_space<vmem>>, vector<16xi32>,
    %swap3A_634 = vector.shape_cast %swap3A_633 : vector<16xi32> to vector<16xi32>
    %swap3A_635 = vector.shape_cast %add3A_631 : vector<16xi32> to vector<16xi32>
    tpu.vector_store %arg9[%swap3A_632], %swap3A_635 {strides = array<i32>} : memref<2560xi32, #tpu.memory_space<vmem>>, vector<16xi32>,
    %shift_right_logical3A_636 = arith.constant 14 : i32
    %shift_right_logical3A_637 = vector.broadcast %shift_right_logical3A_636 : i32 to vector<16xi32>
    %shift_right_logical3A_638 = arith.shrui %convert_element_type3A_512, %shift_right_logical3A_637 : vector<16xi32>
    %convert_element_type3A_639 = arith.sitofp %shift_right_logical3A_638 : vector<16xi32> to vector<16xf32>
    %add3A_640 = arith.addf %add3A_502, %convert_element_type3A_639 : vector<16xf32>
    %swap3A_641 = arith.constant 3 : i32
    %swap3A_642 = arith.index_cast %swap3A_641 : i32 to index
    %swap3A_643 = arith.constant 0 : index
    %swap3A_644 = tpu.vector_load %arg8[%swap3A_642, %swap3A_643] {strides = array<i32>} : memref<16x16xf32, #tpu.memory_space<vmem>>, vector<1x16xf32>,
    %swap3A_645 = vector.shape_cast %swap3A_644 : vector<1x16xf32> to vector<16xf32>
    %swap3A_646 = vector.shape_cast %convert_element_type3A_639 : vector<16xf32> to vector<1x16xf32>
    tpu.vector_store %arg8[%swap3A_642, %swap3A_643], %swap3A_646 {strides = array<i32>} : memref<16x16xf32, #tpu.memory_space<vmem>>, vector<1x16xf32>,
    %get3A_647 = arith.constant 64 : index
    %get3A_648 = tpu.vector_load %arg6[%get3A_647] {strides = array<i32>} : memref<256xf32, #tpu.memory_space<vmem>>, vector<16xf32>,
    %get3A_649 = vector.shape_cast %get3A_648 : vector<16xf32> to vector<16xf32>
    %convert_element_type3A_650 = arith.fptosi %get3A_649 : vector<16xf32> to vector<16xi32>
    %and3A_651 = arith.constant 16383 : i32
    %and3A_652 = vector.broadcast %and3A_651 : i32 to vector<16xi32>
    %and3A_653 = arith.andi %convert_element_type3A_650, %and3A_652 : vector<16xi32>
    %mul3A_654 = arith.constant 10 : i32
    %mul3A_655 = arith.muli %select_n3A, %mul3A_654 : i32
    %add3A_656 = arith.constant 0 : i32
    %add3A_657 = arith.addi %mul3A_655, %add3A_656 : i32
    %mul3A_658 = arith.constant 16384 : i32
    %mul3A_659 = arith.muli %add3A_657, %mul3A_658 : i32
    %add3A_660 = vector.broadcast %mul3A_659 : i32 to vector<16xi32>
    %add3A_661 = arith.addi %and3A_653, %add3A_660 : vector<16xi32>
    %swap3A_662 = arith.constant 64 : index
    %swap3A_663 = tpu.vector_load %arg9[%swap3A_662] {strides = array<i32>} : memref<2560xi32, #tpu.memory_space<vmem>>, vector<16xi32>,
    %swap3A_664 = vector.shape_cast %swap3A_663 : vector<16xi32> to vector<16xi32>
    %swap3A_665 = vector.shape_cast %add3A_661 : vector<16xi32> to vector<16xi32>
    tpu.vector_store %arg9[%swap3A_662], %swap3A_665 {strides = array<i32>} : memref<2560xi32, #tpu.memory_space<vmem>>, vector<16xi32>,
    %mul3A_666 = arith.constant 10 : i32
    %mul3A_667 = arith.muli %select_n3A, %mul3A_666 : i32
    %add3A_668 = arith.constant 1 : i32
    %add3A_669 = arith.addi %mul3A_667, %add3A_668 : i32
    %mul3A_670 = arith.constant 16384 : i32
    %mul3A_671 = arith.muli %add3A_669, %mul3A_670 : i32
    %add3A_672 = vector.broadcast %mul3A_671 : i32 to vector<16xi32>
    %add3A_673 = arith.addi %and3A_653, %add3A_672 : vector<16xi32>
    %swap3A_674 = arith.constant 320 : index
    %swap3A_675 = tpu.vector_load %arg9[%swap3A_674] {strides = array<i32>} : memref<2560xi32, #tpu.memory_space<vmem>>, vector<16xi32>,
    %swap3A_676 = vector.shape_cast %swap3A_675 : vector<16xi32> to vector<16xi32>
    %swap3A_677 = vector.shape_cast %add3A_673 : vector<16xi32> to vector<16xi32>
    tpu.vector_store %arg9[%swap3A_674], %swap3A_677 {strides = array<i32>} : memref<2560xi32, #tpu.memory_space<vmem>>, vector<16xi32>,
    %mul3A_678 = arith.constant 10 : i32
    %mul3A_679 = arith.muli %select_n3A, %mul3A_678 : i32
    %add3A_680 = arith.constant 2 : i32
    %add3A_681 = arith.addi %mul3A_679, %add3A_680 : i32
    %mul3A_682 = arith.constant 16384 : i32
    %mul3A_683 = arith.muli %add3A_681, %mul3A_682 : i32
    %add3A_684 = vector.broadcast %mul3A_683 : i32 to vector<16xi32>
    %add3A_685 = arith.addi %and3A_653, %add3A_684 : vector<16xi32>
    %swap3A_686 = arith.constant 576 : index
    %swap3A_687 = tpu.vector_load %arg9[%swap3A_686] {strides = array<i32>} : memref<2560xi32, #tpu.memory_space<vmem>>, vector<16xi32>,
    %swap3A_688 = vector.shape_cast %swap3A_687 : vector<16xi32> to vector<16xi32>
    %swap3A_689 = vector.shape_cast %add3A_685 : vector<16xi32> to vector<16xi32>
    tpu.vector_store %arg9[%swap3A_686], %swap3A_689 {strides = array<i32>} : memref<2560xi32, #tpu.memory_space<vmem>>, vector<16xi32>,
    %mul3A_690 = arith.constant 10 : i32
    %mul3A_691 = arith.muli %select_n3A, %mul3A_690 : i32
    %add3A_692 = arith.constant 3 : i32
    %add3A_693 = arith.addi %mul3A_691, %add3A_692 : i32
    %mul3A_694 = arith.constant 16384 : i32
    %mul3A_695 = arith.muli %add3A_693, %mul3A_694 : i32
    %add3A_696 = vector.broadcast %mul3A_695 : i32 to vector<16xi32>
    %add3A_697 = arith.addi %and3A_653, %add3A_696 : vector<16xi32>
    %swap3A_698 = arith.constant 832 : index
    %swap3A_699 = tpu.vector_load %arg9[%swap3A_698] {strides = array<i32>} : memref<2560xi32, #tpu.memory_space<vmem>>, vector<16xi32>,
    %swap3A_700 = vector.shape_cast %swap3A_699 : vector<16xi32> to vector<16xi32>
    %swap3A_701 = vector.shape_cast %add3A_697 : vector<16xi32> to vector<16xi32>
    tpu.vector_store %arg9[%swap3A_698], %swap3A_701 {strides = array<i32>} : memref<2560xi32, #tpu.memory_space<vmem>>, vector<16xi32>,
    %mul3A_702 = arith.constant 10 : i32
    %mul3A_703 = arith.muli %select_n3A, %mul3A_702 : i32
    %add3A_704 = arith.constant 4 : i32
    %add3A_705 = arith.addi %mul3A_703, %add3A_704 : i32
    %mul3A_706 = arith.constant 16384 : i32
    %mul3A_707 = arith.muli %add3A_705, %mul3A_706 : i32
    %add3A_708 = vector.broadcast %mul3A_707 : i32 to vector<16xi32>
    %add3A_709 = arith.addi %and3A_653, %add3A_708 : vector<16xi32>
    %swap3A_710 = arith.constant 1088 : index
    %swap3A_711 = tpu.vector_load %arg9[%swap3A_710] {strides = array<i32>} : memref<2560xi32, #tpu.memory_space<vmem>>, vector<16xi32>,
    %swap3A_712 = vector.shape_cast %swap3A_711 : vector<16xi32> to vector<16xi32>
    %swap3A_713 = vector.shape_cast %add3A_709 : vector<16xi32> to vector<16xi32>
    tpu.vector_store %arg9[%swap3A_710], %swap3A_713 {strides = array<i32>} : memref<2560xi32, #tpu.memory_space<vmem>>, vector<16xi32>,
    %mul3A_714 = arith.constant 10 : i32
    %mul3A_715 = arith.muli %select_n3A, %mul3A_714 : i32
    %add3A_716 = arith.constant 5 : i32
    %add3A_717 = arith.addi %mul3A_715, %add3A_716 : i32
    %mul3A_718 = arith.constant 16384 : i32
    %mul3A_719 = arith.muli %add3A_717, %mul3A_718 : i32
    %add3A_720 = vector.broadcast %mul3A_719 : i32 to vector<16xi32>
    %add3A_721 = arith.addi %and3A_653, %add3A_720 : vector<16xi32>
    %swap3A_722 = arith.constant 1344 : index
    %swap3A_723 = tpu.vector_load %arg9[%swap3A_722] {strides = array<i32>} : memref<2560xi32, #tpu.memory_space<vmem>>, vector<16xi32>,
    %swap3A_724 = vector.shape_cast %swap3A_723 : vector<16xi32> to vector<16xi32>
    %swap3A_725 = vector.shape_cast %add3A_721 : vector<16xi32> to vector<16xi32>
    tpu.vector_store %arg9[%swap3A_722], %swap3A_725 {strides = array<i32>} : memref<2560xi32, #tpu.memory_space<vmem>>, vector<16xi32>,
    %mul3A_726 = arith.constant 10 : i32
    %mul3A_727 = arith.muli %select_n3A, %mul3A_726 : i32
    %add3A_728 = arith.constant 6 : i32
    %add3A_729 = arith.addi %mul3A_727, %add3A_728 : i32
    %mul3A_730 = arith.constant 16384 : i32
    %mul3A_731 = arith.muli %add3A_729, %mul3A_730 : i32
    %add3A_732 = vector.broadcast %mul3A_731 : i32 to vector<16xi32>
    %add3A_733 = arith.addi %and3A_653, %add3A_732 : vector<16xi32>
    %swap3A_734 = arith.constant 1600 : index
    %swap3A_735 = tpu.vector_load %arg9[%swap3A_734] {strides = array<i32>} : memref<2560xi32, #tpu.memory_space<vmem>>, vector<16xi32>,
    %swap3A_736 = vector.shape_cast %swap3A_735 : vector<16xi32> to vector<16xi32>
    %swap3A_737 = vector.shape_cast %add3A_733 : vector<16xi32> to vector<16xi32>
    tpu.vector_store %arg9[%swap3A_734], %swap3A_737 {strides = array<i32>} : memref<2560xi32, #tpu.memory_space<vmem>>, vector<16xi32>,
    %mul3A_738 = arith.constant 10 : i32
    %mul3A_739 = arith.muli %select_n3A, %mul3A_738 : i32
    %add3A_740 = arith.constant 7 : i32
    %add3A_741 = arith.addi %mul3A_739, %add3A_740 : i32
    %mul3A_742 = arith.constant 16384 : i32
    %mul3A_743 = arith.muli %add3A_741, %mul3A_742 : i32
    %add3A_744 = vector.broadcast %mul3A_743 : i32 to vector<16xi32>
    %add3A_745 = arith.addi %and3A_653, %add3A_744 : vector<16xi32>
    %swap3A_746 = arith.constant 1856 : index
    %swap3A_747 = tpu.vector_load %arg9[%swap3A_746] {strides = array<i32>} : memref<2560xi32, #tpu.memory_space<vmem>>, vector<16xi32>,
    %swap3A_748 = vector.shape_cast %swap3A_747 : vector<16xi32> to vector<16xi32>
    %swap3A_749 = vector.shape_cast %add3A_745 : vector<16xi32> to vector<16xi32>
    tpu.vector_store %arg9[%swap3A_746], %swap3A_749 {strides = array<i32>} : memref<2560xi32, #tpu.memory_space<vmem>>, vector<16xi32>,
    %mul3A_750 = arith.constant 10 : i32
    %mul3A_751 = arith.muli %select_n3A, %mul3A_750 : i32
    %add3A_752 = arith.constant 8 : i32
    %add3A_753 = arith.addi %mul3A_751, %add3A_752 : i32
    %mul3A_754 = arith.constant 16384 : i32
    %mul3A_755 = arith.muli %add3A_753, %mul3A_754 : i32
    %add3A_756 = vector.broadcast %mul3A_755 : i32 to vector<16xi32>
    %add3A_757 = arith.addi %and3A_653, %add3A_756 : vector<16xi32>
    %swap3A_758 = arith.constant 2112 : index
    %swap3A_759 = tpu.vector_load %arg9[%swap3A_758] {strides = array<i32>} : memref<2560xi32, #tpu.memory_space<vmem>>, vector<16xi32>,
    %swap3A_760 = vector.shape_cast %swap3A_759 : vector<16xi32> to vector<16xi32>
    %swap3A_761 = vector.shape_cast %add3A_757 : vector<16xi32> to vector<16xi32>
    tpu.vector_store %arg9[%swap3A_758], %swap3A_761 {strides = array<i32>} : memref<2560xi32, #tpu.memory_space<vmem>>, vector<16xi32>,
    %mul3A_762 = arith.constant 10 : i32
    %mul3A_763 = arith.muli %select_n3A, %mul3A_762 : i32
    %add3A_764 = arith.constant 9 : i32
    %add3A_765 = arith.addi %mul3A_763, %add3A_764 : i32
    %mul3A_766 = arith.constant 16384 : i32
    %mul3A_767 = arith.muli %add3A_765, %mul3A_766 : i32
    %add3A_768 = vector.broadcast %mul3A_767 : i32 to vector<16xi32>
    %add3A_769 = arith.addi %and3A_653, %add3A_768 : vector<16xi32>
    %swap3A_770 = arith.constant 2368 : index
    %swap3A_771 = tpu.vector_load %arg9[%swap3A_770] {strides = array<i32>} : memref<2560xi32, #tpu.memory_space<vmem>>, vector<16xi32>,
    %swap3A_772 = vector.shape_cast %swap3A_771 : vector<16xi32> to vector<16xi32>
    %swap3A_773 = vector.shape_cast %add3A_769 : vector<16xi32> to vector<16xi32>
    tpu.vector_store %arg9[%swap3A_770], %swap3A_773 {strides = array<i32>} : memref<2560xi32, #tpu.memory_space<vmem>>, vector<16xi32>,
    %shift_right_logical3A_774 = arith.constant 14 : i32
    %shift_right_logical3A_775 = vector.broadcast %shift_right_logical3A_774 : i32 to vector<16xi32>
    %shift_right_logical3A_776 = arith.shrui %convert_element_type3A_650, %shift_right_logical3A_775 : vector<16xi32>
    %convert_element_type3A_777 = arith.sitofp %shift_right_logical3A_776 : vector<16xi32> to vector<16xf32>
    %add3A_778 = arith.addf %add3A_640, %convert_element_type3A_777 : vector<16xf32>
    %swap3A_779 = arith.constant 4 : i32
    %swap3A_780 = arith.index_cast %swap3A_779 : i32 to index
    %swap3A_781 = arith.constant 0 : index
    %swap3A_782 = tpu.vector_load %arg8[%swap3A_780, %swap3A_781] {strides = array<i32>} : memref<16x16xf32, #tpu.memory_space<vmem>>, vector<1x16xf32>,
    %swap3A_783 = vector.shape_cast %swap3A_782 : vector<1x16xf32> to vector<16xf32>
    %swap3A_784 = vector.shape_cast %convert_element_type3A_777 : vector<16xf32> to vector<1x16xf32>
    tpu.vector_store %arg8[%swap3A_780, %swap3A_781], %swap3A_784 {strides = array<i32>} : memref<16x16xf32, #tpu.memory_space<vmem>>, vector<1x16xf32>,
    %get3A_785 = arith.constant 80 : index
    %get3A_786 = tpu.vector_load %arg6[%get3A_785] {strides = array<i32>} : memref<256xf32, #tpu.memory_space<vmem>>, vector<16xf32>,
    %get3A_787 = vector.shape_cast %get3A_786 : vector<16xf32> to vector<16xf32>
    %convert_element_type3A_788 = arith.fptosi %get3A_787 : vector<16xf32> to vector<16xi32>
    %and3A_789 = arith.constant 16383 : i32
    %and3A_790 = vector.broadcast %and3A_789 : i32 to vector<16xi32>
    %and3A_791 = arith.andi %convert_element_type3A_788, %and3A_790 : vector<16xi32>
    %mul3A_792 = arith.constant 10 : i32
    %mul3A_793 = arith.muli %select_n3A, %mul3A_792 : i32
    %add3A_794 = arith.constant 0 : i32
    %add3A_795 = arith.addi %mul3A_793, %add3A_794 : i32
    %mul3A_796 = arith.constant 16384 : i32
    %mul3A_797 = arith.muli %add3A_795, %mul3A_796 : i32
    %add3A_798 = vector.broadcast %mul3A_797 : i32 to vector<16xi32>
    %add3A_799 = arith.addi %and3A_791, %add3A_798 : vector<16xi32>
    %swap3A_800 = arith.constant 80 : index
    %swap3A_801 = tpu.vector_load %arg9[%swap3A_800] {strides = array<i32>} : memref<2560xi32, #tpu.memory_space<vmem>>, vector<16xi32>,
    %swap3A_802 = vector.shape_cast %swap3A_801 : vector<16xi32> to vector<16xi32>
    %swap3A_803 = vector.shape_cast %add3A_799 : vector<16xi32> to vector<16xi32>
    tpu.vector_store %arg9[%swap3A_800], %swap3A_803 {strides = array<i32>} : memref<2560xi32, #tpu.memory_space<vmem>>, vector<16xi32>,
    %mul3A_804 = arith.constant 10 : i32
    %mul3A_805 = arith.muli %select_n3A, %mul3A_804 : i32
    %add3A_806 = arith.constant 1 : i32
    %add3A_807 = arith.addi %mul3A_805, %add3A_806 : i32
    %mul3A_808 = arith.constant 16384 : i32
    %mul3A_809 = arith.muli %add3A_807, %mul3A_808 : i32
    %add3A_810 = vector.broadcast %mul3A_809 : i32 to vector<16xi32>
    %add3A_811 = arith.addi %and3A_791, %add3A_810 : vector<16xi32>
    %swap3A_812 = arith.constant 336 : index
    %swap3A_813 = tpu.vector_load %arg9[%swap3A_812] {strides = array<i32>} : memref<2560xi32, #tpu.memory_space<vmem>>, vector<16xi32>,
    %swap3A_814 = vector.shape_cast %swap3A_813 : vector<16xi32> to vector<16xi32>
    %swap3A_815 = vector.shape_cast %add3A_811 : vector<16xi32> to vector<16xi32>
    tpu.vector_store %arg9[%swap3A_812], %swap3A_815 {strides = array<i32>} : memref<2560xi32, #tpu.memory_space<vmem>>, vector<16xi32>,
    %mul3A_816 = arith.constant 10 : i32
    %mul3A_817 = arith.muli %select_n3A, %mul3A_816 : i32
    %add3A_818 = arith.constant 2 : i32
    %add3A_819 = arith.addi %mul3A_817, %add3A_818 : i32
    %mul3A_820 = arith.constant 16384 : i32
    %mul3A_821 = arith.muli %add3A_819, %mul3A_820 : i32
    %add3A_822 = vector.broadcast %mul3A_821 : i32 to vector<16xi32>
    %add3A_823 = arith.addi %and3A_791, %add3A_822 : vector<16xi32>
    %swap3A_824 = arith.constant 592 : index
    %swap3A_825 = tpu.vector_load %arg9[%swap3A_824] {strides = array<i32>} : memref<2560xi32, #tpu.memory_space<vmem>>, vector<16xi32>,
    %swap3A_826 = vector.shape_cast %swap3A_825 : vector<16xi32> to vector<16xi32>
    %swap3A_827 = vector.shape_cast %add3A_823 : vector<16xi32> to vector<16xi32>
    tpu.vector_store %arg9[%swap3A_824], %swap3A_827 {strides = array<i32>} : memref<2560xi32, #tpu.memory_space<vmem>>, vector<16xi32>,
    %mul3A_828 = arith.constant 10 : i32
    %mul3A_829 = arith.muli %select_n3A, %mul3A_828 : i32
    %add3A_830 = arith.constant 3 : i32
    %add3A_831 = arith.addi %mul3A_829, %add3A_830 : i32
    %mul3A_832 = arith.constant 16384 : i32
    %mul3A_833 = arith.muli %add3A_831, %mul3A_832 : i32
    %add3A_834 = vector.broadcast %mul3A_833 : i32 to vector<16xi32>
    %add3A_835 = arith.addi %and3A_791, %add3A_834 : vector<16xi32>
    %swap3A_836 = arith.constant 848 : index
    %swap3A_837 = tpu.vector_load %arg9[%swap3A_836] {strides = array<i32>} : memref<2560xi32, #tpu.memory_space<vmem>>, vector<16xi32>,
    %swap3A_838 = vector.shape_cast %swap3A_837 : vector<16xi32> to vector<16xi32>
    %swap3A_839 = vector.shape_cast %add3A_835 : vector<16xi32> to vector<16xi32>
    tpu.vector_store %arg9[%swap3A_836], %swap3A_839 {strides = array<i32>} : memref<2560xi32, #tpu.memory_space<vmem>>, vector<16xi32>,
    %mul3A_840 = arith.constant 10 : i32
    %mul3A_841 = arith.muli %select_n3A, %mul3A_840 : i32
    %add3A_842 = arith.constant 4 : i32
    %add3A_843 = arith.addi %mul3A_841, %add3A_842 : i32
    %mul3A_844 = arith.constant 16384 : i32
    %mul3A_845 = arith.muli %add3A_843, %mul3A_844 : i32
    %add3A_846 = vector.broadcast %mul3A_845 : i32 to vector<16xi32>
    %add3A_847 = arith.addi %and3A_791, %add3A_846 : vector<16xi32>
    %swap3A_848 = arith.constant 1104 : index
    %swap3A_849 = tpu.vector_load %arg9[%swap3A_848] {strides = array<i32>} : memref<2560xi32, #tpu.memory_space<vmem>>, vector<16xi32>,
    %swap3A_850 = vector.shape_cast %swap3A_849 : vector<16xi32> to vector<16xi32>
    %swap3A_851 = vector.shape_cast %add3A_847 : vector<16xi32> to vector<16xi32>
    tpu.vector_store %arg9[%swap3A_848], %swap3A_851 {strides = array<i32>} : memref<2560xi32, #tpu.memory_space<vmem>>, vector<16xi32>,
    %mul3A_852 = arith.constant 10 : i32
    %mul3A_853 = arith.muli %select_n3A, %mul3A_852 : i32
    %add3A_854 = arith.constant 5 : i32
    %add3A_855 = arith.addi %mul3A_853, %add3A_854 : i32
    %mul3A_856 = arith.constant 16384 : i32
    %mul3A_857 = arith.muli %add3A_855, %mul3A_856 : i32
    %add3A_858 = vector.broadcast %mul3A_857 : i32 to vector<16xi32>
    %add3A_859 = arith.addi %and3A_791, %add3A_858 : vector<16xi32>
    %swap3A_860 = arith.constant 1360 : index
    %swap3A_861 = tpu.vector_load %arg9[%swap3A_860] {strides = array<i32>} : memref<2560xi32, #tpu.memory_space<vmem>>, vector<16xi32>,
    %swap3A_862 = vector.shape_cast %swap3A_861 : vector<16xi32> to vector<16xi32>
    %swap3A_863 = vector.shape_cast %add3A_859 : vector<16xi32> to vector<16xi32>
    tpu.vector_store %arg9[%swap3A_860], %swap3A_863 {strides = array<i32>} : memref<2560xi32, #tpu.memory_space<vmem>>, vector<16xi32>,
    %mul3A_864 = arith.constant 10 : i32
    %mul3A_865 = arith.muli %select_n3A, %mul3A_864 : i32
    %add3A_866 = arith.constant 6 : i32
    %add3A_867 = arith.addi %mul3A_865, %add3A_866 : i32
    %mul3A_868 = arith.constant 16384 : i32
    %mul3A_869 = arith.muli %add3A_867, %mul3A_868 : i32
    %add3A_870 = vector.broadcast %mul3A_869 : i32 to vector<16xi32>
    %add3A_871 = arith.addi %and3A_791, %add3A_870 : vector<16xi32>
    %swap3A_872 = arith.constant 1616 : index
    %swap3A_873 = tpu.vector_load %arg9[%swap3A_872] {strides = array<i32>} : memref<2560xi32, #tpu.memory_space<vmem>>, vector<16xi32>,
    %swap3A_874 = vector.shape_cast %swap3A_873 : vector<16xi32> to vector<16xi32>
    %swap3A_875 = vector.shape_cast %add3A_871 : vector<16xi32> to vector<16xi32>
    tpu.vector_store %arg9[%swap3A_872], %swap3A_875 {strides = array<i32>} : memref<2560xi32, #tpu.memory_space<vmem>>, vector<16xi32>,
    %mul3A_876 = arith.constant 10 : i32
    %mul3A_877 = arith.muli %select_n3A, %mul3A_876 : i32
    %add3A_878 = arith.constant 7 : i32
    %add3A_879 = arith.addi %mul3A_877, %add3A_878 : i32
    %mul3A_880 = arith.constant 16384 : i32
    %mul3A_881 = arith.muli %add3A_879, %mul3A_880 : i32
    %add3A_882 = vector.broadcast %mul3A_881 : i32 to vector<16xi32>
    %add3A_883 = arith.addi %and3A_791, %add3A_882 : vector<16xi32>
    %swap3A_884 = arith.constant 1872 : index
    %swap3A_885 = tpu.vector_load %arg9[%swap3A_884] {strides = array<i32>} : memref<2560xi32, #tpu.memory_space<vmem>>, vector<16xi32>,
    %swap3A_886 = vector.shape_cast %swap3A_885 : vector<16xi32> to vector<16xi32>
    %swap3A_887 = vector.shape_cast %add3A_883 : vector<16xi32> to vector<16xi32>
    tpu.vector_store %arg9[%swap3A_884], %swap3A_887 {strides = array<i32>} : memref<2560xi32, #tpu.memory_space<vmem>>, vector<16xi32>,
    %mul3A_888 = arith.constant 10 : i32
    %mul3A_889 = arith.muli %select_n3A, %mul3A_888 : i32
    %add3A_890 = arith.constant 8 : i32
    %add3A_891 = arith.addi %mul3A_889, %add3A_890 : i32
    %mul3A_892 = arith.constant 16384 : i32
    %mul3A_893 = arith.muli %add3A_891, %mul3A_892 : i32
    %add3A_894 = vector.broadcast %mul3A_893 : i32 to vector<16xi32>
    %add3A_895 = arith.addi %and3A_791, %add3A_894 : vector<16xi32>
    %swap3A_896 = arith.constant 2128 : index
    %swap3A_897 = tpu.vector_load %arg9[%swap3A_896] {strides = array<i32>} : memref<2560xi32, #tpu.memory_space<vmem>>, vector<16xi32>,
    %swap3A_898 = vector.shape_cast %swap3A_897 : vector<16xi32> to vector<16xi32>
    %swap3A_899 = vector.shape_cast %add3A_895 : vector<16xi32> to vector<16xi32>
    tpu.vector_store %arg9[%swap3A_896], %swap3A_899 {strides = array<i32>} : memref<2560xi32, #tpu.memory_space<vmem>>, vector<16xi32>,
    %mul3A_900 = arith.constant 10 : i32
    %mul3A_901 = arith.muli %select_n3A, %mul3A_900 : i32
    %add3A_902 = arith.constant 9 : i32
    %add3A_903 = arith.addi %mul3A_901, %add3A_902 : i32
    %mul3A_904 = arith.constant 16384 : i32
    %mul3A_905 = arith.muli %add3A_903, %mul3A_904 : i32
    %add3A_906 = vector.broadcast %mul3A_905 : i32 to vector<16xi32>
    %add3A_907 = arith.addi %and3A_791, %add3A_906 : vector<16xi32>
    %swap3A_908 = arith.constant 2384 : index
    %swap3A_909 = tpu.vector_load %arg9[%swap3A_908] {strides = array<i32>} : memref<2560xi32, #tpu.memory_space<vmem>>, vector<16xi32>,
    %swap3A_910 = vector.shape_cast %swap3A_909 : vector<16xi32> to vector<16xi32>
    %swap3A_911 = vector.shape_cast %add3A_907 : vector<16xi32> to vector<16xi32>
    tpu.vector_store %arg9[%swap3A_908], %swap3A_911 {strides = array<i32>} : memref<2560xi32, #tpu.memory_space<vmem>>, vector<16xi32>,
    %shift_right_logical3A_912 = arith.constant 14 : i32
    %shift_right_logical3A_913 = vector.broadcast %shift_right_logical3A_912 : i32 to vector<16xi32>
    %shift_right_logical3A_914 = arith.shrui %convert_element_type3A_788, %shift_right_logical3A_913 : vector<16xi32>
    %convert_element_type3A_915 = arith.sitofp %shift_right_logical3A_914 : vector<16xi32> to vector<16xf32>
    %add3A_916 = arith.addf %add3A_778, %convert_element_type3A_915 : vector<16xf32>
    %swap3A_917 = arith.constant 5 : i32
    %swap3A_918 = arith.index_cast %swap3A_917 : i32 to index
    %swap3A_919 = arith.constant 0 : index
    %swap3A_920 = tpu.vector_load %arg8[%swap3A_918, %swap3A_919] {strides = array<i32>} : memref<16x16xf32, #tpu.memory_space<vmem>>, vector<1x16xf32>,
    %swap3A_921 = vector.shape_cast %swap3A_920 : vector<1x16xf32> to vector<16xf32>
    %swap3A_922 = vector.shape_cast %convert_element_type3A_915 : vector<16xf32> to vector<1x16xf32>
    tpu.vector_store %arg8[%swap3A_918, %swap3A_919], %swap3A_922 {strides = array<i32>} : memref<16x16xf32, #tpu.memory_space<vmem>>, vector<1x16xf32>,
    %get3A_923 = arith.constant 96 : index
    %get3A_924 = tpu.vector_load %arg6[%get3A_923] {strides = array<i32>} : memref<256xf32, #tpu.memory_space<vmem>>, vector<16xf32>,
    %get3A_925 = vector.shape_cast %get3A_924 : vector<16xf32> to vector<16xf32>
    %convert_element_type3A_926 = arith.fptosi %get3A_925 : vector<16xf32> to vector<16xi32>
    %and3A_927 = arith.constant 16383 : i32
    %and3A_928 = vector.broadcast %and3A_927 : i32 to vector<16xi32>
    %and3A_929 = arith.andi %convert_element_type3A_926, %and3A_928 : vector<16xi32>
    %mul3A_930 = arith.constant 10 : i32
    %mul3A_931 = arith.muli %select_n3A, %mul3A_930 : i32
    %add3A_932 = arith.constant 0 : i32
    %add3A_933 = arith.addi %mul3A_931, %add3A_932 : i32
    %mul3A_934 = arith.constant 16384 : i32
    %mul3A_935 = arith.muli %add3A_933, %mul3A_934 : i32
    %add3A_936 = vector.broadcast %mul3A_935 : i32 to vector<16xi32>
    %add3A_937 = arith.addi %and3A_929, %add3A_936 : vector<16xi32>
    %swap3A_938 = arith.constant 96 : index
    %swap3A_939 = tpu.vector_load %arg9[%swap3A_938] {strides = array<i32>} : memref<2560xi32, #tpu.memory_space<vmem>>, vector<16xi32>,
    %swap3A_940 = vector.shape_cast %swap3A_939 : vector<16xi32> to vector<16xi32>
    %swap3A_941 = vector.shape_cast %add3A_937 : vector<16xi32> to vector<16xi32>
    tpu.vector_store %arg9[%swap3A_938], %swap3A_941 {strides = array<i32>} : memref<2560xi32, #tpu.memory_space<vmem>>, vector<16xi32>,
    %mul3A_942 = arith.constant 10 : i32
    %mul3A_943 = arith.muli %select_n3A, %mul3A_942 : i32
    %add3A_944 = arith.constant 1 : i32
    %add3A_945 = arith.addi %mul3A_943, %add3A_944 : i32
    %mul3A_946 = arith.constant 16384 : i32
    %mul3A_947 = arith.muli %add3A_945, %mul3A_946 : i32
    %add3A_948 = vector.broadcast %mul3A_947 : i32 to vector<16xi32>
    %add3A_949 = arith.addi %and3A_929, %add3A_948 : vector<16xi32>
    %swap3A_950 = arith.constant 352 : index
    %swap3A_951 = tpu.vector_load %arg9[%swap3A_950] {strides = array<i32>} : memref<2560xi32, #tpu.memory_space<vmem>>, vector<16xi32>,
    %swap3A_952 = vector.shape_cast %swap3A_951 : vector<16xi32> to vector<16xi32>
    %swap3A_953 = vector.shape_cast %add3A_949 : vector<16xi32> to vector<16xi32>
    tpu.vector_store %arg9[%swap3A_950], %swap3A_953 {strides = array<i32>} : memref<2560xi32, #tpu.memory_space<vmem>>, vector<16xi32>,
    %mul3A_954 = arith.constant 10 : i32
    %mul3A_955 = arith.muli %select_n3A, %mul3A_954 : i32
    %add3A_956 = arith.constant 2 : i32
    %add3A_957 = arith.addi %mul3A_955, %add3A_956 : i32
    %mul3A_958 = arith.constant 16384 : i32
    %mul3A_959 = arith.muli %add3A_957, %mul3A_958 : i32
    %add3A_960 = vector.broadcast %mul3A_959 : i32 to vector<16xi32>
    %add3A_961 = arith.addi %and3A_929, %add3A_960 : vector<16xi32>
    %swap3A_962 = arith.constant 608 : index
    %swap3A_963 = tpu.vector_load %arg9[%swap3A_962] {strides = array<i32>} : memref<2560xi32, #tpu.memory_space<vmem>>, vector<16xi32>,
    %swap3A_964 = vector.shape_cast %swap3A_963 : vector<16xi32> to vector<16xi32>
    %swap3A_965 = vector.shape_cast %add3A_961 : vector<16xi32> to vector<16xi32>
    tpu.vector_store %arg9[%swap3A_962], %swap3A_965 {strides = array<i32>} : memref<2560xi32, #tpu.memory_space<vmem>>, vector<16xi32>,
    %mul3A_966 = arith.constant 10 : i32
    %mul3A_967 = arith.muli %select_n3A, %mul3A_966 : i32
    %add3A_968 = arith.constant 3 : i32
    %add3A_969 = arith.addi %mul3A_967, %add3A_968 : i32
    %mul3A_970 = arith.constant 16384 : i32
    %mul3A_971 = arith.muli %add3A_969, %mul3A_970 : i32
    %add3A_972 = vector.broadcast %mul3A_971 : i32 to vector<16xi32>
    %add3A_973 = arith.addi %and3A_929, %add3A_972 : vector<16xi32>
    %swap3A_974 = arith.constant 864 : index
    %swap3A_975 = tpu.vector_load %arg9[%swap3A_974] {strides = array<i32>} : memref<2560xi32, #tpu.memory_space<vmem>>, vector<16xi32>,
    %swap3A_976 = vector.shape_cast %swap3A_975 : vector<16xi32> to vector<16xi32>
    %swap3A_977 = vector.shape_cast %add3A_973 : vector<16xi32> to vector<16xi32>
    tpu.vector_store %arg9[%swap3A_974], %swap3A_977 {strides = array<i32>} : memref<2560xi32, #tpu.memory_space<vmem>>, vector<16xi32>,
    %mul3A_978 = arith.constant 10 : i32
    %mul3A_979 = arith.muli %select_n3A, %mul3A_978 : i32
    %add3A_980 = arith.constant 4 : i32
    %add3A_981 = arith.addi %mul3A_979, %add3A_980 : i32
    %mul3A_982 = arith.constant 16384 : i32
    %mul3A_983 = arith.muli %add3A_981, %mul3A_982 : i32
    %add3A_984 = vector.broadcast %mul3A_983 : i32 to vector<16xi32>
    %add3A_985 = arith.addi %and3A_929, %add3A_984 : vector<16xi32>
    %swap3A_986 = arith.constant 1120 : index
    %swap3A_987 = tpu.vector_load %arg9[%swap3A_986] {strides = array<i32>} : memref<2560xi32, #tpu.memory_space<vmem>>, vector<16xi32>,
    %swap3A_988 = vector.shape_cast %swap3A_987 : vector<16xi32> to vector<16xi32>
    %swap3A_989 = vector.shape_cast %add3A_985 : vector<16xi32> to vector<16xi32>
    tpu.vector_store %arg9[%swap3A_986], %swap3A_989 {strides = array<i32>} : memref<2560xi32, #tpu.memory_space<vmem>>, vector<16xi32>,
    %mul3A_990 = arith.constant 10 : i32
    %mul3A_991 = arith.muli %select_n3A, %mul3A_990 : i32
    %add3A_992 = arith.constant 5 : i32
    %add3A_993 = arith.addi %mul3A_991, %add3A_992 : i32
    %mul3A_994 = arith.constant 16384 : i32
    %mul3A_995 = arith.muli %add3A_993, %mul3A_994 : i32
    %add3A_996 = vector.broadcast %mul3A_995 : i32 to vector<16xi32>
    %add3A_997 = arith.addi %and3A_929, %add3A_996 : vector<16xi32>
    %swap3A_998 = arith.constant 1376 : index
    %swap3A_999 = tpu.vector_load %arg9[%swap3A_998] {strides = array<i32>} : memref<2560xi32, #tpu.memory_space<vmem>>, vector<16xi32>,
    %swap3A_1000 = vector.shape_cast %swap3A_999 : vector<16xi32> to vector<16xi32>
    %swap3A_1001 = vector.shape_cast %add3A_997 : vector<16xi32> to vector<16xi32>
    tpu.vector_store %arg9[%swap3A_998], %swap3A_1001 {strides = array<i32>} : memref<2560xi32, #tpu.memory_space<vmem>>, vector<16xi32>,
    %mul3A_1002 = arith.constant 10 : i32
    %mul3A_1003 = arith.muli %select_n3A, %mul3A_1002 : i32
    %add3A_1004 = arith.constant 6 : i32
    %add3A_1005 = arith.addi %mul3A_1003, %add3A_1004 : i32
    %mul3A_1006 = arith.constant 16384 : i32
    %mul3A_1007 = arith.muli %add3A_1005, %mul3A_1006 : i32
    %add3A_1008 = vector.broadcast %mul3A_1007 : i32 to vector<16xi32>
    %add3A_1009 = arith.addi %and3A_929, %add3A_1008 : vector<16xi32>
    %swap3A_1010 = arith.constant 1632 : index
    %swap3A_1011 = tpu.vector_load %arg9[%swap3A_1010] {strides = array<i32>} : memref<2560xi32, #tpu.memory_space<vmem>>, vector<16xi32>,
    %swap3A_1012 = vector.shape_cast %swap3A_1011 : vector<16xi32> to vector<16xi32>
    %swap3A_1013 = vector.shape_cast %add3A_1009 : vector<16xi32> to vector<16xi32>
    tpu.vector_store %arg9[%swap3A_1010], %swap3A_1013 {strides = array<i32>} : memref<2560xi32, #tpu.memory_space<vmem>>, vector<16xi32>,
    %mul3A_1014 = arith.constant 10 : i32
    %mul3A_1015 = arith.muli %select_n3A, %mul3A_1014 : i32
    %add3A_1016 = arith.constant 7 : i32
    %add3A_1017 = arith.addi %mul3A_1015, %add3A_1016 : i32
    %mul3A_1018 = arith.constant 16384 : i32
    %mul3A_1019 = arith.muli %add3A_1017, %mul3A_1018 : i32
    %add3A_1020 = vector.broadcast %mul3A_1019 : i32 to vector<16xi32>
    %add3A_1021 = arith.addi %and3A_929, %add3A_1020 : vector<16xi32>
    %swap3A_1022 = arith.constant 1888 : index
    %swap3A_1023 = tpu.vector_load %arg9[%swap3A_1022] {strides = array<i32>} : memref<2560xi32, #tpu.memory_space<vmem>>, vector<16xi32>,
    %swap3A_1024 = vector.shape_cast %swap3A_1023 : vector<16xi32> to vector<16xi32>
    %swap3A_1025 = vector.shape_cast %add3A_1021 : vector<16xi32> to vector<16xi32>
    tpu.vector_store %arg9[%swap3A_1022], %swap3A_1025 {strides = array<i32>} : memref<2560xi32, #tpu.memory_space<vmem>>, vector<16xi32>,
    %mul3A_1026 = arith.constant 10 : i32
    %mul3A_1027 = arith.muli %select_n3A, %mul3A_1026 : i32
    %add3A_1028 = arith.constant 8 : i32
    %add3A_1029 = arith.addi %mul3A_1027, %add3A_1028 : i32
    %mul3A_1030 = arith.constant 16384 : i32
    %mul3A_1031 = arith.muli %add3A_1029, %mul3A_1030 : i32
    %add3A_1032 = vector.broadcast %mul3A_1031 : i32 to vector<16xi32>
    %add3A_1033 = arith.addi %and3A_929, %add3A_1032 : vector<16xi32>
    %swap3A_1034 = arith.constant 2144 : index
    %swap3A_1035 = tpu.vector_load %arg9[%swap3A_1034] {strides = array<i32>} : memref<2560xi32, #tpu.memory_space<vmem>>, vector<16xi32>,
    %swap3A_1036 = vector.shape_cast %swap3A_1035 : vector<16xi32> to vector<16xi32>
    %swap3A_1037 = vector.shape_cast %add3A_1033 : vector<16xi32> to vector<16xi32>
    tpu.vector_store %arg9[%swap3A_1034], %swap3A_1037 {strides = array<i32>} : memref<2560xi32, #tpu.memory_space<vmem>>, vector<16xi32>,
    %mul3A_1038 = arith.constant 10 : i32
    %mul3A_1039 = arith.muli %select_n3A, %mul3A_1038 : i32
    %add3A_1040 = arith.constant 9 : i32
    %add3A_1041 = arith.addi %mul3A_1039, %add3A_1040 : i32
    %mul3A_1042 = arith.constant 16384 : i32
    %mul3A_1043 = arith.muli %add3A_1041, %mul3A_1042 : i32
    %add3A_1044 = vector.broadcast %mul3A_1043 : i32 to vector<16xi32>
    %add3A_1045 = arith.addi %and3A_929, %add3A_1044 : vector<16xi32>
    %swap3A_1046 = arith.constant 2400 : index
    %swap3A_1047 = tpu.vector_load %arg9[%swap3A_1046] {strides = array<i32>} : memref<2560xi32, #tpu.memory_space<vmem>>, vector<16xi32>,
    %swap3A_1048 = vector.shape_cast %swap3A_1047 : vector<16xi32> to vector<16xi32>
    %swap3A_1049 = vector.shape_cast %add3A_1045 : vector<16xi32> to vector<16xi32>
    tpu.vector_store %arg9[%swap3A_1046], %swap3A_1049 {strides = array<i32>} : memref<2560xi32, #tpu.memory_space<vmem>>, vector<16xi32>,
    %shift_right_logical3A_1050 = arith.constant 14 : i32
    %shift_right_logical3A_1051 = vector.broadcast %shift_right_logical3A_1050 : i32 to vector<16xi32>
    %shift_right_logical3A_1052 = arith.shrui %convert_element_type3A_926, %shift_right_logical3A_1051 : vector<16xi32>
    %convert_element_type3A_1053 = arith.sitofp %shift_right_logical3A_1052 : vector<16xi32> to vector<16xf32>
    %add3A_1054 = arith.addf %add3A_916, %convert_element_type3A_1053 : vector<16xf32>
    %swap3A_1055 = arith.constant 6 : i32
    %swap3A_1056 = arith.index_cast %swap3A_1055 : i32 to index
    %swap3A_1057 = arith.constant 0 : index
    %swap3A_1058 = tpu.vector_load %arg8[%swap3A_1056, %swap3A_1057] {strides = array<i32>} : memref<16x16xf32, #tpu.memory_space<vmem>>, vector<1x16xf32>,
    %swap3A_1059 = vector.shape_cast %swap3A_1058 : vector<1x16xf32> to vector<16xf32>
    %swap3A_1060 = vector.shape_cast %convert_element_type3A_1053 : vector<16xf32> to vector<1x16xf32>
    tpu.vector_store %arg8[%swap3A_1056, %swap3A_1057], %swap3A_1060 {strides = array<i32>} : memref<16x16xf32, #tpu.memory_space<vmem>>, vector<1x16xf32>,
    %get3A_1061 = arith.constant 112 : index
    %get3A_1062 = tpu.vector_load %arg6[%get3A_1061] {strides = array<i32>} : memref<256xf32, #tpu.memory_space<vmem>>, vector<16xf32>,
    %get3A_1063 = vector.shape_cast %get3A_1062 : vector<16xf32> to vector<16xf32>
    %convert_element_type3A_1064 = arith.fptosi %get3A_1063 : vector<16xf32> to vector<16xi32>
    %and3A_1065 = arith.constant 16383 : i32
    %and3A_1066 = vector.broadcast %and3A_1065 : i32 to vector<16xi32>
    %and3A_1067 = arith.andi %convert_element_type3A_1064, %and3A_1066 : vector<16xi32>
    %mul3A_1068 = arith.constant 10 : i32
    %mul3A_1069 = arith.muli %select_n3A, %mul3A_1068 : i32
    %add3A_1070 = arith.constant 0 : i32
    %add3A_1071 = arith.addi %mul3A_1069, %add3A_1070 : i32
    %mul3A_1072 = arith.constant 16384 : i32
    %mul3A_1073 = arith.muli %add3A_1071, %mul3A_1072 : i32
    %add3A_1074 = vector.broadcast %mul3A_1073 : i32 to vector<16xi32>
    %add3A_1075 = arith.addi %and3A_1067, %add3A_1074 : vector<16xi32>
    %swap3A_1076 = arith.constant 112 : index
    %swap3A_1077 = tpu.vector_load %arg9[%swap3A_1076] {strides = array<i32>} : memref<2560xi32, #tpu.memory_space<vmem>>, vector<16xi32>,
    %swap3A_1078 = vector.shape_cast %swap3A_1077 : vector<16xi32> to vector<16xi32>
    %swap3A_1079 = vector.shape_cast %add3A_1075 : vector<16xi32> to vector<16xi32>
    tpu.vector_store %arg9[%swap3A_1076], %swap3A_1079 {strides = array<i32>} : memref<2560xi32, #tpu.memory_space<vmem>>, vector<16xi32>,
    %mul3A_1080 = arith.constant 10 : i32
    %mul3A_1081 = arith.muli %select_n3A, %mul3A_1080 : i32
    %add3A_1082 = arith.constant 1 : i32
    %add3A_1083 = arith.addi %mul3A_1081, %add3A_1082 : i32
    %mul3A_1084 = arith.constant 16384 : i32
    %mul3A_1085 = arith.muli %add3A_1083, %mul3A_1084 : i32
    %add3A_1086 = vector.broadcast %mul3A_1085 : i32 to vector<16xi32>
    %add3A_1087 = arith.addi %and3A_1067, %add3A_1086 : vector<16xi32>
    %swap3A_1088 = arith.constant 368 : index
    %swap3A_1089 = tpu.vector_load %arg9[%swap3A_1088] {strides = array<i32>} : memref<2560xi32, #tpu.memory_space<vmem>>, vector<16xi32>,
    %swap3A_1090 = vector.shape_cast %swap3A_1089 : vector<16xi32> to vector<16xi32>
    %swap3A_1091 = vector.shape_cast %add3A_1087 : vector<16xi32> to vector<16xi32>
    tpu.vector_store %arg9[%swap3A_1088], %swap3A_1091 {strides = array<i32>} : memref<2560xi32, #tpu.memory_space<vmem>>, vector<16xi32>,
    %mul3A_1092 = arith.constant 10 : i32
    %mul3A_1093 = arith.muli %select_n3A, %mul3A_1092 : i32
    %add3A_1094 = arith.constant 2 : i32
    %add3A_1095 = arith.addi %mul3A_1093, %add3A_1094 : i32
    %mul3A_1096 = arith.constant 16384 : i32
    %mul3A_1097 = arith.muli %add3A_1095, %mul3A_1096 : i32
    %add3A_1098 = vector.broadcast %mul3A_1097 : i32 to vector<16xi32>
    %add3A_1099 = arith.addi %and3A_1067, %add3A_1098 : vector<16xi32>
    %swap3A_1100 = arith.constant 624 : index
    %swap3A_1101 = tpu.vector_load %arg9[%swap3A_1100] {strides = array<i32>} : memref<2560xi32, #tpu.memory_space<vmem>>, vector<16xi32>,
    %swap3A_1102 = vector.shape_cast %swap3A_1101 : vector<16xi32> to vector<16xi32>
    %swap3A_1103 = vector.shape_cast %add3A_1099 : vector<16xi32> to vector<16xi32>
    tpu.vector_store %arg9[%swap3A_1100], %swap3A_1103 {strides = array<i32>} : memref<2560xi32, #tpu.memory_space<vmem>>, vector<16xi32>,
    %mul3A_1104 = arith.constant 10 : i32
    %mul3A_1105 = arith.muli %select_n3A, %mul3A_1104 : i32
    %add3A_1106 = arith.constant 3 : i32
    %add3A_1107 = arith.addi %mul3A_1105, %add3A_1106 : i32
    %mul3A_1108 = arith.constant 16384 : i32
    %mul3A_1109 = arith.muli %add3A_1107, %mul3A_1108 : i32
    %add3A_1110 = vector.broadcast %mul3A_1109 : i32 to vector<16xi32>
    %add3A_1111 = arith.addi %and3A_1067, %add3A_1110 : vector<16xi32>
    %swap3A_1112 = arith.constant 880 : index
    %swap3A_1113 = tpu.vector_load %arg9[%swap3A_1112] {strides = array<i32>} : memref<2560xi32, #tpu.memory_space<vmem>>, vector<16xi32>,
    %swap3A_1114 = vector.shape_cast %swap3A_1113 : vector<16xi32> to vector<16xi32>
    %swap3A_1115 = vector.shape_cast %add3A_1111 : vector<16xi32> to vector<16xi32>
    tpu.vector_store %arg9[%swap3A_1112], %swap3A_1115 {strides = array<i32>} : memref<2560xi32, #tpu.memory_space<vmem>>, vector<16xi32>,
    %mul3A_1116 = arith.constant 10 : i32
    %mul3A_1117 = arith.muli %select_n3A, %mul3A_1116 : i32
    %add3A_1118 = arith.constant 4 : i32
    %add3A_1119 = arith.addi %mul3A_1117, %add3A_1118 : i32
    %mul3A_1120 = arith.constant 16384 : i32
    %mul3A_1121 = arith.muli %add3A_1119, %mul3A_1120 : i32
    %add3A_1122 = vector.broadcast %mul3A_1121 : i32 to vector<16xi32>
    %add3A_1123 = arith.addi %and3A_1067, %add3A_1122 : vector<16xi32>
    %swap3A_1124 = arith.constant 1136 : index
    %swap3A_1125 = tpu.vector_load %arg9[%swap3A_1124] {strides = array<i32>} : memref<2560xi32, #tpu.memory_space<vmem>>, vector<16xi32>,
    %swap3A_1126 = vector.shape_cast %swap3A_1125 : vector<16xi32> to vector<16xi32>
    %swap3A_1127 = vector.shape_cast %add3A_1123 : vector<16xi32> to vector<16xi32>
    tpu.vector_store %arg9[%swap3A_1124], %swap3A_1127 {strides = array<i32>} : memref<2560xi32, #tpu.memory_space<vmem>>, vector<16xi32>,
    %mul3A_1128 = arith.constant 10 : i32
    %mul3A_1129 = arith.muli %select_n3A, %mul3A_1128 : i32
    %add3A_1130 = arith.constant 5 : i32
    %add3A_1131 = arith.addi %mul3A_1129, %add3A_1130 : i32
    %mul3A_1132 = arith.constant 16384 : i32
    %mul3A_1133 = arith.muli %add3A_1131, %mul3A_1132 : i32
    %add3A_1134 = vector.broadcast %mul3A_1133 : i32 to vector<16xi32>
    %add3A_1135 = arith.addi %and3A_1067, %add3A_1134 : vector<16xi32>
    %swap3A_1136 = arith.constant 1392 : index
    %swap3A_1137 = tpu.vector_load %arg9[%swap3A_1136] {strides = array<i32>} : memref<2560xi32, #tpu.memory_space<vmem>>, vector<16xi32>,
    %swap3A_1138 = vector.shape_cast %swap3A_1137 : vector<16xi32> to vector<16xi32>
    %swap3A_1139 = vector.shape_cast %add3A_1135 : vector<16xi32> to vector<16xi32>
    tpu.vector_store %arg9[%swap3A_1136], %swap3A_1139 {strides = array<i32>} : memref<2560xi32, #tpu.memory_space<vmem>>, vector<16xi32>,
    %mul3A_1140 = arith.constant 10 : i32
    %mul3A_1141 = arith.muli %select_n3A, %mul3A_1140 : i32
    %add3A_1142 = arith.constant 6 : i32
    %add3A_1143 = arith.addi %mul3A_1141, %add3A_1142 : i32
    %mul3A_1144 = arith.constant 16384 : i32
    %mul3A_1145 = arith.muli %add3A_1143, %mul3A_1144 : i32
    %add3A_1146 = vector.broadcast %mul3A_1145 : i32 to vector<16xi32>
    %add3A_1147 = arith.addi %and3A_1067, %add3A_1146 : vector<16xi32>
    %swap3A_1148 = arith.constant 1648 : index
    %swap3A_1149 = tpu.vector_load %arg9[%swap3A_1148] {strides = array<i32>} : memref<2560xi32, #tpu.memory_space<vmem>>, vector<16xi32>,
    %swap3A_1150 = vector.shape_cast %swap3A_1149 : vector<16xi32> to vector<16xi32>
    %swap3A_1151 = vector.shape_cast %add3A_1147 : vector<16xi32> to vector<16xi32>
    tpu.vector_store %arg9[%swap3A_1148], %swap3A_1151 {strides = array<i32>} : memref<2560xi32, #tpu.memory_space<vmem>>, vector<16xi32>,
    %mul3A_1152 = arith.constant 10 : i32
    %mul3A_1153 = arith.muli %select_n3A, %mul3A_1152 : i32
    %add3A_1154 = arith.constant 7 : i32
    %add3A_1155 = arith.addi %mul3A_1153, %add3A_1154 : i32
    %mul3A_1156 = arith.constant 16384 : i32
    %mul3A_1157 = arith.muli %add3A_1155, %mul3A_1156 : i32
    %add3A_1158 = vector.broadcast %mul3A_1157 : i32 to vector<16xi32>
    %add3A_1159 = arith.addi %and3A_1067, %add3A_1158 : vector<16xi32>
    %swap3A_1160 = arith.constant 1904 : index
    %swap3A_1161 = tpu.vector_load %arg9[%swap3A_1160] {strides = array<i32>} : memref<2560xi32, #tpu.memory_space<vmem>>, vector<16xi32>,
    %swap3A_1162 = vector.shape_cast %swap3A_1161 : vector<16xi32> to vector<16xi32>
    %swap3A_1163 = vector.shape_cast %add3A_1159 : vector<16xi32> to vector<16xi32>
    tpu.vector_store %arg9[%swap3A_1160], %swap3A_1163 {strides = array<i32>} : memref<2560xi32, #tpu.memory_space<vmem>>, vector<16xi32>,
    %mul3A_1164 = arith.constant 10 : i32
    %mul3A_1165 = arith.muli %select_n3A, %mul3A_1164 : i32
    %add3A_1166 = arith.constant 8 : i32
    %add3A_1167 = arith.addi %mul3A_1165, %add3A_1166 : i32
    %mul3A_1168 = arith.constant 16384 : i32
    %mul3A_1169 = arith.muli %add3A_1167, %mul3A_1168 : i32
    %add3A_1170 = vector.broadcast %mul3A_1169 : i32 to vector<16xi32>
    %add3A_1171 = arith.addi %and3A_1067, %add3A_1170 : vector<16xi32>
    %swap3A_1172 = arith.constant 2160 : index
    %swap3A_1173 = tpu.vector_load %arg9[%swap3A_1172] {strides = array<i32>} : memref<2560xi32, #tpu.memory_space<vmem>>, vector<16xi32>,
    %swap3A_1174 = vector.shape_cast %swap3A_1173 : vector<16xi32> to vector<16xi32>
    %swap3A_1175 = vector.shape_cast %add3A_1171 : vector<16xi32> to vector<16xi32>
    tpu.vector_store %arg9[%swap3A_1172], %swap3A_1175 {strides = array<i32>} : memref<2560xi32, #tpu.memory_space<vmem>>, vector<16xi32>,
    %mul3A_1176 = arith.constant 10 : i32
    %mul3A_1177 = arith.muli %select_n3A, %mul3A_1176 : i32
    %add3A_1178 = arith.constant 9 : i32
    %add3A_1179 = arith.addi %mul3A_1177, %add3A_1178 : i32
    %mul3A_1180 = arith.constant 16384 : i32
    %mul3A_1181 = arith.muli %add3A_1179, %mul3A_1180 : i32
    %add3A_1182 = vector.broadcast %mul3A_1181 : i32 to vector<16xi32>
    %add3A_1183 = arith.addi %and3A_1067, %add3A_1182 : vector<16xi32>
    %swap3A_1184 = arith.constant 2416 : index
    %swap3A_1185 = tpu.vector_load %arg9[%swap3A_1184] {strides = array<i32>} : memref<2560xi32, #tpu.memory_space<vmem>>, vector<16xi32>,
    %swap3A_1186 = vector.shape_cast %swap3A_1185 : vector<16xi32> to vector<16xi32>
    %swap3A_1187 = vector.shape_cast %add3A_1183 : vector<16xi32> to vector<16xi32>
    tpu.vector_store %arg9[%swap3A_1184], %swap3A_1187 {strides = array<i32>} : memref<2560xi32, #tpu.memory_space<vmem>>, vector<16xi32>,
    %shift_right_logical3A_1188 = arith.constant 14 : i32
    %shift_right_logical3A_1189 = vector.broadcast %shift_right_logical3A_1188 : i32 to vector<16xi32>
    %shift_right_logical3A_1190 = arith.shrui %convert_element_type3A_1064, %shift_right_logical3A_1189 : vector<16xi32>
    %convert_element_type3A_1191 = arith.sitofp %shift_right_logical3A_1190 : vector<16xi32> to vector<16xf32>
    %add3A_1192 = arith.addf %add3A_1054, %convert_element_type3A_1191 : vector<16xf32>
    %swap3A_1193 = arith.constant 7 : i32
    %swap3A_1194 = arith.index_cast %swap3A_1193 : i32 to index
    %swap3A_1195 = arith.constant 0 : index
    %swap3A_1196 = tpu.vector_load %arg8[%swap3A_1194, %swap3A_1195] {strides = array<i32>} : memref<16x16xf32, #tpu.memory_space<vmem>>, vector<1x16xf32>,
    %swap3A_1197 = vector.shape_cast %swap3A_1196 : vector<1x16xf32> to vector<16xf32>
    %swap3A_1198 = vector.shape_cast %convert_element_type3A_1191 : vector<16xf32> to vector<1x16xf32>
    tpu.vector_store %arg8[%swap3A_1194, %swap3A_1195], %swap3A_1198 {strides = array<i32>} : memref<16x16xf32, #tpu.memory_space<vmem>>, vector<1x16xf32>,
    %get3A_1199 = arith.constant 128 : index
    %get3A_1200 = tpu.vector_load %arg6[%get3A_1199] {strides = array<i32>} : memref<256xf32, #tpu.memory_space<vmem>>, vector<16xf32>,
    %get3A_1201 = vector.shape_cast %get3A_1200 : vector<16xf32> to vector<16xf32>
    %convert_element_type3A_1202 = arith.fptosi %get3A_1201 : vector<16xf32> to vector<16xi32>
    %and3A_1203 = arith.constant 16383 : i32
    %and3A_1204 = vector.broadcast %and3A_1203 : i32 to vector<16xi32>
    %and3A_1205 = arith.andi %convert_element_type3A_1202, %and3A_1204 : vector<16xi32>
    %mul3A_1206 = arith.constant 10 : i32
    %mul3A_1207 = arith.muli %select_n3A, %mul3A_1206 : i32
    %add3A_1208 = arith.constant 0 : i32
    %add3A_1209 = arith.addi %mul3A_1207, %add3A_1208 : i32
    %mul3A_1210 = arith.constant 16384 : i32
    %mul3A_1211 = arith.muli %add3A_1209, %mul3A_1210 : i32
    %add3A_1212 = vector.broadcast %mul3A_1211 : i32 to vector<16xi32>
    %add3A_1213 = arith.addi %and3A_1205, %add3A_1212 : vector<16xi32>
    %swap3A_1214 = arith.constant 128 : index
    %swap3A_1215 = tpu.vector_load %arg9[%swap3A_1214] {strides = array<i32>} : memref<2560xi32, #tpu.memory_space<vmem>>, vector<16xi32>,
    %swap3A_1216 = vector.shape_cast %swap3A_1215 : vector<16xi32> to vector<16xi32>
    %swap3A_1217 = vector.shape_cast %add3A_1213 : vector<16xi32> to vector<16xi32>
    tpu.vector_store %arg9[%swap3A_1214], %swap3A_1217 {strides = array<i32>} : memref<2560xi32, #tpu.memory_space<vmem>>, vector<16xi32>,
    %mul3A_1218 = arith.constant 10 : i32
    %mul3A_1219 = arith.muli %select_n3A, %mul3A_1218 : i32
    %add3A_1220 = arith.constant 1 : i32
    %add3A_1221 = arith.addi %mul3A_1219, %add3A_1220 : i32
    %mul3A_1222 = arith.constant 16384 : i32
    %mul3A_1223 = arith.muli %add3A_1221, %mul3A_1222 : i32
    %add3A_1224 = vector.broadcast %mul3A_1223 : i32 to vector<16xi32>
    %add3A_1225 = arith.addi %and3A_1205, %add3A_1224 : vector<16xi32>
    %swap3A_1226 = arith.constant 384 : index
    %swap3A_1227 = tpu.vector_load %arg9[%swap3A_1226] {strides = array<i32>} : memref<2560xi32, #tpu.memory_space<vmem>>, vector<16xi32>,
    %swap3A_1228 = vector.shape_cast %swap3A_1227 : vector<16xi32> to vector<16xi32>
    %swap3A_1229 = vector.shape_cast %add3A_1225 : vector<16xi32> to vector<16xi32>
    tpu.vector_store %arg9[%swap3A_1226], %swap3A_1229 {strides = array<i32>} : memref<2560xi32, #tpu.memory_space<vmem>>, vector<16xi32>,
    %mul3A_1230 = arith.constant 10 : i32
    %mul3A_1231 = arith.muli %select_n3A, %mul3A_1230 : i32
    %add3A_1232 = arith.constant 2 : i32
    %add3A_1233 = arith.addi %mul3A_1231, %add3A_1232 : i32
    %mul3A_1234 = arith.constant 16384 : i32
    %mul3A_1235 = arith.muli %add3A_1233, %mul3A_1234 : i32
    %add3A_1236 = vector.broadcast %mul3A_1235 : i32 to vector<16xi32>
    %add3A_1237 = arith.addi %and3A_1205, %add3A_1236 : vector<16xi32>
    %swap3A_1238 = arith.constant 640 : index
    %swap3A_1239 = tpu.vector_load %arg9[%swap3A_1238] {strides = array<i32>} : memref<2560xi32, #tpu.memory_space<vmem>>, vector<16xi32>,
    %swap3A_1240 = vector.shape_cast %swap3A_1239 : vector<16xi32> to vector<16xi32>
    %swap3A_1241 = vector.shape_cast %add3A_1237 : vector<16xi32> to vector<16xi32>
    tpu.vector_store %arg9[%swap3A_1238], %swap3A_1241 {strides = array<i32>} : memref<2560xi32, #tpu.memory_space<vmem>>, vector<16xi32>,
    %mul3A_1242 = arith.constant 10 : i32
    %mul3A_1243 = arith.muli %select_n3A, %mul3A_1242 : i32
    %add3A_1244 = arith.constant 3 : i32
    %add3A_1245 = arith.addi %mul3A_1243, %add3A_1244 : i32
    %mul3A_1246 = arith.constant 16384 : i32
    %mul3A_1247 = arith.muli %add3A_1245, %mul3A_1246 : i32
    %add3A_1248 = vector.broadcast %mul3A_1247 : i32 to vector<16xi32>
    %add3A_1249 = arith.addi %and3A_1205, %add3A_1248 : vector<16xi32>
    %swap3A_1250 = arith.constant 896 : index
    %swap3A_1251 = tpu.vector_load %arg9[%swap3A_1250] {strides = array<i32>} : memref<2560xi32, #tpu.memory_space<vmem>>, vector<16xi32>,
    %swap3A_1252 = vector.shape_cast %swap3A_1251 : vector<16xi32> to vector<16xi32>
    %swap3A_1253 = vector.shape_cast %add3A_1249 : vector<16xi32> to vector<16xi32>
    tpu.vector_store %arg9[%swap3A_1250], %swap3A_1253 {strides = array<i32>} : memref<2560xi32, #tpu.memory_space<vmem>>, vector<16xi32>,
    %mul3A_1254 = arith.constant 10 : i32
    %mul3A_1255 = arith.muli %select_n3A, %mul3A_1254 : i32
    %add3A_1256 = arith.constant 4 : i32
    %add3A_1257 = arith.addi %mul3A_1255, %add3A_1256 : i32
    %mul3A_1258 = arith.constant 16384 : i32
    %mul3A_1259 = arith.muli %add3A_1257, %mul3A_1258 : i32
    %add3A_1260 = vector.broadcast %mul3A_1259 : i32 to vector<16xi32>
    %add3A_1261 = arith.addi %and3A_1205, %add3A_1260 : vector<16xi32>
    %swap3A_1262 = arith.constant 1152 : index
    %swap3A_1263 = tpu.vector_load %arg9[%swap3A_1262] {strides = array<i32>} : memref<2560xi32, #tpu.memory_space<vmem>>, vector<16xi32>,
    %swap3A_1264 = vector.shape_cast %swap3A_1263 : vector<16xi32> to vector<16xi32>
    %swap3A_1265 = vector.shape_cast %add3A_1261 : vector<16xi32> to vector<16xi32>
    tpu.vector_store %arg9[%swap3A_1262], %swap3A_1265 {strides = array<i32>} : memref<2560xi32, #tpu.memory_space<vmem>>, vector<16xi32>,
    %mul3A_1266 = arith.constant 10 : i32
    %mul3A_1267 = arith.muli %select_n3A, %mul3A_1266 : i32
    %add3A_1268 = arith.constant 5 : i32
    %add3A_1269 = arith.addi %mul3A_1267, %add3A_1268 : i32
    %mul3A_1270 = arith.constant 16384 : i32
    %mul3A_1271 = arith.muli %add3A_1269, %mul3A_1270 : i32
    %add3A_1272 = vector.broadcast %mul3A_1271 : i32 to vector<16xi32>
    %add3A_1273 = arith.addi %and3A_1205, %add3A_1272 : vector<16xi32>
    %swap3A_1274 = arith.constant 1408 : index
    %swap3A_1275 = tpu.vector_load %arg9[%swap3A_1274] {strides = array<i32>} : memref<2560xi32, #tpu.memory_space<vmem>>, vector<16xi32>,
    %swap3A_1276 = vector.shape_cast %swap3A_1275 : vector<16xi32> to vector<16xi32>
    %swap3A_1277 = vector.shape_cast %add3A_1273 : vector<16xi32> to vector<16xi32>
    tpu.vector_store %arg9[%swap3A_1274], %swap3A_1277 {strides = array<i32>} : memref<2560xi32, #tpu.memory_space<vmem>>, vector<16xi32>,
    %mul3A_1278 = arith.constant 10 : i32
    %mul3A_1279 = arith.muli %select_n3A, %mul3A_1278 : i32
    %add3A_1280 = arith.constant 6 : i32
    %add3A_1281 = arith.addi %mul3A_1279, %add3A_1280 : i32
    %mul3A_1282 = arith.constant 16384 : i32
    %mul3A_1283 = arith.muli %add3A_1281, %mul3A_1282 : i32
    %add3A_1284 = vector.broadcast %mul3A_1283 : i32 to vector<16xi32>
    %add3A_1285 = arith.addi %and3A_1205, %add3A_1284 : vector<16xi32>
    %swap3A_1286 = arith.constant 1664 : index
    %swap3A_1287 = tpu.vector_load %arg9[%swap3A_1286] {strides = array<i32>} : memref<2560xi32, #tpu.memory_space<vmem>>, vector<16xi32>,
    %swap3A_1288 = vector.shape_cast %swap3A_1287 : vector<16xi32> to vector<16xi32>
    %swap3A_1289 = vector.shape_cast %add3A_1285 : vector<16xi32> to vector<16xi32>
    tpu.vector_store %arg9[%swap3A_1286], %swap3A_1289 {strides = array<i32>} : memref<2560xi32, #tpu.memory_space<vmem>>, vector<16xi32>,
    %mul3A_1290 = arith.constant 10 : i32
    %mul3A_1291 = arith.muli %select_n3A, %mul3A_1290 : i32
    %add3A_1292 = arith.constant 7 : i32
    %add3A_1293 = arith.addi %mul3A_1291, %add3A_1292 : i32
    %mul3A_1294 = arith.constant 16384 : i32
    %mul3A_1295 = arith.muli %add3A_1293, %mul3A_1294 : i32
    %add3A_1296 = vector.broadcast %mul3A_1295 : i32 to vector<16xi32>
    %add3A_1297 = arith.addi %and3A_1205, %add3A_1296 : vector<16xi32>
    %swap3A_1298 = arith.constant 1920 : index
    %swap3A_1299 = tpu.vector_load %arg9[%swap3A_1298] {strides = array<i32>} : memref<2560xi32, #tpu.memory_space<vmem>>, vector<16xi32>,
    %swap3A_1300 = vector.shape_cast %swap3A_1299 : vector<16xi32> to vector<16xi32>
    %swap3A_1301 = vector.shape_cast %add3A_1297 : vector<16xi32> to vector<16xi32>
    tpu.vector_store %arg9[%swap3A_1298], %swap3A_1301 {strides = array<i32>} : memref<2560xi32, #tpu.memory_space<vmem>>, vector<16xi32>,
    %mul3A_1302 = arith.constant 10 : i32
    %mul3A_1303 = arith.muli %select_n3A, %mul3A_1302 : i32
    %add3A_1304 = arith.constant 8 : i32
    %add3A_1305 = arith.addi %mul3A_1303, %add3A_1304 : i32
    %mul3A_1306 = arith.constant 16384 : i32
    %mul3A_1307 = arith.muli %add3A_1305, %mul3A_1306 : i32
    %add3A_1308 = vector.broadcast %mul3A_1307 : i32 to vector<16xi32>
    %add3A_1309 = arith.addi %and3A_1205, %add3A_1308 : vector<16xi32>
    %swap3A_1310 = arith.constant 2176 : index
    %swap3A_1311 = tpu.vector_load %arg9[%swap3A_1310] {strides = array<i32>} : memref<2560xi32, #tpu.memory_space<vmem>>, vector<16xi32>,
    %swap3A_1312 = vector.shape_cast %swap3A_1311 : vector<16xi32> to vector<16xi32>
    %swap3A_1313 = vector.shape_cast %add3A_1309 : vector<16xi32> to vector<16xi32>
    tpu.vector_store %arg9[%swap3A_1310], %swap3A_1313 {strides = array<i32>} : memref<2560xi32, #tpu.memory_space<vmem>>, vector<16xi32>,
    %mul3A_1314 = arith.constant 10 : i32
    %mul3A_1315 = arith.muli %select_n3A, %mul3A_1314 : i32
    %add3A_1316 = arith.constant 9 : i32
    %add3A_1317 = arith.addi %mul3A_1315, %add3A_1316 : i32
    %mul3A_1318 = arith.constant 16384 : i32
    %mul3A_1319 = arith.muli %add3A_1317, %mul3A_1318 : i32
    %add3A_1320 = vector.broadcast %mul3A_1319 : i32 to vector<16xi32>
    %add3A_1321 = arith.addi %and3A_1205, %add3A_1320 : vector<16xi32>
    %swap3A_1322 = arith.constant 2432 : index
    %swap3A_1323 = tpu.vector_load %arg9[%swap3A_1322] {strides = array<i32>} : memref<2560xi32, #tpu.memory_space<vmem>>, vector<16xi32>,
    %swap3A_1324 = vector.shape_cast %swap3A_1323 : vector<16xi32> to vector<16xi32>
    %swap3A_1325 = vector.shape_cast %add3A_1321 : vector<16xi32> to vector<16xi32>
    tpu.vector_store %arg9[%swap3A_1322], %swap3A_1325 {strides = array<i32>} : memref<2560xi32, #tpu.memory_space<vmem>>, vector<16xi32>,
    %shift_right_logical3A_1326 = arith.constant 14 : i32
    %shift_right_logical3A_1327 = vector.broadcast %shift_right_logical3A_1326 : i32 to vector<16xi32>
    %shift_right_logical3A_1328 = arith.shrui %convert_element_type3A_1202, %shift_right_logical3A_1327 : vector<16xi32>
    %convert_element_type3A_1329 = arith.sitofp %shift_right_logical3A_1328 : vector<16xi32> to vector<16xf32>
    %add3A_1330 = arith.addf %add3A_1192, %convert_element_type3A_1329 : vector<16xf32>
    %swap3A_1331 = arith.constant 8 : i32
    %swap3A_1332 = arith.index_cast %swap3A_1331 : i32 to index
    %swap3A_1333 = arith.constant 0 : index
    %swap3A_1334 = tpu.vector_load %arg8[%swap3A_1332, %swap3A_1333] {strides = array<i32>} : memref<16x16xf32, #tpu.memory_space<vmem>>, vector<1x16xf32>,
    %swap3A_1335 = vector.shape_cast %swap3A_1334 : vector<1x16xf32> to vector<16xf32>
    %swap3A_1336 = vector.shape_cast %convert_element_type3A_1329 : vector<16xf32> to vector<1x16xf32>
    tpu.vector_store %arg8[%swap3A_1332, %swap3A_1333], %swap3A_1336 {strides = array<i32>} : memref<16x16xf32, #tpu.memory_space<vmem>>, vector<1x16xf32>,
    %get3A_1337 = arith.constant 144 : index
    %get3A_1338 = tpu.vector_load %arg6[%get3A_1337] {strides = array<i32>} : memref<256xf32, #tpu.memory_space<vmem>>, vector<16xf32>,
    %get3A_1339 = vector.shape_cast %get3A_1338 : vector<16xf32> to vector<16xf32>
    %convert_element_type3A_1340 = arith.fptosi %get3A_1339 : vector<16xf32> to vector<16xi32>
    %and3A_1341 = arith.constant 16383 : i32
    %and3A_1342 = vector.broadcast %and3A_1341 : i32 to vector<16xi32>
    %and3A_1343 = arith.andi %convert_element_type3A_1340, %and3A_1342 : vector<16xi32>
    %mul3A_1344 = arith.constant 10 : i32
    %mul3A_1345 = arith.muli %select_n3A, %mul3A_1344 : i32
    %add3A_1346 = arith.constant 0 : i32
    %add3A_1347 = arith.addi %mul3A_1345, %add3A_1346 : i32
    %mul3A_1348 = arith.constant 16384 : i32
    %mul3A_1349 = arith.muli %add3A_1347, %mul3A_1348 : i32
    %add3A_1350 = vector.broadcast %mul3A_1349 : i32 to vector<16xi32>
    %add3A_1351 = arith.addi %and3A_1343, %add3A_1350 : vector<16xi32>
    %swap3A_1352 = arith.constant 144 : index
    %swap3A_1353 = tpu.vector_load %arg9[%swap3A_1352] {strides = array<i32>} : memref<2560xi32, #tpu.memory_space<vmem>>, vector<16xi32>,
    %swap3A_1354 = vector.shape_cast %swap3A_1353 : vector<16xi32> to vector<16xi32>
    %swap3A_1355 = vector.shape_cast %add3A_1351 : vector<16xi32> to vector<16xi32>
    tpu.vector_store %arg9[%swap3A_1352], %swap3A_1355 {strides = array<i32>} : memref<2560xi32, #tpu.memory_space<vmem>>, vector<16xi32>,
    %mul3A_1356 = arith.constant 10 : i32
    %mul3A_1357 = arith.muli %select_n3A, %mul3A_1356 : i32
    %add3A_1358 = arith.constant 1 : i32
    %add3A_1359 = arith.addi %mul3A_1357, %add3A_1358 : i32
    %mul3A_1360 = arith.constant 16384 : i32
    %mul3A_1361 = arith.muli %add3A_1359, %mul3A_1360 : i32
    %add3A_1362 = vector.broadcast %mul3A_1361 : i32 to vector<16xi32>
    %add3A_1363 = arith.addi %and3A_1343, %add3A_1362 : vector<16xi32>
    %swap3A_1364 = arith.constant 400 : index
    %swap3A_1365 = tpu.vector_load %arg9[%swap3A_1364] {strides = array<i32>} : memref<2560xi32, #tpu.memory_space<vmem>>, vector<16xi32>,
    %swap3A_1366 = vector.shape_cast %swap3A_1365 : vector<16xi32> to vector<16xi32>
    %swap3A_1367 = vector.shape_cast %add3A_1363 : vector<16xi32> to vector<16xi32>
    tpu.vector_store %arg9[%swap3A_1364], %swap3A_1367 {strides = array<i32>} : memref<2560xi32, #tpu.memory_space<vmem>>, vector<16xi32>,
    %mul3A_1368 = arith.constant 10 : i32
    %mul3A_1369 = arith.muli %select_n3A, %mul3A_1368 : i32
    %add3A_1370 = arith.constant 2 : i32
    %add3A_1371 = arith.addi %mul3A_1369, %add3A_1370 : i32
    %mul3A_1372 = arith.constant 16384 : i32
    %mul3A_1373 = arith.muli %add3A_1371, %mul3A_1372 : i32
    %add3A_1374 = vector.broadcast %mul3A_1373 : i32 to vector<16xi32>
    %add3A_1375 = arith.addi %and3A_1343, %add3A_1374 : vector<16xi32>
    %swap3A_1376 = arith.constant 656 : index
    %swap3A_1377 = tpu.vector_load %arg9[%swap3A_1376] {strides = array<i32>} : memref<2560xi32, #tpu.memory_space<vmem>>, vector<16xi32>,
    %swap3A_1378 = vector.shape_cast %swap3A_1377 : vector<16xi32> to vector<16xi32>
    %swap3A_1379 = vector.shape_cast %add3A_1375 : vector<16xi32> to vector<16xi32>
    tpu.vector_store %arg9[%swap3A_1376], %swap3A_1379 {strides = array<i32>} : memref<2560xi32, #tpu.memory_space<vmem>>, vector<16xi32>,
    %mul3A_1380 = arith.constant 10 : i32
    %mul3A_1381 = arith.muli %select_n3A, %mul3A_1380 : i32
    %add3A_1382 = arith.constant 3 : i32
    %add3A_1383 = arith.addi %mul3A_1381, %add3A_1382 : i32
    %mul3A_1384 = arith.constant 16384 : i32
    %mul3A_1385 = arith.muli %add3A_1383, %mul3A_1384 : i32
    %add3A_1386 = vector.broadcast %mul3A_1385 : i32 to vector<16xi32>
    %add3A_1387 = arith.addi %and3A_1343, %add3A_1386 : vector<16xi32>
    %swap3A_1388 = arith.constant 912 : index
    %swap3A_1389 = tpu.vector_load %arg9[%swap3A_1388] {strides = array<i32>} : memref<2560xi32, #tpu.memory_space<vmem>>, vector<16xi32>,
    %swap3A_1390 = vector.shape_cast %swap3A_1389 : vector<16xi32> to vector<16xi32>
    %swap3A_1391 = vector.shape_cast %add3A_1387 : vector<16xi32> to vector<16xi32>
    tpu.vector_store %arg9[%swap3A_1388], %swap3A_1391 {strides = array<i32>} : memref<2560xi32, #tpu.memory_space<vmem>>, vector<16xi32>,
    %mul3A_1392 = arith.constant 10 : i32
    %mul3A_1393 = arith.muli %select_n3A, %mul3A_1392 : i32
    %add3A_1394 = arith.constant 4 : i32
    %add3A_1395 = arith.addi %mul3A_1393, %add3A_1394 : i32
    %mul3A_1396 = arith.constant 16384 : i32
    %mul3A_1397 = arith.muli %add3A_1395, %mul3A_1396 : i32
    %add3A_1398 = vector.broadcast %mul3A_1397 : i32 to vector<16xi32>
    %add3A_1399 = arith.addi %and3A_1343, %add3A_1398 : vector<16xi32>
    %swap3A_1400 = arith.constant 1168 : index
    %swap3A_1401 = tpu.vector_load %arg9[%swap3A_1400] {strides = array<i32>} : memref<2560xi32, #tpu.memory_space<vmem>>, vector<16xi32>,
    %swap3A_1402 = vector.shape_cast %swap3A_1401 : vector<16xi32> to vector<16xi32>
    %swap3A_1403 = vector.shape_cast %add3A_1399 : vector<16xi32> to vector<16xi32>
    tpu.vector_store %arg9[%swap3A_1400], %swap3A_1403 {strides = array<i32>} : memref<2560xi32, #tpu.memory_space<vmem>>, vector<16xi32>,
    %mul3A_1404 = arith.constant 10 : i32
    %mul3A_1405 = arith.muli %select_n3A, %mul3A_1404 : i32
    %add3A_1406 = arith.constant 5 : i32
    %add3A_1407 = arith.addi %mul3A_1405, %add3A_1406 : i32
    %mul3A_1408 = arith.constant 16384 : i32
    %mul3A_1409 = arith.muli %add3A_1407, %mul3A_1408 : i32
    %add3A_1410 = vector.broadcast %mul3A_1409 : i32 to vector<16xi32>
    %add3A_1411 = arith.addi %and3A_1343, %add3A_1410 : vector<16xi32>
    %swap3A_1412 = arith.constant 1424 : index
    %swap3A_1413 = tpu.vector_load %arg9[%swap3A_1412] {strides = array<i32>} : memref<2560xi32, #tpu.memory_space<vmem>>, vector<16xi32>,
    %swap3A_1414 = vector.shape_cast %swap3A_1413 : vector<16xi32> to vector<16xi32>
    %swap3A_1415 = vector.shape_cast %add3A_1411 : vector<16xi32> to vector<16xi32>
    tpu.vector_store %arg9[%swap3A_1412], %swap3A_1415 {strides = array<i32>} : memref<2560xi32, #tpu.memory_space<vmem>>, vector<16xi32>,
    %mul3A_1416 = arith.constant 10 : i32
    %mul3A_1417 = arith.muli %select_n3A, %mul3A_1416 : i32
    %add3A_1418 = arith.constant 6 : i32
    %add3A_1419 = arith.addi %mul3A_1417, %add3A_1418 : i32
    %mul3A_1420 = arith.constant 16384 : i32
    %mul3A_1421 = arith.muli %add3A_1419, %mul3A_1420 : i32
    %add3A_1422 = vector.broadcast %mul3A_1421 : i32 to vector<16xi32>
    %add3A_1423 = arith.addi %and3A_1343, %add3A_1422 : vector<16xi32>
    %swap3A_1424 = arith.constant 1680 : index
    %swap3A_1425 = tpu.vector_load %arg9[%swap3A_1424] {strides = array<i32>} : memref<2560xi32, #tpu.memory_space<vmem>>, vector<16xi32>,
    %swap3A_1426 = vector.shape_cast %swap3A_1425 : vector<16xi32> to vector<16xi32>
    %swap3A_1427 = vector.shape_cast %add3A_1423 : vector<16xi32> to vector<16xi32>
    tpu.vector_store %arg9[%swap3A_1424], %swap3A_1427 {strides = array<i32>} : memref<2560xi32, #tpu.memory_space<vmem>>, vector<16xi32>,
    %mul3A_1428 = arith.constant 10 : i32
    %mul3A_1429 = arith.muli %select_n3A, %mul3A_1428 : i32
    %add3A_1430 = arith.constant 7 : i32
    %add3A_1431 = arith.addi %mul3A_1429, %add3A_1430 : i32
    %mul3A_1432 = arith.constant 16384 : i32
    %mul3A_1433 = arith.muli %add3A_1431, %mul3A_1432 : i32
    %add3A_1434 = vector.broadcast %mul3A_1433 : i32 to vector<16xi32>
    %add3A_1435 = arith.addi %and3A_1343, %add3A_1434 : vector<16xi32>
    %swap3A_1436 = arith.constant 1936 : index
    %swap3A_1437 = tpu.vector_load %arg9[%swap3A_1436] {strides = array<i32>} : memref<2560xi32, #tpu.memory_space<vmem>>, vector<16xi32>,
    %swap3A_1438 = vector.shape_cast %swap3A_1437 : vector<16xi32> to vector<16xi32>
    %swap3A_1439 = vector.shape_cast %add3A_1435 : vector<16xi32> to vector<16xi32>
    tpu.vector_store %arg9[%swap3A_1436], %swap3A_1439 {strides = array<i32>} : memref<2560xi32, #tpu.memory_space<vmem>>, vector<16xi32>,
    %mul3A_1440 = arith.constant 10 : i32
    %mul3A_1441 = arith.muli %select_n3A, %mul3A_1440 : i32
    %add3A_1442 = arith.constant 8 : i32
    %add3A_1443 = arith.addi %mul3A_1441, %add3A_1442 : i32
    %mul3A_1444 = arith.constant 16384 : i32
    %mul3A_1445 = arith.muli %add3A_1443, %mul3A_1444 : i32
    %add3A_1446 = vector.broadcast %mul3A_1445 : i32 to vector<16xi32>
    %add3A_1447 = arith.addi %and3A_1343, %add3A_1446 : vector<16xi32>
    %swap3A_1448 = arith.constant 2192 : index
    %swap3A_1449 = tpu.vector_load %arg9[%swap3A_1448] {strides = array<i32>} : memref<2560xi32, #tpu.memory_space<vmem>>, vector<16xi32>,
    %swap3A_1450 = vector.shape_cast %swap3A_1449 : vector<16xi32> to vector<16xi32>
    %swap3A_1451 = vector.shape_cast %add3A_1447 : vector<16xi32> to vector<16xi32>
    tpu.vector_store %arg9[%swap3A_1448], %swap3A_1451 {strides = array<i32>} : memref<2560xi32, #tpu.memory_space<vmem>>, vector<16xi32>,
    %mul3A_1452 = arith.constant 10 : i32
    %mul3A_1453 = arith.muli %select_n3A, %mul3A_1452 : i32
    %add3A_1454 = arith.constant 9 : i32
    %add3A_1455 = arith.addi %mul3A_1453, %add3A_1454 : i32
    %mul3A_1456 = arith.constant 16384 : i32
    %mul3A_1457 = arith.muli %add3A_1455, %mul3A_1456 : i32
    %add3A_1458 = vector.broadcast %mul3A_1457 : i32 to vector<16xi32>
    %add3A_1459 = arith.addi %and3A_1343, %add3A_1458 : vector<16xi32>
    %swap3A_1460 = arith.constant 2448 : index
    %swap3A_1461 = tpu.vector_load %arg9[%swap3A_1460] {strides = array<i32>} : memref<2560xi32, #tpu.memory_space<vmem>>, vector<16xi32>,
    %swap3A_1462 = vector.shape_cast %swap3A_1461 : vector<16xi32> to vector<16xi32>
    %swap3A_1463 = vector.shape_cast %add3A_1459 : vector<16xi32> to vector<16xi32>
    tpu.vector_store %arg9[%swap3A_1460], %swap3A_1463 {strides = array<i32>} : memref<2560xi32, #tpu.memory_space<vmem>>, vector<16xi32>,
    %shift_right_logical3A_1464 = arith.constant 14 : i32
    %shift_right_logical3A_1465 = vector.broadcast %shift_right_logical3A_1464 : i32 to vector<16xi32>
    %shift_right_logical3A_1466 = arith.shrui %convert_element_type3A_1340, %shift_right_logical3A_1465 : vector<16xi32>
    %convert_element_type3A_1467 = arith.sitofp %shift_right_logical3A_1466 : vector<16xi32> to vector<16xf32>
    %add3A_1468 = arith.addf %add3A_1330, %convert_element_type3A_1467 : vector<16xf32>
    %swap3A_1469 = arith.constant 9 : i32
    %swap3A_1470 = arith.index_cast %swap3A_1469 : i32 to index
    %swap3A_1471 = arith.constant 0 : index
    %swap3A_1472 = tpu.vector_load %arg8[%swap3A_1470, %swap3A_1471] {strides = array<i32>} : memref<16x16xf32, #tpu.memory_space<vmem>>, vector<1x16xf32>,
    %swap3A_1473 = vector.shape_cast %swap3A_1472 : vector<1x16xf32> to vector<16xf32>
    %swap3A_1474 = vector.shape_cast %convert_element_type3A_1467 : vector<16xf32> to vector<1x16xf32>
    tpu.vector_store %arg8[%swap3A_1470, %swap3A_1471], %swap3A_1474 {strides = array<i32>} : memref<16x16xf32, #tpu.memory_space<vmem>>, vector<1x16xf32>,
    %get3A_1475 = arith.constant 160 : index
    %get3A_1476 = tpu.vector_load %arg6[%get3A_1475] {strides = array<i32>} : memref<256xf32, #tpu.memory_space<vmem>>, vector<16xf32>,
    %get3A_1477 = vector.shape_cast %get3A_1476 : vector<16xf32> to vector<16xf32>
    %convert_element_type3A_1478 = arith.fptosi %get3A_1477 : vector<16xf32> to vector<16xi32>
    %and3A_1479 = arith.constant 16383 : i32
    %and3A_1480 = vector.broadcast %and3A_1479 : i32 to vector<16xi32>
    %and3A_1481 = arith.andi %convert_element_type3A_1478, %and3A_1480 : vector<16xi32>
    %mul3A_1482 = arith.constant 10 : i32
    %mul3A_1483 = arith.muli %select_n3A, %mul3A_1482 : i32
    %add3A_1484 = arith.constant 0 : i32
    %add3A_1485 = arith.addi %mul3A_1483, %add3A_1484 : i32
    %mul3A_1486 = arith.constant 16384 : i32
    %mul3A_1487 = arith.muli %add3A_1485, %mul3A_1486 : i32
    %add3A_1488 = vector.broadcast %mul3A_1487 : i32 to vector<16xi32>
    %add3A_1489 = arith.addi %and3A_1481, %add3A_1488 : vector<16xi32>
    %swap3A_1490 = arith.constant 160 : index
    %swap3A_1491 = tpu.vector_load %arg9[%swap3A_1490] {strides = array<i32>} : memref<2560xi32, #tpu.memory_space<vmem>>, vector<16xi32>,
    %swap3A_1492 = vector.shape_cast %swap3A_1491 : vector<16xi32> to vector<16xi32>
    %swap3A_1493 = vector.shape_cast %add3A_1489 : vector<16xi32> to vector<16xi32>
    tpu.vector_store %arg9[%swap3A_1490], %swap3A_1493 {strides = array<i32>} : memref<2560xi32, #tpu.memory_space<vmem>>, vector<16xi32>,
    %mul3A_1494 = arith.constant 10 : i32
    %mul3A_1495 = arith.muli %select_n3A, %mul3A_1494 : i32
    %add3A_1496 = arith.constant 1 : i32
    %add3A_1497 = arith.addi %mul3A_1495, %add3A_1496 : i32
    %mul3A_1498 = arith.constant 16384 : i32
    %mul3A_1499 = arith.muli %add3A_1497, %mul3A_1498 : i32
    %add3A_1500 = vector.broadcast %mul3A_1499 : i32 to vector<16xi32>
    %add3A_1501 = arith.addi %and3A_1481, %add3A_1500 : vector<16xi32>
    %swap3A_1502 = arith.constant 416 : index
    %swap3A_1503 = tpu.vector_load %arg9[%swap3A_1502] {strides = array<i32>} : memref<2560xi32, #tpu.memory_space<vmem>>, vector<16xi32>,
    %swap3A_1504 = vector.shape_cast %swap3A_1503 : vector<16xi32> to vector<16xi32>
    %swap3A_1505 = vector.shape_cast %add3A_1501 : vector<16xi32> to vector<16xi32>
    tpu.vector_store %arg9[%swap3A_1502], %swap3A_1505 {strides = array<i32>} : memref<2560xi32, #tpu.memory_space<vmem>>, vector<16xi32>,
    %mul3A_1506 = arith.constant 10 : i32
    %mul3A_1507 = arith.muli %select_n3A, %mul3A_1506 : i32
    %add3A_1508 = arith.constant 2 : i32
    %add3A_1509 = arith.addi %mul3A_1507, %add3A_1508 : i32
    %mul3A_1510 = arith.constant 16384 : i32
    %mul3A_1511 = arith.muli %add3A_1509, %mul3A_1510 : i32
    %add3A_1512 = vector.broadcast %mul3A_1511 : i32 to vector<16xi32>
    %add3A_1513 = arith.addi %and3A_1481, %add3A_1512 : vector<16xi32>
    %swap3A_1514 = arith.constant 672 : index
    %swap3A_1515 = tpu.vector_load %arg9[%swap3A_1514] {strides = array<i32>} : memref<2560xi32, #tpu.memory_space<vmem>>, vector<16xi32>,
    %swap3A_1516 = vector.shape_cast %swap3A_1515 : vector<16xi32> to vector<16xi32>
    %swap3A_1517 = vector.shape_cast %add3A_1513 : vector<16xi32> to vector<16xi32>
    tpu.vector_store %arg9[%swap3A_1514], %swap3A_1517 {strides = array<i32>} : memref<2560xi32, #tpu.memory_space<vmem>>, vector<16xi32>,
    %mul3A_1518 = arith.constant 10 : i32
    %mul3A_1519 = arith.muli %select_n3A, %mul3A_1518 : i32
    %add3A_1520 = arith.constant 3 : i32
    %add3A_1521 = arith.addi %mul3A_1519, %add3A_1520 : i32
    %mul3A_1522 = arith.constant 16384 : i32
    %mul3A_1523 = arith.muli %add3A_1521, %mul3A_1522 : i32
    %add3A_1524 = vector.broadcast %mul3A_1523 : i32 to vector<16xi32>
    %add3A_1525 = arith.addi %and3A_1481, %add3A_1524 : vector<16xi32>
    %swap3A_1526 = arith.constant 928 : index
    %swap3A_1527 = tpu.vector_load %arg9[%swap3A_1526] {strides = array<i32>} : memref<2560xi32, #tpu.memory_space<vmem>>, vector<16xi32>,
    %swap3A_1528 = vector.shape_cast %swap3A_1527 : vector<16xi32> to vector<16xi32>
    %swap3A_1529 = vector.shape_cast %add3A_1525 : vector<16xi32> to vector<16xi32>
    tpu.vector_store %arg9[%swap3A_1526], %swap3A_1529 {strides = array<i32>} : memref<2560xi32, #tpu.memory_space<vmem>>, vector<16xi32>,
    %mul3A_1530 = arith.constant 10 : i32
    %mul3A_1531 = arith.muli %select_n3A, %mul3A_1530 : i32
    %add3A_1532 = arith.constant 4 : i32
    %add3A_1533 = arith.addi %mul3A_1531, %add3A_1532 : i32
    %mul3A_1534 = arith.constant 16384 : i32
    %mul3A_1535 = arith.muli %add3A_1533, %mul3A_1534 : i32
    %add3A_1536 = vector.broadcast %mul3A_1535 : i32 to vector<16xi32>
    %add3A_1537 = arith.addi %and3A_1481, %add3A_1536 : vector<16xi32>
    %swap3A_1538 = arith.constant 1184 : index
    %swap3A_1539 = tpu.vector_load %arg9[%swap3A_1538] {strides = array<i32>} : memref<2560xi32, #tpu.memory_space<vmem>>, vector<16xi32>,
    %swap3A_1540 = vector.shape_cast %swap3A_1539 : vector<16xi32> to vector<16xi32>
    %swap3A_1541 = vector.shape_cast %add3A_1537 : vector<16xi32> to vector<16xi32>
    tpu.vector_store %arg9[%swap3A_1538], %swap3A_1541 {strides = array<i32>} : memref<2560xi32, #tpu.memory_space<vmem>>, vector<16xi32>,
    %mul3A_1542 = arith.constant 10 : i32
    %mul3A_1543 = arith.muli %select_n3A, %mul3A_1542 : i32
    %add3A_1544 = arith.constant 5 : i32
    %add3A_1545 = arith.addi %mul3A_1543, %add3A_1544 : i32
    %mul3A_1546 = arith.constant 16384 : i32
    %mul3A_1547 = arith.muli %add3A_1545, %mul3A_1546 : i32
    %add3A_1548 = vector.broadcast %mul3A_1547 : i32 to vector<16xi32>
    %add3A_1549 = arith.addi %and3A_1481, %add3A_1548 : vector<16xi32>
    %swap3A_1550 = arith.constant 1440 : index
    %swap3A_1551 = tpu.vector_load %arg9[%swap3A_1550] {strides = array<i32>} : memref<2560xi32, #tpu.memory_space<vmem>>, vector<16xi32>,
    %swap3A_1552 = vector.shape_cast %swap3A_1551 : vector<16xi32> to vector<16xi32>
    %swap3A_1553 = vector.shape_cast %add3A_1549 : vector<16xi32> to vector<16xi32>
    tpu.vector_store %arg9[%swap3A_1550], %swap3A_1553 {strides = array<i32>} : memref<2560xi32, #tpu.memory_space<vmem>>, vector<16xi32>,
    %mul3A_1554 = arith.constant 10 : i32
    %mul3A_1555 = arith.muli %select_n3A, %mul3A_1554 : i32
    %add3A_1556 = arith.constant 6 : i32
    %add3A_1557 = arith.addi %mul3A_1555, %add3A_1556 : i32
    %mul3A_1558 = arith.constant 16384 : i32
    %mul3A_1559 = arith.muli %add3A_1557, %mul3A_1558 : i32
    %add3A_1560 = vector.broadcast %mul3A_1559 : i32 to vector<16xi32>
    %add3A_1561 = arith.addi %and3A_1481, %add3A_1560 : vector<16xi32>
    %swap3A_1562 = arith.constant 1696 : index
    %swap3A_1563 = tpu.vector_load %arg9[%swap3A_1562] {strides = array<i32>} : memref<2560xi32, #tpu.memory_space<vmem>>, vector<16xi32>,
    %swap3A_1564 = vector.shape_cast %swap3A_1563 : vector<16xi32> to vector<16xi32>
    %swap3A_1565 = vector.shape_cast %add3A_1561 : vector<16xi32> to vector<16xi32>
    tpu.vector_store %arg9[%swap3A_1562], %swap3A_1565 {strides = array<i32>} : memref<2560xi32, #tpu.memory_space<vmem>>, vector<16xi32>,
    %mul3A_1566 = arith.constant 10 : i32
    %mul3A_1567 = arith.muli %select_n3A, %mul3A_1566 : i32
    %add3A_1568 = arith.constant 7 : i32
    %add3A_1569 = arith.addi %mul3A_1567, %add3A_1568 : i32
    %mul3A_1570 = arith.constant 16384 : i32
    %mul3A_1571 = arith.muli %add3A_1569, %mul3A_1570 : i32
    %add3A_1572 = vector.broadcast %mul3A_1571 : i32 to vector<16xi32>
    %add3A_1573 = arith.addi %and3A_1481, %add3A_1572 : vector<16xi32>
    %swap3A_1574 = arith.constant 1952 : index
    %swap3A_1575 = tpu.vector_load %arg9[%swap3A_1574] {strides = array<i32>} : memref<2560xi32, #tpu.memory_space<vmem>>, vector<16xi32>,
    %swap3A_1576 = vector.shape_cast %swap3A_1575 : vector<16xi32> to vector<16xi32>
    %swap3A_1577 = vector.shape_cast %add3A_1573 : vector<16xi32> to vector<16xi32>
    tpu.vector_store %arg9[%swap3A_1574], %swap3A_1577 {strides = array<i32>} : memref<2560xi32, #tpu.memory_space<vmem>>, vector<16xi32>,
    %mul3A_1578 = arith.constant 10 : i32
    %mul3A_1579 = arith.muli %select_n3A, %mul3A_1578 : i32
    %add3A_1580 = arith.constant 8 : i32
    %add3A_1581 = arith.addi %mul3A_1579, %add3A_1580 : i32
    %mul3A_1582 = arith.constant 16384 : i32
    %mul3A_1583 = arith.muli %add3A_1581, %mul3A_1582 : i32
    %add3A_1584 = vector.broadcast %mul3A_1583 : i32 to vector<16xi32>
    %add3A_1585 = arith.addi %and3A_1481, %add3A_1584 : vector<16xi32>
    %swap3A_1586 = arith.constant 2208 : index
    %swap3A_1587 = tpu.vector_load %arg9[%swap3A_1586] {strides = array<i32>} : memref<2560xi32, #tpu.memory_space<vmem>>, vector<16xi32>,
    %swap3A_1588 = vector.shape_cast %swap3A_1587 : vector<16xi32> to vector<16xi32>
    %swap3A_1589 = vector.shape_cast %add3A_1585 : vector<16xi32> to vector<16xi32>
    tpu.vector_store %arg9[%swap3A_1586], %swap3A_1589 {strides = array<i32>} : memref<2560xi32, #tpu.memory_space<vmem>>, vector<16xi32>,
    %mul3A_1590 = arith.constant 10 : i32
    %mul3A_1591 = arith.muli %select_n3A, %mul3A_1590 : i32
    %add3A_1592 = arith.constant 9 : i32
    %add3A_1593 = arith.addi %mul3A_1591, %add3A_1592 : i32
    %mul3A_1594 = arith.constant 16384 : i32
    %mul3A_1595 = arith.muli %add3A_1593, %mul3A_1594 : i32
    %add3A_1596 = vector.broadcast %mul3A_1595 : i32 to vector<16xi32>
    %add3A_1597 = arith.addi %and3A_1481, %add3A_1596 : vector<16xi32>
    %swap3A_1598 = arith.constant 2464 : index
    %swap3A_1599 = tpu.vector_load %arg9[%swap3A_1598] {strides = array<i32>} : memref<2560xi32, #tpu.memory_space<vmem>>, vector<16xi32>,
    %swap3A_1600 = vector.shape_cast %swap3A_1599 : vector<16xi32> to vector<16xi32>
    %swap3A_1601 = vector.shape_cast %add3A_1597 : vector<16xi32> to vector<16xi32>
    tpu.vector_store %arg9[%swap3A_1598], %swap3A_1601 {strides = array<i32>} : memref<2560xi32, #tpu.memory_space<vmem>>, vector<16xi32>,
    %shift_right_logical3A_1602 = arith.constant 14 : i32
    %shift_right_logical3A_1603 = vector.broadcast %shift_right_logical3A_1602 : i32 to vector<16xi32>
    %shift_right_logical3A_1604 = arith.shrui %convert_element_type3A_1478, %shift_right_logical3A_1603 : vector<16xi32>
    %convert_element_type3A_1605 = arith.sitofp %shift_right_logical3A_1604 : vector<16xi32> to vector<16xf32>
    %add3A_1606 = arith.addf %add3A_1468, %convert_element_type3A_1605 : vector<16xf32>
    %swap3A_1607 = arith.constant 10 : i32
    %swap3A_1608 = arith.index_cast %swap3A_1607 : i32 to index
    %swap3A_1609 = arith.constant 0 : index
    %swap3A_1610 = tpu.vector_load %arg8[%swap3A_1608, %swap3A_1609] {strides = array<i32>} : memref<16x16xf32, #tpu.memory_space<vmem>>, vector<1x16xf32>,
    %swap3A_1611 = vector.shape_cast %swap3A_1610 : vector<1x16xf32> to vector<16xf32>
    %swap3A_1612 = vector.shape_cast %convert_element_type3A_1605 : vector<16xf32> to vector<1x16xf32>
    tpu.vector_store %arg8[%swap3A_1608, %swap3A_1609], %swap3A_1612 {strides = array<i32>} : memref<16x16xf32, #tpu.memory_space<vmem>>, vector<1x16xf32>,
    %get3A_1613 = arith.constant 176 : index
    %get3A_1614 = tpu.vector_load %arg6[%get3A_1613] {strides = array<i32>} : memref<256xf32, #tpu.memory_space<vmem>>, vector<16xf32>,
    %get3A_1615 = vector.shape_cast %get3A_1614 : vector<16xf32> to vector<16xf32>
    %convert_element_type3A_1616 = arith.fptosi %get3A_1615 : vector<16xf32> to vector<16xi32>
    %and3A_1617 = arith.constant 16383 : i32
    %and3A_1618 = vector.broadcast %and3A_1617 : i32 to vector<16xi32>
    %and3A_1619 = arith.andi %convert_element_type3A_1616, %and3A_1618 : vector<16xi32>
    %mul3A_1620 = arith.constant 10 : i32
    %mul3A_1621 = arith.muli %select_n3A, %mul3A_1620 : i32
    %add3A_1622 = arith.constant 0 : i32
    %add3A_1623 = arith.addi %mul3A_1621, %add3A_1622 : i32
    %mul3A_1624 = arith.constant 16384 : i32
    %mul3A_1625 = arith.muli %add3A_1623, %mul3A_1624 : i32
    %add3A_1626 = vector.broadcast %mul3A_1625 : i32 to vector<16xi32>
    %add3A_1627 = arith.addi %and3A_1619, %add3A_1626 : vector<16xi32>
    %swap3A_1628 = arith.constant 176 : index
    %swap3A_1629 = tpu.vector_load %arg9[%swap3A_1628] {strides = array<i32>} : memref<2560xi32, #tpu.memory_space<vmem>>, vector<16xi32>,
    %swap3A_1630 = vector.shape_cast %swap3A_1629 : vector<16xi32> to vector<16xi32>
    %swap3A_1631 = vector.shape_cast %add3A_1627 : vector<16xi32> to vector<16xi32>
    tpu.vector_store %arg9[%swap3A_1628], %swap3A_1631 {strides = array<i32>} : memref<2560xi32, #tpu.memory_space<vmem>>, vector<16xi32>,
    %mul3A_1632 = arith.constant 10 : i32
    %mul3A_1633 = arith.muli %select_n3A, %mul3A_1632 : i32
    %add3A_1634 = arith.constant 1 : i32
    %add3A_1635 = arith.addi %mul3A_1633, %add3A_1634 : i32
    %mul3A_1636 = arith.constant 16384 : i32
    %mul3A_1637 = arith.muli %add3A_1635, %mul3A_1636 : i32
    %add3A_1638 = vector.broadcast %mul3A_1637 : i32 to vector<16xi32>
    %add3A_1639 = arith.addi %and3A_1619, %add3A_1638 : vector<16xi32>
    %swap3A_1640 = arith.constant 432 : index
    %swap3A_1641 = tpu.vector_load %arg9[%swap3A_1640] {strides = array<i32>} : memref<2560xi32, #tpu.memory_space<vmem>>, vector<16xi32>,
    %swap3A_1642 = vector.shape_cast %swap3A_1641 : vector<16xi32> to vector<16xi32>
    %swap3A_1643 = vector.shape_cast %add3A_1639 : vector<16xi32> to vector<16xi32>
    tpu.vector_store %arg9[%swap3A_1640], %swap3A_1643 {strides = array<i32>} : memref<2560xi32, #tpu.memory_space<vmem>>, vector<16xi32>,
    %mul3A_1644 = arith.constant 10 : i32
    %mul3A_1645 = arith.muli %select_n3A, %mul3A_1644 : i32
    %add3A_1646 = arith.constant 2 : i32
    %add3A_1647 = arith.addi %mul3A_1645, %add3A_1646 : i32
    %mul3A_1648 = arith.constant 16384 : i32
    %mul3A_1649 = arith.muli %add3A_1647, %mul3A_1648 : i32
    %add3A_1650 = vector.broadcast %mul3A_1649 : i32 to vector<16xi32>
    %add3A_1651 = arith.addi %and3A_1619, %add3A_1650 : vector<16xi32>
    %swap3A_1652 = arith.constant 688 : index
    %swap3A_1653 = tpu.vector_load %arg9[%swap3A_1652] {strides = array<i32>} : memref<2560xi32, #tpu.memory_space<vmem>>, vector<16xi32>,
    %swap3A_1654 = vector.shape_cast %swap3A_1653 : vector<16xi32> to vector<16xi32>
    %swap3A_1655 = vector.shape_cast %add3A_1651 : vector<16xi32> to vector<16xi32>
    tpu.vector_store %arg9[%swap3A_1652], %swap3A_1655 {strides = array<i32>} : memref<2560xi32, #tpu.memory_space<vmem>>, vector<16xi32>,
    %mul3A_1656 = arith.constant 10 : i32
    %mul3A_1657 = arith.muli %select_n3A, %mul3A_1656 : i32
    %add3A_1658 = arith.constant 3 : i32
    %add3A_1659 = arith.addi %mul3A_1657, %add3A_1658 : i32
    %mul3A_1660 = arith.constant 16384 : i32
    %mul3A_1661 = arith.muli %add3A_1659, %mul3A_1660 : i32
    %add3A_1662 = vector.broadcast %mul3A_1661 : i32 to vector<16xi32>
    %add3A_1663 = arith.addi %and3A_1619, %add3A_1662 : vector<16xi32>
    %swap3A_1664 = arith.constant 944 : index
    %swap3A_1665 = tpu.vector_load %arg9[%swap3A_1664] {strides = array<i32>} : memref<2560xi32, #tpu.memory_space<vmem>>, vector<16xi32>,
    %swap3A_1666 = vector.shape_cast %swap3A_1665 : vector<16xi32> to vector<16xi32>
    %swap3A_1667 = vector.shape_cast %add3A_1663 : vector<16xi32> to vector<16xi32>
    tpu.vector_store %arg9[%swap3A_1664], %swap3A_1667 {strides = array<i32>} : memref<2560xi32, #tpu.memory_space<vmem>>, vector<16xi32>,
    %mul3A_1668 = arith.constant 10 : i32
    %mul3A_1669 = arith.muli %select_n3A, %mul3A_1668 : i32
    %add3A_1670 = arith.constant 4 : i32
    %add3A_1671 = arith.addi %mul3A_1669, %add3A_1670 : i32
    %mul3A_1672 = arith.constant 16384 : i32
    %mul3A_1673 = arith.muli %add3A_1671, %mul3A_1672 : i32
    %add3A_1674 = vector.broadcast %mul3A_1673 : i32 to vector<16xi32>
    %add3A_1675 = arith.addi %and3A_1619, %add3A_1674 : vector<16xi32>
    %swap3A_1676 = arith.constant 1200 : index
    %swap3A_1677 = tpu.vector_load %arg9[%swap3A_1676] {strides = array<i32>} : memref<2560xi32, #tpu.memory_space<vmem>>, vector<16xi32>,
    %swap3A_1678 = vector.shape_cast %swap3A_1677 : vector<16xi32> to vector<16xi32>
    %swap3A_1679 = vector.shape_cast %add3A_1675 : vector<16xi32> to vector<16xi32>
    tpu.vector_store %arg9[%swap3A_1676], %swap3A_1679 {strides = array<i32>} : memref<2560xi32, #tpu.memory_space<vmem>>, vector<16xi32>,
    %mul3A_1680 = arith.constant 10 : i32
    %mul3A_1681 = arith.muli %select_n3A, %mul3A_1680 : i32
    %add3A_1682 = arith.constant 5 : i32
    %add3A_1683 = arith.addi %mul3A_1681, %add3A_1682 : i32
    %mul3A_1684 = arith.constant 16384 : i32
    %mul3A_1685 = arith.muli %add3A_1683, %mul3A_1684 : i32
    %add3A_1686 = vector.broadcast %mul3A_1685 : i32 to vector<16xi32>
    %add3A_1687 = arith.addi %and3A_1619, %add3A_1686 : vector<16xi32>
    %swap3A_1688 = arith.constant 1456 : index
    %swap3A_1689 = tpu.vector_load %arg9[%swap3A_1688] {strides = array<i32>} : memref<2560xi32, #tpu.memory_space<vmem>>, vector<16xi32>,
    %swap3A_1690 = vector.shape_cast %swap3A_1689 : vector<16xi32> to vector<16xi32>
    %swap3A_1691 = vector.shape_cast %add3A_1687 : vector<16xi32> to vector<16xi32>
    tpu.vector_store %arg9[%swap3A_1688], %swap3A_1691 {strides = array<i32>} : memref<2560xi32, #tpu.memory_space<vmem>>, vector<16xi32>,
    %mul3A_1692 = arith.constant 10 : i32
    %mul3A_1693 = arith.muli %select_n3A, %mul3A_1692 : i32
    %add3A_1694 = arith.constant 6 : i32
    %add3A_1695 = arith.addi %mul3A_1693, %add3A_1694 : i32
    %mul3A_1696 = arith.constant 16384 : i32
    %mul3A_1697 = arith.muli %add3A_1695, %mul3A_1696 : i32
    %add3A_1698 = vector.broadcast %mul3A_1697 : i32 to vector<16xi32>
    %add3A_1699 = arith.addi %and3A_1619, %add3A_1698 : vector<16xi32>
    %swap3A_1700 = arith.constant 1712 : index
    %swap3A_1701 = tpu.vector_load %arg9[%swap3A_1700] {strides = array<i32>} : memref<2560xi32, #tpu.memory_space<vmem>>, vector<16xi32>,
    %swap3A_1702 = vector.shape_cast %swap3A_1701 : vector<16xi32> to vector<16xi32>
    %swap3A_1703 = vector.shape_cast %add3A_1699 : vector<16xi32> to vector<16xi32>
    tpu.vector_store %arg9[%swap3A_1700], %swap3A_1703 {strides = array<i32>} : memref<2560xi32, #tpu.memory_space<vmem>>, vector<16xi32>,
    %mul3A_1704 = arith.constant 10 : i32
    %mul3A_1705 = arith.muli %select_n3A, %mul3A_1704 : i32
    %add3A_1706 = arith.constant 7 : i32
    %add3A_1707 = arith.addi %mul3A_1705, %add3A_1706 : i32
    %mul3A_1708 = arith.constant 16384 : i32
    %mul3A_1709 = arith.muli %add3A_1707, %mul3A_1708 : i32
    %add3A_1710 = vector.broadcast %mul3A_1709 : i32 to vector<16xi32>
    %add3A_1711 = arith.addi %and3A_1619, %add3A_1710 : vector<16xi32>
    %swap3A_1712 = arith.constant 1968 : index
    %swap3A_1713 = tpu.vector_load %arg9[%swap3A_1712] {strides = array<i32>} : memref<2560xi32, #tpu.memory_space<vmem>>, vector<16xi32>,
    %swap3A_1714 = vector.shape_cast %swap3A_1713 : vector<16xi32> to vector<16xi32>
    %swap3A_1715 = vector.shape_cast %add3A_1711 : vector<16xi32> to vector<16xi32>
    tpu.vector_store %arg9[%swap3A_1712], %swap3A_1715 {strides = array<i32>} : memref<2560xi32, #tpu.memory_space<vmem>>, vector<16xi32>,
    %mul3A_1716 = arith.constant 10 : i32
    %mul3A_1717 = arith.muli %select_n3A, %mul3A_1716 : i32
    %add3A_1718 = arith.constant 8 : i32
    %add3A_1719 = arith.addi %mul3A_1717, %add3A_1718 : i32
    %mul3A_1720 = arith.constant 16384 : i32
    %mul3A_1721 = arith.muli %add3A_1719, %mul3A_1720 : i32
    %add3A_1722 = vector.broadcast %mul3A_1721 : i32 to vector<16xi32>
    %add3A_1723 = arith.addi %and3A_1619, %add3A_1722 : vector<16xi32>
    %swap3A_1724 = arith.constant 2224 : index
    %swap3A_1725 = tpu.vector_load %arg9[%swap3A_1724] {strides = array<i32>} : memref<2560xi32, #tpu.memory_space<vmem>>, vector<16xi32>,
    %swap3A_1726 = vector.shape_cast %swap3A_1725 : vector<16xi32> to vector<16xi32>
    %swap3A_1727 = vector.shape_cast %add3A_1723 : vector<16xi32> to vector<16xi32>
    tpu.vector_store %arg9[%swap3A_1724], %swap3A_1727 {strides = array<i32>} : memref<2560xi32, #tpu.memory_space<vmem>>, vector<16xi32>,
    %mul3A_1728 = arith.constant 10 : i32
    %mul3A_1729 = arith.muli %select_n3A, %mul3A_1728 : i32
    %add3A_1730 = arith.constant 9 : i32
    %add3A_1731 = arith.addi %mul3A_1729, %add3A_1730 : i32
    %mul3A_1732 = arith.constant 16384 : i32
    %mul3A_1733 = arith.muli %add3A_1731, %mul3A_1732 : i32
    %add3A_1734 = vector.broadcast %mul3A_1733 : i32 to vector<16xi32>
    %add3A_1735 = arith.addi %and3A_1619, %add3A_1734 : vector<16xi32>
    %swap3A_1736 = arith.constant 2480 : index
    %swap3A_1737 = tpu.vector_load %arg9[%swap3A_1736] {strides = array<i32>} : memref<2560xi32, #tpu.memory_space<vmem>>, vector<16xi32>,
    %swap3A_1738 = vector.shape_cast %swap3A_1737 : vector<16xi32> to vector<16xi32>
    %swap3A_1739 = vector.shape_cast %add3A_1735 : vector<16xi32> to vector<16xi32>
    tpu.vector_store %arg9[%swap3A_1736], %swap3A_1739 {strides = array<i32>} : memref<2560xi32, #tpu.memory_space<vmem>>, vector<16xi32>,
    %shift_right_logical3A_1740 = arith.constant 14 : i32
    %shift_right_logical3A_1741 = vector.broadcast %shift_right_logical3A_1740 : i32 to vector<16xi32>
    %shift_right_logical3A_1742 = arith.shrui %convert_element_type3A_1616, %shift_right_logical3A_1741 : vector<16xi32>
    %convert_element_type3A_1743 = arith.sitofp %shift_right_logical3A_1742 : vector<16xi32> to vector<16xf32>
    %add3A_1744 = arith.addf %add3A_1606, %convert_element_type3A_1743 : vector<16xf32>
    %swap3A_1745 = arith.constant 11 : i32
    %swap3A_1746 = arith.index_cast %swap3A_1745 : i32 to index
    %swap3A_1747 = arith.constant 0 : index
    %swap3A_1748 = tpu.vector_load %arg8[%swap3A_1746, %swap3A_1747] {strides = array<i32>} : memref<16x16xf32, #tpu.memory_space<vmem>>, vector<1x16xf32>,
    %swap3A_1749 = vector.shape_cast %swap3A_1748 : vector<1x16xf32> to vector<16xf32>
    %swap3A_1750 = vector.shape_cast %convert_element_type3A_1743 : vector<16xf32> to vector<1x16xf32>
    tpu.vector_store %arg8[%swap3A_1746, %swap3A_1747], %swap3A_1750 {strides = array<i32>} : memref<16x16xf32, #tpu.memory_space<vmem>>, vector<1x16xf32>,
    %get3A_1751 = arith.constant 192 : index
    %get3A_1752 = tpu.vector_load %arg6[%get3A_1751] {strides = array<i32>} : memref<256xf32, #tpu.memory_space<vmem>>, vector<16xf32>,
    %get3A_1753 = vector.shape_cast %get3A_1752 : vector<16xf32> to vector<16xf32>
    %convert_element_type3A_1754 = arith.fptosi %get3A_1753 : vector<16xf32> to vector<16xi32>
    %and3A_1755 = arith.constant 16383 : i32
    %and3A_1756 = vector.broadcast %and3A_1755 : i32 to vector<16xi32>
    %and3A_1757 = arith.andi %convert_element_type3A_1754, %and3A_1756 : vector<16xi32>
    %mul3A_1758 = arith.constant 10 : i32
    %mul3A_1759 = arith.muli %select_n3A, %mul3A_1758 : i32
    %add3A_1760 = arith.constant 0 : i32
    %add3A_1761 = arith.addi %mul3A_1759, %add3A_1760 : i32
    %mul3A_1762 = arith.constant 16384 : i32
    %mul3A_1763 = arith.muli %add3A_1761, %mul3A_1762 : i32
    %add3A_1764 = vector.broadcast %mul3A_1763 : i32 to vector<16xi32>
    %add3A_1765 = arith.addi %and3A_1757, %add3A_1764 : vector<16xi32>
    %swap3A_1766 = arith.constant 192 : index
    %swap3A_1767 = tpu.vector_load %arg9[%swap3A_1766] {strides = array<i32>} : memref<2560xi32, #tpu.memory_space<vmem>>, vector<16xi32>,
    %swap3A_1768 = vector.shape_cast %swap3A_1767 : vector<16xi32> to vector<16xi32>
    %swap3A_1769 = vector.shape_cast %add3A_1765 : vector<16xi32> to vector<16xi32>
    tpu.vector_store %arg9[%swap3A_1766], %swap3A_1769 {strides = array<i32>} : memref<2560xi32, #tpu.memory_space<vmem>>, vector<16xi32>,
    %mul3A_1770 = arith.constant 10 : i32
    %mul3A_1771 = arith.muli %select_n3A, %mul3A_1770 : i32
    %add3A_1772 = arith.constant 1 : i32
    %add3A_1773 = arith.addi %mul3A_1771, %add3A_1772 : i32
    %mul3A_1774 = arith.constant 16384 : i32
    %mul3A_1775 = arith.muli %add3A_1773, %mul3A_1774 : i32
    %add3A_1776 = vector.broadcast %mul3A_1775 : i32 to vector<16xi32>
    %add3A_1777 = arith.addi %and3A_1757, %add3A_1776 : vector<16xi32>
    %swap3A_1778 = arith.constant 448 : index
    %swap3A_1779 = tpu.vector_load %arg9[%swap3A_1778] {strides = array<i32>} : memref<2560xi32, #tpu.memory_space<vmem>>, vector<16xi32>,
    %swap3A_1780 = vector.shape_cast %swap3A_1779 : vector<16xi32> to vector<16xi32>
    %swap3A_1781 = vector.shape_cast %add3A_1777 : vector<16xi32> to vector<16xi32>
    tpu.vector_store %arg9[%swap3A_1778], %swap3A_1781 {strides = array<i32>} : memref<2560xi32, #tpu.memory_space<vmem>>, vector<16xi32>,
    %mul3A_1782 = arith.constant 10 : i32
    %mul3A_1783 = arith.muli %select_n3A, %mul3A_1782 : i32
    %add3A_1784 = arith.constant 2 : i32
    %add3A_1785 = arith.addi %mul3A_1783, %add3A_1784 : i32
    %mul3A_1786 = arith.constant 16384 : i32
    %mul3A_1787 = arith.muli %add3A_1785, %mul3A_1786 : i32
    %add3A_1788 = vector.broadcast %mul3A_1787 : i32 to vector<16xi32>
    %add3A_1789 = arith.addi %and3A_1757, %add3A_1788 : vector<16xi32>
    %swap3A_1790 = arith.constant 704 : index
    %swap3A_1791 = tpu.vector_load %arg9[%swap3A_1790] {strides = array<i32>} : memref<2560xi32, #tpu.memory_space<vmem>>, vector<16xi32>,
    %swap3A_1792 = vector.shape_cast %swap3A_1791 : vector<16xi32> to vector<16xi32>
    %swap3A_1793 = vector.shape_cast %add3A_1789 : vector<16xi32> to vector<16xi32>
    tpu.vector_store %arg9[%swap3A_1790], %swap3A_1793 {strides = array<i32>} : memref<2560xi32, #tpu.memory_space<vmem>>, vector<16xi32>,
    %mul3A_1794 = arith.constant 10 : i32
    %mul3A_1795 = arith.muli %select_n3A, %mul3A_1794 : i32
    %add3A_1796 = arith.constant 3 : i32
    %add3A_1797 = arith.addi %mul3A_1795, %add3A_1796 : i32
    %mul3A_1798 = arith.constant 16384 : i32
    %mul3A_1799 = arith.muli %add3A_1797, %mul3A_1798 : i32
    %add3A_1800 = vector.broadcast %mul3A_1799 : i32 to vector<16xi32>
    %add3A_1801 = arith.addi %and3A_1757, %add3A_1800 : vector<16xi32>
    %swap3A_1802 = arith.constant 960 : index
    %swap3A_1803 = tpu.vector_load %arg9[%swap3A_1802] {strides = array<i32>} : memref<2560xi32, #tpu.memory_space<vmem>>, vector<16xi32>,
    %swap3A_1804 = vector.shape_cast %swap3A_1803 : vector<16xi32> to vector<16xi32>
    %swap3A_1805 = vector.shape_cast %add3A_1801 : vector<16xi32> to vector<16xi32>
    tpu.vector_store %arg9[%swap3A_1802], %swap3A_1805 {strides = array<i32>} : memref<2560xi32, #tpu.memory_space<vmem>>, vector<16xi32>,
    %mul3A_1806 = arith.constant 10 : i32
    %mul3A_1807 = arith.muli %select_n3A, %mul3A_1806 : i32
    %add3A_1808 = arith.constant 4 : i32
    %add3A_1809 = arith.addi %mul3A_1807, %add3A_1808 : i32
    %mul3A_1810 = arith.constant 16384 : i32
    %mul3A_1811 = arith.muli %add3A_1809, %mul3A_1810 : i32
    %add3A_1812 = vector.broadcast %mul3A_1811 : i32 to vector<16xi32>
    %add3A_1813 = arith.addi %and3A_1757, %add3A_1812 : vector<16xi32>
    %swap3A_1814 = arith.constant 1216 : index
    %swap3A_1815 = tpu.vector_load %arg9[%swap3A_1814] {strides = array<i32>} : memref<2560xi32, #tpu.memory_space<vmem>>, vector<16xi32>,
    %swap3A_1816 = vector.shape_cast %swap3A_1815 : vector<16xi32> to vector<16xi32>
    %swap3A_1817 = vector.shape_cast %add3A_1813 : vector<16xi32> to vector<16xi32>
    tpu.vector_store %arg9[%swap3A_1814], %swap3A_1817 {strides = array<i32>} : memref<2560xi32, #tpu.memory_space<vmem>>, vector<16xi32>,
    %mul3A_1818 = arith.constant 10 : i32
    %mul3A_1819 = arith.muli %select_n3A, %mul3A_1818 : i32
    %add3A_1820 = arith.constant 5 : i32
    %add3A_1821 = arith.addi %mul3A_1819, %add3A_1820 : i32
    %mul3A_1822 = arith.constant 16384 : i32
    %mul3A_1823 = arith.muli %add3A_1821, %mul3A_1822 : i32
    %add3A_1824 = vector.broadcast %mul3A_1823 : i32 to vector<16xi32>
    %add3A_1825 = arith.addi %and3A_1757, %add3A_1824 : vector<16xi32>
    %swap3A_1826 = arith.constant 1472 : index
    %swap3A_1827 = tpu.vector_load %arg9[%swap3A_1826] {strides = array<i32>} : memref<2560xi32, #tpu.memory_space<vmem>>, vector<16xi32>,
    %swap3A_1828 = vector.shape_cast %swap3A_1827 : vector<16xi32> to vector<16xi32>
    %swap3A_1829 = vector.shape_cast %add3A_1825 : vector<16xi32> to vector<16xi32>
    tpu.vector_store %arg9[%swap3A_1826], %swap3A_1829 {strides = array<i32>} : memref<2560xi32, #tpu.memory_space<vmem>>, vector<16xi32>,
    %mul3A_1830 = arith.constant 10 : i32
    %mul3A_1831 = arith.muli %select_n3A, %mul3A_1830 : i32
    %add3A_1832 = arith.constant 6 : i32
    %add3A_1833 = arith.addi %mul3A_1831, %add3A_1832 : i32
    %mul3A_1834 = arith.constant 16384 : i32
    %mul3A_1835 = arith.muli %add3A_1833, %mul3A_1834 : i32
    %add3A_1836 = vector.broadcast %mul3A_1835 : i32 to vector<16xi32>
    %add3A_1837 = arith.addi %and3A_1757, %add3A_1836 : vector<16xi32>
    %swap3A_1838 = arith.constant 1728 : index
    %swap3A_1839 = tpu.vector_load %arg9[%swap3A_1838] {strides = array<i32>} : memref<2560xi32, #tpu.memory_space<vmem>>, vector<16xi32>,
    %swap3A_1840 = vector.shape_cast %swap3A_1839 : vector<16xi32> to vector<16xi32>
    %swap3A_1841 = vector.shape_cast %add3A_1837 : vector<16xi32> to vector<16xi32>
    tpu.vector_store %arg9[%swap3A_1838], %swap3A_1841 {strides = array<i32>} : memref<2560xi32, #tpu.memory_space<vmem>>, vector<16xi32>,
    %mul3A_1842 = arith.constant 10 : i32
    %mul3A_1843 = arith.muli %select_n3A, %mul3A_1842 : i32
    %add3A_1844 = arith.constant 7 : i32
    %add3A_1845 = arith.addi %mul3A_1843, %add3A_1844 : i32
    %mul3A_1846 = arith.constant 16384 : i32
    %mul3A_1847 = arith.muli %add3A_1845, %mul3A_1846 : i32
    %add3A_1848 = vector.broadcast %mul3A_1847 : i32 to vector<16xi32>
    %add3A_1849 = arith.addi %and3A_1757, %add3A_1848 : vector<16xi32>
    %swap3A_1850 = arith.constant 1984 : index
    %swap3A_1851 = tpu.vector_load %arg9[%swap3A_1850] {strides = array<i32>} : memref<2560xi32, #tpu.memory_space<vmem>>, vector<16xi32>,
    %swap3A_1852 = vector.shape_cast %swap3A_1851 : vector<16xi32> to vector<16xi32>
    %swap3A_1853 = vector.shape_cast %add3A_1849 : vector<16xi32> to vector<16xi32>
    tpu.vector_store %arg9[%swap3A_1850], %swap3A_1853 {strides = array<i32>} : memref<2560xi32, #tpu.memory_space<vmem>>, vector<16xi32>,
    %mul3A_1854 = arith.constant 10 : i32
    %mul3A_1855 = arith.muli %select_n3A, %mul3A_1854 : i32
    %add3A_1856 = arith.constant 8 : i32
    %add3A_1857 = arith.addi %mul3A_1855, %add3A_1856 : i32
    %mul3A_1858 = arith.constant 16384 : i32
    %mul3A_1859 = arith.muli %add3A_1857, %mul3A_1858 : i32
    %add3A_1860 = vector.broadcast %mul3A_1859 : i32 to vector<16xi32>
    %add3A_1861 = arith.addi %and3A_1757, %add3A_1860 : vector<16xi32>
    %swap3A_1862 = arith.constant 2240 : index
    %swap3A_1863 = tpu.vector_load %arg9[%swap3A_1862] {strides = array<i32>} : memref<2560xi32, #tpu.memory_space<vmem>>, vector<16xi32>,
    %swap3A_1864 = vector.shape_cast %swap3A_1863 : vector<16xi32> to vector<16xi32>
    %swap3A_1865 = vector.shape_cast %add3A_1861 : vector<16xi32> to vector<16xi32>
    tpu.vector_store %arg9[%swap3A_1862], %swap3A_1865 {strides = array<i32>} : memref<2560xi32, #tpu.memory_space<vmem>>, vector<16xi32>,
    %mul3A_1866 = arith.constant 10 : i32
    %mul3A_1867 = arith.muli %select_n3A, %mul3A_1866 : i32
    %add3A_1868 = arith.constant 9 : i32
    %add3A_1869 = arith.addi %mul3A_1867, %add3A_1868 : i32
    %mul3A_1870 = arith.constant 16384 : i32
    %mul3A_1871 = arith.muli %add3A_1869, %mul3A_1870 : i32
    %add3A_1872 = vector.broadcast %mul3A_1871 : i32 to vector<16xi32>
    %add3A_1873 = arith.addi %and3A_1757, %add3A_1872 : vector<16xi32>
    %swap3A_1874 = arith.constant 2496 : index
    %swap3A_1875 = tpu.vector_load %arg9[%swap3A_1874] {strides = array<i32>} : memref<2560xi32, #tpu.memory_space<vmem>>, vector<16xi32>,
    %swap3A_1876 = vector.shape_cast %swap3A_1875 : vector<16xi32> to vector<16xi32>
    %swap3A_1877 = vector.shape_cast %add3A_1873 : vector<16xi32> to vector<16xi32>
    tpu.vector_store %arg9[%swap3A_1874], %swap3A_1877 {strides = array<i32>} : memref<2560xi32, #tpu.memory_space<vmem>>, vector<16xi32>,
    %shift_right_logical3A_1878 = arith.constant 14 : i32
    %shift_right_logical3A_1879 = vector.broadcast %shift_right_logical3A_1878 : i32 to vector<16xi32>
    %shift_right_logical3A_1880 = arith.shrui %convert_element_type3A_1754, %shift_right_logical3A_1879 : vector<16xi32>
    %convert_element_type3A_1881 = arith.sitofp %shift_right_logical3A_1880 : vector<16xi32> to vector<16xf32>
    %add3A_1882 = arith.addf %add3A_1744, %convert_element_type3A_1881 : vector<16xf32>
    %swap3A_1883 = arith.constant 12 : i32
    %swap3A_1884 = arith.index_cast %swap3A_1883 : i32 to index
    %swap3A_1885 = arith.constant 0 : index
    %swap3A_1886 = tpu.vector_load %arg8[%swap3A_1884, %swap3A_1885] {strides = array<i32>} : memref<16x16xf32, #tpu.memory_space<vmem>>, vector<1x16xf32>,
    %swap3A_1887 = vector.shape_cast %swap3A_1886 : vector<1x16xf32> to vector<16xf32>
    %swap3A_1888 = vector.shape_cast %convert_element_type3A_1881 : vector<16xf32> to vector<1x16xf32>
    tpu.vector_store %arg8[%swap3A_1884, %swap3A_1885], %swap3A_1888 {strides = array<i32>} : memref<16x16xf32, #tpu.memory_space<vmem>>, vector<1x16xf32>,
    %get3A_1889 = arith.constant 208 : index
    %get3A_1890 = tpu.vector_load %arg6[%get3A_1889] {strides = array<i32>} : memref<256xf32, #tpu.memory_space<vmem>>, vector<16xf32>,
    %get3A_1891 = vector.shape_cast %get3A_1890 : vector<16xf32> to vector<16xf32>
    %convert_element_type3A_1892 = arith.fptosi %get3A_1891 : vector<16xf32> to vector<16xi32>
    %and3A_1893 = arith.constant 16383 : i32
    %and3A_1894 = vector.broadcast %and3A_1893 : i32 to vector<16xi32>
    %and3A_1895 = arith.andi %convert_element_type3A_1892, %and3A_1894 : vector<16xi32>
    %mul3A_1896 = arith.constant 10 : i32
    %mul3A_1897 = arith.muli %select_n3A, %mul3A_1896 : i32
    %add3A_1898 = arith.constant 0 : i32
    %add3A_1899 = arith.addi %mul3A_1897, %add3A_1898 : i32
    %mul3A_1900 = arith.constant 16384 : i32
    %mul3A_1901 = arith.muli %add3A_1899, %mul3A_1900 : i32
    %add3A_1902 = vector.broadcast %mul3A_1901 : i32 to vector<16xi32>
    %add3A_1903 = arith.addi %and3A_1895, %add3A_1902 : vector<16xi32>
    %swap3A_1904 = arith.constant 208 : index
    %swap3A_1905 = tpu.vector_load %arg9[%swap3A_1904] {strides = array<i32>} : memref<2560xi32, #tpu.memory_space<vmem>>, vector<16xi32>,
    %swap3A_1906 = vector.shape_cast %swap3A_1905 : vector<16xi32> to vector<16xi32>
    %swap3A_1907 = vector.shape_cast %add3A_1903 : vector<16xi32> to vector<16xi32>
    tpu.vector_store %arg9[%swap3A_1904], %swap3A_1907 {strides = array<i32>} : memref<2560xi32, #tpu.memory_space<vmem>>, vector<16xi32>,
    %mul3A_1908 = arith.constant 10 : i32
    %mul3A_1909 = arith.muli %select_n3A, %mul3A_1908 : i32
    %add3A_1910 = arith.constant 1 : i32
    %add3A_1911 = arith.addi %mul3A_1909, %add3A_1910 : i32
    %mul3A_1912 = arith.constant 16384 : i32
    %mul3A_1913 = arith.muli %add3A_1911, %mul3A_1912 : i32
    %add3A_1914 = vector.broadcast %mul3A_1913 : i32 to vector<16xi32>
    %add3A_1915 = arith.addi %and3A_1895, %add3A_1914 : vector<16xi32>
    %swap3A_1916 = arith.constant 464 : index
    %swap3A_1917 = tpu.vector_load %arg9[%swap3A_1916] {strides = array<i32>} : memref<2560xi32, #tpu.memory_space<vmem>>, vector<16xi32>,
    %swap3A_1918 = vector.shape_cast %swap3A_1917 : vector<16xi32> to vector<16xi32>
    %swap3A_1919 = vector.shape_cast %add3A_1915 : vector<16xi32> to vector<16xi32>
    tpu.vector_store %arg9[%swap3A_1916], %swap3A_1919 {strides = array<i32>} : memref<2560xi32, #tpu.memory_space<vmem>>, vector<16xi32>,
    %mul3A_1920 = arith.constant 10 : i32
    %mul3A_1921 = arith.muli %select_n3A, %mul3A_1920 : i32
    %add3A_1922 = arith.constant 2 : i32
    %add3A_1923 = arith.addi %mul3A_1921, %add3A_1922 : i32
    %mul3A_1924 = arith.constant 16384 : i32
    %mul3A_1925 = arith.muli %add3A_1923, %mul3A_1924 : i32
    %add3A_1926 = vector.broadcast %mul3A_1925 : i32 to vector<16xi32>
    %add3A_1927 = arith.addi %and3A_1895, %add3A_1926 : vector<16xi32>
    %swap3A_1928 = arith.constant 720 : index
    %swap3A_1929 = tpu.vector_load %arg9[%swap3A_1928] {strides = array<i32>} : memref<2560xi32, #tpu.memory_space<vmem>>, vector<16xi32>,
    %swap3A_1930 = vector.shape_cast %swap3A_1929 : vector<16xi32> to vector<16xi32>
    %swap3A_1931 = vector.shape_cast %add3A_1927 : vector<16xi32> to vector<16xi32>
    tpu.vector_store %arg9[%swap3A_1928], %swap3A_1931 {strides = array<i32>} : memref<2560xi32, #tpu.memory_space<vmem>>, vector<16xi32>,
    %mul3A_1932 = arith.constant 10 : i32
    %mul3A_1933 = arith.muli %select_n3A, %mul3A_1932 : i32
    %add3A_1934 = arith.constant 3 : i32
    %add3A_1935 = arith.addi %mul3A_1933, %add3A_1934 : i32
    %mul3A_1936 = arith.constant 16384 : i32
    %mul3A_1937 = arith.muli %add3A_1935, %mul3A_1936 : i32
    %add3A_1938 = vector.broadcast %mul3A_1937 : i32 to vector<16xi32>
    %add3A_1939 = arith.addi %and3A_1895, %add3A_1938 : vector<16xi32>
    %swap3A_1940 = arith.constant 976 : index
    %swap3A_1941 = tpu.vector_load %arg9[%swap3A_1940] {strides = array<i32>} : memref<2560xi32, #tpu.memory_space<vmem>>, vector<16xi32>,
    %swap3A_1942 = vector.shape_cast %swap3A_1941 : vector<16xi32> to vector<16xi32>
    %swap3A_1943 = vector.shape_cast %add3A_1939 : vector<16xi32> to vector<16xi32>
    tpu.vector_store %arg9[%swap3A_1940], %swap3A_1943 {strides = array<i32>} : memref<2560xi32, #tpu.memory_space<vmem>>, vector<16xi32>,
    %mul3A_1944 = arith.constant 10 : i32
    %mul3A_1945 = arith.muli %select_n3A, %mul3A_1944 : i32
    %add3A_1946 = arith.constant 4 : i32
    %add3A_1947 = arith.addi %mul3A_1945, %add3A_1946 : i32
    %mul3A_1948 = arith.constant 16384 : i32
    %mul3A_1949 = arith.muli %add3A_1947, %mul3A_1948 : i32
    %add3A_1950 = vector.broadcast %mul3A_1949 : i32 to vector<16xi32>
    %add3A_1951 = arith.addi %and3A_1895, %add3A_1950 : vector<16xi32>
    %swap3A_1952 = arith.constant 1232 : index
    %swap3A_1953 = tpu.vector_load %arg9[%swap3A_1952] {strides = array<i32>} : memref<2560xi32, #tpu.memory_space<vmem>>, vector<16xi32>,
    %swap3A_1954 = vector.shape_cast %swap3A_1953 : vector<16xi32> to vector<16xi32>
    %swap3A_1955 = vector.shape_cast %add3A_1951 : vector<16xi32> to vector<16xi32>
    tpu.vector_store %arg9[%swap3A_1952], %swap3A_1955 {strides = array<i32>} : memref<2560xi32, #tpu.memory_space<vmem>>, vector<16xi32>,
    %mul3A_1956 = arith.constant 10 : i32
    %mul3A_1957 = arith.muli %select_n3A, %mul3A_1956 : i32
    %add3A_1958 = arith.constant 5 : i32
    %add3A_1959 = arith.addi %mul3A_1957, %add3A_1958 : i32
    %mul3A_1960 = arith.constant 16384 : i32
    %mul3A_1961 = arith.muli %add3A_1959, %mul3A_1960 : i32
    %add3A_1962 = vector.broadcast %mul3A_1961 : i32 to vector<16xi32>
    %add3A_1963 = arith.addi %and3A_1895, %add3A_1962 : vector<16xi32>
    %swap3A_1964 = arith.constant 1488 : index
    %swap3A_1965 = tpu.vector_load %arg9[%swap3A_1964] {strides = array<i32>} : memref<2560xi32, #tpu.memory_space<vmem>>, vector<16xi32>,
    %swap3A_1966 = vector.shape_cast %swap3A_1965 : vector<16xi32> to vector<16xi32>
    %swap3A_1967 = vector.shape_cast %add3A_1963 : vector<16xi32> to vector<16xi32>
    tpu.vector_store %arg9[%swap3A_1964], %swap3A_1967 {strides = array<i32>} : memref<2560xi32, #tpu.memory_space<vmem>>, vector<16xi32>,
    %mul3A_1968 = arith.constant 10 : i32
    %mul3A_1969 = arith.muli %select_n3A, %mul3A_1968 : i32
    %add3A_1970 = arith.constant 6 : i32
    %add3A_1971 = arith.addi %mul3A_1969, %add3A_1970 : i32
    %mul3A_1972 = arith.constant 16384 : i32
    %mul3A_1973 = arith.muli %add3A_1971, %mul3A_1972 : i32
    %add3A_1974 = vector.broadcast %mul3A_1973 : i32 to vector<16xi32>
    %add3A_1975 = arith.addi %and3A_1895, %add3A_1974 : vector<16xi32>
    %swap3A_1976 = arith.constant 1744 : index
    %swap3A_1977 = tpu.vector_load %arg9[%swap3A_1976] {strides = array<i32>} : memref<2560xi32, #tpu.memory_space<vmem>>, vector<16xi32>,
    %swap3A_1978 = vector.shape_cast %swap3A_1977 : vector<16xi32> to vector<16xi32>
    %swap3A_1979 = vector.shape_cast %add3A_1975 : vector<16xi32> to vector<16xi32>
    tpu.vector_store %arg9[%swap3A_1976], %swap3A_1979 {strides = array<i32>} : memref<2560xi32, #tpu.memory_space<vmem>>, vector<16xi32>,
    %mul3A_1980 = arith.constant 10 : i32
    %mul3A_1981 = arith.muli %select_n3A, %mul3A_1980 : i32
    %add3A_1982 = arith.constant 7 : i32
    %add3A_1983 = arith.addi %mul3A_1981, %add3A_1982 : i32
    %mul3A_1984 = arith.constant 16384 : i32
    %mul3A_1985 = arith.muli %add3A_1983, %mul3A_1984 : i32
    %add3A_1986 = vector.broadcast %mul3A_1985 : i32 to vector<16xi32>
    %add3A_1987 = arith.addi %and3A_1895, %add3A_1986 : vector<16xi32>
    %swap3A_1988 = arith.constant 2000 : index
    %swap3A_1989 = tpu.vector_load %arg9[%swap3A_1988] {strides = array<i32>} : memref<2560xi32, #tpu.memory_space<vmem>>, vector<16xi32>,
    %swap3A_1990 = vector.shape_cast %swap3A_1989 : vector<16xi32> to vector<16xi32>
    %swap3A_1991 = vector.shape_cast %add3A_1987 : vector<16xi32> to vector<16xi32>
    tpu.vector_store %arg9[%swap3A_1988], %swap3A_1991 {strides = array<i32>} : memref<2560xi32, #tpu.memory_space<vmem>>, vector<16xi32>,
    %mul3A_1992 = arith.constant 10 : i32
    %mul3A_1993 = arith.muli %select_n3A, %mul3A_1992 : i32
    %add3A_1994 = arith.constant 8 : i32
    %add3A_1995 = arith.addi %mul3A_1993, %add3A_1994 : i32
    %mul3A_1996 = arith.constant 16384 : i32
    %mul3A_1997 = arith.muli %add3A_1995, %mul3A_1996 : i32
    %add3A_1998 = vector.broadcast %mul3A_1997 : i32 to vector<16xi32>
    %add3A_1999 = arith.addi %and3A_1895, %add3A_1998 : vector<16xi32>
    %swap3A_2000 = arith.constant 2256 : index
    %swap3A_2001 = tpu.vector_load %arg9[%swap3A_2000] {strides = array<i32>} : memref<2560xi32, #tpu.memory_space<vmem>>, vector<16xi32>,
    %swap3A_2002 = vector.shape_cast %swap3A_2001 : vector<16xi32> to vector<16xi32>
    %swap3A_2003 = vector.shape_cast %add3A_1999 : vector<16xi32> to vector<16xi32>
    tpu.vector_store %arg9[%swap3A_2000], %swap3A_2003 {strides = array<i32>} : memref<2560xi32, #tpu.memory_space<vmem>>, vector<16xi32>,
    %mul3A_2004 = arith.constant 10 : i32
    %mul3A_2005 = arith.muli %select_n3A, %mul3A_2004 : i32
    %add3A_2006 = arith.constant 9 : i32
    %add3A_2007 = arith.addi %mul3A_2005, %add3A_2006 : i32
    %mul3A_2008 = arith.constant 16384 : i32
    %mul3A_2009 = arith.muli %add3A_2007, %mul3A_2008 : i32
    %add3A_2010 = vector.broadcast %mul3A_2009 : i32 to vector<16xi32>
    %add3A_2011 = arith.addi %and3A_1895, %add3A_2010 : vector<16xi32>
    %swap3A_2012 = arith.constant 2512 : index
    %swap3A_2013 = tpu.vector_load %arg9[%swap3A_2012] {strides = array<i32>} : memref<2560xi32, #tpu.memory_space<vmem>>, vector<16xi32>,
    %swap3A_2014 = vector.shape_cast %swap3A_2013 : vector<16xi32> to vector<16xi32>
    %swap3A_2015 = vector.shape_cast %add3A_2011 : vector<16xi32> to vector<16xi32>
    tpu.vector_store %arg9[%swap3A_2012], %swap3A_2015 {strides = array<i32>} : memref<2560xi32, #tpu.memory_space<vmem>>, vector<16xi32>,
    %shift_right_logical3A_2016 = arith.constant 14 : i32
    %shift_right_logical3A_2017 = vector.broadcast %shift_right_logical3A_2016 : i32 to vector<16xi32>
    %shift_right_logical3A_2018 = arith.shrui %convert_element_type3A_1892, %shift_right_logical3A_2017 : vector<16xi32>
    %convert_element_type3A_2019 = arith.sitofp %shift_right_logical3A_2018 : vector<16xi32> to vector<16xf32>
    %add3A_2020 = arith.addf %add3A_1882, %convert_element_type3A_2019 : vector<16xf32>
    %swap3A_2021 = arith.constant 13 : i32
    %swap3A_2022 = arith.index_cast %swap3A_2021 : i32 to index
    %swap3A_2023 = arith.constant 0 : index
    %swap3A_2024 = tpu.vector_load %arg8[%swap3A_2022, %swap3A_2023] {strides = array<i32>} : memref<16x16xf32, #tpu.memory_space<vmem>>, vector<1x16xf32>,
    %swap3A_2025 = vector.shape_cast %swap3A_2024 : vector<1x16xf32> to vector<16xf32>
    %swap3A_2026 = vector.shape_cast %convert_element_type3A_2019 : vector<16xf32> to vector<1x16xf32>
    tpu.vector_store %arg8[%swap3A_2022, %swap3A_2023], %swap3A_2026 {strides = array<i32>} : memref<16x16xf32, #tpu.memory_space<vmem>>, vector<1x16xf32>,
    %get3A_2027 = arith.constant 224 : index
    %get3A_2028 = tpu.vector_load %arg6[%get3A_2027] {strides = array<i32>} : memref<256xf32, #tpu.memory_space<vmem>>, vector<16xf32>,
    %get3A_2029 = vector.shape_cast %get3A_2028 : vector<16xf32> to vector<16xf32>
    %convert_element_type3A_2030 = arith.fptosi %get3A_2029 : vector<16xf32> to vector<16xi32>
    %and3A_2031 = arith.constant 16383 : i32
    %and3A_2032 = vector.broadcast %and3A_2031 : i32 to vector<16xi32>
    %and3A_2033 = arith.andi %convert_element_type3A_2030, %and3A_2032 : vector<16xi32>
    %mul3A_2034 = arith.constant 10 : i32
    %mul3A_2035 = arith.muli %select_n3A, %mul3A_2034 : i32
    %add3A_2036 = arith.constant 0 : i32
    %add3A_2037 = arith.addi %mul3A_2035, %add3A_2036 : i32
    %mul3A_2038 = arith.constant 16384 : i32
    %mul3A_2039 = arith.muli %add3A_2037, %mul3A_2038 : i32
    %add3A_2040 = vector.broadcast %mul3A_2039 : i32 to vector<16xi32>
    %add3A_2041 = arith.addi %and3A_2033, %add3A_2040 : vector<16xi32>
    %swap3A_2042 = arith.constant 224 : index
    %swap3A_2043 = tpu.vector_load %arg9[%swap3A_2042] {strides = array<i32>} : memref<2560xi32, #tpu.memory_space<vmem>>, vector<16xi32>,
    %swap3A_2044 = vector.shape_cast %swap3A_2043 : vector<16xi32> to vector<16xi32>
    %swap3A_2045 = vector.shape_cast %add3A_2041 : vector<16xi32> to vector<16xi32>
    tpu.vector_store %arg9[%swap3A_2042], %swap3A_2045 {strides = array<i32>} : memref<2560xi32, #tpu.memory_space<vmem>>, vector<16xi32>,
    %mul3A_2046 = arith.constant 10 : i32
    %mul3A_2047 = arith.muli %select_n3A, %mul3A_2046 : i32
    %add3A_2048 = arith.constant 1 : i32
    %add3A_2049 = arith.addi %mul3A_2047, %add3A_2048 : i32
    %mul3A_2050 = arith.constant 16384 : i32
    %mul3A_2051 = arith.muli %add3A_2049, %mul3A_2050 : i32
    %add3A_2052 = vector.broadcast %mul3A_2051 : i32 to vector<16xi32>
    %add3A_2053 = arith.addi %and3A_2033, %add3A_2052 : vector<16xi32>
    %swap3A_2054 = arith.constant 480 : index
    %swap3A_2055 = tpu.vector_load %arg9[%swap3A_2054] {strides = array<i32>} : memref<2560xi32, #tpu.memory_space<vmem>>, vector<16xi32>,
    %swap3A_2056 = vector.shape_cast %swap3A_2055 : vector<16xi32> to vector<16xi32>
    %swap3A_2057 = vector.shape_cast %add3A_2053 : vector<16xi32> to vector<16xi32>
    tpu.vector_store %arg9[%swap3A_2054], %swap3A_2057 {strides = array<i32>} : memref<2560xi32, #tpu.memory_space<vmem>>, vector<16xi32>,
    %mul3A_2058 = arith.constant 10 : i32
    %mul3A_2059 = arith.muli %select_n3A, %mul3A_2058 : i32
    %add3A_2060 = arith.constant 2 : i32
    %add3A_2061 = arith.addi %mul3A_2059, %add3A_2060 : i32
    %mul3A_2062 = arith.constant 16384 : i32
    %mul3A_2063 = arith.muli %add3A_2061, %mul3A_2062 : i32
    %add3A_2064 = vector.broadcast %mul3A_2063 : i32 to vector<16xi32>
    %add3A_2065 = arith.addi %and3A_2033, %add3A_2064 : vector<16xi32>
    %swap3A_2066 = arith.constant 736 : index
    %swap3A_2067 = tpu.vector_load %arg9[%swap3A_2066] {strides = array<i32>} : memref<2560xi32, #tpu.memory_space<vmem>>, vector<16xi32>,
    %swap3A_2068 = vector.shape_cast %swap3A_2067 : vector<16xi32> to vector<16xi32>
    %swap3A_2069 = vector.shape_cast %add3A_2065 : vector<16xi32> to vector<16xi32>
    tpu.vector_store %arg9[%swap3A_2066], %swap3A_2069 {strides = array<i32>} : memref<2560xi32, #tpu.memory_space<vmem>>, vector<16xi32>,
    %mul3A_2070 = arith.constant 10 : i32
    %mul3A_2071 = arith.muli %select_n3A, %mul3A_2070 : i32
    %add3A_2072 = arith.constant 3 : i32
    %add3A_2073 = arith.addi %mul3A_2071, %add3A_2072 : i32
    %mul3A_2074 = arith.constant 16384 : i32
    %mul3A_2075 = arith.muli %add3A_2073, %mul3A_2074 : i32
    %add3A_2076 = vector.broadcast %mul3A_2075 : i32 to vector<16xi32>
    %add3A_2077 = arith.addi %and3A_2033, %add3A_2076 : vector<16xi32>
    %swap3A_2078 = arith.constant 992 : index
    %swap3A_2079 = tpu.vector_load %arg9[%swap3A_2078] {strides = array<i32>} : memref<2560xi32, #tpu.memory_space<vmem>>, vector<16xi32>,
    %swap3A_2080 = vector.shape_cast %swap3A_2079 : vector<16xi32> to vector<16xi32>
    %swap3A_2081 = vector.shape_cast %add3A_2077 : vector<16xi32> to vector<16xi32>
    tpu.vector_store %arg9[%swap3A_2078], %swap3A_2081 {strides = array<i32>} : memref<2560xi32, #tpu.memory_space<vmem>>, vector<16xi32>,
    %mul3A_2082 = arith.constant 10 : i32
    %mul3A_2083 = arith.muli %select_n3A, %mul3A_2082 : i32
    %add3A_2084 = arith.constant 4 : i32
    %add3A_2085 = arith.addi %mul3A_2083, %add3A_2084 : i32
    %mul3A_2086 = arith.constant 16384 : i32
    %mul3A_2087 = arith.muli %add3A_2085, %mul3A_2086 : i32
    %add3A_2088 = vector.broadcast %mul3A_2087 : i32 to vector<16xi32>
    %add3A_2089 = arith.addi %and3A_2033, %add3A_2088 : vector<16xi32>
    %swap3A_2090 = arith.constant 1248 : index
    %swap3A_2091 = tpu.vector_load %arg9[%swap3A_2090] {strides = array<i32>} : memref<2560xi32, #tpu.memory_space<vmem>>, vector<16xi32>,
    %swap3A_2092 = vector.shape_cast %swap3A_2091 : vector<16xi32> to vector<16xi32>
    %swap3A_2093 = vector.shape_cast %add3A_2089 : vector<16xi32> to vector<16xi32>
    tpu.vector_store %arg9[%swap3A_2090], %swap3A_2093 {strides = array<i32>} : memref<2560xi32, #tpu.memory_space<vmem>>, vector<16xi32>,
    %mul3A_2094 = arith.constant 10 : i32
    %mul3A_2095 = arith.muli %select_n3A, %mul3A_2094 : i32
    %add3A_2096 = arith.constant 5 : i32
    %add3A_2097 = arith.addi %mul3A_2095, %add3A_2096 : i32
    %mul3A_2098 = arith.constant 16384 : i32
    %mul3A_2099 = arith.muli %add3A_2097, %mul3A_2098 : i32
    %add3A_2100 = vector.broadcast %mul3A_2099 : i32 to vector<16xi32>
    %add3A_2101 = arith.addi %and3A_2033, %add3A_2100 : vector<16xi32>
    %swap3A_2102 = arith.constant 1504 : index
    %swap3A_2103 = tpu.vector_load %arg9[%swap3A_2102] {strides = array<i32>} : memref<2560xi32, #tpu.memory_space<vmem>>, vector<16xi32>,
    %swap3A_2104 = vector.shape_cast %swap3A_2103 : vector<16xi32> to vector<16xi32>
    %swap3A_2105 = vector.shape_cast %add3A_2101 : vector<16xi32> to vector<16xi32>
    tpu.vector_store %arg9[%swap3A_2102], %swap3A_2105 {strides = array<i32>} : memref<2560xi32, #tpu.memory_space<vmem>>, vector<16xi32>,
    %mul3A_2106 = arith.constant 10 : i32
    %mul3A_2107 = arith.muli %select_n3A, %mul3A_2106 : i32
    %add3A_2108 = arith.constant 6 : i32
    %add3A_2109 = arith.addi %mul3A_2107, %add3A_2108 : i32
    %mul3A_2110 = arith.constant 16384 : i32
    %mul3A_2111 = arith.muli %add3A_2109, %mul3A_2110 : i32
    %add3A_2112 = vector.broadcast %mul3A_2111 : i32 to vector<16xi32>
    %add3A_2113 = arith.addi %and3A_2033, %add3A_2112 : vector<16xi32>
    %swap3A_2114 = arith.constant 1760 : index
    %swap3A_2115 = tpu.vector_load %arg9[%swap3A_2114] {strides = array<i32>} : memref<2560xi32, #tpu.memory_space<vmem>>, vector<16xi32>,
    %swap3A_2116 = vector.shape_cast %swap3A_2115 : vector<16xi32> to vector<16xi32>
    %swap3A_2117 = vector.shape_cast %add3A_2113 : vector<16xi32> to vector<16xi32>
    tpu.vector_store %arg9[%swap3A_2114], %swap3A_2117 {strides = array<i32>} : memref<2560xi32, #tpu.memory_space<vmem>>, vector<16xi32>,
    %mul3A_2118 = arith.constant 10 : i32
    %mul3A_2119 = arith.muli %select_n3A, %mul3A_2118 : i32
    %add3A_2120 = arith.constant 7 : i32
    %add3A_2121 = arith.addi %mul3A_2119, %add3A_2120 : i32
    %mul3A_2122 = arith.constant 16384 : i32
    %mul3A_2123 = arith.muli %add3A_2121, %mul3A_2122 : i32
    %add3A_2124 = vector.broadcast %mul3A_2123 : i32 to vector<16xi32>
    %add3A_2125 = arith.addi %and3A_2033, %add3A_2124 : vector<16xi32>
    %swap3A_2126 = arith.constant 2016 : index
    %swap3A_2127 = tpu.vector_load %arg9[%swap3A_2126] {strides = array<i32>} : memref<2560xi32, #tpu.memory_space<vmem>>, vector<16xi32>,
    %swap3A_2128 = vector.shape_cast %swap3A_2127 : vector<16xi32> to vector<16xi32>
    %swap3A_2129 = vector.shape_cast %add3A_2125 : vector<16xi32> to vector<16xi32>
    tpu.vector_store %arg9[%swap3A_2126], %swap3A_2129 {strides = array<i32>} : memref<2560xi32, #tpu.memory_space<vmem>>, vector<16xi32>,
    %mul3A_2130 = arith.constant 10 : i32
    %mul3A_2131 = arith.muli %select_n3A, %mul3A_2130 : i32
    %add3A_2132 = arith.constant 8 : i32
    %add3A_2133 = arith.addi %mul3A_2131, %add3A_2132 : i32
    %mul3A_2134 = arith.constant 16384 : i32
    %mul3A_2135 = arith.muli %add3A_2133, %mul3A_2134 : i32
    %add3A_2136 = vector.broadcast %mul3A_2135 : i32 to vector<16xi32>
    %add3A_2137 = arith.addi %and3A_2033, %add3A_2136 : vector<16xi32>
    %swap3A_2138 = arith.constant 2272 : index
    %swap3A_2139 = tpu.vector_load %arg9[%swap3A_2138] {strides = array<i32>} : memref<2560xi32, #tpu.memory_space<vmem>>, vector<16xi32>,
    %swap3A_2140 = vector.shape_cast %swap3A_2139 : vector<16xi32> to vector<16xi32>
    %swap3A_2141 = vector.shape_cast %add3A_2137 : vector<16xi32> to vector<16xi32>
    tpu.vector_store %arg9[%swap3A_2138], %swap3A_2141 {strides = array<i32>} : memref<2560xi32, #tpu.memory_space<vmem>>, vector<16xi32>,
    %mul3A_2142 = arith.constant 10 : i32
    %mul3A_2143 = arith.muli %select_n3A, %mul3A_2142 : i32
    %add3A_2144 = arith.constant 9 : i32
    %add3A_2145 = arith.addi %mul3A_2143, %add3A_2144 : i32
    %mul3A_2146 = arith.constant 16384 : i32
    %mul3A_2147 = arith.muli %add3A_2145, %mul3A_2146 : i32
    %add3A_2148 = vector.broadcast %mul3A_2147 : i32 to vector<16xi32>
    %add3A_2149 = arith.addi %and3A_2033, %add3A_2148 : vector<16xi32>
    %swap3A_2150 = arith.constant 2528 : index
    %swap3A_2151 = tpu.vector_load %arg9[%swap3A_2150] {strides = array<i32>} : memref<2560xi32, #tpu.memory_space<vmem>>, vector<16xi32>,
    %swap3A_2152 = vector.shape_cast %swap3A_2151 : vector<16xi32> to vector<16xi32>
    %swap3A_2153 = vector.shape_cast %add3A_2149 : vector<16xi32> to vector<16xi32>
    tpu.vector_store %arg9[%swap3A_2150], %swap3A_2153 {strides = array<i32>} : memref<2560xi32, #tpu.memory_space<vmem>>, vector<16xi32>,
    %shift_right_logical3A_2154 = arith.constant 14 : i32
    %shift_right_logical3A_2155 = vector.broadcast %shift_right_logical3A_2154 : i32 to vector<16xi32>
    %shift_right_logical3A_2156 = arith.shrui %convert_element_type3A_2030, %shift_right_logical3A_2155 : vector<16xi32>
    %convert_element_type3A_2157 = arith.sitofp %shift_right_logical3A_2156 : vector<16xi32> to vector<16xf32>
    %add3A_2158 = arith.addf %add3A_2020, %convert_element_type3A_2157 : vector<16xf32>
    %swap3A_2159 = arith.constant 14 : i32
    %swap3A_2160 = arith.index_cast %swap3A_2159 : i32 to index
    %swap3A_2161 = arith.constant 0 : index
    %swap3A_2162 = tpu.vector_load %arg8[%swap3A_2160, %swap3A_2161] {strides = array<i32>} : memref<16x16xf32, #tpu.memory_space<vmem>>, vector<1x16xf32>,
    %swap3A_2163 = vector.shape_cast %swap3A_2162 : vector<1x16xf32> to vector<16xf32>
    %swap3A_2164 = vector.shape_cast %convert_element_type3A_2157 : vector<16xf32> to vector<1x16xf32>
    tpu.vector_store %arg8[%swap3A_2160, %swap3A_2161], %swap3A_2164 {strides = array<i32>} : memref<16x16xf32, #tpu.memory_space<vmem>>, vector<1x16xf32>,
    %get3A_2165 = arith.constant 240 : index
    %get3A_2166 = tpu.vector_load %arg6[%get3A_2165] {strides = array<i32>} : memref<256xf32, #tpu.memory_space<vmem>>, vector<16xf32>,
    %get3A_2167 = vector.shape_cast %get3A_2166 : vector<16xf32> to vector<16xf32>
    %convert_element_type3A_2168 = arith.fptosi %get3A_2167 : vector<16xf32> to vector<16xi32>
    %and3A_2169 = arith.constant 16383 : i32
    %and3A_2170 = vector.broadcast %and3A_2169 : i32 to vector<16xi32>
    %and3A_2171 = arith.andi %convert_element_type3A_2168, %and3A_2170 : vector<16xi32>
    %mul3A_2172 = arith.constant 10 : i32
    %mul3A_2173 = arith.muli %select_n3A, %mul3A_2172 : i32
    %add3A_2174 = arith.constant 0 : i32
    %add3A_2175 = arith.addi %mul3A_2173, %add3A_2174 : i32
    %mul3A_2176 = arith.constant 16384 : i32
    %mul3A_2177 = arith.muli %add3A_2175, %mul3A_2176 : i32
    %add3A_2178 = vector.broadcast %mul3A_2177 : i32 to vector<16xi32>
    %add3A_2179 = arith.addi %and3A_2171, %add3A_2178 : vector<16xi32>
    %swap3A_2180 = arith.constant 240 : index
    %swap3A_2181 = tpu.vector_load %arg9[%swap3A_2180] {strides = array<i32>} : memref<2560xi32, #tpu.memory_space<vmem>>, vector<16xi32>,
    %swap3A_2182 = vector.shape_cast %swap3A_2181 : vector<16xi32> to vector<16xi32>
    %swap3A_2183 = vector.shape_cast %add3A_2179 : vector<16xi32> to vector<16xi32>
    tpu.vector_store %arg9[%swap3A_2180], %swap3A_2183 {strides = array<i32>} : memref<2560xi32, #tpu.memory_space<vmem>>, vector<16xi32>,
    %mul3A_2184 = arith.constant 10 : i32
    %mul3A_2185 = arith.muli %select_n3A, %mul3A_2184 : i32
    %add3A_2186 = arith.constant 1 : i32
    %add3A_2187 = arith.addi %mul3A_2185, %add3A_2186 : i32
    %mul3A_2188 = arith.constant 16384 : i32
    %mul3A_2189 = arith.muli %add3A_2187, %mul3A_2188 : i32
    %add3A_2190 = vector.broadcast %mul3A_2189 : i32 to vector<16xi32>
    %add3A_2191 = arith.addi %and3A_2171, %add3A_2190 : vector<16xi32>
    %swap3A_2192 = arith.constant 496 : index
    %swap3A_2193 = tpu.vector_load %arg9[%swap3A_2192] {strides = array<i32>} : memref<2560xi32, #tpu.memory_space<vmem>>, vector<16xi32>,
    %swap3A_2194 = vector.shape_cast %swap3A_2193 : vector<16xi32> to vector<16xi32>
    %swap3A_2195 = vector.shape_cast %add3A_2191 : vector<16xi32> to vector<16xi32>
    tpu.vector_store %arg9[%swap3A_2192], %swap3A_2195 {strides = array<i32>} : memref<2560xi32, #tpu.memory_space<vmem>>, vector<16xi32>,
    %mul3A_2196 = arith.constant 10 : i32
    %mul3A_2197 = arith.muli %select_n3A, %mul3A_2196 : i32
    %add3A_2198 = arith.constant 2 : i32
    %add3A_2199 = arith.addi %mul3A_2197, %add3A_2198 : i32
    %mul3A_2200 = arith.constant 16384 : i32
    %mul3A_2201 = arith.muli %add3A_2199, %mul3A_2200 : i32
    %add3A_2202 = vector.broadcast %mul3A_2201 : i32 to vector<16xi32>
    %add3A_2203 = arith.addi %and3A_2171, %add3A_2202 : vector<16xi32>
    %swap3A_2204 = arith.constant 752 : index
    %swap3A_2205 = tpu.vector_load %arg9[%swap3A_2204] {strides = array<i32>} : memref<2560xi32, #tpu.memory_space<vmem>>, vector<16xi32>,
    %swap3A_2206 = vector.shape_cast %swap3A_2205 : vector<16xi32> to vector<16xi32>
    %swap3A_2207 = vector.shape_cast %add3A_2203 : vector<16xi32> to vector<16xi32>
    tpu.vector_store %arg9[%swap3A_2204], %swap3A_2207 {strides = array<i32>} : memref<2560xi32, #tpu.memory_space<vmem>>, vector<16xi32>,
    %mul3A_2208 = arith.constant 10 : i32
    %mul3A_2209 = arith.muli %select_n3A, %mul3A_2208 : i32
    %add3A_2210 = arith.constant 3 : i32
    %add3A_2211 = arith.addi %mul3A_2209, %add3A_2210 : i32
    %mul3A_2212 = arith.constant 16384 : i32
    %mul3A_2213 = arith.muli %add3A_2211, %mul3A_2212 : i32
    %add3A_2214 = vector.broadcast %mul3A_2213 : i32 to vector<16xi32>
    %add3A_2215 = arith.addi %and3A_2171, %add3A_2214 : vector<16xi32>
    %swap3A_2216 = arith.constant 1008 : index
    %swap3A_2217 = tpu.vector_load %arg9[%swap3A_2216] {strides = array<i32>} : memref<2560xi32, #tpu.memory_space<vmem>>, vector<16xi32>,
    %swap3A_2218 = vector.shape_cast %swap3A_2217 : vector<16xi32> to vector<16xi32>
    %swap3A_2219 = vector.shape_cast %add3A_2215 : vector<16xi32> to vector<16xi32>
    tpu.vector_store %arg9[%swap3A_2216], %swap3A_2219 {strides = array<i32>} : memref<2560xi32, #tpu.memory_space<vmem>>, vector<16xi32>,
    %mul3A_2220 = arith.constant 10 : i32
    %mul3A_2221 = arith.muli %select_n3A, %mul3A_2220 : i32
    %add3A_2222 = arith.constant 4 : i32
    %add3A_2223 = arith.addi %mul3A_2221, %add3A_2222 : i32
    %mul3A_2224 = arith.constant 16384 : i32
    %mul3A_2225 = arith.muli %add3A_2223, %mul3A_2224 : i32
    %add3A_2226 = vector.broadcast %mul3A_2225 : i32 to vector<16xi32>
    %add3A_2227 = arith.addi %and3A_2171, %add3A_2226 : vector<16xi32>
    %swap3A_2228 = arith.constant 1264 : index
    %swap3A_2229 = tpu.vector_load %arg9[%swap3A_2228] {strides = array<i32>} : memref<2560xi32, #tpu.memory_space<vmem>>, vector<16xi32>,
    %swap3A_2230 = vector.shape_cast %swap3A_2229 : vector<16xi32> to vector<16xi32>
    %swap3A_2231 = vector.shape_cast %add3A_2227 : vector<16xi32> to vector<16xi32>
    tpu.vector_store %arg9[%swap3A_2228], %swap3A_2231 {strides = array<i32>} : memref<2560xi32, #tpu.memory_space<vmem>>, vector<16xi32>,
    %mul3A_2232 = arith.constant 10 : i32
    %mul3A_2233 = arith.muli %select_n3A, %mul3A_2232 : i32
    %add3A_2234 = arith.constant 5 : i32
    %add3A_2235 = arith.addi %mul3A_2233, %add3A_2234 : i32
    %mul3A_2236 = arith.constant 16384 : i32
    %mul3A_2237 = arith.muli %add3A_2235, %mul3A_2236 : i32
    %add3A_2238 = vector.broadcast %mul3A_2237 : i32 to vector<16xi32>
    %add3A_2239 = arith.addi %and3A_2171, %add3A_2238 : vector<16xi32>
    %swap3A_2240 = arith.constant 1520 : index
    %swap3A_2241 = tpu.vector_load %arg9[%swap3A_2240] {strides = array<i32>} : memref<2560xi32, #tpu.memory_space<vmem>>, vector<16xi32>,
    %swap3A_2242 = vector.shape_cast %swap3A_2241 : vector<16xi32> to vector<16xi32>
    %swap3A_2243 = vector.shape_cast %add3A_2239 : vector<16xi32> to vector<16xi32>
    tpu.vector_store %arg9[%swap3A_2240], %swap3A_2243 {strides = array<i32>} : memref<2560xi32, #tpu.memory_space<vmem>>, vector<16xi32>,
    %mul3A_2244 = arith.constant 10 : i32
    %mul3A_2245 = arith.muli %select_n3A, %mul3A_2244 : i32
    %add3A_2246 = arith.constant 6 : i32
    %add3A_2247 = arith.addi %mul3A_2245, %add3A_2246 : i32
    %mul3A_2248 = arith.constant 16384 : i32
    %mul3A_2249 = arith.muli %add3A_2247, %mul3A_2248 : i32
    %add3A_2250 = vector.broadcast %mul3A_2249 : i32 to vector<16xi32>
    %add3A_2251 = arith.addi %and3A_2171, %add3A_2250 : vector<16xi32>
    %swap3A_2252 = arith.constant 1776 : index
    %swap3A_2253 = tpu.vector_load %arg9[%swap3A_2252] {strides = array<i32>} : memref<2560xi32, #tpu.memory_space<vmem>>, vector<16xi32>,
    %swap3A_2254 = vector.shape_cast %swap3A_2253 : vector<16xi32> to vector<16xi32>
    %swap3A_2255 = vector.shape_cast %add3A_2251 : vector<16xi32> to vector<16xi32>
    tpu.vector_store %arg9[%swap3A_2252], %swap3A_2255 {strides = array<i32>} : memref<2560xi32, #tpu.memory_space<vmem>>, vector<16xi32>,
    %mul3A_2256 = arith.constant 10 : i32
    %mul3A_2257 = arith.muli %select_n3A, %mul3A_2256 : i32
    %add3A_2258 = arith.constant 7 : i32
    %add3A_2259 = arith.addi %mul3A_2257, %add3A_2258 : i32
    %mul3A_2260 = arith.constant 16384 : i32
    %mul3A_2261 = arith.muli %add3A_2259, %mul3A_2260 : i32
    %add3A_2262 = vector.broadcast %mul3A_2261 : i32 to vector<16xi32>
    %add3A_2263 = arith.addi %and3A_2171, %add3A_2262 : vector<16xi32>
    %swap3A_2264 = arith.constant 2032 : index
    %swap3A_2265 = tpu.vector_load %arg9[%swap3A_2264] {strides = array<i32>} : memref<2560xi32, #tpu.memory_space<vmem>>, vector<16xi32>,
    %swap3A_2266 = vector.shape_cast %swap3A_2265 : vector<16xi32> to vector<16xi32>
    %swap3A_2267 = vector.shape_cast %add3A_2263 : vector<16xi32> to vector<16xi32>
    tpu.vector_store %arg9[%swap3A_2264], %swap3A_2267 {strides = array<i32>} : memref<2560xi32, #tpu.memory_space<vmem>>, vector<16xi32>,
    %mul3A_2268 = arith.constant 10 : i32
    %mul3A_2269 = arith.muli %select_n3A, %mul3A_2268 : i32
    %add3A_2270 = arith.constant 8 : i32
    %add3A_2271 = arith.addi %mul3A_2269, %add3A_2270 : i32
    %mul3A_2272 = arith.constant 16384 : i32
    %mul3A_2273 = arith.muli %add3A_2271, %mul3A_2272 : i32
    %add3A_2274 = vector.broadcast %mul3A_2273 : i32 to vector<16xi32>
    %add3A_2275 = arith.addi %and3A_2171, %add3A_2274 : vector<16xi32>
    %swap3A_2276 = arith.constant 2288 : index
    %swap3A_2277 = tpu.vector_load %arg9[%swap3A_2276] {strides = array<i32>} : memref<2560xi32, #tpu.memory_space<vmem>>, vector<16xi32>,
    %swap3A_2278 = vector.shape_cast %swap3A_2277 : vector<16xi32> to vector<16xi32>
    %swap3A_2279 = vector.shape_cast %add3A_2275 : vector<16xi32> to vector<16xi32>
    tpu.vector_store %arg9[%swap3A_2276], %swap3A_2279 {strides = array<i32>} : memref<2560xi32, #tpu.memory_space<vmem>>, vector<16xi32>,
    %mul3A_2280 = arith.constant 10 : i32
    %mul3A_2281 = arith.muli %select_n3A, %mul3A_2280 : i32
    %add3A_2282 = arith.constant 9 : i32
    %add3A_2283 = arith.addi %mul3A_2281, %add3A_2282 : i32
    %mul3A_2284 = arith.constant 16384 : i32
    %mul3A_2285 = arith.muli %add3A_2283, %mul3A_2284 : i32
    %add3A_2286 = vector.broadcast %mul3A_2285 : i32 to vector<16xi32>
    %add3A_2287 = arith.addi %and3A_2171, %add3A_2286 : vector<16xi32>
    %swap3A_2288 = arith.constant 2544 : index
    %swap3A_2289 = tpu.vector_load %arg9[%swap3A_2288] {strides = array<i32>} : memref<2560xi32, #tpu.memory_space<vmem>>, vector<16xi32>,
    %swap3A_2290 = vector.shape_cast %swap3A_2289 : vector<16xi32> to vector<16xi32>
    %swap3A_2291 = vector.shape_cast %add3A_2287 : vector<16xi32> to vector<16xi32>
    tpu.vector_store %arg9[%swap3A_2288], %swap3A_2291 {strides = array<i32>} : memref<2560xi32, #tpu.memory_space<vmem>>, vector<16xi32>,
    %shift_right_logical3A_2292 = arith.constant 14 : i32
    %shift_right_logical3A_2293 = vector.broadcast %shift_right_logical3A_2292 : i32 to vector<16xi32>
    %shift_right_logical3A_2294 = arith.shrui %convert_element_type3A_2168, %shift_right_logical3A_2293 : vector<16xi32>
    %convert_element_type3A_2295 = arith.sitofp %shift_right_logical3A_2294 : vector<16xi32> to vector<16xf32>
    %add3A_2296 = arith.addf %add3A_2158, %convert_element_type3A_2295 : vector<16xf32>
    %swap3A_2297 = arith.constant 15 : i32
    %swap3A_2298 = arith.index_cast %swap3A_2297 : i32 to index
    %swap3A_2299 = arith.constant 0 : index
    %swap3A_2300 = tpu.vector_load %arg8[%swap3A_2298, %swap3A_2299] {strides = array<i32>} : memref<16x16xf32, #tpu.memory_space<vmem>>, vector<1x16xf32>,
    %swap3A_2301 = vector.shape_cast %swap3A_2300 : vector<1x16xf32> to vector<16xf32>
    %swap3A_2302 = vector.shape_cast %convert_element_type3A_2295 : vector<16xf32> to vector<1x16xf32>
    tpu.vector_store %arg8[%swap3A_2298, %swap3A_2299], %swap3A_2302 {strides = array<i32>} : memref<16x16xf32, #tpu.memory_space<vmem>>, vector<1x16xf32>,
    %dma_start3A_2303 = arith.constant 0 : i32
    %dma_start3A_2304 = tpu.memref_slice %arg10[%dma_start3A_2303] : memref<2560xf32, #tpu.memory_space<vmem>> -> memref<512xf32, #tpu.memory_space<vmem>>
    %dma_start3A_2305 = arith.constant 0 : i32
    %dma_start3A_2306 = tpu.memref_slice %arg9[%dma_start3A_2305] : memref<2560xi32, #tpu.memory_space<vmem>> -> memref<512xi32, #tpu.memory_space<vmem>>
    %dma_start3A_2307 = arith.constant 0 : i32
    %dma_start3A_2308 = tpu.memref_slice %arg2[%dma_start3A_2307] : memref<2621440xf32, #tpu.memory_space<hbm>> -> memref<2621440xf32, #tpu.memory_space<hbm>>
    tpu.enqueue_indirect_dma source(%dma_start3A_2308 : memref<2621440xf32, #tpu.memory_space<hbm>>) target(%dma_start3A_2304 : memref<512xf32, #tpu.memory_space<vmem>>) offsets(%dma_start3A_2306 : memref<512xi32, #tpu.memory_space<vmem>>) semaphore(%arg12 : memref<!tpu.dma_semaphore, #tpu.memory_space<semaphore_mem>>)
    %dma_start3A_2309 = arith.constant 512 : i32
    %dma_start3A_2310 = tpu.memref_slice %arg10[%dma_start3A_2309] : memref<2560xf32, #tpu.memory_space<vmem>> -> memref<512xf32, #tpu.memory_space<vmem>>
    %dma_start3A_2311 = arith.constant 512 : i32
    %dma_start3A_2312 = tpu.memref_slice %arg9[%dma_start3A_2311] : memref<2560xi32, #tpu.memory_space<vmem>> -> memref<512xi32, #tpu.memory_space<vmem>>
    %dma_start3A_2313 = arith.constant 0 : i32
    %dma_start3A_2314 = tpu.memref_slice %arg2[%dma_start3A_2313] : memref<2621440xf32, #tpu.memory_space<hbm>> -> memref<2621440xf32, #tpu.memory_space<hbm>>
    tpu.enqueue_indirect_dma source(%dma_start3A_2314 : memref<2621440xf32, #tpu.memory_space<hbm>>) target(%dma_start3A_2310 : memref<512xf32, #tpu.memory_space<vmem>>) offsets(%dma_start3A_2312 : memref<512xi32, #tpu.memory_space<vmem>>) semaphore(%arg12 : memref<!tpu.dma_semaphore, #tpu.memory_space<semaphore_mem>>)
    %dma_start3A_2315 = arith.constant 1024 : i32
    %dma_start3A_2316 = tpu.memref_slice %arg10[%dma_start3A_2315] : memref<2560xf32, #tpu.memory_space<vmem>> -> memref<512xf32, #tpu.memory_space<vmem>>
    %dma_start3A_2317 = arith.constant 1024 : i32
    %dma_start3A_2318 = tpu.memref_slice %arg9[%dma_start3A_2317] : memref<2560xi32, #tpu.memory_space<vmem>> -> memref<512xi32, #tpu.memory_space<vmem>>
    %dma_start3A_2319 = arith.constant 0 : i32
    %dma_start3A_2320 = tpu.memref_slice %arg2[%dma_start3A_2319] : memref<2621440xf32, #tpu.memory_space<hbm>> -> memref<2621440xf32, #tpu.memory_space<hbm>>
    tpu.enqueue_indirect_dma source(%dma_start3A_2320 : memref<2621440xf32, #tpu.memory_space<hbm>>) target(%dma_start3A_2316 : memref<512xf32, #tpu.memory_space<vmem>>) offsets(%dma_start3A_2318 : memref<512xi32, #tpu.memory_space<vmem>>) semaphore(%arg12 : memref<!tpu.dma_semaphore, #tpu.memory_space<semaphore_mem>>)
    %dma_start3A_2321 = arith.constant 1536 : i32
    %dma_start3A_2322 = tpu.memref_slice %arg10[%dma_start3A_2321] : memref<2560xf32, #tpu.memory_space<vmem>> -> memref<512xf32, #tpu.memory_space<vmem>>
    %dma_start3A_2323 = arith.constant 1536 : i32
    %dma_start3A_2324 = tpu.memref_slice %arg9[%dma_start3A_2323] : memref<2560xi32, #tpu.memory_space<vmem>> -> memref<512xi32, #tpu.memory_space<vmem>>
    %dma_start3A_2325 = arith.constant 0 : i32
    %dma_start3A_2326 = tpu.memref_slice %arg2[%dma_start3A_2325] : memref<2621440xf32, #tpu.memory_space<hbm>> -> memref<2621440xf32, #tpu.memory_space<hbm>>
    tpu.enqueue_indirect_dma source(%dma_start3A_2326 : memref<2621440xf32, #tpu.memory_space<hbm>>) target(%dma_start3A_2322 : memref<512xf32, #tpu.memory_space<vmem>>) offsets(%dma_start3A_2324 : memref<512xi32, #tpu.memory_space<vmem>>) semaphore(%arg12 : memref<!tpu.dma_semaphore, #tpu.memory_space<semaphore_mem>>)
    %dma_start3A_2327 = arith.constant 2048 : i32
    %dma_start3A_2328 = tpu.memref_slice %arg10[%dma_start3A_2327] : memref<2560xf32, #tpu.memory_space<vmem>> -> memref<512xf32, #tpu.memory_space<vmem>>
    %dma_start3A_2329 = arith.constant 2048 : i32
    %dma_start3A_2330 = tpu.memref_slice %arg9[%dma_start3A_2329] : memref<2560xi32, #tpu.memory_space<vmem>> -> memref<512xi32, #tpu.memory_space<vmem>>
    %dma_start3A_2331 = arith.constant 0 : i32
    %dma_start3A_2332 = tpu.memref_slice %arg2[%dma_start3A_2331] : memref<2621440xf32, #tpu.memory_space<hbm>> -> memref<2621440xf32, #tpu.memory_space<hbm>>
    tpu.enqueue_indirect_dma source(%dma_start3A_2332 : memref<2621440xf32, #tpu.memory_space<hbm>>) target(%dma_start3A_2328 : memref<512xf32, #tpu.memory_space<vmem>>) offsets(%dma_start3A_2330 : memref<512xi32, #tpu.memory_space<vmem>>) semaphore(%arg12 : memref<!tpu.dma_semaphore, #tpu.memory_space<semaphore_mem>>)
    %dma_wait3A = arith.constant 0 : i32
    %dma_wait3A_2333 = tpu.memref_slice %arg7[%dma_wait3A] : memref<2560xf32, #tpu.memory_space<vmem>> -> memref<256xf32, #tpu.memory_space<vmem>>
    %dma_wait3A_2334 = tpu.memref_slice %arg4[%add3A_20] : memref<81920xf32, #tpu.memory_space<hbm>> -> memref<256xf32, #tpu.memory_space<hbm>>
    %dma_wait3A_2335 = arith.constant 0 : i32
    %dma_wait3A_2336 = tpu.memref_slice %arg7[%dma_wait3A_2335] : memref<2560xf32, #tpu.memory_space<vmem>> -> memref<256xf32, #tpu.memory_space<vmem>>
    %dma_wait3A_2337 = tpu.memref_slice %arg4[%add3A_20] : memref<81920xf32, #tpu.memory_space<hbm>> -> memref<256xf32, #tpu.memory_space<hbm>>
    tpu.wait_dma2 semaphore(%arg13 : memref<!tpu.dma_semaphore, #tpu.memory_space<semaphore_mem>>) src(%dma_wait3A_2337 : memref<256xf32, #tpu.memory_space<hbm>>) dst(%dma_wait3A_2336 : memref<256xf32, #tpu.memory_space<vmem>>)
    %dma_wait3A_2338 = arith.constant 256 : i32
    %dma_wait3A_2339 = tpu.memref_slice %arg7[%dma_wait3A_2338] : memref<2560xf32, #tpu.memory_space<vmem>> -> memref<256xf32, #tpu.memory_space<vmem>>
    %dma_wait3A_2340 = tpu.memref_slice %arg4[%add3A_27] : memref<81920xf32, #tpu.memory_space<hbm>> -> memref<256xf32, #tpu.memory_space<hbm>>
    %dma_wait3A_2341 = arith.constant 256 : i32
    %dma_wait3A_2342 = tpu.memref_slice %arg7[%dma_wait3A_2341] : memref<2560xf32, #tpu.memory_space<vmem>> -> memref<256xf32, #tpu.memory_space<vmem>>
    %dma_wait3A_2343 = tpu.memref_slice %arg4[%add3A_27] : memref<81920xf32, #tpu.memory_space<hbm>> -> memref<256xf32, #tpu.memory_space<hbm>>
    tpu.wait_dma2 semaphore(%arg13 : memref<!tpu.dma_semaphore, #tpu.memory_space<semaphore_mem>>) src(%dma_wait3A_2343 : memref<256xf32, #tpu.memory_space<hbm>>) dst(%dma_wait3A_2342 : memref<256xf32, #tpu.memory_space<vmem>>)
    %dma_wait3A_2344 = arith.constant 512 : i32
    %dma_wait3A_2345 = tpu.memref_slice %arg7[%dma_wait3A_2344] : memref<2560xf32, #tpu.memory_space<vmem>> -> memref<256xf32, #tpu.memory_space<vmem>>
    %dma_wait3A_2346 = tpu.memref_slice %arg4[%add3A_35] : memref<81920xf32, #tpu.memory_space<hbm>> -> memref<256xf32, #tpu.memory_space<hbm>>
    %dma_wait3A_2347 = arith.constant 512 : i32
    %dma_wait3A_2348 = tpu.memref_slice %arg7[%dma_wait3A_2347] : memref<2560xf32, #tpu.memory_space<vmem>> -> memref<256xf32, #tpu.memory_space<vmem>>
    %dma_wait3A_2349 = tpu.memref_slice %arg4[%add3A_35] : memref<81920xf32, #tpu.memory_space<hbm>> -> memref<256xf32, #tpu.memory_space<hbm>>
    tpu.wait_dma2 semaphore(%arg13 : memref<!tpu.dma_semaphore, #tpu.memory_space<semaphore_mem>>) src(%dma_wait3A_2349 : memref<256xf32, #tpu.memory_space<hbm>>) dst(%dma_wait3A_2348 : memref<256xf32, #tpu.memory_space<vmem>>)
    %dma_wait3A_2350 = arith.constant 768 : i32
    %dma_wait3A_2351 = tpu.memref_slice %arg7[%dma_wait3A_2350] : memref<2560xf32, #tpu.memory_space<vmem>> -> memref<256xf32, #tpu.memory_space<vmem>>
    %dma_wait3A_2352 = tpu.memref_slice %arg4[%add3A_43] : memref<81920xf32, #tpu.memory_space<hbm>> -> memref<256xf32, #tpu.memory_space<hbm>>
    %dma_wait3A_2353 = arith.constant 768 : i32
    %dma_wait3A_2354 = tpu.memref_slice %arg7[%dma_wait3A_2353] : memref<2560xf32, #tpu.memory_space<vmem>> -> memref<256xf32, #tpu.memory_space<vmem>>
    %dma_wait3A_2355 = tpu.memref_slice %arg4[%add3A_43] : memref<81920xf32, #tpu.memory_space<hbm>> -> memref<256xf32, #tpu.memory_space<hbm>>
    tpu.wait_dma2 semaphore(%arg13 : memref<!tpu.dma_semaphore, #tpu.memory_space<semaphore_mem>>) src(%dma_wait3A_2355 : memref<256xf32, #tpu.memory_space<hbm>>) dst(%dma_wait3A_2354 : memref<256xf32, #tpu.memory_space<vmem>>)
    %dma_wait3A_2356 = arith.constant 1024 : i32
    %dma_wait3A_2357 = tpu.memref_slice %arg7[%dma_wait3A_2356] : memref<2560xf32, #tpu.memory_space<vmem>> -> memref<256xf32, #tpu.memory_space<vmem>>
    %dma_wait3A_2358 = tpu.memref_slice %arg4[%add3A_51] : memref<81920xf32, #tpu.memory_space<hbm>> -> memref<256xf32, #tpu.memory_space<hbm>>
    %dma_wait3A_2359 = arith.constant 1024 : i32
    %dma_wait3A_2360 = tpu.memref_slice %arg7[%dma_wait3A_2359] : memref<2560xf32, #tpu.memory_space<vmem>> -> memref<256xf32, #tpu.memory_space<vmem>>
    %dma_wait3A_2361 = tpu.memref_slice %arg4[%add3A_51] : memref<81920xf32, #tpu.memory_space<hbm>> -> memref<256xf32, #tpu.memory_space<hbm>>
    tpu.wait_dma2 semaphore(%arg13 : memref<!tpu.dma_semaphore, #tpu.memory_space<semaphore_mem>>) src(%dma_wait3A_2361 : memref<256xf32, #tpu.memory_space<hbm>>) dst(%dma_wait3A_2360 : memref<256xf32, #tpu.memory_space<vmem>>)
    %dma_wait3A_2362 = arith.constant 1280 : i32
    %dma_wait3A_2363 = tpu.memref_slice %arg7[%dma_wait3A_2362] : memref<2560xf32, #tpu.memory_space<vmem>> -> memref<256xf32, #tpu.memory_space<vmem>>
    %dma_wait3A_2364 = tpu.memref_slice %arg4[%add3A_59] : memref<81920xf32, #tpu.memory_space<hbm>> -> memref<256xf32, #tpu.memory_space<hbm>>
    %dma_wait3A_2365 = arith.constant 1280 : i32
    %dma_wait3A_2366 = tpu.memref_slice %arg7[%dma_wait3A_2365] : memref<2560xf32, #tpu.memory_space<vmem>> -> memref<256xf32, #tpu.memory_space<vmem>>
    %dma_wait3A_2367 = tpu.memref_slice %arg4[%add3A_59] : memref<81920xf32, #tpu.memory_space<hbm>> -> memref<256xf32, #tpu.memory_space<hbm>>
    tpu.wait_dma2 semaphore(%arg13 : memref<!tpu.dma_semaphore, #tpu.memory_space<semaphore_mem>>) src(%dma_wait3A_2367 : memref<256xf32, #tpu.memory_space<hbm>>) dst(%dma_wait3A_2366 : memref<256xf32, #tpu.memory_space<vmem>>)
    %dma_wait3A_2368 = arith.constant 1536 : i32
    %dma_wait3A_2369 = tpu.memref_slice %arg7[%dma_wait3A_2368] : memref<2560xf32, #tpu.memory_space<vmem>> -> memref<256xf32, #tpu.memory_space<vmem>>
    %dma_wait3A_2370 = tpu.memref_slice %arg4[%add3A_67] : memref<81920xf32, #tpu.memory_space<hbm>> -> memref<256xf32, #tpu.memory_space<hbm>>
    %dma_wait3A_2371 = arith.constant 1536 : i32
    %dma_wait3A_2372 = tpu.memref_slice %arg7[%dma_wait3A_2371] : memref<2560xf32, #tpu.memory_space<vmem>> -> memref<256xf32, #tpu.memory_space<vmem>>
    %dma_wait3A_2373 = tpu.memref_slice %arg4[%add3A_67] : memref<81920xf32, #tpu.memory_space<hbm>> -> memref<256xf32, #tpu.memory_space<hbm>>
    tpu.wait_dma2 semaphore(%arg13 : memref<!tpu.dma_semaphore, #tpu.memory_space<semaphore_mem>>) src(%dma_wait3A_2373 : memref<256xf32, #tpu.memory_space<hbm>>) dst(%dma_wait3A_2372 : memref<256xf32, #tpu.memory_space<vmem>>)
    %dma_wait3A_2374 = arith.constant 1792 : i32
    %dma_wait3A_2375 = tpu.memref_slice %arg7[%dma_wait3A_2374] : memref<2560xf32, #tpu.memory_space<vmem>> -> memref<256xf32, #tpu.memory_space<vmem>>
    %dma_wait3A_2376 = tpu.memref_slice %arg4[%add3A_75] : memref<81920xf32, #tpu.memory_space<hbm>> -> memref<256xf32, #tpu.memory_space<hbm>>
    %dma_wait3A_2377 = arith.constant 1792 : i32
    %dma_wait3A_2378 = tpu.memref_slice %arg7[%dma_wait3A_2377] : memref<2560xf32, #tpu.memory_space<vmem>> -> memref<256xf32, #tpu.memory_space<vmem>>
    %dma_wait3A_2379 = tpu.memref_slice %arg4[%add3A_75] : memref<81920xf32, #tpu.memory_space<hbm>> -> memref<256xf32, #tpu.memory_space<hbm>>
    tpu.wait_dma2 semaphore(%arg13 : memref<!tpu.dma_semaphore, #tpu.memory_space<semaphore_mem>>) src(%dma_wait3A_2379 : memref<256xf32, #tpu.memory_space<hbm>>) dst(%dma_wait3A_2378 : memref<256xf32, #tpu.memory_space<vmem>>)
    %dma_wait3A_2380 = arith.constant 2048 : i32
    %dma_wait3A_2381 = tpu.memref_slice %arg7[%dma_wait3A_2380] : memref<2560xf32, #tpu.memory_space<vmem>> -> memref<256xf32, #tpu.memory_space<vmem>>
    %dma_wait3A_2382 = tpu.memref_slice %arg4[%add3A_83] : memref<81920xf32, #tpu.memory_space<hbm>> -> memref<256xf32, #tpu.memory_space<hbm>>
    %dma_wait3A_2383 = arith.constant 2048 : i32
    %dma_wait3A_2384 = tpu.memref_slice %arg7[%dma_wait3A_2383] : memref<2560xf32, #tpu.memory_space<vmem>> -> memref<256xf32, #tpu.memory_space<vmem>>
    %dma_wait3A_2385 = tpu.memref_slice %arg4[%add3A_83] : memref<81920xf32, #tpu.memory_space<hbm>> -> memref<256xf32, #tpu.memory_space<hbm>>
    tpu.wait_dma2 semaphore(%arg13 : memref<!tpu.dma_semaphore, #tpu.memory_space<semaphore_mem>>) src(%dma_wait3A_2385 : memref<256xf32, #tpu.memory_space<hbm>>) dst(%dma_wait3A_2384 : memref<256xf32, #tpu.memory_space<vmem>>)
    %dma_wait3A_2386 = arith.constant 2304 : i32
    %dma_wait3A_2387 = tpu.memref_slice %arg7[%dma_wait3A_2386] : memref<2560xf32, #tpu.memory_space<vmem>> -> memref<256xf32, #tpu.memory_space<vmem>>
    %dma_wait3A_2388 = tpu.memref_slice %arg4[%add3A_91] : memref<81920xf32, #tpu.memory_space<hbm>> -> memref<256xf32, #tpu.memory_space<hbm>>
    %dma_wait3A_2389 = arith.constant 2304 : i32
    %dma_wait3A_2390 = tpu.memref_slice %arg7[%dma_wait3A_2389] : memref<2560xf32, #tpu.memory_space<vmem>> -> memref<256xf32, #tpu.memory_space<vmem>>
    %dma_wait3A_2391 = tpu.memref_slice %arg4[%add3A_91] : memref<81920xf32, #tpu.memory_space<hbm>> -> memref<256xf32, #tpu.memory_space<hbm>>
    tpu.wait_dma2 semaphore(%arg13 : memref<!tpu.dma_semaphore, #tpu.memory_space<semaphore_mem>>) src(%dma_wait3A_2391 : memref<256xf32, #tpu.memory_space<hbm>>) dst(%dma_wait3A_2390 : memref<256xf32, #tpu.memory_space<vmem>>)
    %dma_wait3A_2392 = arith.constant 0 : i32
    %dma_wait3A_2393 = tpu.memref_slice %arg10[%dma_wait3A_2392] : memref<2560xf32, #tpu.memory_space<vmem>> -> memref<512xf32, #tpu.memory_space<vmem>>
    %dma_wait3A_2394 = arith.constant 0 : i32
    %dma_wait3A_2395 = tpu.memref_slice %arg9[%dma_wait3A_2394] : memref<2560xi32, #tpu.memory_space<vmem>> -> memref<512xi32, #tpu.memory_space<vmem>>
    %dma_wait3A_2396 = arith.constant 0 : i32
    %dma_wait3A_2397 = tpu.memref_slice %arg2[%dma_wait3A_2396] : memref<2621440xf32, #tpu.memory_space<hbm>> -> memref<2621440xf32, #tpu.memory_space<hbm>>
    tpu.wait_indirect_dma semaphore(%arg12 : memref<!tpu.dma_semaphore, #tpu.memory_space<semaphore_mem>>) src(%dma_wait3A_2397 : memref<2621440xf32, #tpu.memory_space<hbm>>) dst(%dma_wait3A_2393 : memref<512xf32, #tpu.memory_space<vmem>>)
    %get3A_2398 = arith.constant 0 : index
    %get3A_2399 = tpu.vector_load %arg10[%get3A_2398] {strides = array<i32>} : memref<2560xf32, #tpu.memory_space<vmem>>, vector<16xf32>,
    %get3A_2400 = vector.shape_cast %get3A_2399 : vector<16xf32> to vector<16xf32>
    %get3A_2401 = arith.constant 0 : index
    %get3A_2402 = tpu.vector_load %arg7[%get3A_2401] {strides = array<i32>} : memref<2560xf32, #tpu.memory_space<vmem>>, vector<16xf32>,
    %get3A_2403 = vector.shape_cast %get3A_2402 : vector<16xf32> to vector<16xf32>
    %sub3A_2404 = arith.subf %get3A_2400, %get3A_2403 : vector<16xf32>
    %abs3A = math.absf %sub3A_2404 : vector<16xf32>
    %get3A_2405 = arith.constant 0 : i32
    %get3A_2406 = arith.index_cast %get3A_2405 : i32 to index
    %get3A_2407 = arith.constant 0 : index
    %get3A_2408 = tpu.vector_load %arg8[%get3A_2406, %get3A_2407] {strides = array<i32>} : memref<16x16xf32, #tpu.memory_space<vmem>>, vector<1x16xf32>,
    %get3A_2409 = vector.shape_cast %get3A_2408 : vector<1x16xf32> to vector<16xf32>
    %mul3A_2410 = arith.mulf %abs3A, %get3A_2409 : vector<16xf32>
    %add3A_2411 = arith.addf %broadcast_in_dim3A_98, %mul3A_2410 : vector<16xf32>
    %get3A_2412 = arith.constant 16 : index
    %get3A_2413 = tpu.vector_load %arg10[%get3A_2412] {strides = array<i32>} : memref<2560xf32, #tpu.memory_space<vmem>>, vector<16xf32>,
    %get3A_2414 = vector.shape_cast %get3A_2413 : vector<16xf32> to vector<16xf32>
    %get3A_2415 = arith.constant 16 : index
    %get3A_2416 = tpu.vector_load %arg7[%get3A_2415] {strides = array<i32>} : memref<2560xf32, #tpu.memory_space<vmem>>, vector<16xf32>,
    %get3A_2417 = vector.shape_cast %get3A_2416 : vector<16xf32> to vector<16xf32>
    %sub3A_2418 = arith.subf %get3A_2414, %get3A_2417 : vector<16xf32>
    %abs3A_2419 = math.absf %sub3A_2418 : vector<16xf32>
    %get3A_2420 = arith.constant 1 : i32
    %get3A_2421 = arith.index_cast %get3A_2420 : i32 to index
    %get3A_2422 = arith.constant 0 : index
    %get3A_2423 = tpu.vector_load %arg8[%get3A_2421, %get3A_2422] {strides = array<i32>} : memref<16x16xf32, #tpu.memory_space<vmem>>, vector<1x16xf32>,
    %get3A_2424 = vector.shape_cast %get3A_2423 : vector<1x16xf32> to vector<16xf32>
    %mul3A_2425 = arith.mulf %abs3A_2419, %get3A_2424 : vector<16xf32>
    %add3A_2426 = arith.addf %add3A_2411, %mul3A_2425 : vector<16xf32>
    %get3A_2427 = arith.constant 32 : index
    %get3A_2428 = tpu.vector_load %arg10[%get3A_2427] {strides = array<i32>} : memref<2560xf32, #tpu.memory_space<vmem>>, vector<16xf32>,
    %get3A_2429 = vector.shape_cast %get3A_2428 : vector<16xf32> to vector<16xf32>
    %get3A_2430 = arith.constant 32 : index
    %get3A_2431 = tpu.vector_load %arg7[%get3A_2430] {strides = array<i32>} : memref<2560xf32, #tpu.memory_space<vmem>>, vector<16xf32>,
    %get3A_2432 = vector.shape_cast %get3A_2431 : vector<16xf32> to vector<16xf32>
    %sub3A_2433 = arith.subf %get3A_2429, %get3A_2432 : vector<16xf32>
    %abs3A_2434 = math.absf %sub3A_2433 : vector<16xf32>
    %get3A_2435 = arith.constant 2 : i32
    %get3A_2436 = arith.index_cast %get3A_2435 : i32 to index
    %get3A_2437 = arith.constant 0 : index
    %get3A_2438 = tpu.vector_load %arg8[%get3A_2436, %get3A_2437] {strides = array<i32>} : memref<16x16xf32, #tpu.memory_space<vmem>>, vector<1x16xf32>,
    %get3A_2439 = vector.shape_cast %get3A_2438 : vector<1x16xf32> to vector<16xf32>
    %mul3A_2440 = arith.mulf %abs3A_2434, %get3A_2439 : vector<16xf32>
    %add3A_2441 = arith.addf %add3A_2426, %mul3A_2440 : vector<16xf32>
    %get3A_2442 = arith.constant 48 : index
    %get3A_2443 = tpu.vector_load %arg10[%get3A_2442] {strides = array<i32>} : memref<2560xf32, #tpu.memory_space<vmem>>, vector<16xf32>,
    %get3A_2444 = vector.shape_cast %get3A_2443 : vector<16xf32> to vector<16xf32>
    %get3A_2445 = arith.constant 48 : index
    %get3A_2446 = tpu.vector_load %arg7[%get3A_2445] {strides = array<i32>} : memref<2560xf32, #tpu.memory_space<vmem>>, vector<16xf32>,
    %get3A_2447 = vector.shape_cast %get3A_2446 : vector<16xf32> to vector<16xf32>
    %sub3A_2448 = arith.subf %get3A_2444, %get3A_2447 : vector<16xf32>
    %abs3A_2449 = math.absf %sub3A_2448 : vector<16xf32>
    %get3A_2450 = arith.constant 3 : i32
    %get3A_2451 = arith.index_cast %get3A_2450 : i32 to index
    %get3A_2452 = arith.constant 0 : index
    %get3A_2453 = tpu.vector_load %arg8[%get3A_2451, %get3A_2452] {strides = array<i32>} : memref<16x16xf32, #tpu.memory_space<vmem>>, vector<1x16xf32>,
    %get3A_2454 = vector.shape_cast %get3A_2453 : vector<1x16xf32> to vector<16xf32>
    %mul3A_2455 = arith.mulf %abs3A_2449, %get3A_2454 : vector<16xf32>
    %add3A_2456 = arith.addf %add3A_2441, %mul3A_2455 : vector<16xf32>
    %get3A_2457 = arith.constant 64 : index
    %get3A_2458 = tpu.vector_load %arg10[%get3A_2457] {strides = array<i32>} : memref<2560xf32, #tpu.memory_space<vmem>>, vector<16xf32>,
    %get3A_2459 = vector.shape_cast %get3A_2458 : vector<16xf32> to vector<16xf32>
    %get3A_2460 = arith.constant 64 : index
    %get3A_2461 = tpu.vector_load %arg7[%get3A_2460] {strides = array<i32>} : memref<2560xf32, #tpu.memory_space<vmem>>, vector<16xf32>,
    %get3A_2462 = vector.shape_cast %get3A_2461 : vector<16xf32> to vector<16xf32>
    %sub3A_2463 = arith.subf %get3A_2459, %get3A_2462 : vector<16xf32>
    %abs3A_2464 = math.absf %sub3A_2463 : vector<16xf32>
    %get3A_2465 = arith.constant 4 : i32
    %get3A_2466 = arith.index_cast %get3A_2465 : i32 to index
    %get3A_2467 = arith.constant 0 : index
    %get3A_2468 = tpu.vector_load %arg8[%get3A_2466, %get3A_2467] {strides = array<i32>} : memref<16x16xf32, #tpu.memory_space<vmem>>, vector<1x16xf32>,
    %get3A_2469 = vector.shape_cast %get3A_2468 : vector<1x16xf32> to vector<16xf32>
    %mul3A_2470 = arith.mulf %abs3A_2464, %get3A_2469 : vector<16xf32>
    %add3A_2471 = arith.addf %add3A_2456, %mul3A_2470 : vector<16xf32>
    %get3A_2472 = arith.constant 80 : index
    %get3A_2473 = tpu.vector_load %arg10[%get3A_2472] {strides = array<i32>} : memref<2560xf32, #tpu.memory_space<vmem>>, vector<16xf32>,
    %get3A_2474 = vector.shape_cast %get3A_2473 : vector<16xf32> to vector<16xf32>
    %get3A_2475 = arith.constant 80 : index
    %get3A_2476 = tpu.vector_load %arg7[%get3A_2475] {strides = array<i32>} : memref<2560xf32, #tpu.memory_space<vmem>>, vector<16xf32>,
    %get3A_2477 = vector.shape_cast %get3A_2476 : vector<16xf32> to vector<16xf32>
    %sub3A_2478 = arith.subf %get3A_2474, %get3A_2477 : vector<16xf32>
    %abs3A_2479 = math.absf %sub3A_2478 : vector<16xf32>
    %get3A_2480 = arith.constant 5 : i32
    %get3A_2481 = arith.index_cast %get3A_2480 : i32 to index
    %get3A_2482 = arith.constant 0 : index
    %get3A_2483 = tpu.vector_load %arg8[%get3A_2481, %get3A_2482] {strides = array<i32>} : memref<16x16xf32, #tpu.memory_space<vmem>>, vector<1x16xf32>,
    %get3A_2484 = vector.shape_cast %get3A_2483 : vector<1x16xf32> to vector<16xf32>
    %mul3A_2485 = arith.mulf %abs3A_2479, %get3A_2484 : vector<16xf32>
    %add3A_2486 = arith.addf %add3A_2471, %mul3A_2485 : vector<16xf32>
    %get3A_2487 = arith.constant 96 : index
    %get3A_2488 = tpu.vector_load %arg10[%get3A_2487] {strides = array<i32>} : memref<2560xf32, #tpu.memory_space<vmem>>, vector<16xf32>,
    %get3A_2489 = vector.shape_cast %get3A_2488 : vector<16xf32> to vector<16xf32>
    %get3A_2490 = arith.constant 96 : index
    %get3A_2491 = tpu.vector_load %arg7[%get3A_2490] {strides = array<i32>} : memref<2560xf32, #tpu.memory_space<vmem>>, vector<16xf32>,
    %get3A_2492 = vector.shape_cast %get3A_2491 : vector<16xf32> to vector<16xf32>
    %sub3A_2493 = arith.subf %get3A_2489, %get3A_2492 : vector<16xf32>
    %abs3A_2494 = math.absf %sub3A_2493 : vector<16xf32>
    %get3A_2495 = arith.constant 6 : i32
    %get3A_2496 = arith.index_cast %get3A_2495 : i32 to index
    %get3A_2497 = arith.constant 0 : index
    %get3A_2498 = tpu.vector_load %arg8[%get3A_2496, %get3A_2497] {strides = array<i32>} : memref<16x16xf32, #tpu.memory_space<vmem>>, vector<1x16xf32>,
    %get3A_2499 = vector.shape_cast %get3A_2498 : vector<1x16xf32> to vector<16xf32>
    %mul3A_2500 = arith.mulf %abs3A_2494, %get3A_2499 : vector<16xf32>
    %add3A_2501 = arith.addf %add3A_2486, %mul3A_2500 : vector<16xf32>
    %get3A_2502 = arith.constant 112 : index
    %get3A_2503 = tpu.vector_load %arg10[%get3A_2502] {strides = array<i32>} : memref<2560xf32, #tpu.memory_space<vmem>>, vector<16xf32>,
    %get3A_2504 = vector.shape_cast %get3A_2503 : vector<16xf32> to vector<16xf32>
    %get3A_2505 = arith.constant 112 : index
    %get3A_2506 = tpu.vector_load %arg7[%get3A_2505] {strides = array<i32>} : memref<2560xf32, #tpu.memory_space<vmem>>, vector<16xf32>,
    %get3A_2507 = vector.shape_cast %get3A_2506 : vector<16xf32> to vector<16xf32>
    %sub3A_2508 = arith.subf %get3A_2504, %get3A_2507 : vector<16xf32>
    %abs3A_2509 = math.absf %sub3A_2508 : vector<16xf32>
    %get3A_2510 = arith.constant 7 : i32
    %get3A_2511 = arith.index_cast %get3A_2510 : i32 to index
    %get3A_2512 = arith.constant 0 : index
    %get3A_2513 = tpu.vector_load %arg8[%get3A_2511, %get3A_2512] {strides = array<i32>} : memref<16x16xf32, #tpu.memory_space<vmem>>, vector<1x16xf32>,
    %get3A_2514 = vector.shape_cast %get3A_2513 : vector<1x16xf32> to vector<16xf32>
    %mul3A_2515 = arith.mulf %abs3A_2509, %get3A_2514 : vector<16xf32>
    %add3A_2516 = arith.addf %add3A_2501, %mul3A_2515 : vector<16xf32>
    %get3A_2517 = arith.constant 128 : index
    %get3A_2518 = tpu.vector_load %arg10[%get3A_2517] {strides = array<i32>} : memref<2560xf32, #tpu.memory_space<vmem>>, vector<16xf32>,
    %get3A_2519 = vector.shape_cast %get3A_2518 : vector<16xf32> to vector<16xf32>
    %get3A_2520 = arith.constant 128 : index
    %get3A_2521 = tpu.vector_load %arg7[%get3A_2520] {strides = array<i32>} : memref<2560xf32, #tpu.memory_space<vmem>>, vector<16xf32>,
    %get3A_2522 = vector.shape_cast %get3A_2521 : vector<16xf32> to vector<16xf32>
    %sub3A_2523 = arith.subf %get3A_2519, %get3A_2522 : vector<16xf32>
    %abs3A_2524 = math.absf %sub3A_2523 : vector<16xf32>
    %get3A_2525 = arith.constant 8 : i32
    %get3A_2526 = arith.index_cast %get3A_2525 : i32 to index
    %get3A_2527 = arith.constant 0 : index
    %get3A_2528 = tpu.vector_load %arg8[%get3A_2526, %get3A_2527] {strides = array<i32>} : memref<16x16xf32, #tpu.memory_space<vmem>>, vector<1x16xf32>,
    %get3A_2529 = vector.shape_cast %get3A_2528 : vector<1x16xf32> to vector<16xf32>
    %mul3A_2530 = arith.mulf %abs3A_2524, %get3A_2529 : vector<16xf32>
    %add3A_2531 = arith.addf %add3A_2516, %mul3A_2530 : vector<16xf32>
    %get3A_2532 = arith.constant 144 : index
    %get3A_2533 = tpu.vector_load %arg10[%get3A_2532] {strides = array<i32>} : memref<2560xf32, #tpu.memory_space<vmem>>, vector<16xf32>,
    %get3A_2534 = vector.shape_cast %get3A_2533 : vector<16xf32> to vector<16xf32>
    %get3A_2535 = arith.constant 144 : index
    %get3A_2536 = tpu.vector_load %arg7[%get3A_2535] {strides = array<i32>} : memref<2560xf32, #tpu.memory_space<vmem>>, vector<16xf32>,
    %get3A_2537 = vector.shape_cast %get3A_2536 : vector<16xf32> to vector<16xf32>
    %sub3A_2538 = arith.subf %get3A_2534, %get3A_2537 : vector<16xf32>
    %abs3A_2539 = math.absf %sub3A_2538 : vector<16xf32>
    %get3A_2540 = arith.constant 9 : i32
    %get3A_2541 = arith.index_cast %get3A_2540 : i32 to index
    %get3A_2542 = arith.constant 0 : index
    %get3A_2543 = tpu.vector_load %arg8[%get3A_2541, %get3A_2542] {strides = array<i32>} : memref<16x16xf32, #tpu.memory_space<vmem>>, vector<1x16xf32>,
    %get3A_2544 = vector.shape_cast %get3A_2543 : vector<1x16xf32> to vector<16xf32>
    %mul3A_2545 = arith.mulf %abs3A_2539, %get3A_2544 : vector<16xf32>
    %add3A_2546 = arith.addf %add3A_2531, %mul3A_2545 : vector<16xf32>
    %get3A_2547 = arith.constant 160 : index
    %get3A_2548 = tpu.vector_load %arg10[%get3A_2547] {strides = array<i32>} : memref<2560xf32, #tpu.memory_space<vmem>>, vector<16xf32>,
    %get3A_2549 = vector.shape_cast %get3A_2548 : vector<16xf32> to vector<16xf32>
    %get3A_2550 = arith.constant 160 : index
    %get3A_2551 = tpu.vector_load %arg7[%get3A_2550] {strides = array<i32>} : memref<2560xf32, #tpu.memory_space<vmem>>, vector<16xf32>,
    %get3A_2552 = vector.shape_cast %get3A_2551 : vector<16xf32> to vector<16xf32>
    %sub3A_2553 = arith.subf %get3A_2549, %get3A_2552 : vector<16xf32>
    %abs3A_2554 = math.absf %sub3A_2553 : vector<16xf32>
    %get3A_2555 = arith.constant 10 : i32
    %get3A_2556 = arith.index_cast %get3A_2555 : i32 to index
    %get3A_2557 = arith.constant 0 : index
    %get3A_2558 = tpu.vector_load %arg8[%get3A_2556, %get3A_2557] {strides = array<i32>} : memref<16x16xf32, #tpu.memory_space<vmem>>, vector<1x16xf32>,
    %get3A_2559 = vector.shape_cast %get3A_2558 : vector<1x16xf32> to vector<16xf32>
    %mul3A_2560 = arith.mulf %abs3A_2554, %get3A_2559 : vector<16xf32>
    %add3A_2561 = arith.addf %add3A_2546, %mul3A_2560 : vector<16xf32>
    %get3A_2562 = arith.constant 176 : index
    %get3A_2563 = tpu.vector_load %arg10[%get3A_2562] {strides = array<i32>} : memref<2560xf32, #tpu.memory_space<vmem>>, vector<16xf32>,
    %get3A_2564 = vector.shape_cast %get3A_2563 : vector<16xf32> to vector<16xf32>
    %get3A_2565 = arith.constant 176 : index
    %get3A_2566 = tpu.vector_load %arg7[%get3A_2565] {strides = array<i32>} : memref<2560xf32, #tpu.memory_space<vmem>>, vector<16xf32>,
    %get3A_2567 = vector.shape_cast %get3A_2566 : vector<16xf32> to vector<16xf32>
    %sub3A_2568 = arith.subf %get3A_2564, %get3A_2567 : vector<16xf32>
    %abs3A_2569 = math.absf %sub3A_2568 : vector<16xf32>
    %get3A_2570 = arith.constant 11 : i32
    %get3A_2571 = arith.index_cast %get3A_2570 : i32 to index
    %get3A_2572 = arith.constant 0 : index
    %get3A_2573 = tpu.vector_load %arg8[%get3A_2571, %get3A_2572] {strides = array<i32>} : memref<16x16xf32, #tpu.memory_space<vmem>>, vector<1x16xf32>,
    %get3A_2574 = vector.shape_cast %get3A_2573 : vector<1x16xf32> to vector<16xf32>
    %mul3A_2575 = arith.mulf %abs3A_2569, %get3A_2574 : vector<16xf32>
    %add3A_2576 = arith.addf %add3A_2561, %mul3A_2575 : vector<16xf32>
    %get3A_2577 = arith.constant 192 : index
    %get3A_2578 = tpu.vector_load %arg10[%get3A_2577] {strides = array<i32>} : memref<2560xf32, #tpu.memory_space<vmem>>, vector<16xf32>,
    %get3A_2579 = vector.shape_cast %get3A_2578 : vector<16xf32> to vector<16xf32>
    %get3A_2580 = arith.constant 192 : index
    %get3A_2581 = tpu.vector_load %arg7[%get3A_2580] {strides = array<i32>} : memref<2560xf32, #tpu.memory_space<vmem>>, vector<16xf32>,
    %get3A_2582 = vector.shape_cast %get3A_2581 : vector<16xf32> to vector<16xf32>
    %sub3A_2583 = arith.subf %get3A_2579, %get3A_2582 : vector<16xf32>
    %abs3A_2584 = math.absf %sub3A_2583 : vector<16xf32>
    %get3A_2585 = arith.constant 12 : i32
    %get3A_2586 = arith.index_cast %get3A_2585 : i32 to index
    %get3A_2587 = arith.constant 0 : index
    %get3A_2588 = tpu.vector_load %arg8[%get3A_2586, %get3A_2587] {strides = array<i32>} : memref<16x16xf32, #tpu.memory_space<vmem>>, vector<1x16xf32>,
    %get3A_2589 = vector.shape_cast %get3A_2588 : vector<1x16xf32> to vector<16xf32>
    %mul3A_2590 = arith.mulf %abs3A_2584, %get3A_2589 : vector<16xf32>
    %add3A_2591 = arith.addf %add3A_2576, %mul3A_2590 : vector<16xf32>
    %get3A_2592 = arith.constant 208 : index
    %get3A_2593 = tpu.vector_load %arg10[%get3A_2592] {strides = array<i32>} : memref<2560xf32, #tpu.memory_space<vmem>>, vector<16xf32>,
    %get3A_2594 = vector.shape_cast %get3A_2593 : vector<16xf32> to vector<16xf32>
    %get3A_2595 = arith.constant 208 : index
    %get3A_2596 = tpu.vector_load %arg7[%get3A_2595] {strides = array<i32>} : memref<2560xf32, #tpu.memory_space<vmem>>, vector<16xf32>,
    %get3A_2597 = vector.shape_cast %get3A_2596 : vector<16xf32> to vector<16xf32>
    %sub3A_2598 = arith.subf %get3A_2594, %get3A_2597 : vector<16xf32>
    %abs3A_2599 = math.absf %sub3A_2598 : vector<16xf32>
    %get3A_2600 = arith.constant 13 : i32
    %get3A_2601 = arith.index_cast %get3A_2600 : i32 to index
    %get3A_2602 = arith.constant 0 : index
    %get3A_2603 = tpu.vector_load %arg8[%get3A_2601, %get3A_2602] {strides = array<i32>} : memref<16x16xf32, #tpu.memory_space<vmem>>, vector<1x16xf32>,
    %get3A_2604 = vector.shape_cast %get3A_2603 : vector<1x16xf32> to vector<16xf32>
    %mul3A_2605 = arith.mulf %abs3A_2599, %get3A_2604 : vector<16xf32>
    %add3A_2606 = arith.addf %add3A_2591, %mul3A_2605 : vector<16xf32>
    %get3A_2607 = arith.constant 224 : index
    %get3A_2608 = tpu.vector_load %arg10[%get3A_2607] {strides = array<i32>} : memref<2560xf32, #tpu.memory_space<vmem>>, vector<16xf32>,
    %get3A_2609 = vector.shape_cast %get3A_2608 : vector<16xf32> to vector<16xf32>
    %get3A_2610 = arith.constant 224 : index
    %get3A_2611 = tpu.vector_load %arg7[%get3A_2610] {strides = array<i32>} : memref<2560xf32, #tpu.memory_space<vmem>>, vector<16xf32>,
    %get3A_2612 = vector.shape_cast %get3A_2611 : vector<16xf32> to vector<16xf32>
    %sub3A_2613 = arith.subf %get3A_2609, %get3A_2612 : vector<16xf32>
    %abs3A_2614 = math.absf %sub3A_2613 : vector<16xf32>
    %get3A_2615 = arith.constant 14 : i32
    %get3A_2616 = arith.index_cast %get3A_2615 : i32 to index
    %get3A_2617 = arith.constant 0 : index
    %get3A_2618 = tpu.vector_load %arg8[%get3A_2616, %get3A_2617] {strides = array<i32>} : memref<16x16xf32, #tpu.memory_space<vmem>>, vector<1x16xf32>,
    %get3A_2619 = vector.shape_cast %get3A_2618 : vector<1x16xf32> to vector<16xf32>
    %mul3A_2620 = arith.mulf %abs3A_2614, %get3A_2619 : vector<16xf32>
    %add3A_2621 = arith.addf %add3A_2606, %mul3A_2620 : vector<16xf32>
    %get3A_2622 = arith.constant 240 : index
    %get3A_2623 = tpu.vector_load %arg10[%get3A_2622] {strides = array<i32>} : memref<2560xf32, #tpu.memory_space<vmem>>, vector<16xf32>,
    %get3A_2624 = vector.shape_cast %get3A_2623 : vector<16xf32> to vector<16xf32>
    %get3A_2625 = arith.constant 240 : index
    %get3A_2626 = tpu.vector_load %arg7[%get3A_2625] {strides = array<i32>} : memref<2560xf32, #tpu.memory_space<vmem>>, vector<16xf32>,
    %get3A_2627 = vector.shape_cast %get3A_2626 : vector<16xf32> to vector<16xf32>
    %sub3A_2628 = arith.subf %get3A_2624, %get3A_2627 : vector<16xf32>
    %abs3A_2629 = math.absf %sub3A_2628 : vector<16xf32>
    %get3A_2630 = arith.constant 15 : i32
    %get3A_2631 = arith.index_cast %get3A_2630 : i32 to index
    %get3A_2632 = arith.constant 0 : index
    %get3A_2633 = tpu.vector_load %arg8[%get3A_2631, %get3A_2632] {strides = array<i32>} : memref<16x16xf32, #tpu.memory_space<vmem>>, vector<1x16xf32>,
    %get3A_2634 = vector.shape_cast %get3A_2633 : vector<1x16xf32> to vector<16xf32>
    %mul3A_2635 = arith.mulf %abs3A_2629, %get3A_2634 : vector<16xf32>
    %add3A_2636 = arith.addf %add3A_2621, %mul3A_2635 : vector<16xf32>
    %get3A_2637 = arith.constant 256 : index
    %get3A_2638 = tpu.vector_load %arg10[%get3A_2637] {strides = array<i32>} : memref<2560xf32, #tpu.memory_space<vmem>>, vector<16xf32>,
    %get3A_2639 = vector.shape_cast %get3A_2638 : vector<16xf32> to vector<16xf32>
    %get3A_2640 = arith.constant 256 : index
    %get3A_2641 = tpu.vector_load %arg7[%get3A_2640] {strides = array<i32>} : memref<2560xf32, #tpu.memory_space<vmem>>, vector<16xf32>,
    %get3A_2642 = vector.shape_cast %get3A_2641 : vector<16xf32> to vector<16xf32>
    %sub3A_2643 = arith.subf %get3A_2639, %get3A_2642 : vector<16xf32>
    %abs3A_2644 = math.absf %sub3A_2643 : vector<16xf32>
    %get3A_2645 = arith.constant 0 : i32
    %get3A_2646 = arith.index_cast %get3A_2645 : i32 to index
    %get3A_2647 = arith.constant 0 : index
    %get3A_2648 = tpu.vector_load %arg8[%get3A_2646, %get3A_2647] {strides = array<i32>} : memref<16x16xf32, #tpu.memory_space<vmem>>, vector<1x16xf32>,
    %get3A_2649 = vector.shape_cast %get3A_2648 : vector<1x16xf32> to vector<16xf32>
    %mul3A_2650 = arith.mulf %abs3A_2644, %get3A_2649 : vector<16xf32>
    %add3A_2651 = arith.addf %broadcast_in_dim3A_98, %mul3A_2650 : vector<16xf32>
    %get3A_2652 = arith.constant 272 : index
    %get3A_2653 = tpu.vector_load %arg10[%get3A_2652] {strides = array<i32>} : memref<2560xf32, #tpu.memory_space<vmem>>, vector<16xf32>,
    %get3A_2654 = vector.shape_cast %get3A_2653 : vector<16xf32> to vector<16xf32>
    %get3A_2655 = arith.constant 272 : index
    %get3A_2656 = tpu.vector_load %arg7[%get3A_2655] {strides = array<i32>} : memref<2560xf32, #tpu.memory_space<vmem>>, vector<16xf32>,
    %get3A_2657 = vector.shape_cast %get3A_2656 : vector<16xf32> to vector<16xf32>
    %sub3A_2658 = arith.subf %get3A_2654, %get3A_2657 : vector<16xf32>
    %abs3A_2659 = math.absf %sub3A_2658 : vector<16xf32>
    %get3A_2660 = arith.constant 1 : i32
    %get3A_2661 = arith.index_cast %get3A_2660 : i32 to index
    %get3A_2662 = arith.constant 0 : index
    %get3A_2663 = tpu.vector_load %arg8[%get3A_2661, %get3A_2662] {strides = array<i32>} : memref<16x16xf32, #tpu.memory_space<vmem>>, vector<1x16xf32>,
    %get3A_2664 = vector.shape_cast %get3A_2663 : vector<1x16xf32> to vector<16xf32>
    %mul3A_2665 = arith.mulf %abs3A_2659, %get3A_2664 : vector<16xf32>
    %add3A_2666 = arith.addf %add3A_2651, %mul3A_2665 : vector<16xf32>
    %get3A_2667 = arith.constant 288 : index
    %get3A_2668 = tpu.vector_load %arg10[%get3A_2667] {strides = array<i32>} : memref<2560xf32, #tpu.memory_space<vmem>>, vector<16xf32>,
    %get3A_2669 = vector.shape_cast %get3A_2668 : vector<16xf32> to vector<16xf32>
    %get3A_2670 = arith.constant 288 : index
    %get3A_2671 = tpu.vector_load %arg7[%get3A_2670] {strides = array<i32>} : memref<2560xf32, #tpu.memory_space<vmem>>, vector<16xf32>,
    %get3A_2672 = vector.shape_cast %get3A_2671 : vector<16xf32> to vector<16xf32>
    %sub3A_2673 = arith.subf %get3A_2669, %get3A_2672 : vector<16xf32>
    %abs3A_2674 = math.absf %sub3A_2673 : vector<16xf32>
    %get3A_2675 = arith.constant 2 : i32
    %get3A_2676 = arith.index_cast %get3A_2675 : i32 to index
    %get3A_2677 = arith.constant 0 : index
    %get3A_2678 = tpu.vector_load %arg8[%get3A_2676, %get3A_2677] {strides = array<i32>} : memref<16x16xf32, #tpu.memory_space<vmem>>, vector<1x16xf32>,
    %get3A_2679 = vector.shape_cast %get3A_2678 : vector<1x16xf32> to vector<16xf32>
    %mul3A_2680 = arith.mulf %abs3A_2674, %get3A_2679 : vector<16xf32>
    %add3A_2681 = arith.addf %add3A_2666, %mul3A_2680 : vector<16xf32>
    %get3A_2682 = arith.constant 304 : index
    %get3A_2683 = tpu.vector_load %arg10[%get3A_2682] {strides = array<i32>} : memref<2560xf32, #tpu.memory_space<vmem>>, vector<16xf32>,
    %get3A_2684 = vector.shape_cast %get3A_2683 : vector<16xf32> to vector<16xf32>
    %get3A_2685 = arith.constant 304 : index
    %get3A_2686 = tpu.vector_load %arg7[%get3A_2685] {strides = array<i32>} : memref<2560xf32, #tpu.memory_space<vmem>>, vector<16xf32>,
    %get3A_2687 = vector.shape_cast %get3A_2686 : vector<16xf32> to vector<16xf32>
    %sub3A_2688 = arith.subf %get3A_2684, %get3A_2687 : vector<16xf32>
    %abs3A_2689 = math.absf %sub3A_2688 : vector<16xf32>
    %get3A_2690 = arith.constant 3 : i32
    %get3A_2691 = arith.index_cast %get3A_2690 : i32 to index
    %get3A_2692 = arith.constant 0 : index
    %get3A_2693 = tpu.vector_load %arg8[%get3A_2691, %get3A_2692] {strides = array<i32>} : memref<16x16xf32, #tpu.memory_space<vmem>>, vector<1x16xf32>,
    %get3A_2694 = vector.shape_cast %get3A_2693 : vector<1x16xf32> to vector<16xf32>
    %mul3A_2695 = arith.mulf %abs3A_2689, %get3A_2694 : vector<16xf32>
    %add3A_2696 = arith.addf %add3A_2681, %mul3A_2695 : vector<16xf32>
    %get3A_2697 = arith.constant 320 : index
    %get3A_2698 = tpu.vector_load %arg10[%get3A_2697] {strides = array<i32>} : memref<2560xf32, #tpu.memory_space<vmem>>, vector<16xf32>,
    %get3A_2699 = vector.shape_cast %get3A_2698 : vector<16xf32> to vector<16xf32>
    %get3A_2700 = arith.constant 320 : index
    %get3A_2701 = tpu.vector_load %arg7[%get3A_2700] {strides = array<i32>} : memref<2560xf32, #tpu.memory_space<vmem>>, vector<16xf32>,
    %get3A_2702 = vector.shape_cast %get3A_2701 : vector<16xf32> to vector<16xf32>
    %sub3A_2703 = arith.subf %get3A_2699, %get3A_2702 : vector<16xf32>
    %abs3A_2704 = math.absf %sub3A_2703 : vector<16xf32>
    %get3A_2705 = arith.constant 4 : i32
    %get3A_2706 = arith.index_cast %get3A_2705 : i32 to index
    %get3A_2707 = arith.constant 0 : index
    %get3A_2708 = tpu.vector_load %arg8[%get3A_2706, %get3A_2707] {strides = array<i32>} : memref<16x16xf32, #tpu.memory_space<vmem>>, vector<1x16xf32>,
    %get3A_2709 = vector.shape_cast %get3A_2708 : vector<1x16xf32> to vector<16xf32>
    %mul3A_2710 = arith.mulf %abs3A_2704, %get3A_2709 : vector<16xf32>
    %add3A_2711 = arith.addf %add3A_2696, %mul3A_2710 : vector<16xf32>
    %get3A_2712 = arith.constant 336 : index
    %get3A_2713 = tpu.vector_load %arg10[%get3A_2712] {strides = array<i32>} : memref<2560xf32, #tpu.memory_space<vmem>>, vector<16xf32>,
    %get3A_2714 = vector.shape_cast %get3A_2713 : vector<16xf32> to vector<16xf32>
    %get3A_2715 = arith.constant 336 : index
    %get3A_2716 = tpu.vector_load %arg7[%get3A_2715] {strides = array<i32>} : memref<2560xf32, #tpu.memory_space<vmem>>, vector<16xf32>,
    %get3A_2717 = vector.shape_cast %get3A_2716 : vector<16xf32> to vector<16xf32>
    %sub3A_2718 = arith.subf %get3A_2714, %get3A_2717 : vector<16xf32>
    %abs3A_2719 = math.absf %sub3A_2718 : vector<16xf32>
    %get3A_2720 = arith.constant 5 : i32
    %get3A_2721 = arith.index_cast %get3A_2720 : i32 to index
    %get3A_2722 = arith.constant 0 : index
    %get3A_2723 = tpu.vector_load %arg8[%get3A_2721, %get3A_2722] {strides = array<i32>} : memref<16x16xf32, #tpu.memory_space<vmem>>, vector<1x16xf32>,
    %get3A_2724 = vector.shape_cast %get3A_2723 : vector<1x16xf32> to vector<16xf32>
    %mul3A_2725 = arith.mulf %abs3A_2719, %get3A_2724 : vector<16xf32>
    %add3A_2726 = arith.addf %add3A_2711, %mul3A_2725 : vector<16xf32>
    %get3A_2727 = arith.constant 352 : index
    %get3A_2728 = tpu.vector_load %arg10[%get3A_2727] {strides = array<i32>} : memref<2560xf32, #tpu.memory_space<vmem>>, vector<16xf32>,
    %get3A_2729 = vector.shape_cast %get3A_2728 : vector<16xf32> to vector<16xf32>
    %get3A_2730 = arith.constant 352 : index
    %get3A_2731 = tpu.vector_load %arg7[%get3A_2730] {strides = array<i32>} : memref<2560xf32, #tpu.memory_space<vmem>>, vector<16xf32>,
    %get3A_2732 = vector.shape_cast %get3A_2731 : vector<16xf32> to vector<16xf32>
    %sub3A_2733 = arith.subf %get3A_2729, %get3A_2732 : vector<16xf32>
    %abs3A_2734 = math.absf %sub3A_2733 : vector<16xf32>
    %get3A_2735 = arith.constant 6 : i32
    %get3A_2736 = arith.index_cast %get3A_2735 : i32 to index
    %get3A_2737 = arith.constant 0 : index
    %get3A_2738 = tpu.vector_load %arg8[%get3A_2736, %get3A_2737] {strides = array<i32>} : memref<16x16xf32, #tpu.memory_space<vmem>>, vector<1x16xf32>,
    %get3A_2739 = vector.shape_cast %get3A_2738 : vector<1x16xf32> to vector<16xf32>
    %mul3A_2740 = arith.mulf %abs3A_2734, %get3A_2739 : vector<16xf32>
    %add3A_2741 = arith.addf %add3A_2726, %mul3A_2740 : vector<16xf32>
    %get3A_2742 = arith.constant 368 : index
    %get3A_2743 = tpu.vector_load %arg10[%get3A_2742] {strides = array<i32>} : memref<2560xf32, #tpu.memory_space<vmem>>, vector<16xf32>,
    %get3A_2744 = vector.shape_cast %get3A_2743 : vector<16xf32> to vector<16xf32>
    %get3A_2745 = arith.constant 368 : index
    %get3A_2746 = tpu.vector_load %arg7[%get3A_2745] {strides = array<i32>} : memref<2560xf32, #tpu.memory_space<vmem>>, vector<16xf32>,
    %get3A_2747 = vector.shape_cast %get3A_2746 : vector<16xf32> to vector<16xf32>
    %sub3A_2748 = arith.subf %get3A_2744, %get3A_2747 : vector<16xf32>
    %abs3A_2749 = math.absf %sub3A_2748 : vector<16xf32>
    %get3A_2750 = arith.constant 7 : i32
    %get3A_2751 = arith.index_cast %get3A_2750 : i32 to index
    %get3A_2752 = arith.constant 0 : index
    %get3A_2753 = tpu.vector_load %arg8[%get3A_2751, %get3A_2752] {strides = array<i32>} : memref<16x16xf32, #tpu.memory_space<vmem>>, vector<1x16xf32>,
    %get3A_2754 = vector.shape_cast %get3A_2753 : vector<1x16xf32> to vector<16xf32>
    %mul3A_2755 = arith.mulf %abs3A_2749, %get3A_2754 : vector<16xf32>
    %add3A_2756 = arith.addf %add3A_2741, %mul3A_2755 : vector<16xf32>
    %get3A_2757 = arith.constant 384 : index
    %get3A_2758 = tpu.vector_load %arg10[%get3A_2757] {strides = array<i32>} : memref<2560xf32, #tpu.memory_space<vmem>>, vector<16xf32>,
    %get3A_2759 = vector.shape_cast %get3A_2758 : vector<16xf32> to vector<16xf32>
    %get3A_2760 = arith.constant 384 : index
    %get3A_2761 = tpu.vector_load %arg7[%get3A_2760] {strides = array<i32>} : memref<2560xf32, #tpu.memory_space<vmem>>, vector<16xf32>,
    %get3A_2762 = vector.shape_cast %get3A_2761 : vector<16xf32> to vector<16xf32>
    %sub3A_2763 = arith.subf %get3A_2759, %get3A_2762 : vector<16xf32>
    %abs3A_2764 = math.absf %sub3A_2763 : vector<16xf32>
    %get3A_2765 = arith.constant 8 : i32
    %get3A_2766 = arith.index_cast %get3A_2765 : i32 to index
    %get3A_2767 = arith.constant 0 : index
    %get3A_2768 = tpu.vector_load %arg8[%get3A_2766, %get3A_2767] {strides = array<i32>} : memref<16x16xf32, #tpu.memory_space<vmem>>, vector<1x16xf32>,
    %get3A_2769 = vector.shape_cast %get3A_2768 : vector<1x16xf32> to vector<16xf32>
    %mul3A_2770 = arith.mulf %abs3A_2764, %get3A_2769 : vector<16xf32>
    %add3A_2771 = arith.addf %add3A_2756, %mul3A_2770 : vector<16xf32>
    %get3A_2772 = arith.constant 400 : index
    %get3A_2773 = tpu.vector_load %arg10[%get3A_2772] {strides = array<i32>} : memref<2560xf32, #tpu.memory_space<vmem>>, vector<16xf32>,
    %get3A_2774 = vector.shape_cast %get3A_2773 : vector<16xf32> to vector<16xf32>
    %get3A_2775 = arith.constant 400 : index
    %get3A_2776 = tpu.vector_load %arg7[%get3A_2775] {strides = array<i32>} : memref<2560xf32, #tpu.memory_space<vmem>>, vector<16xf32>,
    %get3A_2777 = vector.shape_cast %get3A_2776 : vector<16xf32> to vector<16xf32>
    %sub3A_2778 = arith.subf %get3A_2774, %get3A_2777 : vector<16xf32>
    %abs3A_2779 = math.absf %sub3A_2778 : vector<16xf32>
    %get3A_2780 = arith.constant 9 : i32
    %get3A_2781 = arith.index_cast %get3A_2780 : i32 to index
    %get3A_2782 = arith.constant 0 : index
    %get3A_2783 = tpu.vector_load %arg8[%get3A_2781, %get3A_2782] {strides = array<i32>} : memref<16x16xf32, #tpu.memory_space<vmem>>, vector<1x16xf32>,
    %get3A_2784 = vector.shape_cast %get3A_2783 : vector<1x16xf32> to vector<16xf32>
    %mul3A_2785 = arith.mulf %abs3A_2779, %get3A_2784 : vector<16xf32>
    %add3A_2786 = arith.addf %add3A_2771, %mul3A_2785 : vector<16xf32>
    %get3A_2787 = arith.constant 416 : index
    %get3A_2788 = tpu.vector_load %arg10[%get3A_2787] {strides = array<i32>} : memref<2560xf32, #tpu.memory_space<vmem>>, vector<16xf32>,
    %get3A_2789 = vector.shape_cast %get3A_2788 : vector<16xf32> to vector<16xf32>
    %get3A_2790 = arith.constant 416 : index
    %get3A_2791 = tpu.vector_load %arg7[%get3A_2790] {strides = array<i32>} : memref<2560xf32, #tpu.memory_space<vmem>>, vector<16xf32>,
    %get3A_2792 = vector.shape_cast %get3A_2791 : vector<16xf32> to vector<16xf32>
    %sub3A_2793 = arith.subf %get3A_2789, %get3A_2792 : vector<16xf32>
    %abs3A_2794 = math.absf %sub3A_2793 : vector<16xf32>
    %get3A_2795 = arith.constant 10 : i32
    %get3A_2796 = arith.index_cast %get3A_2795 : i32 to index
    %get3A_2797 = arith.constant 0 : index
    %get3A_2798 = tpu.vector_load %arg8[%get3A_2796, %get3A_2797] {strides = array<i32>} : memref<16x16xf32, #tpu.memory_space<vmem>>, vector<1x16xf32>,
    %get3A_2799 = vector.shape_cast %get3A_2798 : vector<1x16xf32> to vector<16xf32>
    %mul3A_2800 = arith.mulf %abs3A_2794, %get3A_2799 : vector<16xf32>
    %add3A_2801 = arith.addf %add3A_2786, %mul3A_2800 : vector<16xf32>
    %get3A_2802 = arith.constant 432 : index
    %get3A_2803 = tpu.vector_load %arg10[%get3A_2802] {strides = array<i32>} : memref<2560xf32, #tpu.memory_space<vmem>>, vector<16xf32>,
    %get3A_2804 = vector.shape_cast %get3A_2803 : vector<16xf32> to vector<16xf32>
    %get3A_2805 = arith.constant 432 : index
    %get3A_2806 = tpu.vector_load %arg7[%get3A_2805] {strides = array<i32>} : memref<2560xf32, #tpu.memory_space<vmem>>, vector<16xf32>,
    %get3A_2807 = vector.shape_cast %get3A_2806 : vector<16xf32> to vector<16xf32>
    %sub3A_2808 = arith.subf %get3A_2804, %get3A_2807 : vector<16xf32>
    %abs3A_2809 = math.absf %sub3A_2808 : vector<16xf32>
    %get3A_2810 = arith.constant 11 : i32
    %get3A_2811 = arith.index_cast %get3A_2810 : i32 to index
    %get3A_2812 = arith.constant 0 : index
    %get3A_2813 = tpu.vector_load %arg8[%get3A_2811, %get3A_2812] {strides = array<i32>} : memref<16x16xf32, #tpu.memory_space<vmem>>, vector<1x16xf32>,
    %get3A_2814 = vector.shape_cast %get3A_2813 : vector<1x16xf32> to vector<16xf32>
    %mul3A_2815 = arith.mulf %abs3A_2809, %get3A_2814 : vector<16xf32>
    %add3A_2816 = arith.addf %add3A_2801, %mul3A_2815 : vector<16xf32>
    %get3A_2817 = arith.constant 448 : index
    %get3A_2818 = tpu.vector_load %arg10[%get3A_2817] {strides = array<i32>} : memref<2560xf32, #tpu.memory_space<vmem>>, vector<16xf32>,
    %get3A_2819 = vector.shape_cast %get3A_2818 : vector<16xf32> to vector<16xf32>
    %get3A_2820 = arith.constant 448 : index
    %get3A_2821 = tpu.vector_load %arg7[%get3A_2820] {strides = array<i32>} : memref<2560xf32, #tpu.memory_space<vmem>>, vector<16xf32>,
    %get3A_2822 = vector.shape_cast %get3A_2821 : vector<16xf32> to vector<16xf32>
    %sub3A_2823 = arith.subf %get3A_2819, %get3A_2822 : vector<16xf32>
    %abs3A_2824 = math.absf %sub3A_2823 : vector<16xf32>
    %get3A_2825 = arith.constant 12 : i32
    %get3A_2826 = arith.index_cast %get3A_2825 : i32 to index
    %get3A_2827 = arith.constant 0 : index
    %get3A_2828 = tpu.vector_load %arg8[%get3A_2826, %get3A_2827] {strides = array<i32>} : memref<16x16xf32, #tpu.memory_space<vmem>>, vector<1x16xf32>,
    %get3A_2829 = vector.shape_cast %get3A_2828 : vector<1x16xf32> to vector<16xf32>
    %mul3A_2830 = arith.mulf %abs3A_2824, %get3A_2829 : vector<16xf32>
    %add3A_2831 = arith.addf %add3A_2816, %mul3A_2830 : vector<16xf32>
    %get3A_2832 = arith.constant 464 : index
    %get3A_2833 = tpu.vector_load %arg10[%get3A_2832] {strides = array<i32>} : memref<2560xf32, #tpu.memory_space<vmem>>, vector<16xf32>,
    %get3A_2834 = vector.shape_cast %get3A_2833 : vector<16xf32> to vector<16xf32>
    %get3A_2835 = arith.constant 464 : index
    %get3A_2836 = tpu.vector_load %arg7[%get3A_2835] {strides = array<i32>} : memref<2560xf32, #tpu.memory_space<vmem>>, vector<16xf32>,
    %get3A_2837 = vector.shape_cast %get3A_2836 : vector<16xf32> to vector<16xf32>
    %sub3A_2838 = arith.subf %get3A_2834, %get3A_2837 : vector<16xf32>
    %abs3A_2839 = math.absf %sub3A_2838 : vector<16xf32>
    %get3A_2840 = arith.constant 13 : i32
    %get3A_2841 = arith.index_cast %get3A_2840 : i32 to index
    %get3A_2842 = arith.constant 0 : index
    %get3A_2843 = tpu.vector_load %arg8[%get3A_2841, %get3A_2842] {strides = array<i32>} : memref<16x16xf32, #tpu.memory_space<vmem>>, vector<1x16xf32>,
    %get3A_2844 = vector.shape_cast %get3A_2843 : vector<1x16xf32> to vector<16xf32>
    %mul3A_2845 = arith.mulf %abs3A_2839, %get3A_2844 : vector<16xf32>
    %add3A_2846 = arith.addf %add3A_2831, %mul3A_2845 : vector<16xf32>
    %get3A_2847 = arith.constant 480 : index
    %get3A_2848 = tpu.vector_load %arg10[%get3A_2847] {strides = array<i32>} : memref<2560xf32, #tpu.memory_space<vmem>>, vector<16xf32>,
    %get3A_2849 = vector.shape_cast %get3A_2848 : vector<16xf32> to vector<16xf32>
    %get3A_2850 = arith.constant 480 : index
    %get3A_2851 = tpu.vector_load %arg7[%get3A_2850] {strides = array<i32>} : memref<2560xf32, #tpu.memory_space<vmem>>, vector<16xf32>,
    %get3A_2852 = vector.shape_cast %get3A_2851 : vector<16xf32> to vector<16xf32>
    %sub3A_2853 = arith.subf %get3A_2849, %get3A_2852 : vector<16xf32>
    %abs3A_2854 = math.absf %sub3A_2853 : vector<16xf32>
    %get3A_2855 = arith.constant 14 : i32
    %get3A_2856 = arith.index_cast %get3A_2855 : i32 to index
    %get3A_2857 = arith.constant 0 : index
    %get3A_2858 = tpu.vector_load %arg8[%get3A_2856, %get3A_2857] {strides = array<i32>} : memref<16x16xf32, #tpu.memory_space<vmem>>, vector<1x16xf32>,
    %get3A_2859 = vector.shape_cast %get3A_2858 : vector<1x16xf32> to vector<16xf32>
    %mul3A_2860 = arith.mulf %abs3A_2854, %get3A_2859 : vector<16xf32>
    %add3A_2861 = arith.addf %add3A_2846, %mul3A_2860 : vector<16xf32>
    %get3A_2862 = arith.constant 496 : index
    %get3A_2863 = tpu.vector_load %arg10[%get3A_2862] {strides = array<i32>} : memref<2560xf32, #tpu.memory_space<vmem>>, vector<16xf32>,
    %get3A_2864 = vector.shape_cast %get3A_2863 : vector<16xf32> to vector<16xf32>
    %get3A_2865 = arith.constant 496 : index
    %get3A_2866 = tpu.vector_load %arg7[%get3A_2865] {strides = array<i32>} : memref<2560xf32, #tpu.memory_space<vmem>>, vector<16xf32>,
    %get3A_2867 = vector.shape_cast %get3A_2866 : vector<16xf32> to vector<16xf32>
    %sub3A_2868 = arith.subf %get3A_2864, %get3A_2867 : vector<16xf32>
    %abs3A_2869 = math.absf %sub3A_2868 : vector<16xf32>
    %get3A_2870 = arith.constant 15 : i32
    %get3A_2871 = arith.index_cast %get3A_2870 : i32 to index
    %get3A_2872 = arith.constant 0 : index
    %get3A_2873 = tpu.vector_load %arg8[%get3A_2871, %get3A_2872] {strides = array<i32>} : memref<16x16xf32, #tpu.memory_space<vmem>>, vector<1x16xf32>,
    %get3A_2874 = vector.shape_cast %get3A_2873 : vector<1x16xf32> to vector<16xf32>
    %mul3A_2875 = arith.mulf %abs3A_2869, %get3A_2874 : vector<16xf32>
    %add3A_2876 = arith.addf %add3A_2861, %mul3A_2875 : vector<16xf32>
    %dma_wait3A_2877 = arith.constant 512 : i32
    %dma_wait3A_2878 = tpu.memref_slice %arg10[%dma_wait3A_2877] : memref<2560xf32, #tpu.memory_space<vmem>> -> memref<512xf32, #tpu.memory_space<vmem>>
    %dma_wait3A_2879 = arith.constant 512 : i32
    %dma_wait3A_2880 = tpu.memref_slice %arg9[%dma_wait3A_2879] : memref<2560xi32, #tpu.memory_space<vmem>> -> memref<512xi32, #tpu.memory_space<vmem>>
    %dma_wait3A_2881 = arith.constant 0 : i32
    %dma_wait3A_2882 = tpu.memref_slice %arg2[%dma_wait3A_2881] : memref<2621440xf32, #tpu.memory_space<hbm>> -> memref<2621440xf32, #tpu.memory_space<hbm>>
    tpu.wait_indirect_dma semaphore(%arg12 : memref<!tpu.dma_semaphore, #tpu.memory_space<semaphore_mem>>) src(%dma_wait3A_2882 : memref<2621440xf32, #tpu.memory_space<hbm>>) dst(%dma_wait3A_2878 : memref<512xf32, #tpu.memory_space<vmem>>)
    %get3A_2883 = arith.constant 512 : index
    %get3A_2884 = tpu.vector_load %arg10[%get3A_2883] {strides = array<i32>} : memref<2560xf32, #tpu.memory_space<vmem>>, vector<16xf32>,
    %get3A_2885 = vector.shape_cast %get3A_2884 : vector<16xf32> to vector<16xf32>
    %get3A_2886 = arith.constant 512 : index
    %get3A_2887 = tpu.vector_load %arg7[%get3A_2886] {strides = array<i32>} : memref<2560xf32, #tpu.memory_space<vmem>>, vector<16xf32>,
    %get3A_2888 = vector.shape_cast %get3A_2887 : vector<16xf32> to vector<16xf32>
    %sub3A_2889 = arith.subf %get3A_2885, %get3A_2888 : vector<16xf32>
    %abs3A_2890 = math.absf %sub3A_2889 : vector<16xf32>
    %get3A_2891 = arith.constant 0 : i32
    %get3A_2892 = arith.index_cast %get3A_2891 : i32 to index
    %get3A_2893 = arith.constant 0 : index
    %get3A_2894 = tpu.vector_load %arg8[%get3A_2892, %get3A_2893] {strides = array<i32>} : memref<16x16xf32, #tpu.memory_space<vmem>>, vector<1x16xf32>,
    %get3A_2895 = vector.shape_cast %get3A_2894 : vector<1x16xf32> to vector<16xf32>
    %mul3A_2896 = arith.mulf %abs3A_2890, %get3A_2895 : vector<16xf32>
    %add3A_2897 = arith.addf %broadcast_in_dim3A_98, %mul3A_2896 : vector<16xf32>
    %get3A_2898 = arith.constant 528 : index
    %get3A_2899 = tpu.vector_load %arg10[%get3A_2898] {strides = array<i32>} : memref<2560xf32, #tpu.memory_space<vmem>>, vector<16xf32>,
    %get3A_2900 = vector.shape_cast %get3A_2899 : vector<16xf32> to vector<16xf32>
    %get3A_2901 = arith.constant 528 : index
    %get3A_2902 = tpu.vector_load %arg7[%get3A_2901] {strides = array<i32>} : memref<2560xf32, #tpu.memory_space<vmem>>, vector<16xf32>,
    %get3A_2903 = vector.shape_cast %get3A_2902 : vector<16xf32> to vector<16xf32>
    %sub3A_2904 = arith.subf %get3A_2900, %get3A_2903 : vector<16xf32>
    %abs3A_2905 = math.absf %sub3A_2904 : vector<16xf32>
    %get3A_2906 = arith.constant 1 : i32
    %get3A_2907 = arith.index_cast %get3A_2906 : i32 to index
    %get3A_2908 = arith.constant 0 : index
    %get3A_2909 = tpu.vector_load %arg8[%get3A_2907, %get3A_2908] {strides = array<i32>} : memref<16x16xf32, #tpu.memory_space<vmem>>, vector<1x16xf32>,
    %get3A_2910 = vector.shape_cast %get3A_2909 : vector<1x16xf32> to vector<16xf32>
    %mul3A_2911 = arith.mulf %abs3A_2905, %get3A_2910 : vector<16xf32>
    %add3A_2912 = arith.addf %add3A_2897, %mul3A_2911 : vector<16xf32>
    %get3A_2913 = arith.constant 544 : index
    %get3A_2914 = tpu.vector_load %arg10[%get3A_2913] {strides = array<i32>} : memref<2560xf32, #tpu.memory_space<vmem>>, vector<16xf32>,
    %get3A_2915 = vector.shape_cast %get3A_2914 : vector<16xf32> to vector<16xf32>
    %get3A_2916 = arith.constant 544 : index
    %get3A_2917 = tpu.vector_load %arg7[%get3A_2916] {strides = array<i32>} : memref<2560xf32, #tpu.memory_space<vmem>>, vector<16xf32>,
    %get3A_2918 = vector.shape_cast %get3A_2917 : vector<16xf32> to vector<16xf32>
    %sub3A_2919 = arith.subf %get3A_2915, %get3A_2918 : vector<16xf32>
    %abs3A_2920 = math.absf %sub3A_2919 : vector<16xf32>
    %get3A_2921 = arith.constant 2 : i32
    %get3A_2922 = arith.index_cast %get3A_2921 : i32 to index
    %get3A_2923 = arith.constant 0 : index
    %get3A_2924 = tpu.vector_load %arg8[%get3A_2922, %get3A_2923] {strides = array<i32>} : memref<16x16xf32, #tpu.memory_space<vmem>>, vector<1x16xf32>,
    %get3A_2925 = vector.shape_cast %get3A_2924 : vector<1x16xf32> to vector<16xf32>
    %mul3A_2926 = arith.mulf %abs3A_2920, %get3A_2925 : vector<16xf32>
    %add3A_2927 = arith.addf %add3A_2912, %mul3A_2926 : vector<16xf32>
    %get3A_2928 = arith.constant 560 : index
    %get3A_2929 = tpu.vector_load %arg10[%get3A_2928] {strides = array<i32>} : memref<2560xf32, #tpu.memory_space<vmem>>, vector<16xf32>,
    %get3A_2930 = vector.shape_cast %get3A_2929 : vector<16xf32> to vector<16xf32>
    %get3A_2931 = arith.constant 560 : index
    %get3A_2932 = tpu.vector_load %arg7[%get3A_2931] {strides = array<i32>} : memref<2560xf32, #tpu.memory_space<vmem>>, vector<16xf32>,
    %get3A_2933 = vector.shape_cast %get3A_2932 : vector<16xf32> to vector<16xf32>
    %sub3A_2934 = arith.subf %get3A_2930, %get3A_2933 : vector<16xf32>
    %abs3A_2935 = math.absf %sub3A_2934 : vector<16xf32>
    %get3A_2936 = arith.constant 3 : i32
    %get3A_2937 = arith.index_cast %get3A_2936 : i32 to index
    %get3A_2938 = arith.constant 0 : index
    %get3A_2939 = tpu.vector_load %arg8[%get3A_2937, %get3A_2938] {strides = array<i32>} : memref<16x16xf32, #tpu.memory_space<vmem>>, vector<1x16xf32>,
    %get3A_2940 = vector.shape_cast %get3A_2939 : vector<1x16xf32> to vector<16xf32>
    %mul3A_2941 = arith.mulf %abs3A_2935, %get3A_2940 : vector<16xf32>
    %add3A_2942 = arith.addf %add3A_2927, %mul3A_2941 : vector<16xf32>
    %get3A_2943 = arith.constant 576 : index
    %get3A_2944 = tpu.vector_load %arg10[%get3A_2943] {strides = array<i32>} : memref<2560xf32, #tpu.memory_space<vmem>>, vector<16xf32>,
    %get3A_2945 = vector.shape_cast %get3A_2944 : vector<16xf32> to vector<16xf32>
    %get3A_2946 = arith.constant 576 : index
    %get3A_2947 = tpu.vector_load %arg7[%get3A_2946] {strides = array<i32>} : memref<2560xf32, #tpu.memory_space<vmem>>, vector<16xf32>,
    %get3A_2948 = vector.shape_cast %get3A_2947 : vector<16xf32> to vector<16xf32>
    %sub3A_2949 = arith.subf %get3A_2945, %get3A_2948 : vector<16xf32>
    %abs3A_2950 = math.absf %sub3A_2949 : vector<16xf32>
    %get3A_2951 = arith.constant 4 : i32
    %get3A_2952 = arith.index_cast %get3A_2951 : i32 to index
    %get3A_2953 = arith.constant 0 : index
    %get3A_2954 = tpu.vector_load %arg8[%get3A_2952, %get3A_2953] {strides = array<i32>} : memref<16x16xf32, #tpu.memory_space<vmem>>, vector<1x16xf32>,
    %get3A_2955 = vector.shape_cast %get3A_2954 : vector<1x16xf32> to vector<16xf32>
    %mul3A_2956 = arith.mulf %abs3A_2950, %get3A_2955 : vector<16xf32>
    %add3A_2957 = arith.addf %add3A_2942, %mul3A_2956 : vector<16xf32>
    %get3A_2958 = arith.constant 592 : index
    %get3A_2959 = tpu.vector_load %arg10[%get3A_2958] {strides = array<i32>} : memref<2560xf32, #tpu.memory_space<vmem>>, vector<16xf32>,
    %get3A_2960 = vector.shape_cast %get3A_2959 : vector<16xf32> to vector<16xf32>
    %get3A_2961 = arith.constant 592 : index
    %get3A_2962 = tpu.vector_load %arg7[%get3A_2961] {strides = array<i32>} : memref<2560xf32, #tpu.memory_space<vmem>>, vector<16xf32>,
    %get3A_2963 = vector.shape_cast %get3A_2962 : vector<16xf32> to vector<16xf32>
    %sub3A_2964 = arith.subf %get3A_2960, %get3A_2963 : vector<16xf32>
    %abs3A_2965 = math.absf %sub3A_2964 : vector<16xf32>
    %get3A_2966 = arith.constant 5 : i32
    %get3A_2967 = arith.index_cast %get3A_2966 : i32 to index
    %get3A_2968 = arith.constant 0 : index
    %get3A_2969 = tpu.vector_load %arg8[%get3A_2967, %get3A_2968] {strides = array<i32>} : memref<16x16xf32, #tpu.memory_space<vmem>>, vector<1x16xf32>,
    %get3A_2970 = vector.shape_cast %get3A_2969 : vector<1x16xf32> to vector<16xf32>
    %mul3A_2971 = arith.mulf %abs3A_2965, %get3A_2970 : vector<16xf32>
    %add3A_2972 = arith.addf %add3A_2957, %mul3A_2971 : vector<16xf32>
    %get3A_2973 = arith.constant 608 : index
    %get3A_2974 = tpu.vector_load %arg10[%get3A_2973] {strides = array<i32>} : memref<2560xf32, #tpu.memory_space<vmem>>, vector<16xf32>,
    %get3A_2975 = vector.shape_cast %get3A_2974 : vector<16xf32> to vector<16xf32>
    %get3A_2976 = arith.constant 608 : index
    %get3A_2977 = tpu.vector_load %arg7[%get3A_2976] {strides = array<i32>} : memref<2560xf32, #tpu.memory_space<vmem>>, vector<16xf32>,
    %get3A_2978 = vector.shape_cast %get3A_2977 : vector<16xf32> to vector<16xf32>
    %sub3A_2979 = arith.subf %get3A_2975, %get3A_2978 : vector<16xf32>
    %abs3A_2980 = math.absf %sub3A_2979 : vector<16xf32>
    %get3A_2981 = arith.constant 6 : i32
    %get3A_2982 = arith.index_cast %get3A_2981 : i32 to index
    %get3A_2983 = arith.constant 0 : index
    %get3A_2984 = tpu.vector_load %arg8[%get3A_2982, %get3A_2983] {strides = array<i32>} : memref<16x16xf32, #tpu.memory_space<vmem>>, vector<1x16xf32>,
    %get3A_2985 = vector.shape_cast %get3A_2984 : vector<1x16xf32> to vector<16xf32>
    %mul3A_2986 = arith.mulf %abs3A_2980, %get3A_2985 : vector<16xf32>
    %add3A_2987 = arith.addf %add3A_2972, %mul3A_2986 : vector<16xf32>
    %get3A_2988 = arith.constant 624 : index
    %get3A_2989 = tpu.vector_load %arg10[%get3A_2988] {strides = array<i32>} : memref<2560xf32, #tpu.memory_space<vmem>>, vector<16xf32>,
    %get3A_2990 = vector.shape_cast %get3A_2989 : vector<16xf32> to vector<16xf32>
    %get3A_2991 = arith.constant 624 : index
    %get3A_2992 = tpu.vector_load %arg7[%get3A_2991] {strides = array<i32>} : memref<2560xf32, #tpu.memory_space<vmem>>, vector<16xf32>,
    %get3A_2993 = vector.shape_cast %get3A_2992 : vector<16xf32> to vector<16xf32>
    %sub3A_2994 = arith.subf %get3A_2990, %get3A_2993 : vector<16xf32>
    %abs3A_2995 = math.absf %sub3A_2994 : vector<16xf32>
    %get3A_2996 = arith.constant 7 : i32
    %get3A_2997 = arith.index_cast %get3A_2996 : i32 to index
    %get3A_2998 = arith.constant 0 : index
    %get3A_2999 = tpu.vector_load %arg8[%get3A_2997, %get3A_2998] {strides = array<i32>} : memref<16x16xf32, #tpu.memory_space<vmem>>, vector<1x16xf32>,
    %get3A_3000 = vector.shape_cast %get3A_2999 : vector<1x16xf32> to vector<16xf32>
    %mul3A_3001 = arith.mulf %abs3A_2995, %get3A_3000 : vector<16xf32>
    %add3A_3002 = arith.addf %add3A_2987, %mul3A_3001 : vector<16xf32>
    %get3A_3003 = arith.constant 640 : index
    %get3A_3004 = tpu.vector_load %arg10[%get3A_3003] {strides = array<i32>} : memref<2560xf32, #tpu.memory_space<vmem>>, vector<16xf32>,
    %get3A_3005 = vector.shape_cast %get3A_3004 : vector<16xf32> to vector<16xf32>
    %get3A_3006 = arith.constant 640 : index
    %get3A_3007 = tpu.vector_load %arg7[%get3A_3006] {strides = array<i32>} : memref<2560xf32, #tpu.memory_space<vmem>>, vector<16xf32>,
    %get3A_3008 = vector.shape_cast %get3A_3007 : vector<16xf32> to vector<16xf32>
    %sub3A_3009 = arith.subf %get3A_3005, %get3A_3008 : vector<16xf32>
    %abs3A_3010 = math.absf %sub3A_3009 : vector<16xf32>
    %get3A_3011 = arith.constant 8 : i32
    %get3A_3012 = arith.index_cast %get3A_3011 : i32 to index
    %get3A_3013 = arith.constant 0 : index
    %get3A_3014 = tpu.vector_load %arg8[%get3A_3012, %get3A_3013] {strides = array<i32>} : memref<16x16xf32, #tpu.memory_space<vmem>>, vector<1x16xf32>,
    %get3A_3015 = vector.shape_cast %get3A_3014 : vector<1x16xf32> to vector<16xf32>
    %mul3A_3016 = arith.mulf %abs3A_3010, %get3A_3015 : vector<16xf32>
    %add3A_3017 = arith.addf %add3A_3002, %mul3A_3016 : vector<16xf32>
    %get3A_3018 = arith.constant 656 : index
    %get3A_3019 = tpu.vector_load %arg10[%get3A_3018] {strides = array<i32>} : memref<2560xf32, #tpu.memory_space<vmem>>, vector<16xf32>,
    %get3A_3020 = vector.shape_cast %get3A_3019 : vector<16xf32> to vector<16xf32>
    %get3A_3021 = arith.constant 656 : index
    %get3A_3022 = tpu.vector_load %arg7[%get3A_3021] {strides = array<i32>} : memref<2560xf32, #tpu.memory_space<vmem>>, vector<16xf32>,
    %get3A_3023 = vector.shape_cast %get3A_3022 : vector<16xf32> to vector<16xf32>
    %sub3A_3024 = arith.subf %get3A_3020, %get3A_3023 : vector<16xf32>
    %abs3A_3025 = math.absf %sub3A_3024 : vector<16xf32>
    %get3A_3026 = arith.constant 9 : i32
    %get3A_3027 = arith.index_cast %get3A_3026 : i32 to index
    %get3A_3028 = arith.constant 0 : index
    %get3A_3029 = tpu.vector_load %arg8[%get3A_3027, %get3A_3028] {strides = array<i32>} : memref<16x16xf32, #tpu.memory_space<vmem>>, vector<1x16xf32>,
    %get3A_3030 = vector.shape_cast %get3A_3029 : vector<1x16xf32> to vector<16xf32>
    %mul3A_3031 = arith.mulf %abs3A_3025, %get3A_3030 : vector<16xf32>
    %add3A_3032 = arith.addf %add3A_3017, %mul3A_3031 : vector<16xf32>
    %get3A_3033 = arith.constant 672 : index
    %get3A_3034 = tpu.vector_load %arg10[%get3A_3033] {strides = array<i32>} : memref<2560xf32, #tpu.memory_space<vmem>>, vector<16xf32>,
    %get3A_3035 = vector.shape_cast %get3A_3034 : vector<16xf32> to vector<16xf32>
    %get3A_3036 = arith.constant 672 : index
    %get3A_3037 = tpu.vector_load %arg7[%get3A_3036] {strides = array<i32>} : memref<2560xf32, #tpu.memory_space<vmem>>, vector<16xf32>,
    %get3A_3038 = vector.shape_cast %get3A_3037 : vector<16xf32> to vector<16xf32>
    %sub3A_3039 = arith.subf %get3A_3035, %get3A_3038 : vector<16xf32>
    %abs3A_3040 = math.absf %sub3A_3039 : vector<16xf32>
    %get3A_3041 = arith.constant 10 : i32
    %get3A_3042 = arith.index_cast %get3A_3041 : i32 to index
    %get3A_3043 = arith.constant 0 : index
    %get3A_3044 = tpu.vector_load %arg8[%get3A_3042, %get3A_3043] {strides = array<i32>} : memref<16x16xf32, #tpu.memory_space<vmem>>, vector<1x16xf32>,
    %get3A_3045 = vector.shape_cast %get3A_3044 : vector<1x16xf32> to vector<16xf32>
    %mul3A_3046 = arith.mulf %abs3A_3040, %get3A_3045 : vector<16xf32>
    %add3A_3047 = arith.addf %add3A_3032, %mul3A_3046 : vector<16xf32>
    %get3A_3048 = arith.constant 688 : index
    %get3A_3049 = tpu.vector_load %arg10[%get3A_3048] {strides = array<i32>} : memref<2560xf32, #tpu.memory_space<vmem>>, vector<16xf32>,
    %get3A_3050 = vector.shape_cast %get3A_3049 : vector<16xf32> to vector<16xf32>
    %get3A_3051 = arith.constant 688 : index
    %get3A_3052 = tpu.vector_load %arg7[%get3A_3051] {strides = array<i32>} : memref<2560xf32, #tpu.memory_space<vmem>>, vector<16xf32>,
    %get3A_3053 = vector.shape_cast %get3A_3052 : vector<16xf32> to vector<16xf32>
    %sub3A_3054 = arith.subf %get3A_3050, %get3A_3053 : vector<16xf32>
    %abs3A_3055 = math.absf %sub3A_3054 : vector<16xf32>
    %get3A_3056 = arith.constant 11 : i32
    %get3A_3057 = arith.index_cast %get3A_3056 : i32 to index
    %get3A_3058 = arith.constant 0 : index
    %get3A_3059 = tpu.vector_load %arg8[%get3A_3057, %get3A_3058] {strides = array<i32>} : memref<16x16xf32, #tpu.memory_space<vmem>>, vector<1x16xf32>,
    %get3A_3060 = vector.shape_cast %get3A_3059 : vector<1x16xf32> to vector<16xf32>
    %mul3A_3061 = arith.mulf %abs3A_3055, %get3A_3060 : vector<16xf32>
    %add3A_3062 = arith.addf %add3A_3047, %mul3A_3061 : vector<16xf32>
    %get3A_3063 = arith.constant 704 : index
    %get3A_3064 = tpu.vector_load %arg10[%get3A_3063] {strides = array<i32>} : memref<2560xf32, #tpu.memory_space<vmem>>, vector<16xf32>,
    %get3A_3065 = vector.shape_cast %get3A_3064 : vector<16xf32> to vector<16xf32>
    %get3A_3066 = arith.constant 704 : index
    %get3A_3067 = tpu.vector_load %arg7[%get3A_3066] {strides = array<i32>} : memref<2560xf32, #tpu.memory_space<vmem>>, vector<16xf32>,
    %get3A_3068 = vector.shape_cast %get3A_3067 : vector<16xf32> to vector<16xf32>
    %sub3A_3069 = arith.subf %get3A_3065, %get3A_3068 : vector<16xf32>
    %abs3A_3070 = math.absf %sub3A_3069 : vector<16xf32>
    %get3A_3071 = arith.constant 12 : i32
    %get3A_3072 = arith.index_cast %get3A_3071 : i32 to index
    %get3A_3073 = arith.constant 0 : index
    %get3A_3074 = tpu.vector_load %arg8[%get3A_3072, %get3A_3073] {strides = array<i32>} : memref<16x16xf32, #tpu.memory_space<vmem>>, vector<1x16xf32>,
    %get3A_3075 = vector.shape_cast %get3A_3074 : vector<1x16xf32> to vector<16xf32>
    %mul3A_3076 = arith.mulf %abs3A_3070, %get3A_3075 : vector<16xf32>
    %add3A_3077 = arith.addf %add3A_3062, %mul3A_3076 : vector<16xf32>
    %get3A_3078 = arith.constant 720 : index
    %get3A_3079 = tpu.vector_load %arg10[%get3A_3078] {strides = array<i32>} : memref<2560xf32, #tpu.memory_space<vmem>>, vector<16xf32>,
    %get3A_3080 = vector.shape_cast %get3A_3079 : vector<16xf32> to vector<16xf32>
    %get3A_3081 = arith.constant 720 : index
    %get3A_3082 = tpu.vector_load %arg7[%get3A_3081] {strides = array<i32>} : memref<2560xf32, #tpu.memory_space<vmem>>, vector<16xf32>,
    %get3A_3083 = vector.shape_cast %get3A_3082 : vector<16xf32> to vector<16xf32>
    %sub3A_3084 = arith.subf %get3A_3080, %get3A_3083 : vector<16xf32>
    %abs3A_3085 = math.absf %sub3A_3084 : vector<16xf32>
    %get3A_3086 = arith.constant 13 : i32
    %get3A_3087 = arith.index_cast %get3A_3086 : i32 to index
    %get3A_3088 = arith.constant 0 : index
    %get3A_3089 = tpu.vector_load %arg8[%get3A_3087, %get3A_3088] {strides = array<i32>} : memref<16x16xf32, #tpu.memory_space<vmem>>, vector<1x16xf32>,
    %get3A_3090 = vector.shape_cast %get3A_3089 : vector<1x16xf32> to vector<16xf32>
    %mul3A_3091 = arith.mulf %abs3A_3085, %get3A_3090 : vector<16xf32>
    %add3A_3092 = arith.addf %add3A_3077, %mul3A_3091 : vector<16xf32>
    %get3A_3093 = arith.constant 736 : index
    %get3A_3094 = tpu.vector_load %arg10[%get3A_3093] {strides = array<i32>} : memref<2560xf32, #tpu.memory_space<vmem>>, vector<16xf32>,
    %get3A_3095 = vector.shape_cast %get3A_3094 : vector<16xf32> to vector<16xf32>
    %get3A_3096 = arith.constant 736 : index
    %get3A_3097 = tpu.vector_load %arg7[%get3A_3096] {strides = array<i32>} : memref<2560xf32, #tpu.memory_space<vmem>>, vector<16xf32>,
    %get3A_3098 = vector.shape_cast %get3A_3097 : vector<16xf32> to vector<16xf32>
    %sub3A_3099 = arith.subf %get3A_3095, %get3A_3098 : vector<16xf32>
    %abs3A_3100 = math.absf %sub3A_3099 : vector<16xf32>
    %get3A_3101 = arith.constant 14 : i32
    %get3A_3102 = arith.index_cast %get3A_3101 : i32 to index
    %get3A_3103 = arith.constant 0 : index
    %get3A_3104 = tpu.vector_load %arg8[%get3A_3102, %get3A_3103] {strides = array<i32>} : memref<16x16xf32, #tpu.memory_space<vmem>>, vector<1x16xf32>,
    %get3A_3105 = vector.shape_cast %get3A_3104 : vector<1x16xf32> to vector<16xf32>
    %mul3A_3106 = arith.mulf %abs3A_3100, %get3A_3105 : vector<16xf32>
    %add3A_3107 = arith.addf %add3A_3092, %mul3A_3106 : vector<16xf32>
    %get3A_3108 = arith.constant 752 : index
    %get3A_3109 = tpu.vector_load %arg10[%get3A_3108] {strides = array<i32>} : memref<2560xf32, #tpu.memory_space<vmem>>, vector<16xf32>,
    %get3A_3110 = vector.shape_cast %get3A_3109 : vector<16xf32> to vector<16xf32>
    %get3A_3111 = arith.constant 752 : index
    %get3A_3112 = tpu.vector_load %arg7[%get3A_3111] {strides = array<i32>} : memref<2560xf32, #tpu.memory_space<vmem>>, vector<16xf32>,
    %get3A_3113 = vector.shape_cast %get3A_3112 : vector<16xf32> to vector<16xf32>
    %sub3A_3114 = arith.subf %get3A_3110, %get3A_3113 : vector<16xf32>
    %abs3A_3115 = math.absf %sub3A_3114 : vector<16xf32>
    %get3A_3116 = arith.constant 15 : i32
    %get3A_3117 = arith.index_cast %get3A_3116 : i32 to index
    %get3A_3118 = arith.constant 0 : index
    %get3A_3119 = tpu.vector_load %arg8[%get3A_3117, %get3A_3118] {strides = array<i32>} : memref<16x16xf32, #tpu.memory_space<vmem>>, vector<1x16xf32>,
    %get3A_3120 = vector.shape_cast %get3A_3119 : vector<1x16xf32> to vector<16xf32>
    %mul3A_3121 = arith.mulf %abs3A_3115, %get3A_3120 : vector<16xf32>
    %add3A_3122 = arith.addf %add3A_3107, %mul3A_3121 : vector<16xf32>
    %get3A_3123 = arith.constant 768 : index
    %get3A_3124 = tpu.vector_load %arg10[%get3A_3123] {strides = array<i32>} : memref<2560xf32, #tpu.memory_space<vmem>>, vector<16xf32>,
    %get3A_3125 = vector.shape_cast %get3A_3124 : vector<16xf32> to vector<16xf32>
    %get3A_3126 = arith.constant 768 : index
    %get3A_3127 = tpu.vector_load %arg7[%get3A_3126] {strides = array<i32>} : memref<2560xf32, #tpu.memory_space<vmem>>, vector<16xf32>,
    %get3A_3128 = vector.shape_cast %get3A_3127 : vector<16xf32> to vector<16xf32>
    %sub3A_3129 = arith.subf %get3A_3125, %get3A_3128 : vector<16xf32>
    %abs3A_3130 = math.absf %sub3A_3129 : vector<16xf32>
    %get3A_3131 = arith.constant 0 : i32
    %get3A_3132 = arith.index_cast %get3A_3131 : i32 to index
    %get3A_3133 = arith.constant 0 : index
    %get3A_3134 = tpu.vector_load %arg8[%get3A_3132, %get3A_3133] {strides = array<i32>} : memref<16x16xf32, #tpu.memory_space<vmem>>, vector<1x16xf32>,
    %get3A_3135 = vector.shape_cast %get3A_3134 : vector<1x16xf32> to vector<16xf32>
    %mul3A_3136 = arith.mulf %abs3A_3130, %get3A_3135 : vector<16xf32>
    %add3A_3137 = arith.addf %broadcast_in_dim3A_98, %mul3A_3136 : vector<16xf32>
    %get3A_3138 = arith.constant 784 : index
    %get3A_3139 = tpu.vector_load %arg10[%get3A_3138] {strides = array<i32>} : memref<2560xf32, #tpu.memory_space<vmem>>, vector<16xf32>,
    %get3A_3140 = vector.shape_cast %get3A_3139 : vector<16xf32> to vector<16xf32>
    %get3A_3141 = arith.constant 784 : index
    %get3A_3142 = tpu.vector_load %arg7[%get3A_3141] {strides = array<i32>} : memref<2560xf32, #tpu.memory_space<vmem>>, vector<16xf32>,
    %get3A_3143 = vector.shape_cast %get3A_3142 : vector<16xf32> to vector<16xf32>
    %sub3A_3144 = arith.subf %get3A_3140, %get3A_3143 : vector<16xf32>
    %abs3A_3145 = math.absf %sub3A_3144 : vector<16xf32>
    %get3A_3146 = arith.constant 1 : i32
    %get3A_3147 = arith.index_cast %get3A_3146 : i32 to index
    %get3A_3148 = arith.constant 0 : index
    %get3A_3149 = tpu.vector_load %arg8[%get3A_3147, %get3A_3148] {strides = array<i32>} : memref<16x16xf32, #tpu.memory_space<vmem>>, vector<1x16xf32>,
    %get3A_3150 = vector.shape_cast %get3A_3149 : vector<1x16xf32> to vector<16xf32>
    %mul3A_3151 = arith.mulf %abs3A_3145, %get3A_3150 : vector<16xf32>
    %add3A_3152 = arith.addf %add3A_3137, %mul3A_3151 : vector<16xf32>
    %get3A_3153 = arith.constant 800 : index
    %get3A_3154 = tpu.vector_load %arg10[%get3A_3153] {strides = array<i32>} : memref<2560xf32, #tpu.memory_space<vmem>>, vector<16xf32>,
    %get3A_3155 = vector.shape_cast %get3A_3154 : vector<16xf32> to vector<16xf32>
    %get3A_3156 = arith.constant 800 : index
    %get3A_3157 = tpu.vector_load %arg7[%get3A_3156] {strides = array<i32>} : memref<2560xf32, #tpu.memory_space<vmem>>, vector<16xf32>,
    %get3A_3158 = vector.shape_cast %get3A_3157 : vector<16xf32> to vector<16xf32>
    %sub3A_3159 = arith.subf %get3A_3155, %get3A_3158 : vector<16xf32>
    %abs3A_3160 = math.absf %sub3A_3159 : vector<16xf32>
    %get3A_3161 = arith.constant 2 : i32
    %get3A_3162 = arith.index_cast %get3A_3161 : i32 to index
    %get3A_3163 = arith.constant 0 : index
    %get3A_3164 = tpu.vector_load %arg8[%get3A_3162, %get3A_3163] {strides = array<i32>} : memref<16x16xf32, #tpu.memory_space<vmem>>, vector<1x16xf32>,
    %get3A_3165 = vector.shape_cast %get3A_3164 : vector<1x16xf32> to vector<16xf32>
    %mul3A_3166 = arith.mulf %abs3A_3160, %get3A_3165 : vector<16xf32>
    %add3A_3167 = arith.addf %add3A_3152, %mul3A_3166 : vector<16xf32>
    %get3A_3168 = arith.constant 816 : index
    %get3A_3169 = tpu.vector_load %arg10[%get3A_3168] {strides = array<i32>} : memref<2560xf32, #tpu.memory_space<vmem>>, vector<16xf32>,
    %get3A_3170 = vector.shape_cast %get3A_3169 : vector<16xf32> to vector<16xf32>
    %get3A_3171 = arith.constant 816 : index
    %get3A_3172 = tpu.vector_load %arg7[%get3A_3171] {strides = array<i32>} : memref<2560xf32, #tpu.memory_space<vmem>>, vector<16xf32>,
    %get3A_3173 = vector.shape_cast %get3A_3172 : vector<16xf32> to vector<16xf32>
    %sub3A_3174 = arith.subf %get3A_3170, %get3A_3173 : vector<16xf32>
    %abs3A_3175 = math.absf %sub3A_3174 : vector<16xf32>
    %get3A_3176 = arith.constant 3 : i32
    %get3A_3177 = arith.index_cast %get3A_3176 : i32 to index
    %get3A_3178 = arith.constant 0 : index
    %get3A_3179 = tpu.vector_load %arg8[%get3A_3177, %get3A_3178] {strides = array<i32>} : memref<16x16xf32, #tpu.memory_space<vmem>>, vector<1x16xf32>,
    %get3A_3180 = vector.shape_cast %get3A_3179 : vector<1x16xf32> to vector<16xf32>
    %mul3A_3181 = arith.mulf %abs3A_3175, %get3A_3180 : vector<16xf32>
    %add3A_3182 = arith.addf %add3A_3167, %mul3A_3181 : vector<16xf32>
    %get3A_3183 = arith.constant 832 : index
    %get3A_3184 = tpu.vector_load %arg10[%get3A_3183] {strides = array<i32>} : memref<2560xf32, #tpu.memory_space<vmem>>, vector<16xf32>,
    %get3A_3185 = vector.shape_cast %get3A_3184 : vector<16xf32> to vector<16xf32>
    %get3A_3186 = arith.constant 832 : index
    %get3A_3187 = tpu.vector_load %arg7[%get3A_3186] {strides = array<i32>} : memref<2560xf32, #tpu.memory_space<vmem>>, vector<16xf32>,
    %get3A_3188 = vector.shape_cast %get3A_3187 : vector<16xf32> to vector<16xf32>
    %sub3A_3189 = arith.subf %get3A_3185, %get3A_3188 : vector<16xf32>
    %abs3A_3190 = math.absf %sub3A_3189 : vector<16xf32>
    %get3A_3191 = arith.constant 4 : i32
    %get3A_3192 = arith.index_cast %get3A_3191 : i32 to index
    %get3A_3193 = arith.constant 0 : index
    %get3A_3194 = tpu.vector_load %arg8[%get3A_3192, %get3A_3193] {strides = array<i32>} : memref<16x16xf32, #tpu.memory_space<vmem>>, vector<1x16xf32>,
    %get3A_3195 = vector.shape_cast %get3A_3194 : vector<1x16xf32> to vector<16xf32>
    %mul3A_3196 = arith.mulf %abs3A_3190, %get3A_3195 : vector<16xf32>
    %add3A_3197 = arith.addf %add3A_3182, %mul3A_3196 : vector<16xf32>
    %get3A_3198 = arith.constant 848 : index
    %get3A_3199 = tpu.vector_load %arg10[%get3A_3198] {strides = array<i32>} : memref<2560xf32, #tpu.memory_space<vmem>>, vector<16xf32>,
    %get3A_3200 = vector.shape_cast %get3A_3199 : vector<16xf32> to vector<16xf32>
    %get3A_3201 = arith.constant 848 : index
    %get3A_3202 = tpu.vector_load %arg7[%get3A_3201] {strides = array<i32>} : memref<2560xf32, #tpu.memory_space<vmem>>, vector<16xf32>,
    %get3A_3203 = vector.shape_cast %get3A_3202 : vector<16xf32> to vector<16xf32>
    %sub3A_3204 = arith.subf %get3A_3200, %get3A_3203 : vector<16xf32>
    %abs3A_3205 = math.absf %sub3A_3204 : vector<16xf32>
    %get3A_3206 = arith.constant 5 : i32
    %get3A_3207 = arith.index_cast %get3A_3206 : i32 to index
    %get3A_3208 = arith.constant 0 : index
    %get3A_3209 = tpu.vector_load %arg8[%get3A_3207, %get3A_3208] {strides = array<i32>} : memref<16x16xf32, #tpu.memory_space<vmem>>, vector<1x16xf32>,
    %get3A_3210 = vector.shape_cast %get3A_3209 : vector<1x16xf32> to vector<16xf32>
    %mul3A_3211 = arith.mulf %abs3A_3205, %get3A_3210 : vector<16xf32>
    %add3A_3212 = arith.addf %add3A_3197, %mul3A_3211 : vector<16xf32>
    %get3A_3213 = arith.constant 864 : index
    %get3A_3214 = tpu.vector_load %arg10[%get3A_3213] {strides = array<i32>} : memref<2560xf32, #tpu.memory_space<vmem>>, vector<16xf32>,
    %get3A_3215 = vector.shape_cast %get3A_3214 : vector<16xf32> to vector<16xf32>
    %get3A_3216 = arith.constant 864 : index
    %get3A_3217 = tpu.vector_load %arg7[%get3A_3216] {strides = array<i32>} : memref<2560xf32, #tpu.memory_space<vmem>>, vector<16xf32>,
    %get3A_3218 = vector.shape_cast %get3A_3217 : vector<16xf32> to vector<16xf32>
    %sub3A_3219 = arith.subf %get3A_3215, %get3A_3218 : vector<16xf32>
    %abs3A_3220 = math.absf %sub3A_3219 : vector<16xf32>
    %get3A_3221 = arith.constant 6 : i32
    %get3A_3222 = arith.index_cast %get3A_3221 : i32 to index
    %get3A_3223 = arith.constant 0 : index
    %get3A_3224 = tpu.vector_load %arg8[%get3A_3222, %get3A_3223] {strides = array<i32>} : memref<16x16xf32, #tpu.memory_space<vmem>>, vector<1x16xf32>,
    %get3A_3225 = vector.shape_cast %get3A_3224 : vector<1x16xf32> to vector<16xf32>
    %mul3A_3226 = arith.mulf %abs3A_3220, %get3A_3225 : vector<16xf32>
    %add3A_3227 = arith.addf %add3A_3212, %mul3A_3226 : vector<16xf32>
    %get3A_3228 = arith.constant 880 : index
    %get3A_3229 = tpu.vector_load %arg10[%get3A_3228] {strides = array<i32>} : memref<2560xf32, #tpu.memory_space<vmem>>, vector<16xf32>,
    %get3A_3230 = vector.shape_cast %get3A_3229 : vector<16xf32> to vector<16xf32>
    %get3A_3231 = arith.constant 880 : index
    %get3A_3232 = tpu.vector_load %arg7[%get3A_3231] {strides = array<i32>} : memref<2560xf32, #tpu.memory_space<vmem>>, vector<16xf32>,
    %get3A_3233 = vector.shape_cast %get3A_3232 : vector<16xf32> to vector<16xf32>
    %sub3A_3234 = arith.subf %get3A_3230, %get3A_3233 : vector<16xf32>
    %abs3A_3235 = math.absf %sub3A_3234 : vector<16xf32>
    %get3A_3236 = arith.constant 7 : i32
    %get3A_3237 = arith.index_cast %get3A_3236 : i32 to index
    %get3A_3238 = arith.constant 0 : index
    %get3A_3239 = tpu.vector_load %arg8[%get3A_3237, %get3A_3238] {strides = array<i32>} : memref<16x16xf32, #tpu.memory_space<vmem>>, vector<1x16xf32>,
    %get3A_3240 = vector.shape_cast %get3A_3239 : vector<1x16xf32> to vector<16xf32>
    %mul3A_3241 = arith.mulf %abs3A_3235, %get3A_3240 : vector<16xf32>
    %add3A_3242 = arith.addf %add3A_3227, %mul3A_3241 : vector<16xf32>
    %get3A_3243 = arith.constant 896 : index
    %get3A_3244 = tpu.vector_load %arg10[%get3A_3243] {strides = array<i32>} : memref<2560xf32, #tpu.memory_space<vmem>>, vector<16xf32>,
    %get3A_3245 = vector.shape_cast %get3A_3244 : vector<16xf32> to vector<16xf32>
    %get3A_3246 = arith.constant 896 : index
    %get3A_3247 = tpu.vector_load %arg7[%get3A_3246] {strides = array<i32>} : memref<2560xf32, #tpu.memory_space<vmem>>, vector<16xf32>,
    %get3A_3248 = vector.shape_cast %get3A_3247 : vector<16xf32> to vector<16xf32>
    %sub3A_3249 = arith.subf %get3A_3245, %get3A_3248 : vector<16xf32>
    %abs3A_3250 = math.absf %sub3A_3249 : vector<16xf32>
    %get3A_3251 = arith.constant 8 : i32
    %get3A_3252 = arith.index_cast %get3A_3251 : i32 to index
    %get3A_3253 = arith.constant 0 : index
    %get3A_3254 = tpu.vector_load %arg8[%get3A_3252, %get3A_3253] {strides = array<i32>} : memref<16x16xf32, #tpu.memory_space<vmem>>, vector<1x16xf32>,
    %get3A_3255 = vector.shape_cast %get3A_3254 : vector<1x16xf32> to vector<16xf32>
    %mul3A_3256 = arith.mulf %abs3A_3250, %get3A_3255 : vector<16xf32>
    %add3A_3257 = arith.addf %add3A_3242, %mul3A_3256 : vector<16xf32>
    %get3A_3258 = arith.constant 912 : index
    %get3A_3259 = tpu.vector_load %arg10[%get3A_3258] {strides = array<i32>} : memref<2560xf32, #tpu.memory_space<vmem>>, vector<16xf32>,
    %get3A_3260 = vector.shape_cast %get3A_3259 : vector<16xf32> to vector<16xf32>
    %get3A_3261 = arith.constant 912 : index
    %get3A_3262 = tpu.vector_load %arg7[%get3A_3261] {strides = array<i32>} : memref<2560xf32, #tpu.memory_space<vmem>>, vector<16xf32>,
    %get3A_3263 = vector.shape_cast %get3A_3262 : vector<16xf32> to vector<16xf32>
    %sub3A_3264 = arith.subf %get3A_3260, %get3A_3263 : vector<16xf32>
    %abs3A_3265 = math.absf %sub3A_3264 : vector<16xf32>
    %get3A_3266 = arith.constant 9 : i32
    %get3A_3267 = arith.index_cast %get3A_3266 : i32 to index
    %get3A_3268 = arith.constant 0 : index
    %get3A_3269 = tpu.vector_load %arg8[%get3A_3267, %get3A_3268] {strides = array<i32>} : memref<16x16xf32, #tpu.memory_space<vmem>>, vector<1x16xf32>,
    %get3A_3270 = vector.shape_cast %get3A_3269 : vector<1x16xf32> to vector<16xf32>
    %mul3A_3271 = arith.mulf %abs3A_3265, %get3A_3270 : vector<16xf32>
    %add3A_3272 = arith.addf %add3A_3257, %mul3A_3271 : vector<16xf32>
    %get3A_3273 = arith.constant 928 : index
    %get3A_3274 = tpu.vector_load %arg10[%get3A_3273] {strides = array<i32>} : memref<2560xf32, #tpu.memory_space<vmem>>, vector<16xf32>,
    %get3A_3275 = vector.shape_cast %get3A_3274 : vector<16xf32> to vector<16xf32>
    %get3A_3276 = arith.constant 928 : index
    %get3A_3277 = tpu.vector_load %arg7[%get3A_3276] {strides = array<i32>} : memref<2560xf32, #tpu.memory_space<vmem>>, vector<16xf32>,
    %get3A_3278 = vector.shape_cast %get3A_3277 : vector<16xf32> to vector<16xf32>
    %sub3A_3279 = arith.subf %get3A_3275, %get3A_3278 : vector<16xf32>
    %abs3A_3280 = math.absf %sub3A_3279 : vector<16xf32>
    %get3A_3281 = arith.constant 10 : i32
    %get3A_3282 = arith.index_cast %get3A_3281 : i32 to index
    %get3A_3283 = arith.constant 0 : index
    %get3A_3284 = tpu.vector_load %arg8[%get3A_3282, %get3A_3283] {strides = array<i32>} : memref<16x16xf32, #tpu.memory_space<vmem>>, vector<1x16xf32>,
    %get3A_3285 = vector.shape_cast %get3A_3284 : vector<1x16xf32> to vector<16xf32>
    %mul3A_3286 = arith.mulf %abs3A_3280, %get3A_3285 : vector<16xf32>
    %add3A_3287 = arith.addf %add3A_3272, %mul3A_3286 : vector<16xf32>
    %get3A_3288 = arith.constant 944 : index
    %get3A_3289 = tpu.vector_load %arg10[%get3A_3288] {strides = array<i32>} : memref<2560xf32, #tpu.memory_space<vmem>>, vector<16xf32>,
    %get3A_3290 = vector.shape_cast %get3A_3289 : vector<16xf32> to vector<16xf32>
    %get3A_3291 = arith.constant 944 : index
    %get3A_3292 = tpu.vector_load %arg7[%get3A_3291] {strides = array<i32>} : memref<2560xf32, #tpu.memory_space<vmem>>, vector<16xf32>,
    %get3A_3293 = vector.shape_cast %get3A_3292 : vector<16xf32> to vector<16xf32>
    %sub3A_3294 = arith.subf %get3A_3290, %get3A_3293 : vector<16xf32>
    %abs3A_3295 = math.absf %sub3A_3294 : vector<16xf32>
    %get3A_3296 = arith.constant 11 : i32
    %get3A_3297 = arith.index_cast %get3A_3296 : i32 to index
    %get3A_3298 = arith.constant 0 : index
    %get3A_3299 = tpu.vector_load %arg8[%get3A_3297, %get3A_3298] {strides = array<i32>} : memref<16x16xf32, #tpu.memory_space<vmem>>, vector<1x16xf32>,
    %get3A_3300 = vector.shape_cast %get3A_3299 : vector<1x16xf32> to vector<16xf32>
    %mul3A_3301 = arith.mulf %abs3A_3295, %get3A_3300 : vector<16xf32>
    %add3A_3302 = arith.addf %add3A_3287, %mul3A_3301 : vector<16xf32>
    %get3A_3303 = arith.constant 960 : index
    %get3A_3304 = tpu.vector_load %arg10[%get3A_3303] {strides = array<i32>} : memref<2560xf32, #tpu.memory_space<vmem>>, vector<16xf32>,
    %get3A_3305 = vector.shape_cast %get3A_3304 : vector<16xf32> to vector<16xf32>
    %get3A_3306 = arith.constant 960 : index
    %get3A_3307 = tpu.vector_load %arg7[%get3A_3306] {strides = array<i32>} : memref<2560xf32, #tpu.memory_space<vmem>>, vector<16xf32>,
    %get3A_3308 = vector.shape_cast %get3A_3307 : vector<16xf32> to vector<16xf32>
    %sub3A_3309 = arith.subf %get3A_3305, %get3A_3308 : vector<16xf32>
    %abs3A_3310 = math.absf %sub3A_3309 : vector<16xf32>
    %get3A_3311 = arith.constant 12 : i32
    %get3A_3312 = arith.index_cast %get3A_3311 : i32 to index
    %get3A_3313 = arith.constant 0 : index
    %get3A_3314 = tpu.vector_load %arg8[%get3A_3312, %get3A_3313] {strides = array<i32>} : memref<16x16xf32, #tpu.memory_space<vmem>>, vector<1x16xf32>,
    %get3A_3315 = vector.shape_cast %get3A_3314 : vector<1x16xf32> to vector<16xf32>
    %mul3A_3316 = arith.mulf %abs3A_3310, %get3A_3315 : vector<16xf32>
    %add3A_3317 = arith.addf %add3A_3302, %mul3A_3316 : vector<16xf32>
    %get3A_3318 = arith.constant 976 : index
    %get3A_3319 = tpu.vector_load %arg10[%get3A_3318] {strides = array<i32>} : memref<2560xf32, #tpu.memory_space<vmem>>, vector<16xf32>,
    %get3A_3320 = vector.shape_cast %get3A_3319 : vector<16xf32> to vector<16xf32>
    %get3A_3321 = arith.constant 976 : index
    %get3A_3322 = tpu.vector_load %arg7[%get3A_3321] {strides = array<i32>} : memref<2560xf32, #tpu.memory_space<vmem>>, vector<16xf32>,
    %get3A_3323 = vector.shape_cast %get3A_3322 : vector<16xf32> to vector<16xf32>
    %sub3A_3324 = arith.subf %get3A_3320, %get3A_3323 : vector<16xf32>
    %abs3A_3325 = math.absf %sub3A_3324 : vector<16xf32>
    %get3A_3326 = arith.constant 13 : i32
    %get3A_3327 = arith.index_cast %get3A_3326 : i32 to index
    %get3A_3328 = arith.constant 0 : index
    %get3A_3329 = tpu.vector_load %arg8[%get3A_3327, %get3A_3328] {strides = array<i32>} : memref<16x16xf32, #tpu.memory_space<vmem>>, vector<1x16xf32>,
    %get3A_3330 = vector.shape_cast %get3A_3329 : vector<1x16xf32> to vector<16xf32>
    %mul3A_3331 = arith.mulf %abs3A_3325, %get3A_3330 : vector<16xf32>
    %add3A_3332 = arith.addf %add3A_3317, %mul3A_3331 : vector<16xf32>
    %get3A_3333 = arith.constant 992 : index
    %get3A_3334 = tpu.vector_load %arg10[%get3A_3333] {strides = array<i32>} : memref<2560xf32, #tpu.memory_space<vmem>>, vector<16xf32>,
    %get3A_3335 = vector.shape_cast %get3A_3334 : vector<16xf32> to vector<16xf32>
    %get3A_3336 = arith.constant 992 : index
    %get3A_3337 = tpu.vector_load %arg7[%get3A_3336] {strides = array<i32>} : memref<2560xf32, #tpu.memory_space<vmem>>, vector<16xf32>,
    %get3A_3338 = vector.shape_cast %get3A_3337 : vector<16xf32> to vector<16xf32>
    %sub3A_3339 = arith.subf %get3A_3335, %get3A_3338 : vector<16xf32>
    %abs3A_3340 = math.absf %sub3A_3339 : vector<16xf32>
    %get3A_3341 = arith.constant 14 : i32
    %get3A_3342 = arith.index_cast %get3A_3341 : i32 to index
    %get3A_3343 = arith.constant 0 : index
    %get3A_3344 = tpu.vector_load %arg8[%get3A_3342, %get3A_3343] {strides = array<i32>} : memref<16x16xf32, #tpu.memory_space<vmem>>, vector<1x16xf32>,
    %get3A_3345 = vector.shape_cast %get3A_3344 : vector<1x16xf32> to vector<16xf32>
    %mul3A_3346 = arith.mulf %abs3A_3340, %get3A_3345 : vector<16xf32>
    %add3A_3347 = arith.addf %add3A_3332, %mul3A_3346 : vector<16xf32>
    %get3A_3348 = arith.constant 1008 : index
    %get3A_3349 = tpu.vector_load %arg10[%get3A_3348] {strides = array<i32>} : memref<2560xf32, #tpu.memory_space<vmem>>, vector<16xf32>,
    %get3A_3350 = vector.shape_cast %get3A_3349 : vector<16xf32> to vector<16xf32>
    %get3A_3351 = arith.constant 1008 : index
    %get3A_3352 = tpu.vector_load %arg7[%get3A_3351] {strides = array<i32>} : memref<2560xf32, #tpu.memory_space<vmem>>, vector<16xf32>,
    %get3A_3353 = vector.shape_cast %get3A_3352 : vector<16xf32> to vector<16xf32>
    %sub3A_3354 = arith.subf %get3A_3350, %get3A_3353 : vector<16xf32>
    %abs3A_3355 = math.absf %sub3A_3354 : vector<16xf32>
    %get3A_3356 = arith.constant 15 : i32
    %get3A_3357 = arith.index_cast %get3A_3356 : i32 to index
    %get3A_3358 = arith.constant 0 : index
    %get3A_3359 = tpu.vector_load %arg8[%get3A_3357, %get3A_3358] {strides = array<i32>} : memref<16x16xf32, #tpu.memory_space<vmem>>, vector<1x16xf32>,
    %get3A_3360 = vector.shape_cast %get3A_3359 : vector<1x16xf32> to vector<16xf32>
    %mul3A_3361 = arith.mulf %abs3A_3355, %get3A_3360 : vector<16xf32>
    %add3A_3362 = arith.addf %add3A_3347, %mul3A_3361 : vector<16xf32>
    %dma_wait3A_3363 = arith.constant 1024 : i32
    %dma_wait3A_3364 = tpu.memref_slice %arg10[%dma_wait3A_3363] : memref<2560xf32, #tpu.memory_space<vmem>> -> memref<512xf32, #tpu.memory_space<vmem>>
    %dma_wait3A_3365 = arith.constant 1024 : i32
    %dma_wait3A_3366 = tpu.memref_slice %arg9[%dma_wait3A_3365] : memref<2560xi32, #tpu.memory_space<vmem>> -> memref<512xi32, #tpu.memory_space<vmem>>
    %dma_wait3A_3367 = arith.constant 0 : i32
    %dma_wait3A_3368 = tpu.memref_slice %arg2[%dma_wait3A_3367] : memref<2621440xf32, #tpu.memory_space<hbm>> -> memref<2621440xf32, #tpu.memory_space<hbm>>
    tpu.wait_indirect_dma semaphore(%arg12 : memref<!tpu.dma_semaphore, #tpu.memory_space<semaphore_mem>>) src(%dma_wait3A_3368 : memref<2621440xf32, #tpu.memory_space<hbm>>) dst(%dma_wait3A_3364 : memref<512xf32, #tpu.memory_space<vmem>>)
    %get3A_3369 = arith.constant 1024 : index
    %get3A_3370 = tpu.vector_load %arg10[%get3A_3369] {strides = array<i32>} : memref<2560xf32, #tpu.memory_space<vmem>>, vector<16xf32>,
    %get3A_3371 = vector.shape_cast %get3A_3370 : vector<16xf32> to vector<16xf32>
    %get3A_3372 = arith.constant 1024 : index
    %get3A_3373 = tpu.vector_load %arg7[%get3A_3372] {strides = array<i32>} : memref<2560xf32, #tpu.memory_space<vmem>>, vector<16xf32>,
    %get3A_3374 = vector.shape_cast %get3A_3373 : vector<16xf32> to vector<16xf32>
    %sub3A_3375 = arith.subf %get3A_3371, %get3A_3374 : vector<16xf32>
    %abs3A_3376 = math.absf %sub3A_3375 : vector<16xf32>
    %get3A_3377 = arith.constant 0 : i32
    %get3A_3378 = arith.index_cast %get3A_3377 : i32 to index
    %get3A_3379 = arith.constant 0 : index
    %get3A_3380 = tpu.vector_load %arg8[%get3A_3378, %get3A_3379] {strides = array<i32>} : memref<16x16xf32, #tpu.memory_space<vmem>>, vector<1x16xf32>,
    %get3A_3381 = vector.shape_cast %get3A_3380 : vector<1x16xf32> to vector<16xf32>
    %mul3A_3382 = arith.mulf %abs3A_3376, %get3A_3381 : vector<16xf32>
    %add3A_3383 = arith.addf %broadcast_in_dim3A_98, %mul3A_3382 : vector<16xf32>
    %get3A_3384 = arith.constant 1040 : index
    %get3A_3385 = tpu.vector_load %arg10[%get3A_3384] {strides = array<i32>} : memref<2560xf32, #tpu.memory_space<vmem>>, vector<16xf32>,
    %get3A_3386 = vector.shape_cast %get3A_3385 : vector<16xf32> to vector<16xf32>
    %get3A_3387 = arith.constant 1040 : index
    %get3A_3388 = tpu.vector_load %arg7[%get3A_3387] {strides = array<i32>} : memref<2560xf32, #tpu.memory_space<vmem>>, vector<16xf32>,
    %get3A_3389 = vector.shape_cast %get3A_3388 : vector<16xf32> to vector<16xf32>
    %sub3A_3390 = arith.subf %get3A_3386, %get3A_3389 : vector<16xf32>
    %abs3A_3391 = math.absf %sub3A_3390 : vector<16xf32>
    %get3A_3392 = arith.constant 1 : i32
    %get3A_3393 = arith.index_cast %get3A_3392 : i32 to index
    %get3A_3394 = arith.constant 0 : index
    %get3A_3395 = tpu.vector_load %arg8[%get3A_3393, %get3A_3394] {strides = array<i32>} : memref<16x16xf32, #tpu.memory_space<vmem>>, vector<1x16xf32>,
    %get3A_3396 = vector.shape_cast %get3A_3395 : vector<1x16xf32> to vector<16xf32>
    %mul3A_3397 = arith.mulf %abs3A_3391, %get3A_3396 : vector<16xf32>
    %add3A_3398 = arith.addf %add3A_3383, %mul3A_3397 : vector<16xf32>
    %get3A_3399 = arith.constant 1056 : index
    %get3A_3400 = tpu.vector_load %arg10[%get3A_3399] {strides = array<i32>} : memref<2560xf32, #tpu.memory_space<vmem>>, vector<16xf32>,
    %get3A_3401 = vector.shape_cast %get3A_3400 : vector<16xf32> to vector<16xf32>
    %get3A_3402 = arith.constant 1056 : index
    %get3A_3403 = tpu.vector_load %arg7[%get3A_3402] {strides = array<i32>} : memref<2560xf32, #tpu.memory_space<vmem>>, vector<16xf32>,
    %get3A_3404 = vector.shape_cast %get3A_3403 : vector<16xf32> to vector<16xf32>
    %sub3A_3405 = arith.subf %get3A_3401, %get3A_3404 : vector<16xf32>
    %abs3A_3406 = math.absf %sub3A_3405 : vector<16xf32>
    %get3A_3407 = arith.constant 2 : i32
    %get3A_3408 = arith.index_cast %get3A_3407 : i32 to index
    %get3A_3409 = arith.constant 0 : index
    %get3A_3410 = tpu.vector_load %arg8[%get3A_3408, %get3A_3409] {strides = array<i32>} : memref<16x16xf32, #tpu.memory_space<vmem>>, vector<1x16xf32>,
    %get3A_3411 = vector.shape_cast %get3A_3410 : vector<1x16xf32> to vector<16xf32>
    %mul3A_3412 = arith.mulf %abs3A_3406, %get3A_3411 : vector<16xf32>
    %add3A_3413 = arith.addf %add3A_3398, %mul3A_3412 : vector<16xf32>
    %get3A_3414 = arith.constant 1072 : index
    %get3A_3415 = tpu.vector_load %arg10[%get3A_3414] {strides = array<i32>} : memref<2560xf32, #tpu.memory_space<vmem>>, vector<16xf32>,
    %get3A_3416 = vector.shape_cast %get3A_3415 : vector<16xf32> to vector<16xf32>
    %get3A_3417 = arith.constant 1072 : index
    %get3A_3418 = tpu.vector_load %arg7[%get3A_3417] {strides = array<i32>} : memref<2560xf32, #tpu.memory_space<vmem>>, vector<16xf32>,
    %get3A_3419 = vector.shape_cast %get3A_3418 : vector<16xf32> to vector<16xf32>
    %sub3A_3420 = arith.subf %get3A_3416, %get3A_3419 : vector<16xf32>
    %abs3A_3421 = math.absf %sub3A_3420 : vector<16xf32>
    %get3A_3422 = arith.constant 3 : i32
    %get3A_3423 = arith.index_cast %get3A_3422 : i32 to index
    %get3A_3424 = arith.constant 0 : index
    %get3A_3425 = tpu.vector_load %arg8[%get3A_3423, %get3A_3424] {strides = array<i32>} : memref<16x16xf32, #tpu.memory_space<vmem>>, vector<1x16xf32>,
    %get3A_3426 = vector.shape_cast %get3A_3425 : vector<1x16xf32> to vector<16xf32>
    %mul3A_3427 = arith.mulf %abs3A_3421, %get3A_3426 : vector<16xf32>
    %add3A_3428 = arith.addf %add3A_3413, %mul3A_3427 : vector<16xf32>
    %get3A_3429 = arith.constant 1088 : index
    %get3A_3430 = tpu.vector_load %arg10[%get3A_3429] {strides = array<i32>} : memref<2560xf32, #tpu.memory_space<vmem>>, vector<16xf32>,
    %get3A_3431 = vector.shape_cast %get3A_3430 : vector<16xf32> to vector<16xf32>
    %get3A_3432 = arith.constant 1088 : index
    %get3A_3433 = tpu.vector_load %arg7[%get3A_3432] {strides = array<i32>} : memref<2560xf32, #tpu.memory_space<vmem>>, vector<16xf32>,
    %get3A_3434 = vector.shape_cast %get3A_3433 : vector<16xf32> to vector<16xf32>
    %sub3A_3435 = arith.subf %get3A_3431, %get3A_3434 : vector<16xf32>
    %abs3A_3436 = math.absf %sub3A_3435 : vector<16xf32>
    %get3A_3437 = arith.constant 4 : i32
    %get3A_3438 = arith.index_cast %get3A_3437 : i32 to index
    %get3A_3439 = arith.constant 0 : index
    %get3A_3440 = tpu.vector_load %arg8[%get3A_3438, %get3A_3439] {strides = array<i32>} : memref<16x16xf32, #tpu.memory_space<vmem>>, vector<1x16xf32>,
    %get3A_3441 = vector.shape_cast %get3A_3440 : vector<1x16xf32> to vector<16xf32>
    %mul3A_3442 = arith.mulf %abs3A_3436, %get3A_3441 : vector<16xf32>
    %add3A_3443 = arith.addf %add3A_3428, %mul3A_3442 : vector<16xf32>
    %get3A_3444 = arith.constant 1104 : index
    %get3A_3445 = tpu.vector_load %arg10[%get3A_3444] {strides = array<i32>} : memref<2560xf32, #tpu.memory_space<vmem>>, vector<16xf32>,
    %get3A_3446 = vector.shape_cast %get3A_3445 : vector<16xf32> to vector<16xf32>
    %get3A_3447 = arith.constant 1104 : index
    %get3A_3448 = tpu.vector_load %arg7[%get3A_3447] {strides = array<i32>} : memref<2560xf32, #tpu.memory_space<vmem>>, vector<16xf32>,
    %get3A_3449 = vector.shape_cast %get3A_3448 : vector<16xf32> to vector<16xf32>
    %sub3A_3450 = arith.subf %get3A_3446, %get3A_3449 : vector<16xf32>
    %abs3A_3451 = math.absf %sub3A_3450 : vector<16xf32>
    %get3A_3452 = arith.constant 5 : i32
    %get3A_3453 = arith.index_cast %get3A_3452 : i32 to index
    %get3A_3454 = arith.constant 0 : index
    %get3A_3455 = tpu.vector_load %arg8[%get3A_3453, %get3A_3454] {strides = array<i32>} : memref<16x16xf32, #tpu.memory_space<vmem>>, vector<1x16xf32>,
    %get3A_3456 = vector.shape_cast %get3A_3455 : vector<1x16xf32> to vector<16xf32>
    %mul3A_3457 = arith.mulf %abs3A_3451, %get3A_3456 : vector<16xf32>
    %add3A_3458 = arith.addf %add3A_3443, %mul3A_3457 : vector<16xf32>
    %get3A_3459 = arith.constant 1120 : index
    %get3A_3460 = tpu.vector_load %arg10[%get3A_3459] {strides = array<i32>} : memref<2560xf32, #tpu.memory_space<vmem>>, vector<16xf32>,
    %get3A_3461 = vector.shape_cast %get3A_3460 : vector<16xf32> to vector<16xf32>
    %get3A_3462 = arith.constant 1120 : index
    %get3A_3463 = tpu.vector_load %arg7[%get3A_3462] {strides = array<i32>} : memref<2560xf32, #tpu.memory_space<vmem>>, vector<16xf32>,
    %get3A_3464 = vector.shape_cast %get3A_3463 : vector<16xf32> to vector<16xf32>
    %sub3A_3465 = arith.subf %get3A_3461, %get3A_3464 : vector<16xf32>
    %abs3A_3466 = math.absf %sub3A_3465 : vector<16xf32>
    %get3A_3467 = arith.constant 6 : i32
    %get3A_3468 = arith.index_cast %get3A_3467 : i32 to index
    %get3A_3469 = arith.constant 0 : index
    %get3A_3470 = tpu.vector_load %arg8[%get3A_3468, %get3A_3469] {strides = array<i32>} : memref<16x16xf32, #tpu.memory_space<vmem>>, vector<1x16xf32>,
    %get3A_3471 = vector.shape_cast %get3A_3470 : vector<1x16xf32> to vector<16xf32>
    %mul3A_3472 = arith.mulf %abs3A_3466, %get3A_3471 : vector<16xf32>
    %add3A_3473 = arith.addf %add3A_3458, %mul3A_3472 : vector<16xf32>
    %get3A_3474 = arith.constant 1136 : index
    %get3A_3475 = tpu.vector_load %arg10[%get3A_3474] {strides = array<i32>} : memref<2560xf32, #tpu.memory_space<vmem>>, vector<16xf32>,
    %get3A_3476 = vector.shape_cast %get3A_3475 : vector<16xf32> to vector<16xf32>
    %get3A_3477 = arith.constant 1136 : index
    %get3A_3478 = tpu.vector_load %arg7[%get3A_3477] {strides = array<i32>} : memref<2560xf32, #tpu.memory_space<vmem>>, vector<16xf32>,
    %get3A_3479 = vector.shape_cast %get3A_3478 : vector<16xf32> to vector<16xf32>
    %sub3A_3480 = arith.subf %get3A_3476, %get3A_3479 : vector<16xf32>
    %abs3A_3481 = math.absf %sub3A_3480 : vector<16xf32>
    %get3A_3482 = arith.constant 7 : i32
    %get3A_3483 = arith.index_cast %get3A_3482 : i32 to index
    %get3A_3484 = arith.constant 0 : index
    %get3A_3485 = tpu.vector_load %arg8[%get3A_3483, %get3A_3484] {strides = array<i32>} : memref<16x16xf32, #tpu.memory_space<vmem>>, vector<1x16xf32>,
    %get3A_3486 = vector.shape_cast %get3A_3485 : vector<1x16xf32> to vector<16xf32>
    %mul3A_3487 = arith.mulf %abs3A_3481, %get3A_3486 : vector<16xf32>
    %add3A_3488 = arith.addf %add3A_3473, %mul3A_3487 : vector<16xf32>
    %get3A_3489 = arith.constant 1152 : index
    %get3A_3490 = tpu.vector_load %arg10[%get3A_3489] {strides = array<i32>} : memref<2560xf32, #tpu.memory_space<vmem>>, vector<16xf32>,
    %get3A_3491 = vector.shape_cast %get3A_3490 : vector<16xf32> to vector<16xf32>
    %get3A_3492 = arith.constant 1152 : index
    %get3A_3493 = tpu.vector_load %arg7[%get3A_3492] {strides = array<i32>} : memref<2560xf32, #tpu.memory_space<vmem>>, vector<16xf32>,
    %get3A_3494 = vector.shape_cast %get3A_3493 : vector<16xf32> to vector<16xf32>
    %sub3A_3495 = arith.subf %get3A_3491, %get3A_3494 : vector<16xf32>
    %abs3A_3496 = math.absf %sub3A_3495 : vector<16xf32>
    %get3A_3497 = arith.constant 8 : i32
    %get3A_3498 = arith.index_cast %get3A_3497 : i32 to index
    %get3A_3499 = arith.constant 0 : index
    %get3A_3500 = tpu.vector_load %arg8[%get3A_3498, %get3A_3499] {strides = array<i32>} : memref<16x16xf32, #tpu.memory_space<vmem>>, vector<1x16xf32>,
    %get3A_3501 = vector.shape_cast %get3A_3500 : vector<1x16xf32> to vector<16xf32>
    %mul3A_3502 = arith.mulf %abs3A_3496, %get3A_3501 : vector<16xf32>
    %add3A_3503 = arith.addf %add3A_3488, %mul3A_3502 : vector<16xf32>
    %get3A_3504 = arith.constant 1168 : index
    %get3A_3505 = tpu.vector_load %arg10[%get3A_3504] {strides = array<i32>} : memref<2560xf32, #tpu.memory_space<vmem>>, vector<16xf32>,
    %get3A_3506 = vector.shape_cast %get3A_3505 : vector<16xf32> to vector<16xf32>
    %get3A_3507 = arith.constant 1168 : index
    %get3A_3508 = tpu.vector_load %arg7[%get3A_3507] {strides = array<i32>} : memref<2560xf32, #tpu.memory_space<vmem>>, vector<16xf32>,
    %get3A_3509 = vector.shape_cast %get3A_3508 : vector<16xf32> to vector<16xf32>
    %sub3A_3510 = arith.subf %get3A_3506, %get3A_3509 : vector<16xf32>
    %abs3A_3511 = math.absf %sub3A_3510 : vector<16xf32>
    %get3A_3512 = arith.constant 9 : i32
    %get3A_3513 = arith.index_cast %get3A_3512 : i32 to index
    %get3A_3514 = arith.constant 0 : index
    %get3A_3515 = tpu.vector_load %arg8[%get3A_3513, %get3A_3514] {strides = array<i32>} : memref<16x16xf32, #tpu.memory_space<vmem>>, vector<1x16xf32>,
    %get3A_3516 = vector.shape_cast %get3A_3515 : vector<1x16xf32> to vector<16xf32>
    %mul3A_3517 = arith.mulf %abs3A_3511, %get3A_3516 : vector<16xf32>
    %add3A_3518 = arith.addf %add3A_3503, %mul3A_3517 : vector<16xf32>
    %get3A_3519 = arith.constant 1184 : index
    %get3A_3520 = tpu.vector_load %arg10[%get3A_3519] {strides = array<i32>} : memref<2560xf32, #tpu.memory_space<vmem>>, vector<16xf32>,
    %get3A_3521 = vector.shape_cast %get3A_3520 : vector<16xf32> to vector<16xf32>
    %get3A_3522 = arith.constant 1184 : index
    %get3A_3523 = tpu.vector_load %arg7[%get3A_3522] {strides = array<i32>} : memref<2560xf32, #tpu.memory_space<vmem>>, vector<16xf32>,
    %get3A_3524 = vector.shape_cast %get3A_3523 : vector<16xf32> to vector<16xf32>
    %sub3A_3525 = arith.subf %get3A_3521, %get3A_3524 : vector<16xf32>
    %abs3A_3526 = math.absf %sub3A_3525 : vector<16xf32>
    %get3A_3527 = arith.constant 10 : i32
    %get3A_3528 = arith.index_cast %get3A_3527 : i32 to index
    %get3A_3529 = arith.constant 0 : index
    %get3A_3530 = tpu.vector_load %arg8[%get3A_3528, %get3A_3529] {strides = array<i32>} : memref<16x16xf32, #tpu.memory_space<vmem>>, vector<1x16xf32>,
    %get3A_3531 = vector.shape_cast %get3A_3530 : vector<1x16xf32> to vector<16xf32>
    %mul3A_3532 = arith.mulf %abs3A_3526, %get3A_3531 : vector<16xf32>
    %add3A_3533 = arith.addf %add3A_3518, %mul3A_3532 : vector<16xf32>
    %get3A_3534 = arith.constant 1200 : index
    %get3A_3535 = tpu.vector_load %arg10[%get3A_3534] {strides = array<i32>} : memref<2560xf32, #tpu.memory_space<vmem>>, vector<16xf32>,
    %get3A_3536 = vector.shape_cast %get3A_3535 : vector<16xf32> to vector<16xf32>
    %get3A_3537 = arith.constant 1200 : index
    %get3A_3538 = tpu.vector_load %arg7[%get3A_3537] {strides = array<i32>} : memref<2560xf32, #tpu.memory_space<vmem>>, vector<16xf32>,
    %get3A_3539 = vector.shape_cast %get3A_3538 : vector<16xf32> to vector<16xf32>
    %sub3A_3540 = arith.subf %get3A_3536, %get3A_3539 : vector<16xf32>
    %abs3A_3541 = math.absf %sub3A_3540 : vector<16xf32>
    %get3A_3542 = arith.constant 11 : i32
    %get3A_3543 = arith.index_cast %get3A_3542 : i32 to index
    %get3A_3544 = arith.constant 0 : index
    %get3A_3545 = tpu.vector_load %arg8[%get3A_3543, %get3A_3544] {strides = array<i32>} : memref<16x16xf32, #tpu.memory_space<vmem>>, vector<1x16xf32>,
    %get3A_3546 = vector.shape_cast %get3A_3545 : vector<1x16xf32> to vector<16xf32>
    %mul3A_3547 = arith.mulf %abs3A_3541, %get3A_3546 : vector<16xf32>
    %add3A_3548 = arith.addf %add3A_3533, %mul3A_3547 : vector<16xf32>
    %get3A_3549 = arith.constant 1216 : index
    %get3A_3550 = tpu.vector_load %arg10[%get3A_3549] {strides = array<i32>} : memref<2560xf32, #tpu.memory_space<vmem>>, vector<16xf32>,
    %get3A_3551 = vector.shape_cast %get3A_3550 : vector<16xf32> to vector<16xf32>
    %get3A_3552 = arith.constant 1216 : index
    %get3A_3553 = tpu.vector_load %arg7[%get3A_3552] {strides = array<i32>} : memref<2560xf32, #tpu.memory_space<vmem>>, vector<16xf32>,
    %get3A_3554 = vector.shape_cast %get3A_3553 : vector<16xf32> to vector<16xf32>
    %sub3A_3555 = arith.subf %get3A_3551, %get3A_3554 : vector<16xf32>
    %abs3A_3556 = math.absf %sub3A_3555 : vector<16xf32>
    %get3A_3557 = arith.constant 12 : i32
    %get3A_3558 = arith.index_cast %get3A_3557 : i32 to index
    %get3A_3559 = arith.constant 0 : index
    %get3A_3560 = tpu.vector_load %arg8[%get3A_3558, %get3A_3559] {strides = array<i32>} : memref<16x16xf32, #tpu.memory_space<vmem>>, vector<1x16xf32>,
    %get3A_3561 = vector.shape_cast %get3A_3560 : vector<1x16xf32> to vector<16xf32>
    %mul3A_3562 = arith.mulf %abs3A_3556, %get3A_3561 : vector<16xf32>
    %add3A_3563 = arith.addf %add3A_3548, %mul3A_3562 : vector<16xf32>
    %get3A_3564 = arith.constant 1232 : index
    %get3A_3565 = tpu.vector_load %arg10[%get3A_3564] {strides = array<i32>} : memref<2560xf32, #tpu.memory_space<vmem>>, vector<16xf32>,
    %get3A_3566 = vector.shape_cast %get3A_3565 : vector<16xf32> to vector<16xf32>
    %get3A_3567 = arith.constant 1232 : index
    %get3A_3568 = tpu.vector_load %arg7[%get3A_3567] {strides = array<i32>} : memref<2560xf32, #tpu.memory_space<vmem>>, vector<16xf32>,
    %get3A_3569 = vector.shape_cast %get3A_3568 : vector<16xf32> to vector<16xf32>
    %sub3A_3570 = arith.subf %get3A_3566, %get3A_3569 : vector<16xf32>
    %abs3A_3571 = math.absf %sub3A_3570 : vector<16xf32>
    %get3A_3572 = arith.constant 13 : i32
    %get3A_3573 = arith.index_cast %get3A_3572 : i32 to index
    %get3A_3574 = arith.constant 0 : index
    %get3A_3575 = tpu.vector_load %arg8[%get3A_3573, %get3A_3574] {strides = array<i32>} : memref<16x16xf32, #tpu.memory_space<vmem>>, vector<1x16xf32>,
    %get3A_3576 = vector.shape_cast %get3A_3575 : vector<1x16xf32> to vector<16xf32>
    %mul3A_3577 = arith.mulf %abs3A_3571, %get3A_3576 : vector<16xf32>
    %add3A_3578 = arith.addf %add3A_3563, %mul3A_3577 : vector<16xf32>
    %get3A_3579 = arith.constant 1248 : index
    %get3A_3580 = tpu.vector_load %arg10[%get3A_3579] {strides = array<i32>} : memref<2560xf32, #tpu.memory_space<vmem>>, vector<16xf32>,
    %get3A_3581 = vector.shape_cast %get3A_3580 : vector<16xf32> to vector<16xf32>
    %get3A_3582 = arith.constant 1248 : index
    %get3A_3583 = tpu.vector_load %arg7[%get3A_3582] {strides = array<i32>} : memref<2560xf32, #tpu.memory_space<vmem>>, vector<16xf32>,
    %get3A_3584 = vector.shape_cast %get3A_3583 : vector<16xf32> to vector<16xf32>
    %sub3A_3585 = arith.subf %get3A_3581, %get3A_3584 : vector<16xf32>
    %abs3A_3586 = math.absf %sub3A_3585 : vector<16xf32>
    %get3A_3587 = arith.constant 14 : i32
    %get3A_3588 = arith.index_cast %get3A_3587 : i32 to index
    %get3A_3589 = arith.constant 0 : index
    %get3A_3590 = tpu.vector_load %arg8[%get3A_3588, %get3A_3589] {strides = array<i32>} : memref<16x16xf32, #tpu.memory_space<vmem>>, vector<1x16xf32>,
    %get3A_3591 = vector.shape_cast %get3A_3590 : vector<1x16xf32> to vector<16xf32>
    %mul3A_3592 = arith.mulf %abs3A_3586, %get3A_3591 : vector<16xf32>
    %add3A_3593 = arith.addf %add3A_3578, %mul3A_3592 : vector<16xf32>
    %get3A_3594 = arith.constant 1264 : index
    %get3A_3595 = tpu.vector_load %arg10[%get3A_3594] {strides = array<i32>} : memref<2560xf32, #tpu.memory_space<vmem>>, vector<16xf32>,
    %get3A_3596 = vector.shape_cast %get3A_3595 : vector<16xf32> to vector<16xf32>
    %get3A_3597 = arith.constant 1264 : index
    %get3A_3598 = tpu.vector_load %arg7[%get3A_3597] {strides = array<i32>} : memref<2560xf32, #tpu.memory_space<vmem>>, vector<16xf32>,
    %get3A_3599 = vector.shape_cast %get3A_3598 : vector<16xf32> to vector<16xf32>
    %sub3A_3600 = arith.subf %get3A_3596, %get3A_3599 : vector<16xf32>
    %abs3A_3601 = math.absf %sub3A_3600 : vector<16xf32>
    %get3A_3602 = arith.constant 15 : i32
    %get3A_3603 = arith.index_cast %get3A_3602 : i32 to index
    %get3A_3604 = arith.constant 0 : index
    %get3A_3605 = tpu.vector_load %arg8[%get3A_3603, %get3A_3604] {strides = array<i32>} : memref<16x16xf32, #tpu.memory_space<vmem>>, vector<1x16xf32>,
    %get3A_3606 = vector.shape_cast %get3A_3605 : vector<1x16xf32> to vector<16xf32>
    %mul3A_3607 = arith.mulf %abs3A_3601, %get3A_3606 : vector<16xf32>
    %add3A_3608 = arith.addf %add3A_3593, %mul3A_3607 : vector<16xf32>
    %get3A_3609 = arith.constant 1280 : index
    %get3A_3610 = tpu.vector_load %arg10[%get3A_3609] {strides = array<i32>} : memref<2560xf32, #tpu.memory_space<vmem>>, vector<16xf32>,
    %get3A_3611 = vector.shape_cast %get3A_3610 : vector<16xf32> to vector<16xf32>
    %get3A_3612 = arith.constant 1280 : index
    %get3A_3613 = tpu.vector_load %arg7[%get3A_3612] {strides = array<i32>} : memref<2560xf32, #tpu.memory_space<vmem>>, vector<16xf32>,
    %get3A_3614 = vector.shape_cast %get3A_3613 : vector<16xf32> to vector<16xf32>
    %sub3A_3615 = arith.subf %get3A_3611, %get3A_3614 : vector<16xf32>
    %abs3A_3616 = math.absf %sub3A_3615 : vector<16xf32>
    %get3A_3617 = arith.constant 0 : i32
    %get3A_3618 = arith.index_cast %get3A_3617 : i32 to index
    %get3A_3619 = arith.constant 0 : index
    %get3A_3620 = tpu.vector_load %arg8[%get3A_3618, %get3A_3619] {strides = array<i32>} : memref<16x16xf32, #tpu.memory_space<vmem>>, vector<1x16xf32>,
    %get3A_3621 = vector.shape_cast %get3A_3620 : vector<1x16xf32> to vector<16xf32>
    %mul3A_3622 = arith.mulf %abs3A_3616, %get3A_3621 : vector<16xf32>
    %add3A_3623 = arith.addf %broadcast_in_dim3A_98, %mul3A_3622 : vector<16xf32>
    %get3A_3624 = arith.constant 1296 : index
    %get3A_3625 = tpu.vector_load %arg10[%get3A_3624] {strides = array<i32>} : memref<2560xf32, #tpu.memory_space<vmem>>, vector<16xf32>,
    %get3A_3626 = vector.shape_cast %get3A_3625 : vector<16xf32> to vector<16xf32>
    %get3A_3627 = arith.constant 1296 : index
    %get3A_3628 = tpu.vector_load %arg7[%get3A_3627] {strides = array<i32>} : memref<2560xf32, #tpu.memory_space<vmem>>, vector<16xf32>,
    %get3A_3629 = vector.shape_cast %get3A_3628 : vector<16xf32> to vector<16xf32>
    %sub3A_3630 = arith.subf %get3A_3626, %get3A_3629 : vector<16xf32>
    %abs3A_3631 = math.absf %sub3A_3630 : vector<16xf32>
    %get3A_3632 = arith.constant 1 : i32
    %get3A_3633 = arith.index_cast %get3A_3632 : i32 to index
    %get3A_3634 = arith.constant 0 : index
    %get3A_3635 = tpu.vector_load %arg8[%get3A_3633, %get3A_3634] {strides = array<i32>} : memref<16x16xf32, #tpu.memory_space<vmem>>, vector<1x16xf32>,
    %get3A_3636 = vector.shape_cast %get3A_3635 : vector<1x16xf32> to vector<16xf32>
    %mul3A_3637 = arith.mulf %abs3A_3631, %get3A_3636 : vector<16xf32>
    %add3A_3638 = arith.addf %add3A_3623, %mul3A_3637 : vector<16xf32>
    %get3A_3639 = arith.constant 1312 : index
    %get3A_3640 = tpu.vector_load %arg10[%get3A_3639] {strides = array<i32>} : memref<2560xf32, #tpu.memory_space<vmem>>, vector<16xf32>,
    %get3A_3641 = vector.shape_cast %get3A_3640 : vector<16xf32> to vector<16xf32>
    %get3A_3642 = arith.constant 1312 : index
    %get3A_3643 = tpu.vector_load %arg7[%get3A_3642] {strides = array<i32>} : memref<2560xf32, #tpu.memory_space<vmem>>, vector<16xf32>,
    %get3A_3644 = vector.shape_cast %get3A_3643 : vector<16xf32> to vector<16xf32>
    %sub3A_3645 = arith.subf %get3A_3641, %get3A_3644 : vector<16xf32>
    %abs3A_3646 = math.absf %sub3A_3645 : vector<16xf32>
    %get3A_3647 = arith.constant 2 : i32
    %get3A_3648 = arith.index_cast %get3A_3647 : i32 to index
    %get3A_3649 = arith.constant 0 : index
    %get3A_3650 = tpu.vector_load %arg8[%get3A_3648, %get3A_3649] {strides = array<i32>} : memref<16x16xf32, #tpu.memory_space<vmem>>, vector<1x16xf32>,
    %get3A_3651 = vector.shape_cast %get3A_3650 : vector<1x16xf32> to vector<16xf32>
    %mul3A_3652 = arith.mulf %abs3A_3646, %get3A_3651 : vector<16xf32>
    %add3A_3653 = arith.addf %add3A_3638, %mul3A_3652 : vector<16xf32>
    %get3A_3654 = arith.constant 1328 : index
    %get3A_3655 = tpu.vector_load %arg10[%get3A_3654] {strides = array<i32>} : memref<2560xf32, #tpu.memory_space<vmem>>, vector<16xf32>,
    %get3A_3656 = vector.shape_cast %get3A_3655 : vector<16xf32> to vector<16xf32>
    %get3A_3657 = arith.constant 1328 : index
    %get3A_3658 = tpu.vector_load %arg7[%get3A_3657] {strides = array<i32>} : memref<2560xf32, #tpu.memory_space<vmem>>, vector<16xf32>,
    %get3A_3659 = vector.shape_cast %get3A_3658 : vector<16xf32> to vector<16xf32>
    %sub3A_3660 = arith.subf %get3A_3656, %get3A_3659 : vector<16xf32>
    %abs3A_3661 = math.absf %sub3A_3660 : vector<16xf32>
    %get3A_3662 = arith.constant 3 : i32
    %get3A_3663 = arith.index_cast %get3A_3662 : i32 to index
    %get3A_3664 = arith.constant 0 : index
    %get3A_3665 = tpu.vector_load %arg8[%get3A_3663, %get3A_3664] {strides = array<i32>} : memref<16x16xf32, #tpu.memory_space<vmem>>, vector<1x16xf32>,
    %get3A_3666 = vector.shape_cast %get3A_3665 : vector<1x16xf32> to vector<16xf32>
    %mul3A_3667 = arith.mulf %abs3A_3661, %get3A_3666 : vector<16xf32>
    %add3A_3668 = arith.addf %add3A_3653, %mul3A_3667 : vector<16xf32>
    %get3A_3669 = arith.constant 1344 : index
    %get3A_3670 = tpu.vector_load %arg10[%get3A_3669] {strides = array<i32>} : memref<2560xf32, #tpu.memory_space<vmem>>, vector<16xf32>,
    %get3A_3671 = vector.shape_cast %get3A_3670 : vector<16xf32> to vector<16xf32>
    %get3A_3672 = arith.constant 1344 : index
    %get3A_3673 = tpu.vector_load %arg7[%get3A_3672] {strides = array<i32>} : memref<2560xf32, #tpu.memory_space<vmem>>, vector<16xf32>,
    %get3A_3674 = vector.shape_cast %get3A_3673 : vector<16xf32> to vector<16xf32>
    %sub3A_3675 = arith.subf %get3A_3671, %get3A_3674 : vector<16xf32>
    %abs3A_3676 = math.absf %sub3A_3675 : vector<16xf32>
    %get3A_3677 = arith.constant 4 : i32
    %get3A_3678 = arith.index_cast %get3A_3677 : i32 to index
    %get3A_3679 = arith.constant 0 : index
    %get3A_3680 = tpu.vector_load %arg8[%get3A_3678, %get3A_3679] {strides = array<i32>} : memref<16x16xf32, #tpu.memory_space<vmem>>, vector<1x16xf32>,
    %get3A_3681 = vector.shape_cast %get3A_3680 : vector<1x16xf32> to vector<16xf32>
    %mul3A_3682 = arith.mulf %abs3A_3676, %get3A_3681 : vector<16xf32>
    %add3A_3683 = arith.addf %add3A_3668, %mul3A_3682 : vector<16xf32>
    %get3A_3684 = arith.constant 1360 : index
    %get3A_3685 = tpu.vector_load %arg10[%get3A_3684] {strides = array<i32>} : memref<2560xf32, #tpu.memory_space<vmem>>, vector<16xf32>,
    %get3A_3686 = vector.shape_cast %get3A_3685 : vector<16xf32> to vector<16xf32>
    %get3A_3687 = arith.constant 1360 : index
    %get3A_3688 = tpu.vector_load %arg7[%get3A_3687] {strides = array<i32>} : memref<2560xf32, #tpu.memory_space<vmem>>, vector<16xf32>,
    %get3A_3689 = vector.shape_cast %get3A_3688 : vector<16xf32> to vector<16xf32>
    %sub3A_3690 = arith.subf %get3A_3686, %get3A_3689 : vector<16xf32>
    %abs3A_3691 = math.absf %sub3A_3690 : vector<16xf32>
    %get3A_3692 = arith.constant 5 : i32
    %get3A_3693 = arith.index_cast %get3A_3692 : i32 to index
    %get3A_3694 = arith.constant 0 : index
    %get3A_3695 = tpu.vector_load %arg8[%get3A_3693, %get3A_3694] {strides = array<i32>} : memref<16x16xf32, #tpu.memory_space<vmem>>, vector<1x16xf32>,
    %get3A_3696 = vector.shape_cast %get3A_3695 : vector<1x16xf32> to vector<16xf32>
    %mul3A_3697 = arith.mulf %abs3A_3691, %get3A_3696 : vector<16xf32>
    %add3A_3698 = arith.addf %add3A_3683, %mul3A_3697 : vector<16xf32>
    %get3A_3699 = arith.constant 1376 : index
    %get3A_3700 = tpu.vector_load %arg10[%get3A_3699] {strides = array<i32>} : memref<2560xf32, #tpu.memory_space<vmem>>, vector<16xf32>,
    %get3A_3701 = vector.shape_cast %get3A_3700 : vector<16xf32> to vector<16xf32>
    %get3A_3702 = arith.constant 1376 : index
    %get3A_3703 = tpu.vector_load %arg7[%get3A_3702] {strides = array<i32>} : memref<2560xf32, #tpu.memory_space<vmem>>, vector<16xf32>,
    %get3A_3704 = vector.shape_cast %get3A_3703 : vector<16xf32> to vector<16xf32>
    %sub3A_3705 = arith.subf %get3A_3701, %get3A_3704 : vector<16xf32>
    %abs3A_3706 = math.absf %sub3A_3705 : vector<16xf32>
    %get3A_3707 = arith.constant 6 : i32
    %get3A_3708 = arith.index_cast %get3A_3707 : i32 to index
    %get3A_3709 = arith.constant 0 : index
    %get3A_3710 = tpu.vector_load %arg8[%get3A_3708, %get3A_3709] {strides = array<i32>} : memref<16x16xf32, #tpu.memory_space<vmem>>, vector<1x16xf32>,
    %get3A_3711 = vector.shape_cast %get3A_3710 : vector<1x16xf32> to vector<16xf32>
    %mul3A_3712 = arith.mulf %abs3A_3706, %get3A_3711 : vector<16xf32>
    %add3A_3713 = arith.addf %add3A_3698, %mul3A_3712 : vector<16xf32>
    %get3A_3714 = arith.constant 1392 : index
    %get3A_3715 = tpu.vector_load %arg10[%get3A_3714] {strides = array<i32>} : memref<2560xf32, #tpu.memory_space<vmem>>, vector<16xf32>,
    %get3A_3716 = vector.shape_cast %get3A_3715 : vector<16xf32> to vector<16xf32>
    %get3A_3717 = arith.constant 1392 : index
    %get3A_3718 = tpu.vector_load %arg7[%get3A_3717] {strides = array<i32>} : memref<2560xf32, #tpu.memory_space<vmem>>, vector<16xf32>,
    %get3A_3719 = vector.shape_cast %get3A_3718 : vector<16xf32> to vector<16xf32>
    %sub3A_3720 = arith.subf %get3A_3716, %get3A_3719 : vector<16xf32>
    %abs3A_3721 = math.absf %sub3A_3720 : vector<16xf32>
    %get3A_3722 = arith.constant 7 : i32
    %get3A_3723 = arith.index_cast %get3A_3722 : i32 to index
    %get3A_3724 = arith.constant 0 : index
    %get3A_3725 = tpu.vector_load %arg8[%get3A_3723, %get3A_3724] {strides = array<i32>} : memref<16x16xf32, #tpu.memory_space<vmem>>, vector<1x16xf32>,
    %get3A_3726 = vector.shape_cast %get3A_3725 : vector<1x16xf32> to vector<16xf32>
    %mul3A_3727 = arith.mulf %abs3A_3721, %get3A_3726 : vector<16xf32>
    %add3A_3728 = arith.addf %add3A_3713, %mul3A_3727 : vector<16xf32>
    %get3A_3729 = arith.constant 1408 : index
    %get3A_3730 = tpu.vector_load %arg10[%get3A_3729] {strides = array<i32>} : memref<2560xf32, #tpu.memory_space<vmem>>, vector<16xf32>,
    %get3A_3731 = vector.shape_cast %get3A_3730 : vector<16xf32> to vector<16xf32>
    %get3A_3732 = arith.constant 1408 : index
    %get3A_3733 = tpu.vector_load %arg7[%get3A_3732] {strides = array<i32>} : memref<2560xf32, #tpu.memory_space<vmem>>, vector<16xf32>,
    %get3A_3734 = vector.shape_cast %get3A_3733 : vector<16xf32> to vector<16xf32>
    %sub3A_3735 = arith.subf %get3A_3731, %get3A_3734 : vector<16xf32>
    %abs3A_3736 = math.absf %sub3A_3735 : vector<16xf32>
    %get3A_3737 = arith.constant 8 : i32
    %get3A_3738 = arith.index_cast %get3A_3737 : i32 to index
    %get3A_3739 = arith.constant 0 : index
    %get3A_3740 = tpu.vector_load %arg8[%get3A_3738, %get3A_3739] {strides = array<i32>} : memref<16x16xf32, #tpu.memory_space<vmem>>, vector<1x16xf32>,
    %get3A_3741 = vector.shape_cast %get3A_3740 : vector<1x16xf32> to vector<16xf32>
    %mul3A_3742 = arith.mulf %abs3A_3736, %get3A_3741 : vector<16xf32>
    %add3A_3743 = arith.addf %add3A_3728, %mul3A_3742 : vector<16xf32>
    %get3A_3744 = arith.constant 1424 : index
    %get3A_3745 = tpu.vector_load %arg10[%get3A_3744] {strides = array<i32>} : memref<2560xf32, #tpu.memory_space<vmem>>, vector<16xf32>,
    %get3A_3746 = vector.shape_cast %get3A_3745 : vector<16xf32> to vector<16xf32>
    %get3A_3747 = arith.constant 1424 : index
    %get3A_3748 = tpu.vector_load %arg7[%get3A_3747] {strides = array<i32>} : memref<2560xf32, #tpu.memory_space<vmem>>, vector<16xf32>,
    %get3A_3749 = vector.shape_cast %get3A_3748 : vector<16xf32> to vector<16xf32>
    %sub3A_3750 = arith.subf %get3A_3746, %get3A_3749 : vector<16xf32>
    %abs3A_3751 = math.absf %sub3A_3750 : vector<16xf32>
    %get3A_3752 = arith.constant 9 : i32
    %get3A_3753 = arith.index_cast %get3A_3752 : i32 to index
    %get3A_3754 = arith.constant 0 : index
    %get3A_3755 = tpu.vector_load %arg8[%get3A_3753, %get3A_3754] {strides = array<i32>} : memref<16x16xf32, #tpu.memory_space<vmem>>, vector<1x16xf32>,
    %get3A_3756 = vector.shape_cast %get3A_3755 : vector<1x16xf32> to vector<16xf32>
    %mul3A_3757 = arith.mulf %abs3A_3751, %get3A_3756 : vector<16xf32>
    %add3A_3758 = arith.addf %add3A_3743, %mul3A_3757 : vector<16xf32>
    %get3A_3759 = arith.constant 1440 : index
    %get3A_3760 = tpu.vector_load %arg10[%get3A_3759] {strides = array<i32>} : memref<2560xf32, #tpu.memory_space<vmem>>, vector<16xf32>,
    %get3A_3761 = vector.shape_cast %get3A_3760 : vector<16xf32> to vector<16xf32>
    %get3A_3762 = arith.constant 1440 : index
    %get3A_3763 = tpu.vector_load %arg7[%get3A_3762] {strides = array<i32>} : memref<2560xf32, #tpu.memory_space<vmem>>, vector<16xf32>,
    %get3A_3764 = vector.shape_cast %get3A_3763 : vector<16xf32> to vector<16xf32>
    %sub3A_3765 = arith.subf %get3A_3761, %get3A_3764 : vector<16xf32>
    %abs3A_3766 = math.absf %sub3A_3765 : vector<16xf32>
    %get3A_3767 = arith.constant 10 : i32
    %get3A_3768 = arith.index_cast %get3A_3767 : i32 to index
    %get3A_3769 = arith.constant 0 : index
    %get3A_3770 = tpu.vector_load %arg8[%get3A_3768, %get3A_3769] {strides = array<i32>} : memref<16x16xf32, #tpu.memory_space<vmem>>, vector<1x16xf32>,
    %get3A_3771 = vector.shape_cast %get3A_3770 : vector<1x16xf32> to vector<16xf32>
    %mul3A_3772 = arith.mulf %abs3A_3766, %get3A_3771 : vector<16xf32>
    %add3A_3773 = arith.addf %add3A_3758, %mul3A_3772 : vector<16xf32>
    %get3A_3774 = arith.constant 1456 : index
    %get3A_3775 = tpu.vector_load %arg10[%get3A_3774] {strides = array<i32>} : memref<2560xf32, #tpu.memory_space<vmem>>, vector<16xf32>,
    %get3A_3776 = vector.shape_cast %get3A_3775 : vector<16xf32> to vector<16xf32>
    %get3A_3777 = arith.constant 1456 : index
    %get3A_3778 = tpu.vector_load %arg7[%get3A_3777] {strides = array<i32>} : memref<2560xf32, #tpu.memory_space<vmem>>, vector<16xf32>,
    %get3A_3779 = vector.shape_cast %get3A_3778 : vector<16xf32> to vector<16xf32>
    %sub3A_3780 = arith.subf %get3A_3776, %get3A_3779 : vector<16xf32>
    %abs3A_3781 = math.absf %sub3A_3780 : vector<16xf32>
    %get3A_3782 = arith.constant 11 : i32
    %get3A_3783 = arith.index_cast %get3A_3782 : i32 to index
    %get3A_3784 = arith.constant 0 : index
    %get3A_3785 = tpu.vector_load %arg8[%get3A_3783, %get3A_3784] {strides = array<i32>} : memref<16x16xf32, #tpu.memory_space<vmem>>, vector<1x16xf32>,
    %get3A_3786 = vector.shape_cast %get3A_3785 : vector<1x16xf32> to vector<16xf32>
    %mul3A_3787 = arith.mulf %abs3A_3781, %get3A_3786 : vector<16xf32>
    %add3A_3788 = arith.addf %add3A_3773, %mul3A_3787 : vector<16xf32>
    %get3A_3789 = arith.constant 1472 : index
    %get3A_3790 = tpu.vector_load %arg10[%get3A_3789] {strides = array<i32>} : memref<2560xf32, #tpu.memory_space<vmem>>, vector<16xf32>,
    %get3A_3791 = vector.shape_cast %get3A_3790 : vector<16xf32> to vector<16xf32>
    %get3A_3792 = arith.constant 1472 : index
    %get3A_3793 = tpu.vector_load %arg7[%get3A_3792] {strides = array<i32>} : memref<2560xf32, #tpu.memory_space<vmem>>, vector<16xf32>,
    %get3A_3794 = vector.shape_cast %get3A_3793 : vector<16xf32> to vector<16xf32>
    %sub3A_3795 = arith.subf %get3A_3791, %get3A_3794 : vector<16xf32>
    %abs3A_3796 = math.absf %sub3A_3795 : vector<16xf32>
    %get3A_3797 = arith.constant 12 : i32
    %get3A_3798 = arith.index_cast %get3A_3797 : i32 to index
    %get3A_3799 = arith.constant 0 : index
    %get3A_3800 = tpu.vector_load %arg8[%get3A_3798, %get3A_3799] {strides = array<i32>} : memref<16x16xf32, #tpu.memory_space<vmem>>, vector<1x16xf32>,
    %get3A_3801 = vector.shape_cast %get3A_3800 : vector<1x16xf32> to vector<16xf32>
    %mul3A_3802 = arith.mulf %abs3A_3796, %get3A_3801 : vector<16xf32>
    %add3A_3803 = arith.addf %add3A_3788, %mul3A_3802 : vector<16xf32>
    %get3A_3804 = arith.constant 1488 : index
    %get3A_3805 = tpu.vector_load %arg10[%get3A_3804] {strides = array<i32>} : memref<2560xf32, #tpu.memory_space<vmem>>, vector<16xf32>,
    %get3A_3806 = vector.shape_cast %get3A_3805 : vector<16xf32> to vector<16xf32>
    %get3A_3807 = arith.constant 1488 : index
    %get3A_3808 = tpu.vector_load %arg7[%get3A_3807] {strides = array<i32>} : memref<2560xf32, #tpu.memory_space<vmem>>, vector<16xf32>,
    %get3A_3809 = vector.shape_cast %get3A_3808 : vector<16xf32> to vector<16xf32>
    %sub3A_3810 = arith.subf %get3A_3806, %get3A_3809 : vector<16xf32>
    %abs3A_3811 = math.absf %sub3A_3810 : vector<16xf32>
    %get3A_3812 = arith.constant 13 : i32
    %get3A_3813 = arith.index_cast %get3A_3812 : i32 to index
    %get3A_3814 = arith.constant 0 : index
    %get3A_3815 = tpu.vector_load %arg8[%get3A_3813, %get3A_3814] {strides = array<i32>} : memref<16x16xf32, #tpu.memory_space<vmem>>, vector<1x16xf32>,
    %get3A_3816 = vector.shape_cast %get3A_3815 : vector<1x16xf32> to vector<16xf32>
    %mul3A_3817 = arith.mulf %abs3A_3811, %get3A_3816 : vector<16xf32>
    %add3A_3818 = arith.addf %add3A_3803, %mul3A_3817 : vector<16xf32>
    %get3A_3819 = arith.constant 1504 : index
    %get3A_3820 = tpu.vector_load %arg10[%get3A_3819] {strides = array<i32>} : memref<2560xf32, #tpu.memory_space<vmem>>, vector<16xf32>,
    %get3A_3821 = vector.shape_cast %get3A_3820 : vector<16xf32> to vector<16xf32>
    %get3A_3822 = arith.constant 1504 : index
    %get3A_3823 = tpu.vector_load %arg7[%get3A_3822] {strides = array<i32>} : memref<2560xf32, #tpu.memory_space<vmem>>, vector<16xf32>,
    %get3A_3824 = vector.shape_cast %get3A_3823 : vector<16xf32> to vector<16xf32>
    %sub3A_3825 = arith.subf %get3A_3821, %get3A_3824 : vector<16xf32>
    %abs3A_3826 = math.absf %sub3A_3825 : vector<16xf32>
    %get3A_3827 = arith.constant 14 : i32
    %get3A_3828 = arith.index_cast %get3A_3827 : i32 to index
    %get3A_3829 = arith.constant 0 : index
    %get3A_3830 = tpu.vector_load %arg8[%get3A_3828, %get3A_3829] {strides = array<i32>} : memref<16x16xf32, #tpu.memory_space<vmem>>, vector<1x16xf32>,
    %get3A_3831 = vector.shape_cast %get3A_3830 : vector<1x16xf32> to vector<16xf32>
    %mul3A_3832 = arith.mulf %abs3A_3826, %get3A_3831 : vector<16xf32>
    %add3A_3833 = arith.addf %add3A_3818, %mul3A_3832 : vector<16xf32>
    %get3A_3834 = arith.constant 1520 : index
    %get3A_3835 = tpu.vector_load %arg10[%get3A_3834] {strides = array<i32>} : memref<2560xf32, #tpu.memory_space<vmem>>, vector<16xf32>,
    %get3A_3836 = vector.shape_cast %get3A_3835 : vector<16xf32> to vector<16xf32>
    %get3A_3837 = arith.constant 1520 : index
    %get3A_3838 = tpu.vector_load %arg7[%get3A_3837] {strides = array<i32>} : memref<2560xf32, #tpu.memory_space<vmem>>, vector<16xf32>,
    %get3A_3839 = vector.shape_cast %get3A_3838 : vector<16xf32> to vector<16xf32>
    %sub3A_3840 = arith.subf %get3A_3836, %get3A_3839 : vector<16xf32>
    %abs3A_3841 = math.absf %sub3A_3840 : vector<16xf32>
    %get3A_3842 = arith.constant 15 : i32
    %get3A_3843 = arith.index_cast %get3A_3842 : i32 to index
    %get3A_3844 = arith.constant 0 : index
    %get3A_3845 = tpu.vector_load %arg8[%get3A_3843, %get3A_3844] {strides = array<i32>} : memref<16x16xf32, #tpu.memory_space<vmem>>, vector<1x16xf32>,
    %get3A_3846 = vector.shape_cast %get3A_3845 : vector<1x16xf32> to vector<16xf32>
    %mul3A_3847 = arith.mulf %abs3A_3841, %get3A_3846 : vector<16xf32>
    %add3A_3848 = arith.addf %add3A_3833, %mul3A_3847 : vector<16xf32>
    %dma_wait3A_3849 = arith.constant 1536 : i32
    %dma_wait3A_3850 = tpu.memref_slice %arg10[%dma_wait3A_3849] : memref<2560xf32, #tpu.memory_space<vmem>> -> memref<512xf32, #tpu.memory_space<vmem>>
    %dma_wait3A_3851 = arith.constant 1536 : i32
    %dma_wait3A_3852 = tpu.memref_slice %arg9[%dma_wait3A_3851] : memref<2560xi32, #tpu.memory_space<vmem>> -> memref<512xi32, #tpu.memory_space<vmem>>
    %dma_wait3A_3853 = arith.constant 0 : i32
    %dma_wait3A_3854 = tpu.memref_slice %arg2[%dma_wait3A_3853] : memref<2621440xf32, #tpu.memory_space<hbm>> -> memref<2621440xf32, #tpu.memory_space<hbm>>
    tpu.wait_indirect_dma semaphore(%arg12 : memref<!tpu.dma_semaphore, #tpu.memory_space<semaphore_mem>>) src(%dma_wait3A_3854 : memref<2621440xf32, #tpu.memory_space<hbm>>) dst(%dma_wait3A_3850 : memref<512xf32, #tpu.memory_space<vmem>>)
    %get3A_3855 = arith.constant 1536 : index
    %get3A_3856 = tpu.vector_load %arg10[%get3A_3855] {strides = array<i32>} : memref<2560xf32, #tpu.memory_space<vmem>>, vector<16xf32>,
    %get3A_3857 = vector.shape_cast %get3A_3856 : vector<16xf32> to vector<16xf32>
    %get3A_3858 = arith.constant 1536 : index
    %get3A_3859 = tpu.vector_load %arg7[%get3A_3858] {strides = array<i32>} : memref<2560xf32, #tpu.memory_space<vmem>>, vector<16xf32>,
    %get3A_3860 = vector.shape_cast %get3A_3859 : vector<16xf32> to vector<16xf32>
    %sub3A_3861 = arith.subf %get3A_3857, %get3A_3860 : vector<16xf32>
    %abs3A_3862 = math.absf %sub3A_3861 : vector<16xf32>
    %get3A_3863 = arith.constant 0 : i32
    %get3A_3864 = arith.index_cast %get3A_3863 : i32 to index
    %get3A_3865 = arith.constant 0 : index
    %get3A_3866 = tpu.vector_load %arg8[%get3A_3864, %get3A_3865] {strides = array<i32>} : memref<16x16xf32, #tpu.memory_space<vmem>>, vector<1x16xf32>,
    %get3A_3867 = vector.shape_cast %get3A_3866 : vector<1x16xf32> to vector<16xf32>
    %mul3A_3868 = arith.mulf %abs3A_3862, %get3A_3867 : vector<16xf32>
    %add3A_3869 = arith.addf %broadcast_in_dim3A_98, %mul3A_3868 : vector<16xf32>
    %get3A_3870 = arith.constant 1552 : index
    %get3A_3871 = tpu.vector_load %arg10[%get3A_3870] {strides = array<i32>} : memref<2560xf32, #tpu.memory_space<vmem>>, vector<16xf32>,
    %get3A_3872 = vector.shape_cast %get3A_3871 : vector<16xf32> to vector<16xf32>
    %get3A_3873 = arith.constant 1552 : index
    %get3A_3874 = tpu.vector_load %arg7[%get3A_3873] {strides = array<i32>} : memref<2560xf32, #tpu.memory_space<vmem>>, vector<16xf32>,
    %get3A_3875 = vector.shape_cast %get3A_3874 : vector<16xf32> to vector<16xf32>
    %sub3A_3876 = arith.subf %get3A_3872, %get3A_3875 : vector<16xf32>
    %abs3A_3877 = math.absf %sub3A_3876 : vector<16xf32>
    %get3A_3878 = arith.constant 1 : i32
    %get3A_3879 = arith.index_cast %get3A_3878 : i32 to index
    %get3A_3880 = arith.constant 0 : index
    %get3A_3881 = tpu.vector_load %arg8[%get3A_3879, %get3A_3880] {strides = array<i32>} : memref<16x16xf32, #tpu.memory_space<vmem>>, vector<1x16xf32>,
    %get3A_3882 = vector.shape_cast %get3A_3881 : vector<1x16xf32> to vector<16xf32>
    %mul3A_3883 = arith.mulf %abs3A_3877, %get3A_3882 : vector<16xf32>
    %add3A_3884 = arith.addf %add3A_3869, %mul3A_3883 : vector<16xf32>
    %get3A_3885 = arith.constant 1568 : index
    %get3A_3886 = tpu.vector_load %arg10[%get3A_3885] {strides = array<i32>} : memref<2560xf32, #tpu.memory_space<vmem>>, vector<16xf32>,
    %get3A_3887 = vector.shape_cast %get3A_3886 : vector<16xf32> to vector<16xf32>
    %get3A_3888 = arith.constant 1568 : index
    %get3A_3889 = tpu.vector_load %arg7[%get3A_3888] {strides = array<i32>} : memref<2560xf32, #tpu.memory_space<vmem>>, vector<16xf32>,
    %get3A_3890 = vector.shape_cast %get3A_3889 : vector<16xf32> to vector<16xf32>
    %sub3A_3891 = arith.subf %get3A_3887, %get3A_3890 : vector<16xf32>
    %abs3A_3892 = math.absf %sub3A_3891 : vector<16xf32>
    %get3A_3893 = arith.constant 2 : i32
    %get3A_3894 = arith.index_cast %get3A_3893 : i32 to index
    %get3A_3895 = arith.constant 0 : index
    %get3A_3896 = tpu.vector_load %arg8[%get3A_3894, %get3A_3895] {strides = array<i32>} : memref<16x16xf32, #tpu.memory_space<vmem>>, vector<1x16xf32>,
    %get3A_3897 = vector.shape_cast %get3A_3896 : vector<1x16xf32> to vector<16xf32>
    %mul3A_3898 = arith.mulf %abs3A_3892, %get3A_3897 : vector<16xf32>
    %add3A_3899 = arith.addf %add3A_3884, %mul3A_3898 : vector<16xf32>
    %get3A_3900 = arith.constant 1584 : index
    %get3A_3901 = tpu.vector_load %arg10[%get3A_3900] {strides = array<i32>} : memref<2560xf32, #tpu.memory_space<vmem>>, vector<16xf32>,
    %get3A_3902 = vector.shape_cast %get3A_3901 : vector<16xf32> to vector<16xf32>
    %get3A_3903 = arith.constant 1584 : index
    %get3A_3904 = tpu.vector_load %arg7[%get3A_3903] {strides = array<i32>} : memref<2560xf32, #tpu.memory_space<vmem>>, vector<16xf32>,
    %get3A_3905 = vector.shape_cast %get3A_3904 : vector<16xf32> to vector<16xf32>
    %sub3A_3906 = arith.subf %get3A_3902, %get3A_3905 : vector<16xf32>
    %abs3A_3907 = math.absf %sub3A_3906 : vector<16xf32>
    %get3A_3908 = arith.constant 3 : i32
    %get3A_3909 = arith.index_cast %get3A_3908 : i32 to index
    %get3A_3910 = arith.constant 0 : index
    %get3A_3911 = tpu.vector_load %arg8[%get3A_3909, %get3A_3910] {strides = array<i32>} : memref<16x16xf32, #tpu.memory_space<vmem>>, vector<1x16xf32>,
    %get3A_3912 = vector.shape_cast %get3A_3911 : vector<1x16xf32> to vector<16xf32>
    %mul3A_3913 = arith.mulf %abs3A_3907, %get3A_3912 : vector<16xf32>
    %add3A_3914 = arith.addf %add3A_3899, %mul3A_3913 : vector<16xf32>
    %get3A_3915 = arith.constant 1600 : index
    %get3A_3916 = tpu.vector_load %arg10[%get3A_3915] {strides = array<i32>} : memref<2560xf32, #tpu.memory_space<vmem>>, vector<16xf32>,
    %get3A_3917 = vector.shape_cast %get3A_3916 : vector<16xf32> to vector<16xf32>
    %get3A_3918 = arith.constant 1600 : index
    %get3A_3919 = tpu.vector_load %arg7[%get3A_3918] {strides = array<i32>} : memref<2560xf32, #tpu.memory_space<vmem>>, vector<16xf32>,
    %get3A_3920 = vector.shape_cast %get3A_3919 : vector<16xf32> to vector<16xf32>
    %sub3A_3921 = arith.subf %get3A_3917, %get3A_3920 : vector<16xf32>
    %abs3A_3922 = math.absf %sub3A_3921 : vector<16xf32>
    %get3A_3923 = arith.constant 4 : i32
    %get3A_3924 = arith.index_cast %get3A_3923 : i32 to index
    %get3A_3925 = arith.constant 0 : index
    %get3A_3926 = tpu.vector_load %arg8[%get3A_3924, %get3A_3925] {strides = array<i32>} : memref<16x16xf32, #tpu.memory_space<vmem>>, vector<1x16xf32>,
    %get3A_3927 = vector.shape_cast %get3A_3926 : vector<1x16xf32> to vector<16xf32>
    %mul3A_3928 = arith.mulf %abs3A_3922, %get3A_3927 : vector<16xf32>
    %add3A_3929 = arith.addf %add3A_3914, %mul3A_3928 : vector<16xf32>
    %get3A_3930 = arith.constant 1616 : index
    %get3A_3931 = tpu.vector_load %arg10[%get3A_3930] {strides = array<i32>} : memref<2560xf32, #tpu.memory_space<vmem>>, vector<16xf32>,
    %get3A_3932 = vector.shape_cast %get3A_3931 : vector<16xf32> to vector<16xf32>
    %get3A_3933 = arith.constant 1616 : index
    %get3A_3934 = tpu.vector_load %arg7[%get3A_3933] {strides = array<i32>} : memref<2560xf32, #tpu.memory_space<vmem>>, vector<16xf32>,
    %get3A_3935 = vector.shape_cast %get3A_3934 : vector<16xf32> to vector<16xf32>
    %sub3A_3936 = arith.subf %get3A_3932, %get3A_3935 : vector<16xf32>
    %abs3A_3937 = math.absf %sub3A_3936 : vector<16xf32>
    %get3A_3938 = arith.constant 5 : i32
    %get3A_3939 = arith.index_cast %get3A_3938 : i32 to index
    %get3A_3940 = arith.constant 0 : index
    %get3A_3941 = tpu.vector_load %arg8[%get3A_3939, %get3A_3940] {strides = array<i32>} : memref<16x16xf32, #tpu.memory_space<vmem>>, vector<1x16xf32>,
    %get3A_3942 = vector.shape_cast %get3A_3941 : vector<1x16xf32> to vector<16xf32>
    %mul3A_3943 = arith.mulf %abs3A_3937, %get3A_3942 : vector<16xf32>
    %add3A_3944 = arith.addf %add3A_3929, %mul3A_3943 : vector<16xf32>
    %get3A_3945 = arith.constant 1632 : index
    %get3A_3946 = tpu.vector_load %arg10[%get3A_3945] {strides = array<i32>} : memref<2560xf32, #tpu.memory_space<vmem>>, vector<16xf32>,
    %get3A_3947 = vector.shape_cast %get3A_3946 : vector<16xf32> to vector<16xf32>
    %get3A_3948 = arith.constant 1632 : index
    %get3A_3949 = tpu.vector_load %arg7[%get3A_3948] {strides = array<i32>} : memref<2560xf32, #tpu.memory_space<vmem>>, vector<16xf32>,
    %get3A_3950 = vector.shape_cast %get3A_3949 : vector<16xf32> to vector<16xf32>
    %sub3A_3951 = arith.subf %get3A_3947, %get3A_3950 : vector<16xf32>
    %abs3A_3952 = math.absf %sub3A_3951 : vector<16xf32>
    %get3A_3953 = arith.constant 6 : i32
    %get3A_3954 = arith.index_cast %get3A_3953 : i32 to index
    %get3A_3955 = arith.constant 0 : index
    %get3A_3956 = tpu.vector_load %arg8[%get3A_3954, %get3A_3955] {strides = array<i32>} : memref<16x16xf32, #tpu.memory_space<vmem>>, vector<1x16xf32>,
    %get3A_3957 = vector.shape_cast %get3A_3956 : vector<1x16xf32> to vector<16xf32>
    %mul3A_3958 = arith.mulf %abs3A_3952, %get3A_3957 : vector<16xf32>
    %add3A_3959 = arith.addf %add3A_3944, %mul3A_3958 : vector<16xf32>
    %get3A_3960 = arith.constant 1648 : index
    %get3A_3961 = tpu.vector_load %arg10[%get3A_3960] {strides = array<i32>} : memref<2560xf32, #tpu.memory_space<vmem>>, vector<16xf32>,
    %get3A_3962 = vector.shape_cast %get3A_3961 : vector<16xf32> to vector<16xf32>
    %get3A_3963 = arith.constant 1648 : index
    %get3A_3964 = tpu.vector_load %arg7[%get3A_3963] {strides = array<i32>} : memref<2560xf32, #tpu.memory_space<vmem>>, vector<16xf32>,
    %get3A_3965 = vector.shape_cast %get3A_3964 : vector<16xf32> to vector<16xf32>
    %sub3A_3966 = arith.subf %get3A_3962, %get3A_3965 : vector<16xf32>
    %abs3A_3967 = math.absf %sub3A_3966 : vector<16xf32>
    %get3A_3968 = arith.constant 7 : i32
    %get3A_3969 = arith.index_cast %get3A_3968 : i32 to index
    %get3A_3970 = arith.constant 0 : index
    %get3A_3971 = tpu.vector_load %arg8[%get3A_3969, %get3A_3970] {strides = array<i32>} : memref<16x16xf32, #tpu.memory_space<vmem>>, vector<1x16xf32>,
    %get3A_3972 = vector.shape_cast %get3A_3971 : vector<1x16xf32> to vector<16xf32>
    %mul3A_3973 = arith.mulf %abs3A_3967, %get3A_3972 : vector<16xf32>
    %add3A_3974 = arith.addf %add3A_3959, %mul3A_3973 : vector<16xf32>
    %get3A_3975 = arith.constant 1664 : index
    %get3A_3976 = tpu.vector_load %arg10[%get3A_3975] {strides = array<i32>} : memref<2560xf32, #tpu.memory_space<vmem>>, vector<16xf32>,
    %get3A_3977 = vector.shape_cast %get3A_3976 : vector<16xf32> to vector<16xf32>
    %get3A_3978 = arith.constant 1664 : index
    %get3A_3979 = tpu.vector_load %arg7[%get3A_3978] {strides = array<i32>} : memref<2560xf32, #tpu.memory_space<vmem>>, vector<16xf32>,
    %get3A_3980 = vector.shape_cast %get3A_3979 : vector<16xf32> to vector<16xf32>
    %sub3A_3981 = arith.subf %get3A_3977, %get3A_3980 : vector<16xf32>
    %abs3A_3982 = math.absf %sub3A_3981 : vector<16xf32>
    %get3A_3983 = arith.constant 8 : i32
    %get3A_3984 = arith.index_cast %get3A_3983 : i32 to index
    %get3A_3985 = arith.constant 0 : index
    %get3A_3986 = tpu.vector_load %arg8[%get3A_3984, %get3A_3985] {strides = array<i32>} : memref<16x16xf32, #tpu.memory_space<vmem>>, vector<1x16xf32>,
    %get3A_3987 = vector.shape_cast %get3A_3986 : vector<1x16xf32> to vector<16xf32>
    %mul3A_3988 = arith.mulf %abs3A_3982, %get3A_3987 : vector<16xf32>
    %add3A_3989 = arith.addf %add3A_3974, %mul3A_3988 : vector<16xf32>
    %get3A_3990 = arith.constant 1680 : index
    %get3A_3991 = tpu.vector_load %arg10[%get3A_3990] {strides = array<i32>} : memref<2560xf32, #tpu.memory_space<vmem>>, vector<16xf32>,
    %get3A_3992 = vector.shape_cast %get3A_3991 : vector<16xf32> to vector<16xf32>
    %get3A_3993 = arith.constant 1680 : index
    %get3A_3994 = tpu.vector_load %arg7[%get3A_3993] {strides = array<i32>} : memref<2560xf32, #tpu.memory_space<vmem>>, vector<16xf32>,
    %get3A_3995 = vector.shape_cast %get3A_3994 : vector<16xf32> to vector<16xf32>
    %sub3A_3996 = arith.subf %get3A_3992, %get3A_3995 : vector<16xf32>
    %abs3A_3997 = math.absf %sub3A_3996 : vector<16xf32>
    %get3A_3998 = arith.constant 9 : i32
    %get3A_3999 = arith.index_cast %get3A_3998 : i32 to index
    %get3A_4000 = arith.constant 0 : index
    %get3A_4001 = tpu.vector_load %arg8[%get3A_3999, %get3A_4000] {strides = array<i32>} : memref<16x16xf32, #tpu.memory_space<vmem>>, vector<1x16xf32>,
    %get3A_4002 = vector.shape_cast %get3A_4001 : vector<1x16xf32> to vector<16xf32>
    %mul3A_4003 = arith.mulf %abs3A_3997, %get3A_4002 : vector<16xf32>
    %add3A_4004 = arith.addf %add3A_3989, %mul3A_4003 : vector<16xf32>
    %get3A_4005 = arith.constant 1696 : index
    %get3A_4006 = tpu.vector_load %arg10[%get3A_4005] {strides = array<i32>} : memref<2560xf32, #tpu.memory_space<vmem>>, vector<16xf32>,
    %get3A_4007 = vector.shape_cast %get3A_4006 : vector<16xf32> to vector<16xf32>
    %get3A_4008 = arith.constant 1696 : index
    %get3A_4009 = tpu.vector_load %arg7[%get3A_4008] {strides = array<i32>} : memref<2560xf32, #tpu.memory_space<vmem>>, vector<16xf32>,
    %get3A_4010 = vector.shape_cast %get3A_4009 : vector<16xf32> to vector<16xf32>
    %sub3A_4011 = arith.subf %get3A_4007, %get3A_4010 : vector<16xf32>
    %abs3A_4012 = math.absf %sub3A_4011 : vector<16xf32>
    %get3A_4013 = arith.constant 10 : i32
    %get3A_4014 = arith.index_cast %get3A_4013 : i32 to index
    %get3A_4015 = arith.constant 0 : index
    %get3A_4016 = tpu.vector_load %arg8[%get3A_4014, %get3A_4015] {strides = array<i32>} : memref<16x16xf32, #tpu.memory_space<vmem>>, vector<1x16xf32>,
    %get3A_4017 = vector.shape_cast %get3A_4016 : vector<1x16xf32> to vector<16xf32>
    %mul3A_4018 = arith.mulf %abs3A_4012, %get3A_4017 : vector<16xf32>
    %add3A_4019 = arith.addf %add3A_4004, %mul3A_4018 : vector<16xf32>
    %get3A_4020 = arith.constant 1712 : index
    %get3A_4021 = tpu.vector_load %arg10[%get3A_4020] {strides = array<i32>} : memref<2560xf32, #tpu.memory_space<vmem>>, vector<16xf32>,
    %get3A_4022 = vector.shape_cast %get3A_4021 : vector<16xf32> to vector<16xf32>
    %get3A_4023 = arith.constant 1712 : index
    %get3A_4024 = tpu.vector_load %arg7[%get3A_4023] {strides = array<i32>} : memref<2560xf32, #tpu.memory_space<vmem>>, vector<16xf32>,
    %get3A_4025 = vector.shape_cast %get3A_4024 : vector<16xf32> to vector<16xf32>
    %sub3A_4026 = arith.subf %get3A_4022, %get3A_4025 : vector<16xf32>
    %abs3A_4027 = math.absf %sub3A_4026 : vector<16xf32>
    %get3A_4028 = arith.constant 11 : i32
    %get3A_4029 = arith.index_cast %get3A_4028 : i32 to index
    %get3A_4030 = arith.constant 0 : index
    %get3A_4031 = tpu.vector_load %arg8[%get3A_4029, %get3A_4030] {strides = array<i32>} : memref<16x16xf32, #tpu.memory_space<vmem>>, vector<1x16xf32>,
    %get3A_4032 = vector.shape_cast %get3A_4031 : vector<1x16xf32> to vector<16xf32>
    %mul3A_4033 = arith.mulf %abs3A_4027, %get3A_4032 : vector<16xf32>
    %add3A_4034 = arith.addf %add3A_4019, %mul3A_4033 : vector<16xf32>
    %get3A_4035 = arith.constant 1728 : index
    %get3A_4036 = tpu.vector_load %arg10[%get3A_4035] {strides = array<i32>} : memref<2560xf32, #tpu.memory_space<vmem>>, vector<16xf32>,
    %get3A_4037 = vector.shape_cast %get3A_4036 : vector<16xf32> to vector<16xf32>
    %get3A_4038 = arith.constant 1728 : index
    %get3A_4039 = tpu.vector_load %arg7[%get3A_4038] {strides = array<i32>} : memref<2560xf32, #tpu.memory_space<vmem>>, vector<16xf32>,
    %get3A_4040 = vector.shape_cast %get3A_4039 : vector<16xf32> to vector<16xf32>
    %sub3A_4041 = arith.subf %get3A_4037, %get3A_4040 : vector<16xf32>
    %abs3A_4042 = math.absf %sub3A_4041 : vector<16xf32>
    %get3A_4043 = arith.constant 12 : i32
    %get3A_4044 = arith.index_cast %get3A_4043 : i32 to index
    %get3A_4045 = arith.constant 0 : index
    %get3A_4046 = tpu.vector_load %arg8[%get3A_4044, %get3A_4045] {strides = array<i32>} : memref<16x16xf32, #tpu.memory_space<vmem>>, vector<1x16xf32>,
    %get3A_4047 = vector.shape_cast %get3A_4046 : vector<1x16xf32> to vector<16xf32>
    %mul3A_4048 = arith.mulf %abs3A_4042, %get3A_4047 : vector<16xf32>
    %add3A_4049 = arith.addf %add3A_4034, %mul3A_4048 : vector<16xf32>
    %get3A_4050 = arith.constant 1744 : index
    %get3A_4051 = tpu.vector_load %arg10[%get3A_4050] {strides = array<i32>} : memref<2560xf32, #tpu.memory_space<vmem>>, vector<16xf32>,
    %get3A_4052 = vector.shape_cast %get3A_4051 : vector<16xf32> to vector<16xf32>
    %get3A_4053 = arith.constant 1744 : index
    %get3A_4054 = tpu.vector_load %arg7[%get3A_4053] {strides = array<i32>} : memref<2560xf32, #tpu.memory_space<vmem>>, vector<16xf32>,
    %get3A_4055 = vector.shape_cast %get3A_4054 : vector<16xf32> to vector<16xf32>
    %sub3A_4056 = arith.subf %get3A_4052, %get3A_4055 : vector<16xf32>
    %abs3A_4057 = math.absf %sub3A_4056 : vector<16xf32>
    %get3A_4058 = arith.constant 13 : i32
    %get3A_4059 = arith.index_cast %get3A_4058 : i32 to index
    %get3A_4060 = arith.constant 0 : index
    %get3A_4061 = tpu.vector_load %arg8[%get3A_4059, %get3A_4060] {strides = array<i32>} : memref<16x16xf32, #tpu.memory_space<vmem>>, vector<1x16xf32>,
    %get3A_4062 = vector.shape_cast %get3A_4061 : vector<1x16xf32> to vector<16xf32>
    %mul3A_4063 = arith.mulf %abs3A_4057, %get3A_4062 : vector<16xf32>
    %add3A_4064 = arith.addf %add3A_4049, %mul3A_4063 : vector<16xf32>
    %get3A_4065 = arith.constant 1760 : index
    %get3A_4066 = tpu.vector_load %arg10[%get3A_4065] {strides = array<i32>} : memref<2560xf32, #tpu.memory_space<vmem>>, vector<16xf32>,
    %get3A_4067 = vector.shape_cast %get3A_4066 : vector<16xf32> to vector<16xf32>
    %get3A_4068 = arith.constant 1760 : index
    %get3A_4069 = tpu.vector_load %arg7[%get3A_4068] {strides = array<i32>} : memref<2560xf32, #tpu.memory_space<vmem>>, vector<16xf32>,
    %get3A_4070 = vector.shape_cast %get3A_4069 : vector<16xf32> to vector<16xf32>
    %sub3A_4071 = arith.subf %get3A_4067, %get3A_4070 : vector<16xf32>
    %abs3A_4072 = math.absf %sub3A_4071 : vector<16xf32>
    %get3A_4073 = arith.constant 14 : i32
    %get3A_4074 = arith.index_cast %get3A_4073 : i32 to index
    %get3A_4075 = arith.constant 0 : index
    %get3A_4076 = tpu.vector_load %arg8[%get3A_4074, %get3A_4075] {strides = array<i32>} : memref<16x16xf32, #tpu.memory_space<vmem>>, vector<1x16xf32>,
    %get3A_4077 = vector.shape_cast %get3A_4076 : vector<1x16xf32> to vector<16xf32>
    %mul3A_4078 = arith.mulf %abs3A_4072, %get3A_4077 : vector<16xf32>
    %add3A_4079 = arith.addf %add3A_4064, %mul3A_4078 : vector<16xf32>
    %get3A_4080 = arith.constant 1776 : index
    %get3A_4081 = tpu.vector_load %arg10[%get3A_4080] {strides = array<i32>} : memref<2560xf32, #tpu.memory_space<vmem>>, vector<16xf32>,
    %get3A_4082 = vector.shape_cast %get3A_4081 : vector<16xf32> to vector<16xf32>
    %get3A_4083 = arith.constant 1776 : index
    %get3A_4084 = tpu.vector_load %arg7[%get3A_4083] {strides = array<i32>} : memref<2560xf32, #tpu.memory_space<vmem>>, vector<16xf32>,
    %get3A_4085 = vector.shape_cast %get3A_4084 : vector<16xf32> to vector<16xf32>
    %sub3A_4086 = arith.subf %get3A_4082, %get3A_4085 : vector<16xf32>
    %abs3A_4087 = math.absf %sub3A_4086 : vector<16xf32>
    %get3A_4088 = arith.constant 15 : i32
    %get3A_4089 = arith.index_cast %get3A_4088 : i32 to index
    %get3A_4090 = arith.constant 0 : index
    %get3A_4091 = tpu.vector_load %arg8[%get3A_4089, %get3A_4090] {strides = array<i32>} : memref<16x16xf32, #tpu.memory_space<vmem>>, vector<1x16xf32>,
    %get3A_4092 = vector.shape_cast %get3A_4091 : vector<1x16xf32> to vector<16xf32>
    %mul3A_4093 = arith.mulf %abs3A_4087, %get3A_4092 : vector<16xf32>
    %add3A_4094 = arith.addf %add3A_4079, %mul3A_4093 : vector<16xf32>
    %get3A_4095 = arith.constant 1792 : index
    %get3A_4096 = tpu.vector_load %arg10[%get3A_4095] {strides = array<i32>} : memref<2560xf32, #tpu.memory_space<vmem>>, vector<16xf32>,
    %get3A_4097 = vector.shape_cast %get3A_4096 : vector<16xf32> to vector<16xf32>
    %get3A_4098 = arith.constant 1792 : index
    %get3A_4099 = tpu.vector_load %arg7[%get3A_4098] {strides = array<i32>} : memref<2560xf32, #tpu.memory_space<vmem>>, vector<16xf32>,
    %get3A_4100 = vector.shape_cast %get3A_4099 : vector<16xf32> to vector<16xf32>
    %sub3A_4101 = arith.subf %get3A_4097, %get3A_4100 : vector<16xf32>
    %abs3A_4102 = math.absf %sub3A_4101 : vector<16xf32>
    %get3A_4103 = arith.constant 0 : i32
    %get3A_4104 = arith.index_cast %get3A_4103 : i32 to index
    %get3A_4105 = arith.constant 0 : index
    %get3A_4106 = tpu.vector_load %arg8[%get3A_4104, %get3A_4105] {strides = array<i32>} : memref<16x16xf32, #tpu.memory_space<vmem>>, vector<1x16xf32>,
    %get3A_4107 = vector.shape_cast %get3A_4106 : vector<1x16xf32> to vector<16xf32>
    %mul3A_4108 = arith.mulf %abs3A_4102, %get3A_4107 : vector<16xf32>
    %add3A_4109 = arith.addf %broadcast_in_dim3A_98, %mul3A_4108 : vector<16xf32>
    %get3A_4110 = arith.constant 1808 : index
    %get3A_4111 = tpu.vector_load %arg10[%get3A_4110] {strides = array<i32>} : memref<2560xf32, #tpu.memory_space<vmem>>, vector<16xf32>,
    %get3A_4112 = vector.shape_cast %get3A_4111 : vector<16xf32> to vector<16xf32>
    %get3A_4113 = arith.constant 1808 : index
    %get3A_4114 = tpu.vector_load %arg7[%get3A_4113] {strides = array<i32>} : memref<2560xf32, #tpu.memory_space<vmem>>, vector<16xf32>,
    %get3A_4115 = vector.shape_cast %get3A_4114 : vector<16xf32> to vector<16xf32>
    %sub3A_4116 = arith.subf %get3A_4112, %get3A_4115 : vector<16xf32>
    %abs3A_4117 = math.absf %sub3A_4116 : vector<16xf32>
    %get3A_4118 = arith.constant 1 : i32
    %get3A_4119 = arith.index_cast %get3A_4118 : i32 to index
    %get3A_4120 = arith.constant 0 : index
    %get3A_4121 = tpu.vector_load %arg8[%get3A_4119, %get3A_4120] {strides = array<i32>} : memref<16x16xf32, #tpu.memory_space<vmem>>, vector<1x16xf32>,
    %get3A_4122 = vector.shape_cast %get3A_4121 : vector<1x16xf32> to vector<16xf32>
    %mul3A_4123 = arith.mulf %abs3A_4117, %get3A_4122 : vector<16xf32>
    %add3A_4124 = arith.addf %add3A_4109, %mul3A_4123 : vector<16xf32>
    %get3A_4125 = arith.constant 1824 : index
    %get3A_4126 = tpu.vector_load %arg10[%get3A_4125] {strides = array<i32>} : memref<2560xf32, #tpu.memory_space<vmem>>, vector<16xf32>,
    %get3A_4127 = vector.shape_cast %get3A_4126 : vector<16xf32> to vector<16xf32>
    %get3A_4128 = arith.constant 1824 : index
    %get3A_4129 = tpu.vector_load %arg7[%get3A_4128] {strides = array<i32>} : memref<2560xf32, #tpu.memory_space<vmem>>, vector<16xf32>,
    %get3A_4130 = vector.shape_cast %get3A_4129 : vector<16xf32> to vector<16xf32>
    %sub3A_4131 = arith.subf %get3A_4127, %get3A_4130 : vector<16xf32>
    %abs3A_4132 = math.absf %sub3A_4131 : vector<16xf32>
    %get3A_4133 = arith.constant 2 : i32
    %get3A_4134 = arith.index_cast %get3A_4133 : i32 to index
    %get3A_4135 = arith.constant 0 : index
    %get3A_4136 = tpu.vector_load %arg8[%get3A_4134, %get3A_4135] {strides = array<i32>} : memref<16x16xf32, #tpu.memory_space<vmem>>, vector<1x16xf32>,
    %get3A_4137 = vector.shape_cast %get3A_4136 : vector<1x16xf32> to vector<16xf32>
    %mul3A_4138 = arith.mulf %abs3A_4132, %get3A_4137 : vector<16xf32>
    %add3A_4139 = arith.addf %add3A_4124, %mul3A_4138 : vector<16xf32>
    %get3A_4140 = arith.constant 1840 : index
    %get3A_4141 = tpu.vector_load %arg10[%get3A_4140] {strides = array<i32>} : memref<2560xf32, #tpu.memory_space<vmem>>, vector<16xf32>,
    %get3A_4142 = vector.shape_cast %get3A_4141 : vector<16xf32> to vector<16xf32>
    %get3A_4143 = arith.constant 1840 : index
    %get3A_4144 = tpu.vector_load %arg7[%get3A_4143] {strides = array<i32>} : memref<2560xf32, #tpu.memory_space<vmem>>, vector<16xf32>,
    %get3A_4145 = vector.shape_cast %get3A_4144 : vector<16xf32> to vector<16xf32>
    %sub3A_4146 = arith.subf %get3A_4142, %get3A_4145 : vector<16xf32>
    %abs3A_4147 = math.absf %sub3A_4146 : vector<16xf32>
    %get3A_4148 = arith.constant 3 : i32
    %get3A_4149 = arith.index_cast %get3A_4148 : i32 to index
    %get3A_4150 = arith.constant 0 : index
    %get3A_4151 = tpu.vector_load %arg8[%get3A_4149, %get3A_4150] {strides = array<i32>} : memref<16x16xf32, #tpu.memory_space<vmem>>, vector<1x16xf32>,
    %get3A_4152 = vector.shape_cast %get3A_4151 : vector<1x16xf32> to vector<16xf32>
    %mul3A_4153 = arith.mulf %abs3A_4147, %get3A_4152 : vector<16xf32>
    %add3A_4154 = arith.addf %add3A_4139, %mul3A_4153 : vector<16xf32>
    %get3A_4155 = arith.constant 1856 : index
    %get3A_4156 = tpu.vector_load %arg10[%get3A_4155] {strides = array<i32>} : memref<2560xf32, #tpu.memory_space<vmem>>, vector<16xf32>,
    %get3A_4157 = vector.shape_cast %get3A_4156 : vector<16xf32> to vector<16xf32>
    %get3A_4158 = arith.constant 1856 : index
    %get3A_4159 = tpu.vector_load %arg7[%get3A_4158] {strides = array<i32>} : memref<2560xf32, #tpu.memory_space<vmem>>, vector<16xf32>,
    %get3A_4160 = vector.shape_cast %get3A_4159 : vector<16xf32> to vector<16xf32>
    %sub3A_4161 = arith.subf %get3A_4157, %get3A_4160 : vector<16xf32>
    %abs3A_4162 = math.absf %sub3A_4161 : vector<16xf32>
    %get3A_4163 = arith.constant 4 : i32
    %get3A_4164 = arith.index_cast %get3A_4163 : i32 to index
    %get3A_4165 = arith.constant 0 : index
    %get3A_4166 = tpu.vector_load %arg8[%get3A_4164, %get3A_4165] {strides = array<i32>} : memref<16x16xf32, #tpu.memory_space<vmem>>, vector<1x16xf32>,
    %get3A_4167 = vector.shape_cast %get3A_4166 : vector<1x16xf32> to vector<16xf32>
    %mul3A_4168 = arith.mulf %abs3A_4162, %get3A_4167 : vector<16xf32>
    %add3A_4169 = arith.addf %add3A_4154, %mul3A_4168 : vector<16xf32>
    %get3A_4170 = arith.constant 1872 : index
    %get3A_4171 = tpu.vector_load %arg10[%get3A_4170] {strides = array<i32>} : memref<2560xf32, #tpu.memory_space<vmem>>, vector<16xf32>,
    %get3A_4172 = vector.shape_cast %get3A_4171 : vector<16xf32> to vector<16xf32>
    %get3A_4173 = arith.constant 1872 : index
    %get3A_4174 = tpu.vector_load %arg7[%get3A_4173] {strides = array<i32>} : memref<2560xf32, #tpu.memory_space<vmem>>, vector<16xf32>,
    %get3A_4175 = vector.shape_cast %get3A_4174 : vector<16xf32> to vector<16xf32>
    %sub3A_4176 = arith.subf %get3A_4172, %get3A_4175 : vector<16xf32>
    %abs3A_4177 = math.absf %sub3A_4176 : vector<16xf32>
    %get3A_4178 = arith.constant 5 : i32
    %get3A_4179 = arith.index_cast %get3A_4178 : i32 to index
    %get3A_4180 = arith.constant 0 : index
    %get3A_4181 = tpu.vector_load %arg8[%get3A_4179, %get3A_4180] {strides = array<i32>} : memref<16x16xf32, #tpu.memory_space<vmem>>, vector<1x16xf32>,
    %get3A_4182 = vector.shape_cast %get3A_4181 : vector<1x16xf32> to vector<16xf32>
    %mul3A_4183 = arith.mulf %abs3A_4177, %get3A_4182 : vector<16xf32>
    %add3A_4184 = arith.addf %add3A_4169, %mul3A_4183 : vector<16xf32>
    %get3A_4185 = arith.constant 1888 : index
    %get3A_4186 = tpu.vector_load %arg10[%get3A_4185] {strides = array<i32>} : memref<2560xf32, #tpu.memory_space<vmem>>, vector<16xf32>,
    %get3A_4187 = vector.shape_cast %get3A_4186 : vector<16xf32> to vector<16xf32>
    %get3A_4188 = arith.constant 1888 : index
    %get3A_4189 = tpu.vector_load %arg7[%get3A_4188] {strides = array<i32>} : memref<2560xf32, #tpu.memory_space<vmem>>, vector<16xf32>,
    %get3A_4190 = vector.shape_cast %get3A_4189 : vector<16xf32> to vector<16xf32>
    %sub3A_4191 = arith.subf %get3A_4187, %get3A_4190 : vector<16xf32>
    %abs3A_4192 = math.absf %sub3A_4191 : vector<16xf32>
    %get3A_4193 = arith.constant 6 : i32
    %get3A_4194 = arith.index_cast %get3A_4193 : i32 to index
    %get3A_4195 = arith.constant 0 : index
    %get3A_4196 = tpu.vector_load %arg8[%get3A_4194, %get3A_4195] {strides = array<i32>} : memref<16x16xf32, #tpu.memory_space<vmem>>, vector<1x16xf32>,
    %get3A_4197 = vector.shape_cast %get3A_4196 : vector<1x16xf32> to vector<16xf32>
    %mul3A_4198 = arith.mulf %abs3A_4192, %get3A_4197 : vector<16xf32>
    %add3A_4199 = arith.addf %add3A_4184, %mul3A_4198 : vector<16xf32>
    %get3A_4200 = arith.constant 1904 : index
    %get3A_4201 = tpu.vector_load %arg10[%get3A_4200] {strides = array<i32>} : memref<2560xf32, #tpu.memory_space<vmem>>, vector<16xf32>,
    %get3A_4202 = vector.shape_cast %get3A_4201 : vector<16xf32> to vector<16xf32>
    %get3A_4203 = arith.constant 1904 : index
    %get3A_4204 = tpu.vector_load %arg7[%get3A_4203] {strides = array<i32>} : memref<2560xf32, #tpu.memory_space<vmem>>, vector<16xf32>,
    %get3A_4205 = vector.shape_cast %get3A_4204 : vector<16xf32> to vector<16xf32>
    %sub3A_4206 = arith.subf %get3A_4202, %get3A_4205 : vector<16xf32>
    %abs3A_4207 = math.absf %sub3A_4206 : vector<16xf32>
    %get3A_4208 = arith.constant 7 : i32
    %get3A_4209 = arith.index_cast %get3A_4208 : i32 to index
    %get3A_4210 = arith.constant 0 : index
    %get3A_4211 = tpu.vector_load %arg8[%get3A_4209, %get3A_4210] {strides = array<i32>} : memref<16x16xf32, #tpu.memory_space<vmem>>, vector<1x16xf32>,
    %get3A_4212 = vector.shape_cast %get3A_4211 : vector<1x16xf32> to vector<16xf32>
    %mul3A_4213 = arith.mulf %abs3A_4207, %get3A_4212 : vector<16xf32>
    %add3A_4214 = arith.addf %add3A_4199, %mul3A_4213 : vector<16xf32>
    %get3A_4215 = arith.constant 1920 : index
    %get3A_4216 = tpu.vector_load %arg10[%get3A_4215] {strides = array<i32>} : memref<2560xf32, #tpu.memory_space<vmem>>, vector<16xf32>,
    %get3A_4217 = vector.shape_cast %get3A_4216 : vector<16xf32> to vector<16xf32>
    %get3A_4218 = arith.constant 1920 : index
    %get3A_4219 = tpu.vector_load %arg7[%get3A_4218] {strides = array<i32>} : memref<2560xf32, #tpu.memory_space<vmem>>, vector<16xf32>,
    %get3A_4220 = vector.shape_cast %get3A_4219 : vector<16xf32> to vector<16xf32>
    %sub3A_4221 = arith.subf %get3A_4217, %get3A_4220 : vector<16xf32>
    %abs3A_4222 = math.absf %sub3A_4221 : vector<16xf32>
    %get3A_4223 = arith.constant 8 : i32
    %get3A_4224 = arith.index_cast %get3A_4223 : i32 to index
    %get3A_4225 = arith.constant 0 : index
    %get3A_4226 = tpu.vector_load %arg8[%get3A_4224, %get3A_4225] {strides = array<i32>} : memref<16x16xf32, #tpu.memory_space<vmem>>, vector<1x16xf32>,
    %get3A_4227 = vector.shape_cast %get3A_4226 : vector<1x16xf32> to vector<16xf32>
    %mul3A_4228 = arith.mulf %abs3A_4222, %get3A_4227 : vector<16xf32>
    %add3A_4229 = arith.addf %add3A_4214, %mul3A_4228 : vector<16xf32>
    %get3A_4230 = arith.constant 1936 : index
    %get3A_4231 = tpu.vector_load %arg10[%get3A_4230] {strides = array<i32>} : memref<2560xf32, #tpu.memory_space<vmem>>, vector<16xf32>,
    %get3A_4232 = vector.shape_cast %get3A_4231 : vector<16xf32> to vector<16xf32>
    %get3A_4233 = arith.constant 1936 : index
    %get3A_4234 = tpu.vector_load %arg7[%get3A_4233] {strides = array<i32>} : memref<2560xf32, #tpu.memory_space<vmem>>, vector<16xf32>,
    %get3A_4235 = vector.shape_cast %get3A_4234 : vector<16xf32> to vector<16xf32>
    %sub3A_4236 = arith.subf %get3A_4232, %get3A_4235 : vector<16xf32>
    %abs3A_4237 = math.absf %sub3A_4236 : vector<16xf32>
    %get3A_4238 = arith.constant 9 : i32
    %get3A_4239 = arith.index_cast %get3A_4238 : i32 to index
    %get3A_4240 = arith.constant 0 : index
    %get3A_4241 = tpu.vector_load %arg8[%get3A_4239, %get3A_4240] {strides = array<i32>} : memref<16x16xf32, #tpu.memory_space<vmem>>, vector<1x16xf32>,
    %get3A_4242 = vector.shape_cast %get3A_4241 : vector<1x16xf32> to vector<16xf32>
    %mul3A_4243 = arith.mulf %abs3A_4237, %get3A_4242 : vector<16xf32>
    %add3A_4244 = arith.addf %add3A_4229, %mul3A_4243 : vector<16xf32>
    %get3A_4245 = arith.constant 1952 : index
    %get3A_4246 = tpu.vector_load %arg10[%get3A_4245] {strides = array<i32>} : memref<2560xf32, #tpu.memory_space<vmem>>, vector<16xf32>,
    %get3A_4247 = vector.shape_cast %get3A_4246 : vector<16xf32> to vector<16xf32>
    %get3A_4248 = arith.constant 1952 : index
    %get3A_4249 = tpu.vector_load %arg7[%get3A_4248] {strides = array<i32>} : memref<2560xf32, #tpu.memory_space<vmem>>, vector<16xf32>,
    %get3A_4250 = vector.shape_cast %get3A_4249 : vector<16xf32> to vector<16xf32>
    %sub3A_4251 = arith.subf %get3A_4247, %get3A_4250 : vector<16xf32>
    %abs3A_4252 = math.absf %sub3A_4251 : vector<16xf32>
    %get3A_4253 = arith.constant 10 : i32
    %get3A_4254 = arith.index_cast %get3A_4253 : i32 to index
    %get3A_4255 = arith.constant 0 : index
    %get3A_4256 = tpu.vector_load %arg8[%get3A_4254, %get3A_4255] {strides = array<i32>} : memref<16x16xf32, #tpu.memory_space<vmem>>, vector<1x16xf32>,
    %get3A_4257 = vector.shape_cast %get3A_4256 : vector<1x16xf32> to vector<16xf32>
    %mul3A_4258 = arith.mulf %abs3A_4252, %get3A_4257 : vector<16xf32>
    %add3A_4259 = arith.addf %add3A_4244, %mul3A_4258 : vector<16xf32>
    %get3A_4260 = arith.constant 1968 : index
    %get3A_4261 = tpu.vector_load %arg10[%get3A_4260] {strides = array<i32>} : memref<2560xf32, #tpu.memory_space<vmem>>, vector<16xf32>,
    %get3A_4262 = vector.shape_cast %get3A_4261 : vector<16xf32> to vector<16xf32>
    %get3A_4263 = arith.constant 1968 : index
    %get3A_4264 = tpu.vector_load %arg7[%get3A_4263] {strides = array<i32>} : memref<2560xf32, #tpu.memory_space<vmem>>, vector<16xf32>,
    %get3A_4265 = vector.shape_cast %get3A_4264 : vector<16xf32> to vector<16xf32>
    %sub3A_4266 = arith.subf %get3A_4262, %get3A_4265 : vector<16xf32>
    %abs3A_4267 = math.absf %sub3A_4266 : vector<16xf32>
    %get3A_4268 = arith.constant 11 : i32
    %get3A_4269 = arith.index_cast %get3A_4268 : i32 to index
    %get3A_4270 = arith.constant 0 : index
    %get3A_4271 = tpu.vector_load %arg8[%get3A_4269, %get3A_4270] {strides = array<i32>} : memref<16x16xf32, #tpu.memory_space<vmem>>, vector<1x16xf32>,
    %get3A_4272 = vector.shape_cast %get3A_4271 : vector<1x16xf32> to vector<16xf32>
    %mul3A_4273 = arith.mulf %abs3A_4267, %get3A_4272 : vector<16xf32>
    %add3A_4274 = arith.addf %add3A_4259, %mul3A_4273 : vector<16xf32>
    %get3A_4275 = arith.constant 1984 : index
    %get3A_4276 = tpu.vector_load %arg10[%get3A_4275] {strides = array<i32>} : memref<2560xf32, #tpu.memory_space<vmem>>, vector<16xf32>,
    %get3A_4277 = vector.shape_cast %get3A_4276 : vector<16xf32> to vector<16xf32>
    %get3A_4278 = arith.constant 1984 : index
    %get3A_4279 = tpu.vector_load %arg7[%get3A_4278] {strides = array<i32>} : memref<2560xf32, #tpu.memory_space<vmem>>, vector<16xf32>,
    %get3A_4280 = vector.shape_cast %get3A_4279 : vector<16xf32> to vector<16xf32>
    %sub3A_4281 = arith.subf %get3A_4277, %get3A_4280 : vector<16xf32>
    %abs3A_4282 = math.absf %sub3A_4281 : vector<16xf32>
    %get3A_4283 = arith.constant 12 : i32
    %get3A_4284 = arith.index_cast %get3A_4283 : i32 to index
    %get3A_4285 = arith.constant 0 : index
    %get3A_4286 = tpu.vector_load %arg8[%get3A_4284, %get3A_4285] {strides = array<i32>} : memref<16x16xf32, #tpu.memory_space<vmem>>, vector<1x16xf32>,
    %get3A_4287 = vector.shape_cast %get3A_4286 : vector<1x16xf32> to vector<16xf32>
    %mul3A_4288 = arith.mulf %abs3A_4282, %get3A_4287 : vector<16xf32>
    %add3A_4289 = arith.addf %add3A_4274, %mul3A_4288 : vector<16xf32>
    %get3A_4290 = arith.constant 2000 : index
    %get3A_4291 = tpu.vector_load %arg10[%get3A_4290] {strides = array<i32>} : memref<2560xf32, #tpu.memory_space<vmem>>, vector<16xf32>,
    %get3A_4292 = vector.shape_cast %get3A_4291 : vector<16xf32> to vector<16xf32>
    %get3A_4293 = arith.constant 2000 : index
    %get3A_4294 = tpu.vector_load %arg7[%get3A_4293] {strides = array<i32>} : memref<2560xf32, #tpu.memory_space<vmem>>, vector<16xf32>,
    %get3A_4295 = vector.shape_cast %get3A_4294 : vector<16xf32> to vector<16xf32>
    %sub3A_4296 = arith.subf %get3A_4292, %get3A_4295 : vector<16xf32>
    %abs3A_4297 = math.absf %sub3A_4296 : vector<16xf32>
    %get3A_4298 = arith.constant 13 : i32
    %get3A_4299 = arith.index_cast %get3A_4298 : i32 to index
    %get3A_4300 = arith.constant 0 : index
    %get3A_4301 = tpu.vector_load %arg8[%get3A_4299, %get3A_4300] {strides = array<i32>} : memref<16x16xf32, #tpu.memory_space<vmem>>, vector<1x16xf32>,
    %get3A_4302 = vector.shape_cast %get3A_4301 : vector<1x16xf32> to vector<16xf32>
    %mul3A_4303 = arith.mulf %abs3A_4297, %get3A_4302 : vector<16xf32>
    %add3A_4304 = arith.addf %add3A_4289, %mul3A_4303 : vector<16xf32>
    %get3A_4305 = arith.constant 2016 : index
    %get3A_4306 = tpu.vector_load %arg10[%get3A_4305] {strides = array<i32>} : memref<2560xf32, #tpu.memory_space<vmem>>, vector<16xf32>,
    %get3A_4307 = vector.shape_cast %get3A_4306 : vector<16xf32> to vector<16xf32>
    %get3A_4308 = arith.constant 2016 : index
    %get3A_4309 = tpu.vector_load %arg7[%get3A_4308] {strides = array<i32>} : memref<2560xf32, #tpu.memory_space<vmem>>, vector<16xf32>,
    %get3A_4310 = vector.shape_cast %get3A_4309 : vector<16xf32> to vector<16xf32>
    %sub3A_4311 = arith.subf %get3A_4307, %get3A_4310 : vector<16xf32>
    %abs3A_4312 = math.absf %sub3A_4311 : vector<16xf32>
    %get3A_4313 = arith.constant 14 : i32
    %get3A_4314 = arith.index_cast %get3A_4313 : i32 to index
    %get3A_4315 = arith.constant 0 : index
    %get3A_4316 = tpu.vector_load %arg8[%get3A_4314, %get3A_4315] {strides = array<i32>} : memref<16x16xf32, #tpu.memory_space<vmem>>, vector<1x16xf32>,
    %get3A_4317 = vector.shape_cast %get3A_4316 : vector<1x16xf32> to vector<16xf32>
    %mul3A_4318 = arith.mulf %abs3A_4312, %get3A_4317 : vector<16xf32>
    %add3A_4319 = arith.addf %add3A_4304, %mul3A_4318 : vector<16xf32>
    %get3A_4320 = arith.constant 2032 : index
    %get3A_4321 = tpu.vector_load %arg10[%get3A_4320] {strides = array<i32>} : memref<2560xf32, #tpu.memory_space<vmem>>, vector<16xf32>,
    %get3A_4322 = vector.shape_cast %get3A_4321 : vector<16xf32> to vector<16xf32>
    %get3A_4323 = arith.constant 2032 : index
    %get3A_4324 = tpu.vector_load %arg7[%get3A_4323] {strides = array<i32>} : memref<2560xf32, #tpu.memory_space<vmem>>, vector<16xf32>,
    %get3A_4325 = vector.shape_cast %get3A_4324 : vector<16xf32> to vector<16xf32>
    %sub3A_4326 = arith.subf %get3A_4322, %get3A_4325 : vector<16xf32>
    %abs3A_4327 = math.absf %sub3A_4326 : vector<16xf32>
    %get3A_4328 = arith.constant 15 : i32
    %get3A_4329 = arith.index_cast %get3A_4328 : i32 to index
    %get3A_4330 = arith.constant 0 : index
    %get3A_4331 = tpu.vector_load %arg8[%get3A_4329, %get3A_4330] {strides = array<i32>} : memref<16x16xf32, #tpu.memory_space<vmem>>, vector<1x16xf32>,
    %get3A_4332 = vector.shape_cast %get3A_4331 : vector<1x16xf32> to vector<16xf32>
    %mul3A_4333 = arith.mulf %abs3A_4327, %get3A_4332 : vector<16xf32>
    %add3A_4334 = arith.addf %add3A_4319, %mul3A_4333 : vector<16xf32>
    %dma_wait3A_4335 = arith.constant 2048 : i32
    %dma_wait3A_4336 = tpu.memref_slice %arg10[%dma_wait3A_4335] : memref<2560xf32, #tpu.memory_space<vmem>> -> memref<512xf32, #tpu.memory_space<vmem>>
    %dma_wait3A_4337 = arith.constant 2048 : i32
    %dma_wait3A_4338 = tpu.memref_slice %arg9[%dma_wait3A_4337] : memref<2560xi32, #tpu.memory_space<vmem>> -> memref<512xi32, #tpu.memory_space<vmem>>
    %dma_wait3A_4339 = arith.constant 0 : i32
    %dma_wait3A_4340 = tpu.memref_slice %arg2[%dma_wait3A_4339] : memref<2621440xf32, #tpu.memory_space<hbm>> -> memref<2621440xf32, #tpu.memory_space<hbm>>
    tpu.wait_indirect_dma semaphore(%arg12 : memref<!tpu.dma_semaphore, #tpu.memory_space<semaphore_mem>>) src(%dma_wait3A_4340 : memref<2621440xf32, #tpu.memory_space<hbm>>) dst(%dma_wait3A_4336 : memref<512xf32, #tpu.memory_space<vmem>>)
    %get3A_4341 = arith.constant 2048 : index
    %get3A_4342 = tpu.vector_load %arg10[%get3A_4341] {strides = array<i32>} : memref<2560xf32, #tpu.memory_space<vmem>>, vector<16xf32>,
    %get3A_4343 = vector.shape_cast %get3A_4342 : vector<16xf32> to vector<16xf32>
    %get3A_4344 = arith.constant 2048 : index
    %get3A_4345 = tpu.vector_load %arg7[%get3A_4344] {strides = array<i32>} : memref<2560xf32, #tpu.memory_space<vmem>>, vector<16xf32>,
    %get3A_4346 = vector.shape_cast %get3A_4345 : vector<16xf32> to vector<16xf32>
    %sub3A_4347 = arith.subf %get3A_4343, %get3A_4346 : vector<16xf32>
    %abs3A_4348 = math.absf %sub3A_4347 : vector<16xf32>
    %get3A_4349 = arith.constant 0 : i32
    %get3A_4350 = arith.index_cast %get3A_4349 : i32 to index
    %get3A_4351 = arith.constant 0 : index
    %get3A_4352 = tpu.vector_load %arg8[%get3A_4350, %get3A_4351] {strides = array<i32>} : memref<16x16xf32, #tpu.memory_space<vmem>>, vector<1x16xf32>,
    %get3A_4353 = vector.shape_cast %get3A_4352 : vector<1x16xf32> to vector<16xf32>
    %mul3A_4354 = arith.mulf %abs3A_4348, %get3A_4353 : vector<16xf32>
    %add3A_4355 = arith.addf %broadcast_in_dim3A_98, %mul3A_4354 : vector<16xf32>
    %get3A_4356 = arith.constant 2064 : index
    %get3A_4357 = tpu.vector_load %arg10[%get3A_4356] {strides = array<i32>} : memref<2560xf32, #tpu.memory_space<vmem>>, vector<16xf32>,
    %get3A_4358 = vector.shape_cast %get3A_4357 : vector<16xf32> to vector<16xf32>
    %get3A_4359 = arith.constant 2064 : index
    %get3A_4360 = tpu.vector_load %arg7[%get3A_4359] {strides = array<i32>} : memref<2560xf32, #tpu.memory_space<vmem>>, vector<16xf32>,
    %get3A_4361 = vector.shape_cast %get3A_4360 : vector<16xf32> to vector<16xf32>
    %sub3A_4362 = arith.subf %get3A_4358, %get3A_4361 : vector<16xf32>
    %abs3A_4363 = math.absf %sub3A_4362 : vector<16xf32>
    %get3A_4364 = arith.constant 1 : i32
    %get3A_4365 = arith.index_cast %get3A_4364 : i32 to index
    %get3A_4366 = arith.constant 0 : index
    %get3A_4367 = tpu.vector_load %arg8[%get3A_4365, %get3A_4366] {strides = array<i32>} : memref<16x16xf32, #tpu.memory_space<vmem>>, vector<1x16xf32>,
    %get3A_4368 = vector.shape_cast %get3A_4367 : vector<1x16xf32> to vector<16xf32>
    %mul3A_4369 = arith.mulf %abs3A_4363, %get3A_4368 : vector<16xf32>
    %add3A_4370 = arith.addf %add3A_4355, %mul3A_4369 : vector<16xf32>
    %get3A_4371 = arith.constant 2080 : index
    %get3A_4372 = tpu.vector_load %arg10[%get3A_4371] {strides = array<i32>} : memref<2560xf32, #tpu.memory_space<vmem>>, vector<16xf32>,
    %get3A_4373 = vector.shape_cast %get3A_4372 : vector<16xf32> to vector<16xf32>
    %get3A_4374 = arith.constant 2080 : index
    %get3A_4375 = tpu.vector_load %arg7[%get3A_4374] {strides = array<i32>} : memref<2560xf32, #tpu.memory_space<vmem>>, vector<16xf32>,
    %get3A_4376 = vector.shape_cast %get3A_4375 : vector<16xf32> to vector<16xf32>
    %sub3A_4377 = arith.subf %get3A_4373, %get3A_4376 : vector<16xf32>
    %abs3A_4378 = math.absf %sub3A_4377 : vector<16xf32>
    %get3A_4379 = arith.constant 2 : i32
    %get3A_4380 = arith.index_cast %get3A_4379 : i32 to index
    %get3A_4381 = arith.constant 0 : index
    %get3A_4382 = tpu.vector_load %arg8[%get3A_4380, %get3A_4381] {strides = array<i32>} : memref<16x16xf32, #tpu.memory_space<vmem>>, vector<1x16xf32>,
    %get3A_4383 = vector.shape_cast %get3A_4382 : vector<1x16xf32> to vector<16xf32>
    %mul3A_4384 = arith.mulf %abs3A_4378, %get3A_4383 : vector<16xf32>
    %add3A_4385 = arith.addf %add3A_4370, %mul3A_4384 : vector<16xf32>
    %get3A_4386 = arith.constant 2096 : index
    %get3A_4387 = tpu.vector_load %arg10[%get3A_4386] {strides = array<i32>} : memref<2560xf32, #tpu.memory_space<vmem>>, vector<16xf32>,
    %get3A_4388 = vector.shape_cast %get3A_4387 : vector<16xf32> to vector<16xf32>
    %get3A_4389 = arith.constant 2096 : index
    %get3A_4390 = tpu.vector_load %arg7[%get3A_4389] {strides = array<i32>} : memref<2560xf32, #tpu.memory_space<vmem>>, vector<16xf32>,
    %get3A_4391 = vector.shape_cast %get3A_4390 : vector<16xf32> to vector<16xf32>
    %sub3A_4392 = arith.subf %get3A_4388, %get3A_4391 : vector<16xf32>
    %abs3A_4393 = math.absf %sub3A_4392 : vector<16xf32>
    %get3A_4394 = arith.constant 3 : i32
    %get3A_4395 = arith.index_cast %get3A_4394 : i32 to index
    %get3A_4396 = arith.constant 0 : index
    %get3A_4397 = tpu.vector_load %arg8[%get3A_4395, %get3A_4396] {strides = array<i32>} : memref<16x16xf32, #tpu.memory_space<vmem>>, vector<1x16xf32>,
    %get3A_4398 = vector.shape_cast %get3A_4397 : vector<1x16xf32> to vector<16xf32>
    %mul3A_4399 = arith.mulf %abs3A_4393, %get3A_4398 : vector<16xf32>
    %add3A_4400 = arith.addf %add3A_4385, %mul3A_4399 : vector<16xf32>
    %get3A_4401 = arith.constant 2112 : index
    %get3A_4402 = tpu.vector_load %arg10[%get3A_4401] {strides = array<i32>} : memref<2560xf32, #tpu.memory_space<vmem>>, vector<16xf32>,
    %get3A_4403 = vector.shape_cast %get3A_4402 : vector<16xf32> to vector<16xf32>
    %get3A_4404 = arith.constant 2112 : index
    %get3A_4405 = tpu.vector_load %arg7[%get3A_4404] {strides = array<i32>} : memref<2560xf32, #tpu.memory_space<vmem>>, vector<16xf32>,
    %get3A_4406 = vector.shape_cast %get3A_4405 : vector<16xf32> to vector<16xf32>
    %sub3A_4407 = arith.subf %get3A_4403, %get3A_4406 : vector<16xf32>
    %abs3A_4408 = math.absf %sub3A_4407 : vector<16xf32>
    %get3A_4409 = arith.constant 4 : i32
    %get3A_4410 = arith.index_cast %get3A_4409 : i32 to index
    %get3A_4411 = arith.constant 0 : index
    %get3A_4412 = tpu.vector_load %arg8[%get3A_4410, %get3A_4411] {strides = array<i32>} : memref<16x16xf32, #tpu.memory_space<vmem>>, vector<1x16xf32>,
    %get3A_4413 = vector.shape_cast %get3A_4412 : vector<1x16xf32> to vector<16xf32>
    %mul3A_4414 = arith.mulf %abs3A_4408, %get3A_4413 : vector<16xf32>
    %add3A_4415 = arith.addf %add3A_4400, %mul3A_4414 : vector<16xf32>
    %get3A_4416 = arith.constant 2128 : index
    %get3A_4417 = tpu.vector_load %arg10[%get3A_4416] {strides = array<i32>} : memref<2560xf32, #tpu.memory_space<vmem>>, vector<16xf32>,
    %get3A_4418 = vector.shape_cast %get3A_4417 : vector<16xf32> to vector<16xf32>
    %get3A_4419 = arith.constant 2128 : index
    %get3A_4420 = tpu.vector_load %arg7[%get3A_4419] {strides = array<i32>} : memref<2560xf32, #tpu.memory_space<vmem>>, vector<16xf32>,
    %get3A_4421 = vector.shape_cast %get3A_4420 : vector<16xf32> to vector<16xf32>
    %sub3A_4422 = arith.subf %get3A_4418, %get3A_4421 : vector<16xf32>
    %abs3A_4423 = math.absf %sub3A_4422 : vector<16xf32>
    %get3A_4424 = arith.constant 5 : i32
    %get3A_4425 = arith.index_cast %get3A_4424 : i32 to index
    %get3A_4426 = arith.constant 0 : index
    %get3A_4427 = tpu.vector_load %arg8[%get3A_4425, %get3A_4426] {strides = array<i32>} : memref<16x16xf32, #tpu.memory_space<vmem>>, vector<1x16xf32>,
    %get3A_4428 = vector.shape_cast %get3A_4427 : vector<1x16xf32> to vector<16xf32>
    %mul3A_4429 = arith.mulf %abs3A_4423, %get3A_4428 : vector<16xf32>
    %add3A_4430 = arith.addf %add3A_4415, %mul3A_4429 : vector<16xf32>
    %get3A_4431 = arith.constant 2144 : index
    %get3A_4432 = tpu.vector_load %arg10[%get3A_4431] {strides = array<i32>} : memref<2560xf32, #tpu.memory_space<vmem>>, vector<16xf32>,
    %get3A_4433 = vector.shape_cast %get3A_4432 : vector<16xf32> to vector<16xf32>
    %get3A_4434 = arith.constant 2144 : index
    %get3A_4435 = tpu.vector_load %arg7[%get3A_4434] {strides = array<i32>} : memref<2560xf32, #tpu.memory_space<vmem>>, vector<16xf32>,
    %get3A_4436 = vector.shape_cast %get3A_4435 : vector<16xf32> to vector<16xf32>
    %sub3A_4437 = arith.subf %get3A_4433, %get3A_4436 : vector<16xf32>
    %abs3A_4438 = math.absf %sub3A_4437 : vector<16xf32>
    %get3A_4439 = arith.constant 6 : i32
    %get3A_4440 = arith.index_cast %get3A_4439 : i32 to index
    %get3A_4441 = arith.constant 0 : index
    %get3A_4442 = tpu.vector_load %arg8[%get3A_4440, %get3A_4441] {strides = array<i32>} : memref<16x16xf32, #tpu.memory_space<vmem>>, vector<1x16xf32>,
    %get3A_4443 = vector.shape_cast %get3A_4442 : vector<1x16xf32> to vector<16xf32>
    %mul3A_4444 = arith.mulf %abs3A_4438, %get3A_4443 : vector<16xf32>
    %add3A_4445 = arith.addf %add3A_4430, %mul3A_4444 : vector<16xf32>
    %get3A_4446 = arith.constant 2160 : index
    %get3A_4447 = tpu.vector_load %arg10[%get3A_4446] {strides = array<i32>} : memref<2560xf32, #tpu.memory_space<vmem>>, vector<16xf32>,
    %get3A_4448 = vector.shape_cast %get3A_4447 : vector<16xf32> to vector<16xf32>
    %get3A_4449 = arith.constant 2160 : index
    %get3A_4450 = tpu.vector_load %arg7[%get3A_4449] {strides = array<i32>} : memref<2560xf32, #tpu.memory_space<vmem>>, vector<16xf32>,
    %get3A_4451 = vector.shape_cast %get3A_4450 : vector<16xf32> to vector<16xf32>
    %sub3A_4452 = arith.subf %get3A_4448, %get3A_4451 : vector<16xf32>
    %abs3A_4453 = math.absf %sub3A_4452 : vector<16xf32>
    %get3A_4454 = arith.constant 7 : i32
    %get3A_4455 = arith.index_cast %get3A_4454 : i32 to index
    %get3A_4456 = arith.constant 0 : index
    %get3A_4457 = tpu.vector_load %arg8[%get3A_4455, %get3A_4456] {strides = array<i32>} : memref<16x16xf32, #tpu.memory_space<vmem>>, vector<1x16xf32>,
    %get3A_4458 = vector.shape_cast %get3A_4457 : vector<1x16xf32> to vector<16xf32>
    %mul3A_4459 = arith.mulf %abs3A_4453, %get3A_4458 : vector<16xf32>
    %add3A_4460 = arith.addf %add3A_4445, %mul3A_4459 : vector<16xf32>
    %get3A_4461 = arith.constant 2176 : index
    %get3A_4462 = tpu.vector_load %arg10[%get3A_4461] {strides = array<i32>} : memref<2560xf32, #tpu.memory_space<vmem>>, vector<16xf32>,
    %get3A_4463 = vector.shape_cast %get3A_4462 : vector<16xf32> to vector<16xf32>
    %get3A_4464 = arith.constant 2176 : index
    %get3A_4465 = tpu.vector_load %arg7[%get3A_4464] {strides = array<i32>} : memref<2560xf32, #tpu.memory_space<vmem>>, vector<16xf32>,
    %get3A_4466 = vector.shape_cast %get3A_4465 : vector<16xf32> to vector<16xf32>
    %sub3A_4467 = arith.subf %get3A_4463, %get3A_4466 : vector<16xf32>
    %abs3A_4468 = math.absf %sub3A_4467 : vector<16xf32>
    %get3A_4469 = arith.constant 8 : i32
    %get3A_4470 = arith.index_cast %get3A_4469 : i32 to index
    %get3A_4471 = arith.constant 0 : index
    %get3A_4472 = tpu.vector_load %arg8[%get3A_4470, %get3A_4471] {strides = array<i32>} : memref<16x16xf32, #tpu.memory_space<vmem>>, vector<1x16xf32>,
    %get3A_4473 = vector.shape_cast %get3A_4472 : vector<1x16xf32> to vector<16xf32>
    %mul3A_4474 = arith.mulf %abs3A_4468, %get3A_4473 : vector<16xf32>
    %add3A_4475 = arith.addf %add3A_4460, %mul3A_4474 : vector<16xf32>
    %get3A_4476 = arith.constant 2192 : index
    %get3A_4477 = tpu.vector_load %arg10[%get3A_4476] {strides = array<i32>} : memref<2560xf32, #tpu.memory_space<vmem>>, vector<16xf32>,
    %get3A_4478 = vector.shape_cast %get3A_4477 : vector<16xf32> to vector<16xf32>
    %get3A_4479 = arith.constant 2192 : index
    %get3A_4480 = tpu.vector_load %arg7[%get3A_4479] {strides = array<i32>} : memref<2560xf32, #tpu.memory_space<vmem>>, vector<16xf32>,
    %get3A_4481 = vector.shape_cast %get3A_4480 : vector<16xf32> to vector<16xf32>
    %sub3A_4482 = arith.subf %get3A_4478, %get3A_4481 : vector<16xf32>
    %abs3A_4483 = math.absf %sub3A_4482 : vector<16xf32>
    %get3A_4484 = arith.constant 9 : i32
    %get3A_4485 = arith.index_cast %get3A_4484 : i32 to index
    %get3A_4486 = arith.constant 0 : index
    %get3A_4487 = tpu.vector_load %arg8[%get3A_4485, %get3A_4486] {strides = array<i32>} : memref<16x16xf32, #tpu.memory_space<vmem>>, vector<1x16xf32>,
    %get3A_4488 = vector.shape_cast %get3A_4487 : vector<1x16xf32> to vector<16xf32>
    %mul3A_4489 = arith.mulf %abs3A_4483, %get3A_4488 : vector<16xf32>
    %add3A_4490 = arith.addf %add3A_4475, %mul3A_4489 : vector<16xf32>
    %get3A_4491 = arith.constant 2208 : index
    %get3A_4492 = tpu.vector_load %arg10[%get3A_4491] {strides = array<i32>} : memref<2560xf32, #tpu.memory_space<vmem>>, vector<16xf32>,
    %get3A_4493 = vector.shape_cast %get3A_4492 : vector<16xf32> to vector<16xf32>
    %get3A_4494 = arith.constant 2208 : index
    %get3A_4495 = tpu.vector_load %arg7[%get3A_4494] {strides = array<i32>} : memref<2560xf32, #tpu.memory_space<vmem>>, vector<16xf32>,
    %get3A_4496 = vector.shape_cast %get3A_4495 : vector<16xf32> to vector<16xf32>
    %sub3A_4497 = arith.subf %get3A_4493, %get3A_4496 : vector<16xf32>
    %abs3A_4498 = math.absf %sub3A_4497 : vector<16xf32>
    %get3A_4499 = arith.constant 10 : i32
    %get3A_4500 = arith.index_cast %get3A_4499 : i32 to index
    %get3A_4501 = arith.constant 0 : index
    %get3A_4502 = tpu.vector_load %arg8[%get3A_4500, %get3A_4501] {strides = array<i32>} : memref<16x16xf32, #tpu.memory_space<vmem>>, vector<1x16xf32>,
    %get3A_4503 = vector.shape_cast %get3A_4502 : vector<1x16xf32> to vector<16xf32>
    %mul3A_4504 = arith.mulf %abs3A_4498, %get3A_4503 : vector<16xf32>
    %add3A_4505 = arith.addf %add3A_4490, %mul3A_4504 : vector<16xf32>
    %get3A_4506 = arith.constant 2224 : index
    %get3A_4507 = tpu.vector_load %arg10[%get3A_4506] {strides = array<i32>} : memref<2560xf32, #tpu.memory_space<vmem>>, vector<16xf32>,
    %get3A_4508 = vector.shape_cast %get3A_4507 : vector<16xf32> to vector<16xf32>
    %get3A_4509 = arith.constant 2224 : index
    %get3A_4510 = tpu.vector_load %arg7[%get3A_4509] {strides = array<i32>} : memref<2560xf32, #tpu.memory_space<vmem>>, vector<16xf32>,
    %get3A_4511 = vector.shape_cast %get3A_4510 : vector<16xf32> to vector<16xf32>
    %sub3A_4512 = arith.subf %get3A_4508, %get3A_4511 : vector<16xf32>
    %abs3A_4513 = math.absf %sub3A_4512 : vector<16xf32>
    %get3A_4514 = arith.constant 11 : i32
    %get3A_4515 = arith.index_cast %get3A_4514 : i32 to index
    %get3A_4516 = arith.constant 0 : index
    %get3A_4517 = tpu.vector_load %arg8[%get3A_4515, %get3A_4516] {strides = array<i32>} : memref<16x16xf32, #tpu.memory_space<vmem>>, vector<1x16xf32>,
    %get3A_4518 = vector.shape_cast %get3A_4517 : vector<1x16xf32> to vector<16xf32>
    %mul3A_4519 = arith.mulf %abs3A_4513, %get3A_4518 : vector<16xf32>
    %add3A_4520 = arith.addf %add3A_4505, %mul3A_4519 : vector<16xf32>
    %get3A_4521 = arith.constant 2240 : index
    %get3A_4522 = tpu.vector_load %arg10[%get3A_4521] {strides = array<i32>} : memref<2560xf32, #tpu.memory_space<vmem>>, vector<16xf32>,
    %get3A_4523 = vector.shape_cast %get3A_4522 : vector<16xf32> to vector<16xf32>
    %get3A_4524 = arith.constant 2240 : index
    %get3A_4525 = tpu.vector_load %arg7[%get3A_4524] {strides = array<i32>} : memref<2560xf32, #tpu.memory_space<vmem>>, vector<16xf32>,
    %get3A_4526 = vector.shape_cast %get3A_4525 : vector<16xf32> to vector<16xf32>
    %sub3A_4527 = arith.subf %get3A_4523, %get3A_4526 : vector<16xf32>
    %abs3A_4528 = math.absf %sub3A_4527 : vector<16xf32>
    %get3A_4529 = arith.constant 12 : i32
    %get3A_4530 = arith.index_cast %get3A_4529 : i32 to index
    %get3A_4531 = arith.constant 0 : index
    %get3A_4532 = tpu.vector_load %arg8[%get3A_4530, %get3A_4531] {strides = array<i32>} : memref<16x16xf32, #tpu.memory_space<vmem>>, vector<1x16xf32>,
    %get3A_4533 = vector.shape_cast %get3A_4532 : vector<1x16xf32> to vector<16xf32>
    %mul3A_4534 = arith.mulf %abs3A_4528, %get3A_4533 : vector<16xf32>
    %add3A_4535 = arith.addf %add3A_4520, %mul3A_4534 : vector<16xf32>
    %get3A_4536 = arith.constant 2256 : index
    %get3A_4537 = tpu.vector_load %arg10[%get3A_4536] {strides = array<i32>} : memref<2560xf32, #tpu.memory_space<vmem>>, vector<16xf32>,
    %get3A_4538 = vector.shape_cast %get3A_4537 : vector<16xf32> to vector<16xf32>
    %get3A_4539 = arith.constant 2256 : index
    %get3A_4540 = tpu.vector_load %arg7[%get3A_4539] {strides = array<i32>} : memref<2560xf32, #tpu.memory_space<vmem>>, vector<16xf32>,
    %get3A_4541 = vector.shape_cast %get3A_4540 : vector<16xf32> to vector<16xf32>
    %sub3A_4542 = arith.subf %get3A_4538, %get3A_4541 : vector<16xf32>
    %abs3A_4543 = math.absf %sub3A_4542 : vector<16xf32>
    %get3A_4544 = arith.constant 13 : i32
    %get3A_4545 = arith.index_cast %get3A_4544 : i32 to index
    %get3A_4546 = arith.constant 0 : index
    %get3A_4547 = tpu.vector_load %arg8[%get3A_4545, %get3A_4546] {strides = array<i32>} : memref<16x16xf32, #tpu.memory_space<vmem>>, vector<1x16xf32>,
    %get3A_4548 = vector.shape_cast %get3A_4547 : vector<1x16xf32> to vector<16xf32>
    %mul3A_4549 = arith.mulf %abs3A_4543, %get3A_4548 : vector<16xf32>
    %add3A_4550 = arith.addf %add3A_4535, %mul3A_4549 : vector<16xf32>
    %get3A_4551 = arith.constant 2272 : index
    %get3A_4552 = tpu.vector_load %arg10[%get3A_4551] {strides = array<i32>} : memref<2560xf32, #tpu.memory_space<vmem>>, vector<16xf32>,
    %get3A_4553 = vector.shape_cast %get3A_4552 : vector<16xf32> to vector<16xf32>
    %get3A_4554 = arith.constant 2272 : index
    %get3A_4555 = tpu.vector_load %arg7[%get3A_4554] {strides = array<i32>} : memref<2560xf32, #tpu.memory_space<vmem>>, vector<16xf32>,
    %get3A_4556 = vector.shape_cast %get3A_4555 : vector<16xf32> to vector<16xf32>
    %sub3A_4557 = arith.subf %get3A_4553, %get3A_4556 : vector<16xf32>
    %abs3A_4558 = math.absf %sub3A_4557 : vector<16xf32>
    %get3A_4559 = arith.constant 14 : i32
    %get3A_4560 = arith.index_cast %get3A_4559 : i32 to index
    %get3A_4561 = arith.constant 0 : index
    %get3A_4562 = tpu.vector_load %arg8[%get3A_4560, %get3A_4561] {strides = array<i32>} : memref<16x16xf32, #tpu.memory_space<vmem>>, vector<1x16xf32>,
    %get3A_4563 = vector.shape_cast %get3A_4562 : vector<1x16xf32> to vector<16xf32>
    %mul3A_4564 = arith.mulf %abs3A_4558, %get3A_4563 : vector<16xf32>
    %add3A_4565 = arith.addf %add3A_4550, %mul3A_4564 : vector<16xf32>
    %get3A_4566 = arith.constant 2288 : index
    %get3A_4567 = tpu.vector_load %arg10[%get3A_4566] {strides = array<i32>} : memref<2560xf32, #tpu.memory_space<vmem>>, vector<16xf32>,
    %get3A_4568 = vector.shape_cast %get3A_4567 : vector<16xf32> to vector<16xf32>
    %get3A_4569 = arith.constant 2288 : index
    %get3A_4570 = tpu.vector_load %arg7[%get3A_4569] {strides = array<i32>} : memref<2560xf32, #tpu.memory_space<vmem>>, vector<16xf32>,
    %get3A_4571 = vector.shape_cast %get3A_4570 : vector<16xf32> to vector<16xf32>
    %sub3A_4572 = arith.subf %get3A_4568, %get3A_4571 : vector<16xf32>
    %abs3A_4573 = math.absf %sub3A_4572 : vector<16xf32>
    %get3A_4574 = arith.constant 15 : i32
    %get3A_4575 = arith.index_cast %get3A_4574 : i32 to index
    %get3A_4576 = arith.constant 0 : index
    %get3A_4577 = tpu.vector_load %arg8[%get3A_4575, %get3A_4576] {strides = array<i32>} : memref<16x16xf32, #tpu.memory_space<vmem>>, vector<1x16xf32>,
    %get3A_4578 = vector.shape_cast %get3A_4577 : vector<1x16xf32> to vector<16xf32>
    %mul3A_4579 = arith.mulf %abs3A_4573, %get3A_4578 : vector<16xf32>
    %add3A_4580 = arith.addf %add3A_4565, %mul3A_4579 : vector<16xf32>
    %get3A_4581 = arith.constant 2304 : index
    %get3A_4582 = tpu.vector_load %arg10[%get3A_4581] {strides = array<i32>} : memref<2560xf32, #tpu.memory_space<vmem>>, vector<16xf32>,
    %get3A_4583 = vector.shape_cast %get3A_4582 : vector<16xf32> to vector<16xf32>
    %get3A_4584 = arith.constant 2304 : index
    %get3A_4585 = tpu.vector_load %arg7[%get3A_4584] {strides = array<i32>} : memref<2560xf32, #tpu.memory_space<vmem>>, vector<16xf32>,
    %get3A_4586 = vector.shape_cast %get3A_4585 : vector<16xf32> to vector<16xf32>
    %sub3A_4587 = arith.subf %get3A_4583, %get3A_4586 : vector<16xf32>
    %abs3A_4588 = math.absf %sub3A_4587 : vector<16xf32>
    %get3A_4589 = arith.constant 0 : i32
    %get3A_4590 = arith.index_cast %get3A_4589 : i32 to index
    %get3A_4591 = arith.constant 0 : index
    %get3A_4592 = tpu.vector_load %arg8[%get3A_4590, %get3A_4591] {strides = array<i32>} : memref<16x16xf32, #tpu.memory_space<vmem>>, vector<1x16xf32>,
    %get3A_4593 = vector.shape_cast %get3A_4592 : vector<1x16xf32> to vector<16xf32>
    %mul3A_4594 = arith.mulf %abs3A_4588, %get3A_4593 : vector<16xf32>
    %add3A_4595 = arith.addf %broadcast_in_dim3A_98, %mul3A_4594 : vector<16xf32>
    %get3A_4596 = arith.constant 2320 : index
    %get3A_4597 = tpu.vector_load %arg10[%get3A_4596] {strides = array<i32>} : memref<2560xf32, #tpu.memory_space<vmem>>, vector<16xf32>,
    %get3A_4598 = vector.shape_cast %get3A_4597 : vector<16xf32> to vector<16xf32>
    %get3A_4599 = arith.constant 2320 : index
    %get3A_4600 = tpu.vector_load %arg7[%get3A_4599] {strides = array<i32>} : memref<2560xf32, #tpu.memory_space<vmem>>, vector<16xf32>,
    %get3A_4601 = vector.shape_cast %get3A_4600 : vector<16xf32> to vector<16xf32>
    %sub3A_4602 = arith.subf %get3A_4598, %get3A_4601 : vector<16xf32>
    %abs3A_4603 = math.absf %sub3A_4602 : vector<16xf32>
    %get3A_4604 = arith.constant 1 : i32
    %get3A_4605 = arith.index_cast %get3A_4604 : i32 to index
    %get3A_4606 = arith.constant 0 : index
    %get3A_4607 = tpu.vector_load %arg8[%get3A_4605, %get3A_4606] {strides = array<i32>} : memref<16x16xf32, #tpu.memory_space<vmem>>, vector<1x16xf32>,
    %get3A_4608 = vector.shape_cast %get3A_4607 : vector<1x16xf32> to vector<16xf32>
    %mul3A_4609 = arith.mulf %abs3A_4603, %get3A_4608 : vector<16xf32>
    %add3A_4610 = arith.addf %add3A_4595, %mul3A_4609 : vector<16xf32>
    %get3A_4611 = arith.constant 2336 : index
    %get3A_4612 = tpu.vector_load %arg10[%get3A_4611] {strides = array<i32>} : memref<2560xf32, #tpu.memory_space<vmem>>, vector<16xf32>,
    %get3A_4613 = vector.shape_cast %get3A_4612 : vector<16xf32> to vector<16xf32>
    %get3A_4614 = arith.constant 2336 : index
    %get3A_4615 = tpu.vector_load %arg7[%get3A_4614] {strides = array<i32>} : memref<2560xf32, #tpu.memory_space<vmem>>, vector<16xf32>,
    %get3A_4616 = vector.shape_cast %get3A_4615 : vector<16xf32> to vector<16xf32>
    %sub3A_4617 = arith.subf %get3A_4613, %get3A_4616 : vector<16xf32>
    %abs3A_4618 = math.absf %sub3A_4617 : vector<16xf32>
    %get3A_4619 = arith.constant 2 : i32
    %get3A_4620 = arith.index_cast %get3A_4619 : i32 to index
    %get3A_4621 = arith.constant 0 : index
    %get3A_4622 = tpu.vector_load %arg8[%get3A_4620, %get3A_4621] {strides = array<i32>} : memref<16x16xf32, #tpu.memory_space<vmem>>, vector<1x16xf32>,
    %get3A_4623 = vector.shape_cast %get3A_4622 : vector<1x16xf32> to vector<16xf32>
    %mul3A_4624 = arith.mulf %abs3A_4618, %get3A_4623 : vector<16xf32>
    %add3A_4625 = arith.addf %add3A_4610, %mul3A_4624 : vector<16xf32>
    %get3A_4626 = arith.constant 2352 : index
    %get3A_4627 = tpu.vector_load %arg10[%get3A_4626] {strides = array<i32>} : memref<2560xf32, #tpu.memory_space<vmem>>, vector<16xf32>,
    %get3A_4628 = vector.shape_cast %get3A_4627 : vector<16xf32> to vector<16xf32>
    %get3A_4629 = arith.constant 2352 : index
    %get3A_4630 = tpu.vector_load %arg7[%get3A_4629] {strides = array<i32>} : memref<2560xf32, #tpu.memory_space<vmem>>, vector<16xf32>,
    %get3A_4631 = vector.shape_cast %get3A_4630 : vector<16xf32> to vector<16xf32>
    %sub3A_4632 = arith.subf %get3A_4628, %get3A_4631 : vector<16xf32>
    %abs3A_4633 = math.absf %sub3A_4632 : vector<16xf32>
    %get3A_4634 = arith.constant 3 : i32
    %get3A_4635 = arith.index_cast %get3A_4634 : i32 to index
    %get3A_4636 = arith.constant 0 : index
    %get3A_4637 = tpu.vector_load %arg8[%get3A_4635, %get3A_4636] {strides = array<i32>} : memref<16x16xf32, #tpu.memory_space<vmem>>, vector<1x16xf32>,
    %get3A_4638 = vector.shape_cast %get3A_4637 : vector<1x16xf32> to vector<16xf32>
    %mul3A_4639 = arith.mulf %abs3A_4633, %get3A_4638 : vector<16xf32>
    %add3A_4640 = arith.addf %add3A_4625, %mul3A_4639 : vector<16xf32>
    %get3A_4641 = arith.constant 2368 : index
    %get3A_4642 = tpu.vector_load %arg10[%get3A_4641] {strides = array<i32>} : memref<2560xf32, #tpu.memory_space<vmem>>, vector<16xf32>,
    %get3A_4643 = vector.shape_cast %get3A_4642 : vector<16xf32> to vector<16xf32>
    %get3A_4644 = arith.constant 2368 : index
    %get3A_4645 = tpu.vector_load %arg7[%get3A_4644] {strides = array<i32>} : memref<2560xf32, #tpu.memory_space<vmem>>, vector<16xf32>,
    %get3A_4646 = vector.shape_cast %get3A_4645 : vector<16xf32> to vector<16xf32>
    %sub3A_4647 = arith.subf %get3A_4643, %get3A_4646 : vector<16xf32>
    %abs3A_4648 = math.absf %sub3A_4647 : vector<16xf32>
    %get3A_4649 = arith.constant 4 : i32
    %get3A_4650 = arith.index_cast %get3A_4649 : i32 to index
    %get3A_4651 = arith.constant 0 : index
    %get3A_4652 = tpu.vector_load %arg8[%get3A_4650, %get3A_4651] {strides = array<i32>} : memref<16x16xf32, #tpu.memory_space<vmem>>, vector<1x16xf32>,
    %get3A_4653 = vector.shape_cast %get3A_4652 : vector<1x16xf32> to vector<16xf32>
    %mul3A_4654 = arith.mulf %abs3A_4648, %get3A_4653 : vector<16xf32>
    %add3A_4655 = arith.addf %add3A_4640, %mul3A_4654 : vector<16xf32>
    %get3A_4656 = arith.constant 2384 : index
    %get3A_4657 = tpu.vector_load %arg10[%get3A_4656] {strides = array<i32>} : memref<2560xf32, #tpu.memory_space<vmem>>, vector<16xf32>,
    %get3A_4658 = vector.shape_cast %get3A_4657 : vector<16xf32> to vector<16xf32>
    %get3A_4659 = arith.constant 2384 : index
    %get3A_4660 = tpu.vector_load %arg7[%get3A_4659] {strides = array<i32>} : memref<2560xf32, #tpu.memory_space<vmem>>, vector<16xf32>,
    %get3A_4661 = vector.shape_cast %get3A_4660 : vector<16xf32> to vector<16xf32>
    %sub3A_4662 = arith.subf %get3A_4658, %get3A_4661 : vector<16xf32>
    %abs3A_4663 = math.absf %sub3A_4662 : vector<16xf32>
    %get3A_4664 = arith.constant 5 : i32
    %get3A_4665 = arith.index_cast %get3A_4664 : i32 to index
    %get3A_4666 = arith.constant 0 : index
    %get3A_4667 = tpu.vector_load %arg8[%get3A_4665, %get3A_4666] {strides = array<i32>} : memref<16x16xf32, #tpu.memory_space<vmem>>, vector<1x16xf32>,
    %get3A_4668 = vector.shape_cast %get3A_4667 : vector<1x16xf32> to vector<16xf32>
    %mul3A_4669 = arith.mulf %abs3A_4663, %get3A_4668 : vector<16xf32>
    %add3A_4670 = arith.addf %add3A_4655, %mul3A_4669 : vector<16xf32>
    %get3A_4671 = arith.constant 2400 : index
    %get3A_4672 = tpu.vector_load %arg10[%get3A_4671] {strides = array<i32>} : memref<2560xf32, #tpu.memory_space<vmem>>, vector<16xf32>,
    %get3A_4673 = vector.shape_cast %get3A_4672 : vector<16xf32> to vector<16xf32>
    %get3A_4674 = arith.constant 2400 : index
    %get3A_4675 = tpu.vector_load %arg7[%get3A_4674] {strides = array<i32>} : memref<2560xf32, #tpu.memory_space<vmem>>, vector<16xf32>,
    %get3A_4676 = vector.shape_cast %get3A_4675 : vector<16xf32> to vector<16xf32>
    %sub3A_4677 = arith.subf %get3A_4673, %get3A_4676 : vector<16xf32>
    %abs3A_4678 = math.absf %sub3A_4677 : vector<16xf32>
    %get3A_4679 = arith.constant 6 : i32
    %get3A_4680 = arith.index_cast %get3A_4679 : i32 to index
    %get3A_4681 = arith.constant 0 : index
    %get3A_4682 = tpu.vector_load %arg8[%get3A_4680, %get3A_4681] {strides = array<i32>} : memref<16x16xf32, #tpu.memory_space<vmem>>, vector<1x16xf32>,
    %get3A_4683 = vector.shape_cast %get3A_4682 : vector<1x16xf32> to vector<16xf32>
    %mul3A_4684 = arith.mulf %abs3A_4678, %get3A_4683 : vector<16xf32>
    %add3A_4685 = arith.addf %add3A_4670, %mul3A_4684 : vector<16xf32>
    %get3A_4686 = arith.constant 2416 : index
    %get3A_4687 = tpu.vector_load %arg10[%get3A_4686] {strides = array<i32>} : memref<2560xf32, #tpu.memory_space<vmem>>, vector<16xf32>,
    %get3A_4688 = vector.shape_cast %get3A_4687 : vector<16xf32> to vector<16xf32>
    %get3A_4689 = arith.constant 2416 : index
    %get3A_4690 = tpu.vector_load %arg7[%get3A_4689] {strides = array<i32>} : memref<2560xf32, #tpu.memory_space<vmem>>, vector<16xf32>,
    %get3A_4691 = vector.shape_cast %get3A_4690 : vector<16xf32> to vector<16xf32>
    %sub3A_4692 = arith.subf %get3A_4688, %get3A_4691 : vector<16xf32>
    %abs3A_4693 = math.absf %sub3A_4692 : vector<16xf32>
    %get3A_4694 = arith.constant 7 : i32
    %get3A_4695 = arith.index_cast %get3A_4694 : i32 to index
    %get3A_4696 = arith.constant 0 : index
    %get3A_4697 = tpu.vector_load %arg8[%get3A_4695, %get3A_4696] {strides = array<i32>} : memref<16x16xf32, #tpu.memory_space<vmem>>, vector<1x16xf32>,
    %get3A_4698 = vector.shape_cast %get3A_4697 : vector<1x16xf32> to vector<16xf32>
    %mul3A_4699 = arith.mulf %abs3A_4693, %get3A_4698 : vector<16xf32>
    %add3A_4700 = arith.addf %add3A_4685, %mul3A_4699 : vector<16xf32>
    %get3A_4701 = arith.constant 2432 : index
    %get3A_4702 = tpu.vector_load %arg10[%get3A_4701] {strides = array<i32>} : memref<2560xf32, #tpu.memory_space<vmem>>, vector<16xf32>,
    %get3A_4703 = vector.shape_cast %get3A_4702 : vector<16xf32> to vector<16xf32>
    %get3A_4704 = arith.constant 2432 : index
    %get3A_4705 = tpu.vector_load %arg7[%get3A_4704] {strides = array<i32>} : memref<2560xf32, #tpu.memory_space<vmem>>, vector<16xf32>,
    %get3A_4706 = vector.shape_cast %get3A_4705 : vector<16xf32> to vector<16xf32>
    %sub3A_4707 = arith.subf %get3A_4703, %get3A_4706 : vector<16xf32>
    %abs3A_4708 = math.absf %sub3A_4707 : vector<16xf32>
    %get3A_4709 = arith.constant 8 : i32
    %get3A_4710 = arith.index_cast %get3A_4709 : i32 to index
    %get3A_4711 = arith.constant 0 : index
    %get3A_4712 = tpu.vector_load %arg8[%get3A_4710, %get3A_4711] {strides = array<i32>} : memref<16x16xf32, #tpu.memory_space<vmem>>, vector<1x16xf32>,
    %get3A_4713 = vector.shape_cast %get3A_4712 : vector<1x16xf32> to vector<16xf32>
    %mul3A_4714 = arith.mulf %abs3A_4708, %get3A_4713 : vector<16xf32>
    %add3A_4715 = arith.addf %add3A_4700, %mul3A_4714 : vector<16xf32>
    %get3A_4716 = arith.constant 2448 : index
    %get3A_4717 = tpu.vector_load %arg10[%get3A_4716] {strides = array<i32>} : memref<2560xf32, #tpu.memory_space<vmem>>, vector<16xf32>,
    %get3A_4718 = vector.shape_cast %get3A_4717 : vector<16xf32> to vector<16xf32>
    %get3A_4719 = arith.constant 2448 : index
    %get3A_4720 = tpu.vector_load %arg7[%get3A_4719] {strides = array<i32>} : memref<2560xf32, #tpu.memory_space<vmem>>, vector<16xf32>,
    %get3A_4721 = vector.shape_cast %get3A_4720 : vector<16xf32> to vector<16xf32>
    %sub3A_4722 = arith.subf %get3A_4718, %get3A_4721 : vector<16xf32>
    %abs3A_4723 = math.absf %sub3A_4722 : vector<16xf32>
    %get3A_4724 = arith.constant 9 : i32
    %get3A_4725 = arith.index_cast %get3A_4724 : i32 to index
    %get3A_4726 = arith.constant 0 : index
    %get3A_4727 = tpu.vector_load %arg8[%get3A_4725, %get3A_4726] {strides = array<i32>} : memref<16x16xf32, #tpu.memory_space<vmem>>, vector<1x16xf32>,
    %get3A_4728 = vector.shape_cast %get3A_4727 : vector<1x16xf32> to vector<16xf32>
    %mul3A_4729 = arith.mulf %abs3A_4723, %get3A_4728 : vector<16xf32>
    %add3A_4730 = arith.addf %add3A_4715, %mul3A_4729 : vector<16xf32>
    %get3A_4731 = arith.constant 2464 : index
    %get3A_4732 = tpu.vector_load %arg10[%get3A_4731] {strides = array<i32>} : memref<2560xf32, #tpu.memory_space<vmem>>, vector<16xf32>,
    %get3A_4733 = vector.shape_cast %get3A_4732 : vector<16xf32> to vector<16xf32>
    %get3A_4734 = arith.constant 2464 : index
    %get3A_4735 = tpu.vector_load %arg7[%get3A_4734] {strides = array<i32>} : memref<2560xf32, #tpu.memory_space<vmem>>, vector<16xf32>,
    %get3A_4736 = vector.shape_cast %get3A_4735 : vector<16xf32> to vector<16xf32>
    %sub3A_4737 = arith.subf %get3A_4733, %get3A_4736 : vector<16xf32>
    %abs3A_4738 = math.absf %sub3A_4737 : vector<16xf32>
    %get3A_4739 = arith.constant 10 : i32
    %get3A_4740 = arith.index_cast %get3A_4739 : i32 to index
    %get3A_4741 = arith.constant 0 : index
    %get3A_4742 = tpu.vector_load %arg8[%get3A_4740, %get3A_4741] {strides = array<i32>} : memref<16x16xf32, #tpu.memory_space<vmem>>, vector<1x16xf32>,
    %get3A_4743 = vector.shape_cast %get3A_4742 : vector<1x16xf32> to vector<16xf32>
    %mul3A_4744 = arith.mulf %abs3A_4738, %get3A_4743 : vector<16xf32>
    %add3A_4745 = arith.addf %add3A_4730, %mul3A_4744 : vector<16xf32>
    %get3A_4746 = arith.constant 2480 : index
    %get3A_4747 = tpu.vector_load %arg10[%get3A_4746] {strides = array<i32>} : memref<2560xf32, #tpu.memory_space<vmem>>, vector<16xf32>,
    %get3A_4748 = vector.shape_cast %get3A_4747 : vector<16xf32> to vector<16xf32>
    %get3A_4749 = arith.constant 2480 : index
    %get3A_4750 = tpu.vector_load %arg7[%get3A_4749] {strides = array<i32>} : memref<2560xf32, #tpu.memory_space<vmem>>, vector<16xf32>,
    %get3A_4751 = vector.shape_cast %get3A_4750 : vector<16xf32> to vector<16xf32>
    %sub3A_4752 = arith.subf %get3A_4748, %get3A_4751 : vector<16xf32>
    %abs3A_4753 = math.absf %sub3A_4752 : vector<16xf32>
    %get3A_4754 = arith.constant 11 : i32
    %get3A_4755 = arith.index_cast %get3A_4754 : i32 to index
    %get3A_4756 = arith.constant 0 : index
    %get3A_4757 = tpu.vector_load %arg8[%get3A_4755, %get3A_4756] {strides = array<i32>} : memref<16x16xf32, #tpu.memory_space<vmem>>, vector<1x16xf32>,
    %get3A_4758 = vector.shape_cast %get3A_4757 : vector<1x16xf32> to vector<16xf32>
    %mul3A_4759 = arith.mulf %abs3A_4753, %get3A_4758 : vector<16xf32>
    %add3A_4760 = arith.addf %add3A_4745, %mul3A_4759 : vector<16xf32>
    %get3A_4761 = arith.constant 2496 : index
    %get3A_4762 = tpu.vector_load %arg10[%get3A_4761] {strides = array<i32>} : memref<2560xf32, #tpu.memory_space<vmem>>, vector<16xf32>,
    %get3A_4763 = vector.shape_cast %get3A_4762 : vector<16xf32> to vector<16xf32>
    %get3A_4764 = arith.constant 2496 : index
    %get3A_4765 = tpu.vector_load %arg7[%get3A_4764] {strides = array<i32>} : memref<2560xf32, #tpu.memory_space<vmem>>, vector<16xf32>,
    %get3A_4766 = vector.shape_cast %get3A_4765 : vector<16xf32> to vector<16xf32>
    %sub3A_4767 = arith.subf %get3A_4763, %get3A_4766 : vector<16xf32>
    %abs3A_4768 = math.absf %sub3A_4767 : vector<16xf32>
    %get3A_4769 = arith.constant 12 : i32
    %get3A_4770 = arith.index_cast %get3A_4769 : i32 to index
    %get3A_4771 = arith.constant 0 : index
    %get3A_4772 = tpu.vector_load %arg8[%get3A_4770, %get3A_4771] {strides = array<i32>} : memref<16x16xf32, #tpu.memory_space<vmem>>, vector<1x16xf32>,
    %get3A_4773 = vector.shape_cast %get3A_4772 : vector<1x16xf32> to vector<16xf32>
    %mul3A_4774 = arith.mulf %abs3A_4768, %get3A_4773 : vector<16xf32>
    %add3A_4775 = arith.addf %add3A_4760, %mul3A_4774 : vector<16xf32>
    %get3A_4776 = arith.constant 2512 : index
    %get3A_4777 = tpu.vector_load %arg10[%get3A_4776] {strides = array<i32>} : memref<2560xf32, #tpu.memory_space<vmem>>, vector<16xf32>,
    %get3A_4778 = vector.shape_cast %get3A_4777 : vector<16xf32> to vector<16xf32>
    %get3A_4779 = arith.constant 2512 : index
    %get3A_4780 = tpu.vector_load %arg7[%get3A_4779] {strides = array<i32>} : memref<2560xf32, #tpu.memory_space<vmem>>, vector<16xf32>,
    %get3A_4781 = vector.shape_cast %get3A_4780 : vector<16xf32> to vector<16xf32>
    %sub3A_4782 = arith.subf %get3A_4778, %get3A_4781 : vector<16xf32>
    %abs3A_4783 = math.absf %sub3A_4782 : vector<16xf32>
    %get3A_4784 = arith.constant 13 : i32
    %get3A_4785 = arith.index_cast %get3A_4784 : i32 to index
    %get3A_4786 = arith.constant 0 : index
    %get3A_4787 = tpu.vector_load %arg8[%get3A_4785, %get3A_4786] {strides = array<i32>} : memref<16x16xf32, #tpu.memory_space<vmem>>, vector<1x16xf32>,
    %get3A_4788 = vector.shape_cast %get3A_4787 : vector<1x16xf32> to vector<16xf32>
    %mul3A_4789 = arith.mulf %abs3A_4783, %get3A_4788 : vector<16xf32>
    %add3A_4790 = arith.addf %add3A_4775, %mul3A_4789 : vector<16xf32>
    %get3A_4791 = arith.constant 2528 : index
    %get3A_4792 = tpu.vector_load %arg10[%get3A_4791] {strides = array<i32>} : memref<2560xf32, #tpu.memory_space<vmem>>, vector<16xf32>,
    %get3A_4793 = vector.shape_cast %get3A_4792 : vector<16xf32> to vector<16xf32>
    %get3A_4794 = arith.constant 2528 : index
    %get3A_4795 = tpu.vector_load %arg7[%get3A_4794] {strides = array<i32>} : memref<2560xf32, #tpu.memory_space<vmem>>, vector<16xf32>,
    %get3A_4796 = vector.shape_cast %get3A_4795 : vector<16xf32> to vector<16xf32>
    %sub3A_4797 = arith.subf %get3A_4793, %get3A_4796 : vector<16xf32>
    %abs3A_4798 = math.absf %sub3A_4797 : vector<16xf32>
    %get3A_4799 = arith.constant 14 : i32
    %get3A_4800 = arith.index_cast %get3A_4799 : i32 to index
    %get3A_4801 = arith.constant 0 : index
    %get3A_4802 = tpu.vector_load %arg8[%get3A_4800, %get3A_4801] {strides = array<i32>} : memref<16x16xf32, #tpu.memory_space<vmem>>, vector<1x16xf32>,
    %get3A_4803 = vector.shape_cast %get3A_4802 : vector<1x16xf32> to vector<16xf32>
    %mul3A_4804 = arith.mulf %abs3A_4798, %get3A_4803 : vector<16xf32>
    %add3A_4805 = arith.addf %add3A_4790, %mul3A_4804 : vector<16xf32>
    %get3A_4806 = arith.constant 2544 : index
    %get3A_4807 = tpu.vector_load %arg10[%get3A_4806] {strides = array<i32>} : memref<2560xf32, #tpu.memory_space<vmem>>, vector<16xf32>,
    %get3A_4808 = vector.shape_cast %get3A_4807 : vector<16xf32> to vector<16xf32>
    %get3A_4809 = arith.constant 2544 : index
    %get3A_4810 = tpu.vector_load %arg7[%get3A_4809] {strides = array<i32>} : memref<2560xf32, #tpu.memory_space<vmem>>, vector<16xf32>,
    %get3A_4811 = vector.shape_cast %get3A_4810 : vector<16xf32> to vector<16xf32>
    %sub3A_4812 = arith.subf %get3A_4808, %get3A_4811 : vector<16xf32>
    %abs3A_4813 = math.absf %sub3A_4812 : vector<16xf32>
    %get3A_4814 = arith.constant 15 : i32
    %get3A_4815 = arith.index_cast %get3A_4814 : i32 to index
    %get3A_4816 = arith.constant 0 : index
    %get3A_4817 = tpu.vector_load %arg8[%get3A_4815, %get3A_4816] {strides = array<i32>} : memref<16x16xf32, #tpu.memory_space<vmem>>, vector<1x16xf32>,
    %get3A_4818 = vector.shape_cast %get3A_4817 : vector<1x16xf32> to vector<16xf32>
    %mul3A_4819 = arith.mulf %abs3A_4813, %get3A_4818 : vector<16xf32>
    %add3A_4820 = arith.addf %add3A_4805, %mul3A_4819 : vector<16xf32>
    %swap3A_4821 = arith.constant 0 : i32
    %swap3A_4822 = arith.index_cast %swap3A_4821 : i32 to index
    %swap3A_4823 = arith.constant 0 : index
    %swap3A_4824 = tpu.vector_load %arg11[%swap3A_4822, %swap3A_4823] {strides = array<i32>} : memref<12x16xf32, #tpu.memory_space<vmem>>, vector<1x16xf32>,
    %swap3A_4825 = vector.shape_cast %swap3A_4824 : vector<1x16xf32> to vector<16xf32>
    %swap3A_4826 = vector.shape_cast %add3A_2636 : vector<16xf32> to vector<1x16xf32>
    tpu.vector_store %arg11[%swap3A_4822, %swap3A_4823], %swap3A_4826 {strides = array<i32>} : memref<12x16xf32, #tpu.memory_space<vmem>>, vector<1x16xf32>,
    %swap3A_4827 = arith.constant 1 : i32
    %swap3A_4828 = arith.index_cast %swap3A_4827 : i32 to index
    %swap3A_4829 = arith.constant 0 : index
    %swap3A_4830 = tpu.vector_load %arg11[%swap3A_4828, %swap3A_4829] {strides = array<i32>} : memref<12x16xf32, #tpu.memory_space<vmem>>, vector<1x16xf32>,
    %swap3A_4831 = vector.shape_cast %swap3A_4830 : vector<1x16xf32> to vector<16xf32>
    %swap3A_4832 = vector.shape_cast %add3A_2876 : vector<16xf32> to vector<1x16xf32>
    tpu.vector_store %arg11[%swap3A_4828, %swap3A_4829], %swap3A_4832 {strides = array<i32>} : memref<12x16xf32, #tpu.memory_space<vmem>>, vector<1x16xf32>,
    %swap3A_4833 = arith.constant 2 : i32
    %swap3A_4834 = arith.index_cast %swap3A_4833 : i32 to index
    %swap3A_4835 = arith.constant 0 : index
    %swap3A_4836 = tpu.vector_load %arg11[%swap3A_4834, %swap3A_4835] {strides = array<i32>} : memref<12x16xf32, #tpu.memory_space<vmem>>, vector<1x16xf32>,
    %swap3A_4837 = vector.shape_cast %swap3A_4836 : vector<1x16xf32> to vector<16xf32>
    %swap3A_4838 = vector.shape_cast %add3A_3122 : vector<16xf32> to vector<1x16xf32>
    tpu.vector_store %arg11[%swap3A_4834, %swap3A_4835], %swap3A_4838 {strides = array<i32>} : memref<12x16xf32, #tpu.memory_space<vmem>>, vector<1x16xf32>,
    %swap3A_4839 = arith.constant 3 : i32
    %swap3A_4840 = arith.index_cast %swap3A_4839 : i32 to index
    %swap3A_4841 = arith.constant 0 : index
    %swap3A_4842 = tpu.vector_load %arg11[%swap3A_4840, %swap3A_4841] {strides = array<i32>} : memref<12x16xf32, #tpu.memory_space<vmem>>, vector<1x16xf32>,
    %swap3A_4843 = vector.shape_cast %swap3A_4842 : vector<1x16xf32> to vector<16xf32>
    %swap3A_4844 = vector.shape_cast %add3A_3362 : vector<16xf32> to vector<1x16xf32>
    tpu.vector_store %arg11[%swap3A_4840, %swap3A_4841], %swap3A_4844 {strides = array<i32>} : memref<12x16xf32, #tpu.memory_space<vmem>>, vector<1x16xf32>,
    %swap3A_4845 = arith.constant 4 : i32
    %swap3A_4846 = arith.index_cast %swap3A_4845 : i32 to index
    %swap3A_4847 = arith.constant 0 : index
    %swap3A_4848 = tpu.vector_load %arg11[%swap3A_4846, %swap3A_4847] {strides = array<i32>} : memref<12x16xf32, #tpu.memory_space<vmem>>, vector<1x16xf32>,
    %swap3A_4849 = vector.shape_cast %swap3A_4848 : vector<1x16xf32> to vector<16xf32>
    %swap3A_4850 = vector.shape_cast %add3A_3608 : vector<16xf32> to vector<1x16xf32>
    tpu.vector_store %arg11[%swap3A_4846, %swap3A_4847], %swap3A_4850 {strides = array<i32>} : memref<12x16xf32, #tpu.memory_space<vmem>>, vector<1x16xf32>,
    %swap3A_4851 = arith.constant 5 : i32
    %swap3A_4852 = arith.index_cast %swap3A_4851 : i32 to index
    %swap3A_4853 = arith.constant 0 : index
    %swap3A_4854 = tpu.vector_load %arg11[%swap3A_4852, %swap3A_4853] {strides = array<i32>} : memref<12x16xf32, #tpu.memory_space<vmem>>, vector<1x16xf32>,
    %swap3A_4855 = vector.shape_cast %swap3A_4854 : vector<1x16xf32> to vector<16xf32>
    %swap3A_4856 = vector.shape_cast %add3A_3848 : vector<16xf32> to vector<1x16xf32>
    tpu.vector_store %arg11[%swap3A_4852, %swap3A_4853], %swap3A_4856 {strides = array<i32>} : memref<12x16xf32, #tpu.memory_space<vmem>>, vector<1x16xf32>,
    %swap3A_4857 = arith.constant 6 : i32
    %swap3A_4858 = arith.index_cast %swap3A_4857 : i32 to index
    %swap3A_4859 = arith.constant 0 : index
    %swap3A_4860 = tpu.vector_load %arg11[%swap3A_4858, %swap3A_4859] {strides = array<i32>} : memref<12x16xf32, #tpu.memory_space<vmem>>, vector<1x16xf32>,
    %swap3A_4861 = vector.shape_cast %swap3A_4860 : vector<1x16xf32> to vector<16xf32>
    %swap3A_4862 = vector.shape_cast %add3A_4094 : vector<16xf32> to vector<1x16xf32>
    tpu.vector_store %arg11[%swap3A_4858, %swap3A_4859], %swap3A_4862 {strides = array<i32>} : memref<12x16xf32, #tpu.memory_space<vmem>>, vector<1x16xf32>,
    %swap3A_4863 = arith.constant 7 : i32
    %swap3A_4864 = arith.index_cast %swap3A_4863 : i32 to index
    %swap3A_4865 = arith.constant 0 : index
    %swap3A_4866 = tpu.vector_load %arg11[%swap3A_4864, %swap3A_4865] {strides = array<i32>} : memref<12x16xf32, #tpu.memory_space<vmem>>, vector<1x16xf32>,
    %swap3A_4867 = vector.shape_cast %swap3A_4866 : vector<1x16xf32> to vector<16xf32>
    %swap3A_4868 = vector.shape_cast %add3A_4334 : vector<16xf32> to vector<1x16xf32>
    tpu.vector_store %arg11[%swap3A_4864, %swap3A_4865], %swap3A_4868 {strides = array<i32>} : memref<12x16xf32, #tpu.memory_space<vmem>>, vector<1x16xf32>,
    %swap3A_4869 = arith.constant 8 : i32
    %swap3A_4870 = arith.index_cast %swap3A_4869 : i32 to index
    %swap3A_4871 = arith.constant 0 : index
    %swap3A_4872 = tpu.vector_load %arg11[%swap3A_4870, %swap3A_4871] {strides = array<i32>} : memref<12x16xf32, #tpu.memory_space<vmem>>, vector<1x16xf32>,
    %swap3A_4873 = vector.shape_cast %swap3A_4872 : vector<1x16xf32> to vector<16xf32>
    %swap3A_4874 = vector.shape_cast %add3A_4580 : vector<16xf32> to vector<1x16xf32>
    tpu.vector_store %arg11[%swap3A_4870, %swap3A_4871], %swap3A_4874 {strides = array<i32>} : memref<12x16xf32, #tpu.memory_space<vmem>>, vector<1x16xf32>,
    %swap3A_4875 = arith.constant 9 : i32
    %swap3A_4876 = arith.index_cast %swap3A_4875 : i32 to index
    %swap3A_4877 = arith.constant 0 : index
    %swap3A_4878 = tpu.vector_load %arg11[%swap3A_4876, %swap3A_4877] {strides = array<i32>} : memref<12x16xf32, #tpu.memory_space<vmem>>, vector<1x16xf32>,
    %swap3A_4879 = vector.shape_cast %swap3A_4878 : vector<1x16xf32> to vector<16xf32>
    %swap3A_4880 = vector.shape_cast %add3A_4820 : vector<16xf32> to vector<1x16xf32>
    tpu.vector_store %arg11[%swap3A_4876, %swap3A_4877], %swap3A_4880 {strides = array<i32>} : memref<12x16xf32, #tpu.memory_space<vmem>>, vector<1x16xf32>,
    %swap3A_4881 = arith.constant 10 : i32
    %swap3A_4882 = arith.index_cast %swap3A_4881 : i32 to index
    %swap3A_4883 = arith.constant 0 : index
    %swap3A_4884 = tpu.vector_load %arg11[%swap3A_4882, %swap3A_4883] {strides = array<i32>} : memref<12x16xf32, #tpu.memory_space<vmem>>, vector<1x16xf32>,
    %swap3A_4885 = vector.shape_cast %swap3A_4884 : vector<1x16xf32> to vector<16xf32>
    %swap3A_4886 = vector.shape_cast %add3A_2296 : vector<16xf32> to vector<1x16xf32>
    tpu.vector_store %arg11[%swap3A_4882, %swap3A_4883], %swap3A_4886 {strides = array<i32>} : memref<12x16xf32, #tpu.memory_space<vmem>>, vector<1x16xf32>,
    %swap3A_4887 = arith.constant 11 : i32
    %swap3A_4888 = arith.index_cast %swap3A_4887 : i32 to index
    %swap3A_4889 = arith.constant 0 : index
    %swap3A_4890 = tpu.vector_load %arg11[%swap3A_4888, %swap3A_4889] {strides = array<i32>} : memref<12x16xf32, #tpu.memory_space<vmem>>, vector<1x16xf32>,
    %swap3A_4891 = vector.shape_cast %swap3A_4890 : vector<1x16xf32> to vector<16xf32>
    %swap3A_4892 = vector.shape_cast %broadcast_in_dim3A_98 : vector<16xf32> to vector<1x16xf32>
    tpu.vector_store %arg11[%swap3A_4888, %swap3A_4889], %swap3A_4892 {strides = array<i32>} : memref<12x16xf32, #tpu.memory_space<vmem>>, vector<1x16xf32>,
    "tpu.region"() ({
      %run_scoped3A = tpu.sem_alloc : memref<!tpu.dma_semaphore, #tpu.memory_space<semaphore_mem>>
      %dma_start3A_4893 = arith.constant 0 : i32
      %dma_start3A_4894 = arith.constant 0 : i32
      %dma_start3A_4895 = tpu.memref_slice %arg5[%add3A, %dma_start3A_4893, %dma_start3A_4894] : memref<32x12x16xf32, #tpu.memory_space<hbm>> -> memref<1x12x16xf32, #tpu.memory_space<hbm>>
      %dma_start3A_4896 = tpu.memref_squeeze %dma_start3A_4895 : memref<1x12x16xf32, #tpu.memory_space<hbm>> -> memref<12x16xf32, #tpu.memory_space<hbm>>
      %dma_start3A_4897 = arith.constant 0 : i32
      %dma_start3A_4898 = arith.constant 0 : i32
      %dma_start3A_4899 = tpu.memref_slice %arg5[%add3A, %dma_start3A_4897, %dma_start3A_4898] : memref<32x12x16xf32, #tpu.memory_space<hbm>> -> memref<1x12x16xf32, #tpu.memory_space<hbm>>
      %dma_start3A_4900 = tpu.memref_squeeze %dma_start3A_4899 : memref<1x12x16xf32, #tpu.memory_space<hbm>> -> memref<12x16xf32, #tpu.memory_space<hbm>>
      tpu.enqueue_dma source(%arg11 : memref<12x16xf32, #tpu.memory_space<vmem>>) target(%dma_start3A_4900 : memref<12x16xf32, #tpu.memory_space<hbm>>) target_semaphore(%run_scoped3A : memref<!tpu.dma_semaphore, #tpu.memory_space<semaphore_mem>>)
      %dma_wait3A_4901 = arith.constant 0 : i32
      %dma_wait3A_4902 = arith.constant 0 : i32
      %dma_wait3A_4903 = tpu.memref_slice %arg5[%add3A, %dma_wait3A_4901, %dma_wait3A_4902] : memref<32x12x16xf32, #tpu.memory_space<hbm>> -> memref<1x12x16xf32, #tpu.memory_space<hbm>>
      %dma_wait3A_4904 = tpu.memref_squeeze %dma_wait3A_4903 : memref<1x12x16xf32, #tpu.memory_space<hbm>> -> memref<12x16xf32, #tpu.memory_space<hbm>>
      %dma_wait3A_4905 = arith.constant 0 : i32
      %dma_wait3A_4906 = arith.constant 0 : i32
      %dma_wait3A_4907 = tpu.memref_slice %arg5[%add3A, %dma_wait3A_4905, %dma_wait3A_4906] : memref<32x12x16xf32, #tpu.memory_space<hbm>> -> memref<1x12x16xf32, #tpu.memory_space<hbm>>
      %dma_wait3A_4908 = tpu.memref_squeeze %dma_wait3A_4907 : memref<1x12x16xf32, #tpu.memory_space<hbm>> -> memref<12x16xf32, #tpu.memory_space<hbm>>
      tpu.wait_dma2 semaphore(%run_scoped3A : memref<!tpu.dma_semaphore, #tpu.memory_space<semaphore_mem>>) src(%arg11 : memref<12x16xf32, #tpu.memory_space<vmem>>) dst(%dma_wait3A_4908 : memref<12x16xf32, #tpu.memory_space<hbm>>)
      tpu.yield
    }) : () -> ()
    return
  }
}

module attributes {stable_mosaic.version = 14 : i64} {
  func.func @_finish(%arg0: memref<32x12x16xf32, #tpu.memory_space<vmem>>, %arg1: memref<10xf32, #tpu.memory_space<vmem>>) attributes {dimension_semantics = [], scalar_prefetch = 0 : i64, scratch_operands = 0 : i64, tpu.core_type = #tpu.core_type<tc>} {
    %get3A = arith.constant 0 : index
    %get3A_0 = arith.constant 0 : index
    %get3A_1 = arith.constant 0 : index
    %get3A_2 = vector.load %arg0[%get3A, %get3A_0, %get3A_1] : memref<32x12x16xf32, #tpu.memory_space<vmem>>, vector<32x12x16xf32>
    %reduce_sum3A = arith.constant dense<0.000000e+00> : vector<12xf32>
    %reduce_sum3A_3 = vector.multi_reduction <add>, %get3A_2, %reduce_sum3A [0, 2] : vector<32x12x16xf32> to vector<12xf32>
    %slice3A = vector.extract_strided_slice %reduce_sum3A_3 {offsets = [0], sizes = [10], strides = [1]} : vector<12xf32> to vector<10xf32>
    %slice3A_4 = vector.extract_strided_slice %reduce_sum3A_3 {offsets = [10], sizes = [1], strides = [1]} : vector<12xf32> to vector<1xf32>
    %squeeze3A = vector.extract %slice3A_4[0] : f32 from vector<1xf32>
    %add3A = arith.constant 9.99999974E-5 : f32
    %add3A_5 = arith.addf %squeeze3A, %add3A : f32
    %div3A = vector.broadcast %add3A_5 : f32 to vector<10xf32>
    %div3A_6 = arith.divf %slice3A, %div3A : vector<10xf32>
    %swap3A = arith.constant 0 : index
    %swap3A_7 = vector.load %arg1[%swap3A] : memref<10xf32, #tpu.memory_space<vmem>>, vector<10xf32>
    tpu.vector_store %arg1[%swap3A], %div3A_6 {strides = array<i32>} : memref<10xf32, #tpu.memory_space<vmem>>, vector<10xf32>,
    return
  }
}

</mosaic_0001>

<sc_bundles>
// kernel: kernel.4.cloned.1.call-start
scs
__scs_entry_jumppad:
0x0: {  	(pc) =	sbr.rel $0x88, $3  }
0x1: {  	(tag) =	ssettag $0x0;
	lr =	simm.s32 $0x1  }
0x2: {  	[smem:$0x3F9D] =	sst lr;
	_ =	strace $0xD0000000  }
0x3: {  	_ = 	snop  }
0x4: {  	_ = 	snop  }
0x5: {  	_ = 	snop  }
0x6: {  	_ = 	snop  }
0x7: {  	_ = 	snop  }
__scs_overlays_trampoline_lowered:
0x8: {  	[smem:$0x3FAC] =	sst s0  }
0x9: {  	[smem:$0x3FAD] =	sst s1  }
0xa: {  	[smem:$0x3FAE] =	sst s2  }
0xb: {  	[smem:$0x3FAF] =	sst s3  }
0xc: {  	[smem:$0x3FB0] =	sst s4  }
0xd: {  	[smem:$0x3FB1] =	sst s5  }
0xe: {  	[smem:$0x3FB2] =	sst s6  }
0xf: {  	[smem:$0x3FB3] =	sst s7  }
0x10: {  	[smem:$0x3FB4] =	sst s8  }
0x11: {  	[smem:$0x3FB5] =	sst s9;
	s0 =	simm.s32 @!p0 $0x0  }
0x12: {  	s1 =	sld [smem:$0x3F9B];
	s0 =	simm.s32 @p0 $0x1  }
0x13: {  	[smem:$0x3FB6] =	sst s0;
	s0 =	simm.s32 @!p1 $0x0  }
0x14: {  	s2 =	sld [smem:$0x3F9A];
	s0 =	simm.s32 @p1 $0x1  }
0x15: {  	[smem:$0x3FB7] =	sst s0;
	s0 =	simm.s32 @!p2 $0x0  }
0x16: {  	s3 =	sld [smem:$0x3FDB];
	s0 =	simm.s32 @p2 $0x1  }
0x17: {  	s4 =	simm.s32 $0x1BF5;
	[smem:$0x3FB9] =	sst s0  }
0x18: {  	s0 =	sld [smem:$0x3F9C];
	_ =	swait.ge [sflag:s4], $0x0  }
0x19: {  	s7 =	sld [smem:$0x3F9D]  }
0x1a: {  	s8 =	sadd.s32 $0xFFFFE003, lr  }
0x1b: {  	s9 =	sadd.s32 $0xFFFFFEF7, lr;
	s5 =	simm.s32 $0xFFFFFFFF;
	p2 =	slt.u32 s8, $0xFFFFF086  }
0x1c: {  	p1 =	slt.u32 s9, $0xF7A;
	s5 =	simm.s32 @!p2 $0x0  }
0x1d: {  	s5 =	simm.s32 @p1 $0x1;
	p0 =	seq.s32 s7, s2  }
0x1e: {  	s7 =	smul.u32 @!p0 $0xF7A, s2;
	p2 =	seq.s32 @!p0 s5, $0x0  }
0x1f: {  	s9 =	smul.u32 $0xF7A, s1;
	s8 =	simm.s32 @!p0 $0x1BF5;
	p2 =	por !p2, p0  }
0x20: {  	[sflag:s8] =	ssyncset.s32 @!p0 $0xFFFFF086;
	s6 =	sadd.s32 @!p0 s3, s7;
	s7 =	simm.s32 @!p0 $0x108  }
0x21: {  	s3 =	sadd.s32 s3, s9;
	s6 =	sadd.s32 @!p0 $0x88, s6;
	s7 =	simm.s32 @p2 $0x1082  }
0x22: {  	[simem:s7], [sflag:s8] =	dma.local @!p0 [hbm:s6], $0xF7A  }
0x23: {  	s9 =	sor.u32 $0xD0000000, s2;
	s6 =	simm.s32 $0x108;
	_ =	swait.ge @!p0 [sflag:s8], $0x0  }
0x24: {  	s3 =	sadd.s32 $0x88, s3;
	s6 =	simm.s32 @!p1 $0x1082;
	[sflag:s4] =	ssyncset.s32 $0xFFFFF086  }
0x25: {  	[simem:s6], [sflag:s4] =	dma.local [hbm:s3], $0xF7A  }
0x26: {  	[smem:$0x3F9D] =	sst s1;
	(tag) =	ssettag s2;
	_ =	strace s9  }
0x27: {  	s1 =	sld [smem:$0x3FAD]  }
0x28: {  	s2 =	sld [smem:$0x3FAE]  }
0x29: {  	s4 =	sld [smem:$0x3FB0]  }
0x2a: {  	p0 =	seq.s32 s5, $0x0;
	s5 =	sld [smem:$0x3FB1]  }
0x2b: {  	s6 =	sld [smem:$0x3FB2]  }
0x2c: {  	s7 =	sld [smem:$0x3FB3]  }
0x2d: {  	s3 =	simm.s32 $0x108;
	s8 =	sld [smem:$0x3FB4]  }
0x2e: {  	s3 =	simm.s32 @!p0 $0x1082;
	s9 =	sld [smem:$0x3FB5]  }
0x2f: {  	lr =	sadd.s32 s0, s3;
	s0 =	sld [smem:$0x3FAC]  }
0x30: {  	s3 =	sld [smem:$0x3FAF]  }
0x31: {  	[smem:$0x3FB8] =	sst s10  }
0x32: {  	s10 =	sld [smem:$0x3FB6];
	_ =	sdelay $0x3  }
0x33: {  	p0 =	seq.s32 s10, $0x1;
	s10 =	sld [smem:$0x3FB8];
	_ =	sdelay $0x3  }
0x34: {  	[smem:$0x3FB8] =	sst s10  }
0x35: {  	s10 =	sld [smem:$0x3FB7];
	_ =	sdelay $0x3  }
0x36: {  	p1 =	seq.s32 s10, $0x1;
	s10 =	sld [smem:$0x3FB8];
	_ =	sdelay $0x3  }
0x37: {  	[smem:$0x3FB8] =	sst s10  }
0x38: {  	s10 =	sld [smem:$0x3FB9]  }
0x39: {  	_ = 	snop;
	(pc) =	sbr.ind lr, $3  }
0x3a: {  	_ = 	snop  }
0x3b: {  	_ = 	snop  }
0x3c: {  	p2 =	seq.s32 s10, $0x1;
	s10 =	sld [smem:$0x3FB8]  }
0x3d: {  	_ =	shalt  }
0x3e: {  	_ =	shalt  }
0x3f: {  	_ =	shalt  }
0x40: {  	_ =	shalt  }
0x41: {  	_ =	shalt  }
0x42: {  	_ =	shalt  }
0x43: {  	_ =	shalt  }
0x44: {  	_ =	shalt  }
0x45: {  	_ =	shalt  }
0x46: {  	_ =	shalt  }
0x47: {  	_ =	shalt  }
0x48: {  	_ =	shalt  }
0x49: {  	_ =	shalt  }
0x4a: {  	_ =	shalt  }
0x4b: {  	_ =	shalt  }
0x4c: {  	_ =	shalt  }
0x4d: {  	_ =	shalt  }
0x4e: {  	_ =	shalt  }
0x4f: {  	_ =	shalt  }
0x50: {  	_ =	shalt  }
0x51: {  	_ =	shalt  }
0x52: {  	_ =	shalt  }
0x53: {  	_ =	shalt  }
0x54: {  	_ =	shalt  }
0x55: {  	_ =	shalt  }
0x56: {  	_ =	shalt  }
0x57: {  	_ =	shalt  }
0x58: {  	_ =	shalt  }
0x59: {  	_ =	shalt  }
0x5a: {  	_ =	shalt  }
0x5b: {  	_ =	shalt  }
0x5c: {  	_ =	shalt  }
0x5d: {  	_ =	shalt  }
0x5e: {  	_ =	shalt  }
0x5f: {  	_ =	shalt  }
0x60: {  	_ =	shalt  }
0x61: {  	_ =	shalt  }
0x62: {  	_ =	shalt  }
0x63: {  	_ =	shalt  }
0x64: {  	_ =	shalt  }
0x65: {  	_ =	shalt  }
0x66: {  	_ =	shalt  }
0x67: {  	_ =	shalt  }
0x68: {  	_ =	shalt  }
0x69: {  	_ =	shalt  }
0x6a: {  	_ =	shalt  }
0x6b: {  	_ =	shalt  }
0x6c: {  	_ =	shalt  }
0x6d: {  	_ =	shalt  }
0x6e: {  	_ =	shalt  }
0x6f: {  	_ =	shalt  }
0x70: {  	_ =	shalt  }
0x71: {  	_ =	shalt  }
0x72: {  	_ =	shalt  }
0x73: {  	_ =	shalt  }
0x74: {  	_ =	shalt  }
0x75: {  	_ =	shalt  }
0x76: {  	_ =	shalt  }
0x77: {  	_ =	shalt  }
0x78: {  	_ =	shalt  }
0x79: {  	_ =	shalt  }
0x7a: {  	_ =	shalt  }
0x7b: {  	_ =	shalt  }
0x7c: {  	_ =	shalt  }
0x7d: {  	_ =	shalt  }
0x7e: {  	_ =	shalt  }
0x7f: {  	_ =	shalt  }
0x80: {  	_ =	shalt  }
0x81: {  	_ =	shalt  }
0x82: {  	_ =	shalt  }
0x83: {  	_ =	shalt  }
0x84: {  	_ =	shalt  }
0x85: {  	_ =	shalt  }
0x86: {  	_ =	shalt  }
0x87: {  	_ =	shalt  }
.Lfunc_end0:
.L_simem_size_0:
called_computation_lowered:
.L_overlay_start_0:
0x88: {  	s2 =	sld [smem:$0x3FD9]  }
0x89: {  	s3 =	sld [smem:$0x3FFE];
	_ =	sdelay $0x1  }
0x8a: {  	s1 =	srdreg.scid  }
0x8b: {  	s0 =	sand.u32 $0x1, s1  }
0x8c: {  	s17 =	sshll.u32 s0, $0xA;
	s2 =	sadd.s32 s3, s2  }
0x8d: {  	s2 =	sadd.s32 s2, s17  }
0x8e: {  	[smem:$0x3FC4] =	sst s2  }
0x8f: {  	_ = 	snop  }
0x90: {  	s2 =	sld [smem:$0x3FC9];
	(tm) =	ssettm $0x1  }
0x91: {  	s18 =	sld [smem:$0x3FFB];
	_ =	sdelay $0x3  }
0x92: {  	_ =	strace s18  }
0x93: {  	s3 =	sld [smem:$0x3FFC];
	_ =	sdelay $0x3  }
0x94: {  	_ =	strace s3  }
0x95: {  	s3 =	sld [smem:$0x3FFD];
	_ =	sdelay $0x3  }
0x96: {  	_ =	strace s3  }
0x97: {  	_ =	strace $0x8FFFFFFF  }
0x98: {  	s19 =	sld [smem:$0x3FDB];
	_ =	sdelay $0x1  }
0x99: {  	s4 =	simm.s32 $_scs_section_size  }
0x9a: {  	s5 =	simm.s32 $_size__tile_overlayer_lowered;
	s6 =	simm.s32 $_tile_overlayer_lowered  }
0x9b: {  	s22 =	simm.s32 $0x1BFF;
	s21 =	sshll.u32 s6, $0x1;
	s3 =	sadd.s32 s4, s19  }
0x9c: {  	s7 =	simm.s32 $0x0;
	s20 =	sshll.u32 s5, $0x1;
	s5 =	sadd.s32 s21, s3  }
0x9d: {  	[timem:s7], [sflag:s22] =	dma.local [hbm:s5], s20  }
0x9e: {  	_ =	swait.ge [sflag:s22], s20  }
0x9f: {  	s4 =	ssub.s32 $0x0, s20;
	[sflag:s22] =	ssyncset.done $0x0  }
0xa0: {  	[sflag:s22] =	ssyncadd.s32 s4;
	_ =	sdelay $0x1  }
0xa1: {  	s23 =	simm.s32 $0x1B8B  }
0xa2: {  	_ =	swait.ge [sflag:s23], $0x1  }
0xa3: {  	[sflag:s23] =	ssyncset.done $0x0  }
0xa4: {  	s25 =	simm.s32 $0x1B8E;
	s24 =	sld [smem:$0x3FFE];
	[sflag:s23] =	ssyncadd.s32 $0xFFFFFFFF  }
0xa5: {  	s26 =	simm.s32 $execute0_lowered;
	[smem:$0x3FD2] =	sst s25  }
0xa6: {  	s5 =	sshll.u32 s26, $0x1;
	_ =	strace $0x80000046;
	[dreg:$0x1] =	wrdreg $0xFFFFFFFF  }
0xa7: {  	s28 =	simm.s32 $_size_execute0_lowered;
	s3 =	sadd.s32 s3, s5;
	[dreg:$0x0] =	wrdreg $0x0  }
0xa8: {  	s5 =	sshll.u32 s28, $0x1;
	[dreg:$0x2] =	wrdreg s3  }
0xa9: {  	[dreg:$0x3] =	wrdreg s5  }
0xaa: {  	[dreg:$0x4] =	wrdreg $0xC0  }
0xab: {  	_ =	task [dreg:s7], $0x5FFFF  }
0xac: {  	[dreg:$0x1] =	wrdreg $0xFFFFFFFF  }
0xad: {  	[dreg:$0x0] =	wrdreg $0x60  }
0xae: {  	[dreg:$0x2] =	wrdreg s2  }
0xaf: {  	[dreg:$0x3] =	wrdreg s24  }
0xb0: {  	[dreg:$0x4] =	wrdreg $0x9  }
0xb1: {  	_ =	task.clear_ibuf [dreg:s7], $0x5FFFF;
	_ =	strace $0x90000046  }
0xb2: {  	s29 =	simm.s32 $0x9;
	_ =	strace $0x80000048  }
0xb3: {  	_ =	swait.ge [sflag:s29], $0x1  }
0xb4: {  	[sflag:s29] =	ssyncadd.s32 $0xFFFFFFFF  }
0xb5: {  	_ =	strace $0x90000048  }
0xb6: {  	_ =	sfence  }
0xb7: {  	s30 =	sld [smem:$0x0];
	_ =	sdelay $0x2  }
0xb8: {  	s31 =	sshll.u32 s1, $0xD;
	s1 =	sshrl.u32 s1, $0x2  }
0xb9: {  	s3 =	sand.u32 $0x4000, s31;
	s1 =	sadd.s32 s1, s30  }
0xba: {  	s0 =	sor.u32 s3, s0;
	s1 =	sshll.u32 s1, $0x11  }
0xbb: {  	s0 =	sor.u32 s1, s0  }
0xbc: {  	s0 =	sadd.s32 $0x8F2B, s0  }
0xbd: {  	[sflag:s0] =	ssyncadd.remote.s32 $0x1  }
0xbe: {  	_ =	sfence.sel $0xFFFF  }
0xbf: {  	[dreg:$0x0] =	wrdreg $0xFFFFFFFF;
	(pc) =	sbr.abs _section_cstart, $3  }
0xc0: {  	[dreg:$0x1] =	wrdreg $0xFFFFFFFF  }
0xc1: {  	_ =	task.clear_ibuf [dreg:s7], $0x2FFFF;
	_ =	strace $0x9FFFFFFF  }
0xc2: {  	(tm) =	ssettm $0x7FFFFFFF  }
0xc3: {  	_ =	shalt  }
tec
execute0_lowered:
.L_overlay_start_1:
0x0: {  	(tag) =	ssettag $0x1  }
0x1: {  	s1 =	rddreg [dreg:$0x0]  }
0x2: {  	s0 =	rddreg [dreg:$0x1]  }
0x3: {  	s2 =	srdreg.scid;
	s3 =	simm.s32 $0x0;
	s11 =	stileid.u32  }
0x4: {  	s4 =	sand.u32 $0x1, s2;
	[smem:$0x7FF] =	sst s3;
	s9 =	sand.u32 $0x1, s11  }
0x5: {  	s5 =	sshll.u32 s4, $0x4;
	_ =	strace $0x80000047;
	s4 =	ssub.s32 $0x2, s4  }
0x6: {  	p1 =	seq.s32 s9, $0x1;
	s9 =	simm.s32 $0x1;
	s5 =	sor.u32 s11, s5  }
0x7: {  	s12 =	sshrl.u32 s4, $0x1;
	s11 =	simm.s32 $0x200;
	s6 =	sshll.u32 s5, $0x5  }
0x8: {  	s7 =	sshll.u32 s5, $0x8;
	s8 =	sshrl.u32 s5, $0x1;
	p0 =	seq.s32 s5, $0x0  }
0x9: {  	s22 =	ssub.s32 s4, s12;
	s4 =	simm.s32 $0x1;
	s6 =	sadd.s32 s6, s0  }
0xa: {  	s0 =	sadd.s32 s7, s0;
	p0 =	por !p0, !p1;
	s13 =	sadd.s32 $0x2E00, s6  }
0xb: {  	s14 =	sadd.s32 $0x600, s6;
	s15 =	sadd.s32 $0xA00, s6;
	[dreg:$0x3] =	wrdreg s13  }
0xc: {  	s16 =	sadd.s32 $0xE00, s6;
	p0 =	por !p0, !p0;
	[dreg:$0x4] =	wrdreg s14  }
0xd: {  	s17 =	sadd.s32 $0x1200, s6;
	s18 =	sadd.s32 $0x1600, s6;
	[dreg:$0x5] =	wrdreg s15  }
0xe: {  	s19 =	sadd.s32 $0x1A00, s6;
	[dreg:$0x6] =	wrdreg s16;
	s9 =	simm.s32 @!p0 $0x0  }
0xf: {  	s20 =	sadd.s32 $0x1E00, s6;
	[dreg:$0x7] =	wrdreg s17;
	s8 =	ssub.s32 s8, s9  }
0x10: {  	s21 =	sadd.s32 $0x2200, s6;
	[dreg:$0xa] =	wrdreg s20;
	s20 =	smul.u32 $0x28000, s8  }
0x11: {  	s5 =	sadd.s32 $0x2600, s6;
	s6 =	sadd.s32 $0x2A00, s6;
	[dreg:$0x8] =	wrdreg s18  }
0x12: {  	s7 =	sadd.s32 $0x3200, s0;
	[dreg:$0xb] =	wrdreg s21;
	s21 =	sor.u32 $0x4000, s20;
	v0 =	vmov s20  }
0x13: {  	s0 =	simm.s32 $0x2700;
	[dreg:$0x9] =	wrdreg s19;
	s23 =	sadd.s32 $0x8000, s20;
	[tilespmem:$0x1FF60] =	vst v0;
	v55 =	vmov s21  }
0x14: {  	s13 =	simm.s32 $0x400;
	s14 =	simm.s32 $0x500;
	s24 =	sadd.s32 $0xC000, s20;
	v56 =	vmov s23;
	[tilespmem:$0x1FF70] =	vst v55  }
0x15: {  	s15 =	simm.s32 $0x600;
	s16 =	simm.s32 $0x700;
	s25 =	sadd.s32 $0x10000, s20;
	v57 =	vmov s24;
	[tilespmem:$0x1FF80] =	vst v56  }
0x16: {  	s17 =	simm.s32 $0x800;
	s18 =	simm.s32 $0x900;
	s26 =	sadd.s32 $0x14000, s20;
	v58 =	vmov s25;
	[tilespmem:$0x1FF90] =	vst v57  }
0x17: {  	s19 =	simm.s32 $0xA00;
	s9 =	simm.s32 $0x3;
	s28 =	sadd.s32 $0x18000, s20;
	v59 =	vmov s26;
	[tilespmem:$0x1FFA0] =	vst v58  }
0x18: {  	s8 =	smax.u32 s22, $0x1;
	s22 =	simm.s32 $0x1500;
	s29 =	sadd.s32 $0x1C000, s20;
	v60 =	vmov s28;
	[tilespmem:$0x1FFB0] =	vst v59  }
0x19: {  	s30 =	sadd.s32 $0x20000, s20;
	s31 =	sadd.s32 $0x24000, s20;
	s20 =	simm.s32 $0x1300;
	v61 =	vmov s29;
	[tilespmem:$0x1FFC0] =	vst v60  }
0x1a: {  	s21 =	simm.s32 $0x1D00;
	s23 =	simm.s32 $0x1F00;
	s24 =	simm.s32 $0x1700;
	v62 =	vmov s30;
	[tilespmem:$0x1FFD0] =	vst v61  }
0x1b: {  	s25 =	simm.s32 $0x2100;
	s26 =	simm.s32 $0x1900;
	s28 =	simm.s32 $0x2300;
	v63 =	vmov s31;
	[tilespmem:$0x1FFE0] =	vst v62  }
0x1c: {  	s29 =	simm.s32 $0x1B00;
	s30 =	simm.s32 $0x2500;
	s31 =	simm.s32 $0x2;
	[tilespmem:$0x1FFF0] =	vst v63  }
.LBB2_1:
0x1d: {  	s2 =	rddreg [dreg:$0x3]  }
0x1e: {  	[tilespmem:s3], [sflag:$0x3] =	stream.linear.gather [hbm4b:s2+s3], $0x100, $0x38;
	[tilespmem:$0x2F00] =	vst v63  }
0x1f: {  	_ =	swait.ge [sflag:s9], $0x100  }
0x20: {  	[sflag:s9] =	ssyncset.done $0x0  }
0x21: {  	s12 =	simm.s32 $0x100;
	s2 =	rddreg [dreg:$0x4];
	[sflag:s9] =	ssyncadd.s32 $0xFFFFFF00  }
0x22: {  	[tilespmem:s12], [sflag:$0x2] =	stream.linear.gather [hbm4b:s2+s3], $0x100, $0x38;
	[tilespmem:$0x2F00] =	vst v63  }
0x23: {  	s10 =	rddreg [dreg:$0x5]  }
0x24: {  	[tilespmem:s11], [sflag:$0x2] =	stream.linear.gather [hbm4b:s10+s3], $0x100, $0x38;
	[tilespmem:$0x2F00] =	vst v63  }
0x25: {  	s2 =	rddreg [dreg:$0x6];
	s12 =	simm.s32 $0x300  }
0x26: {  	[tilespmem:s12], [sflag:$0x2] =	stream.linear.gather [hbm4b:s2+s3], $0x100, $0x38;
	[tilespmem:$0x2F00] =	vst v63  }
0x27: {  	s10 =	rddreg [dreg:$0x7]  }
0x28: {  	[tilespmem:s13], [sflag:$0x2] =	stream.linear.gather [hbm4b:s10+s3], $0x100, $0x38;
	[tilespmem:$0x2F00] =	vst v63  }
0x29: {  	s2 =	rddreg [dreg:$0x8]  }
0x2a: {  	[tilespmem:s14], [sflag:$0x2] =	stream.linear.gather [hbm4b:s2+s3], $0x100, $0x38;
	[tilespmem:$0x2F00] =	vst v63  }
0x2b: {  	s12 =	rddreg [dreg:$0x9]  }
0x2c: {  	[tilespmem:s15], [sflag:$0x2] =	stream.linear.gather [hbm4b:s12+s3], $0x100, $0x38;
	[tilespmem:$0x2F00] =	vst v63  }
0x2d: {  	s2 =	rddreg [dreg:$0xa]  }
0x2e: {  	[tilespmem:s16], [sflag:$0x2] =	stream.linear.gather [hbm4b:s2+s3], $0x100, $0x38;
	[tilespmem:$0x2F00] =	vst v63  }
0x2f: {  	s12 =	rddreg [dreg:$0xb]  }
0x30: {  	[tilespmem:s17], [sflag:$0x2] =	stream.linear.gather [hbm4b:s12+s3], $0x100, $0x38;
	[tilespmem:$0x2F00] =	vst v63  }
0x31: {  	_ = 	snop  }
0x32: {  	[tilespmem:s18], [sflag:$0x2] =	stream.linear.gather [hbm4b:s5+s3], $0x100, $0x38;
	[tilespmem:$0x2F00] =	vst v63  }
0x33: {  	_ = 	snop  }
0x34: {  	[tilespmem:s19], [sflag:$0x2] =	stream.linear.gather [hbm4b:s6+s3], $0x100, $0x38;
	[tilespmem:$0x2F00] =	vst v63  }
0x35: {  	v0 =	vld [tilespmem:$0x0];
	_ =	sdelay $0x2  }
0x36: {  	v4 =	vld [tilespmem:$0x1FF60]  }
0x37: {  	v5 =	vld [tilespmem:$0x1FF70]  }
0x38: {  	v6 =	vld [tilespmem:$0x1FF80];
	v0 =	vtrunc.f32 v0  }
0x39: {  	v7 =	vld [tilespmem:$0x1FF90];
	v0 =	vcvt.f32.s32 v0  }
0x3a: {  	v8 =	vld [tilespmem:$0x1FFA0]  }
0x3b: {  	v9 =	vld [tilespmem:$0x1FFB0];
	v1 =	vand.u32 $0x3FFF, v0  }
0x3c: {  	v10 =	vld [tilespmem:$0x1FFC0];
	v2 =	vor.u32 v4, v1  }
0x3d: {  	v3 =	vld [tilespmem:$0x10];
	v18 =	vor.u32 v5, v1;
	[tilespmem:$0x1300] =	vst v2  }
0x3e: {  	v11 =	vld [tilespmem:$0x1FFD0];
	v19 =	vor.u32 v6, v1;
	[tilespmem:$0x1400] =	vst v18  }
0x3f: {  	v12 =	vld [tilespmem:$0x1FFE0];
	v20 =	vor.u32 v7, v1;
	[tilespmem:$0x1500] =	vst v19  }
0x40: {  	v13 =	vld [tilespmem:$0x1FFF0];
	v21 =	vor.u32 v8, v1;
	[tilespmem:$0x1600] =	vst v20  }
0x41: {  	v22 =	vor.u32 v9, v1;
	[tilespmem:$0x1700] =	vst v21  }
0x42: {  	v3 =	vtrunc.f32 v3;
	v23 =	vor.u32 v10, v1;
	[tilespmem:$0x1800] =	vst v22  }
0x43: {  	v3 =	vcvt.f32.s32 v3;
	v24 =	vor.u32 v11, v1;
	[tilespmem:$0x1900] =	vst v23  }
0x44: {  	v25 =	vor.u32 v12, v1;
	[tilespmem:$0x1A00] =	vst v24  }
0x45: {  	v27 =	vand.u32 $0x3FFF, v3;
	v1 =	vor.u32 v13, v1;
	[tilespmem:$0x1B00] =	vst v25  }
0x46: {  	v28 =	vor.u32 v4, v27;
	[tilespmem:$0x1C00] =	vst v1  }
0x47: {  	v29 =	vor.u32 v5, v27;
	[tilespmem:$0x1310] =	vst v28  }
0x48: {  	v30 =	vor.u32 v6, v27;
	[tilespmem:$0x1410] =	vst v29  }
0x49: {  	v32 =	vor.u32 v7, v27;
	[tilespmem:$0x1510] =	vst v30  }
0x4a: {  	v33 =	vor.u32 v8, v27;
	[tilespmem:$0x1610] =	vst v32  }
0x4b: {  	v43 =	vld [tilespmem:$0x30];
	v34 =	vor.u32 v9, v27;
	[tilespmem:$0x1710] =	vst v33  }
0x4c: {  	v35 =	vor.u32 v10, v27;
	[tilespmem:$0x1810] =	vst v34  }
0x4d: {  	v36 =	vor.u32 v11, v27;
	[tilespmem:$0x1910] =	vst v35  }
0x4e: {  	v0 =	vshrl.u32 v0, $0xE;
	v37 =	vor.u32 v12, v27;
	[tilespmem:$0x1A10] =	vst v36  }
0x4f: {  	v3 =	vshrl.u32 v3, $0xE;
	v26 =	vcvt.s32.f32 v0;
	v0 =	vor.u32 v13, v27;
	[tilespmem:$0x1B10] =	vst v37  }
0x50: {  	v38 =	vcvt.s32.f32 v3;
	v3 =	vtrunc.f32 v43;
	[tilespmem:$0x1C10] =	vst v0  }
0x51: {  	v3 =	vcvt.f32.s32 v3;
	[tilespmem:$0x1F660] =	vst v26  }
0x52: {  	[tilespmem:$0xB00] =	vst v26  }
0x53: {  	[tilespmem:$0x1F650] =	vst v38;
	v51 =	vand.u32 $0x3FFF, v3  }
0x54: {  	v31 =	vld [tilespmem:$0x20];
	[tilespmem:$0xB80] =	vst v38;
	v52 =	vor.u32 v4, v51  }
0x55: {  	v53 =	vor.u32 v5, v51;
	[tilespmem:$0x1330] =	vst v52  }
0x56: {  	v54 =	vor.u32 v6, v51;
	[tilespmem:$0x1430] =	vst v53  }
0x57: {  	v56 =	vor.u32 v7, v51;
	[tilespmem:$0x1530] =	vst v54  }
0x58: {  	v57 =	vor.u32 v8, v51;
	[tilespmem:$0x1630] =	vst v56  }
0x59: {  	v2 =	vtrunc.f32 v31;
	v58 =	vor.u32 v9, v51;
	[tilespmem:$0x1730] =	vst v57  }
0x5a: {  	v2 =	vcvt.f32.s32 v2;
	v59 =	vor.u32 v10, v51;
	[tilespmem:$0x1830] =	vst v58  }
0x5b: {  	v60 =	vor.u32 v11, v51;
	[tilespmem:$0x1930] =	vst v59  }
0x5c: {  	v39 =	vand.u32 $0x3FFF, v2;
	v61 =	vor.u32 v12, v51;
	[tilespmem:$0x1A30] =	vst v60  }
0x5d: {  	v40 =	vor.u32 v4, v39;
	[tilespmem:$0x1B30] =	vst v61  }
0x5e: {  	v41 =	vor.u32 v5, v39;
	[tilespmem:$0x1320] =	vst v40  }
0x5f: {  	v42 =	vor.u32 v6, v39;
	[tilespmem:$0x1420] =	vst v41  }
0x60: {  	v44 =	vor.u32 v7, v39;
	[tilespmem:$0x1520] =	vst v42  }
0x61: {  	v45 =	vor.u32 v8, v39;
	[tilespmem:$0x1620] =	vst v44  }
0x62: {  	v46 =	vor.u32 v9, v39;
	[tilespmem:$0x1720] =	vst v45  }
0x63: {  	v17 =	vld [tilespmem:$0x50];
	v47 =	vor.u32 v10, v39;
	[tilespmem:$0x1820] =	vst v46  }
0x64: {  	v48 =	vor.u32 v11, v39;
	[tilespmem:$0x1920] =	vst v47  }
0x65: {  	v3 =	vshrl.u32 v3, $0xE;
	v49 =	vor.u32 v12, v39;
	[tilespmem:$0x1A20] =	vst v48  }
0x66: {  	v62 =	vcvt.s32.f32 v3;
	v0 =	vor.u32 v13, v39;
	[tilespmem:$0x1B20] =	vst v49  }
0x67: {  	v2 =	vshrl.u32 v2, $0xE;
	[tilespmem:$0x1C20] =	vst v0  }
0x68: {  	v3 =	vtrunc.f32 v17;
	v50 =	vcvt.s32.f32 v2;
	[tilespmem:$0x1F680] =	vst v62  }
0x69: {  	v3 =	vcvt.f32.s32 v3;
	[tilespmem:$0xC80] =	vst v62  }
0x6a: {  	[tilespmem:$0x1F670] =	vst v50  }
0x6b: {  	v0 =	vor.u32 v13, v51;
	[tilespmem:$0xC00] =	vst v50;
	v25 =	vand.u32 $0x3FFF, v3  }
0x6c: {  	v55 =	vld [tilespmem:$0x40];
	[tilespmem:$0x1C30] =	vst v0;
	v26 =	vor.u32 v4, v25  }
0x6d: {  	v27 =	vor.u32 v5, v25;
	[tilespmem:$0x1350] =	vst v26  }
0x6e: {  	v28 =	vor.u32 v6, v25;
	[tilespmem:$0x1450] =	vst v27  }
0x6f: {  	v30 =	vor.u32 v7, v25;
	[tilespmem:$0x1550] =	vst v28  }
0x70: {  	v31 =	vor.u32 v8, v25;
	[tilespmem:$0x1650] =	vst v30  }
0x71: {  	v2 =	vtrunc.f32 v55;
	v32 =	vor.u32 v9, v25;
	[tilespmem:$0x1750] =	vst v31  }
0x72: {  	v2 =	vcvt.f32.s32 v2;
	v33 =	vor.u32 v10, v25;
	[tilespmem:$0x1850] =	vst v32  }
0x73: {  	v34 =	vor.u32 v11, v25;
	[tilespmem:$0x1950] =	vst v33  }
0x74: {  	v63 =	vand.u32 $0x3FFF, v2;
	v35 =	vor.u32 v12, v25;
	[tilespmem:$0x1A50] =	vst v34  }
0x75: {  	v14 =	vor.u32 v4, v63;
	[tilespmem:$0x1B50] =	vst v35  }
0x76: {  	v15 =	vor.u32 v5, v63;
	[tilespmem:$0x1340] =	vst v14  }
0x77: {  	v16 =	vor.u32 v6, v63;
	[tilespmem:$0x1440] =	vst v15  }
0x78: {  	v18 =	vor.u32 v7, v63;
	[tilespmem:$0x1540] =	vst v16  }
0x79: {  	v19 =	vor.u32 v8, v63;
	[tilespmem:$0x1640] =	vst v18  }
0x7a: {  	v20 =	vor.u32 v9, v63;
	[tilespmem:$0x1740] =	vst v19  }
0x7b: {  	v29 =	vld [tilespmem:$0x60];
	v21 =	vor.u32 v10, v63;
	[tilespmem:$0x1840] =	vst v20  }
0x7c: {  	v22 =	vor.u32 v11, v63;
	[tilespmem:$0x1940] =	vst v21  }
0x7d: {  	v3 =	vshrl.u32 v3, $0xE;
	v23 =	vor.u32 v12, v63;
	[tilespmem:$0x1A40] =	vst v22  }
0x7e: {  	v36 =	vcvt.s32.f32 v3;
	v0 =	vor.u32 v13, v63;
	[tilespmem:$0x1B40] =	vst v23  }
0x7f: {  	v2 =	vshrl.u32 v2, $0xE;
	[tilespmem:$0x1C40] =	vst v0  }
0x80: {  	v24 =	vcvt.s32.f32 v2;
	v2 =	vtrunc.f32 v29;
	[tilespmem:$0x1F6A0] =	vst v36  }
0x81: {  	v2 =	vcvt.f32.s32 v2;
	[tilespmem:$0xD80] =	vst v36  }
0x82: {  	[tilespmem:$0x1F690] =	vst v24  }
0x83: {  	v0 =	vor.u32 v13, v25;
	[tilespmem:$0xD00] =	vst v24;
	v37 =	vand.u32 $0x3FFF, v2  }
0x84: {  	[tilespmem:$0x1C50] =	vst v0;
	v38 =	vor.u32 v4, v37  }
0x85: {  	v39 =	vor.u32 v5, v37;
	[tilespmem:$0x1360] =	vst v38  }
0x86: {  	v40 =	vor.u32 v6, v37;
	[tilespmem:$0x1460] =	vst v39  }
0x87: {  	v52 =	vld [tilespmem:$0x80];
	v41 =	vor.u32 v7, v37;
	[tilespmem:$0x1560] =	vst v40  }
0x88: {  	v42 =	vor.u32 v8, v37;
	[tilespmem:$0x1660] =	vst v41  }
0x89: {  	v43 =	vor.u32 v9, v37;
	[tilespmem:$0x1760] =	vst v42  }
0x8a: {  	v45 =	vor.u32 v10, v37;
	[tilespmem:$0x1860] =	vst v43  }
0x8b: {  	v46 =	vor.u32 v11, v37;
	[tilespmem:$0x1960] =	vst v45  }
0x8c: {  	v3 =	vtrunc.f32 v52;
	v2 =	vshrl.u32 v2, $0xE;
	v47 =	vor.u32 v12, v37;
	[tilespmem:$0x1A60] =	vst v46  }
0x8d: {  	v3 =	vcvt.f32.s32 v3;
	v0 =	vor.u32 v13, v37;
	v2 =	vcvt.s32.f32 v2;
	[tilespmem:$0x1B60] =	vst v47  }
0x8e: {  	[tilespmem:$0x1C60] =	vst v0  }
0x8f: {  	v59 =	vand.u32 $0x3FFF, v3;
	[tilespmem:$0x1F6B0] =	vst v2  }
0x90: {  	v44 =	vld [tilespmem:$0x70];
	v60 =	vor.u32 v4, v59;
	[tilespmem:$0xE00] =	vst v2  }
0x91: {  	v61 =	vor.u32 v5, v59;
	[tilespmem:$0x1380] =	vst v60  }
0x92: {  	v62 =	vor.u32 v6, v59;
	[tilespmem:$0x1480] =	vst v61  }
0x93: {  	v14 =	vor.u32 v7, v59;
	[tilespmem:$0x1580] =	vst v62  }
0x94: {  	v15 =	vor.u32 v8, v59;
	[tilespmem:$0x1680] =	vst v14  }
0x95: {  	v1 =	vtrunc.f32 v44;
	v16 =	vor.u32 v9, v59;
	[tilespmem:$0x1780] =	vst v15  }
0x96: {  	v1 =	vcvt.f32.s32 v1;
	v17 =	vor.u32 v10, v59;
	[tilespmem:$0x1880] =	vst v16  }
0x97: {  	v18 =	vor.u32 v11, v59;
	[tilespmem:$0x1980] =	vst v17  }
0x98: {  	v48 =	vand.u32 $0x3FFF, v1;
	v19 =	vor.u32 v12, v59;
	[tilespmem:$0x1A80] =	vst v18  }
0x99: {  	v49 =	vor.u32 v4, v48;
	[tilespmem:$0x1B80] =	vst v19  }
0x9a: {  	v50 =	vor.u32 v5, v48;
	[tilespmem:$0x1370] =	vst v49  }
0x9b: {  	v51 =	vor.u32 v6, v48;
	[tilespmem:$0x1470] =	vst v50  }
0x9c: {  	v53 =	vor.u32 v7, v48;
	[tilespmem:$0x1570] =	vst v51  }
0x9d: {  	v54 =	vor.u32 v8, v48;
	[tilespmem:$0x1670] =	vst v53  }
0x9e: {  	v55 =	vor.u32 v9, v48;
	[tilespmem:$0x1770] =	vst v54  }
0x9f: {  	v63 =	vld [tilespmem:$0x90];
	v56 =	vor.u32 v10, v48;
	[tilespmem:$0x1870] =	vst v55  }
0xa0: {  	v57 =	vor.u32 v11, v48;
	[tilespmem:$0x1970] =	vst v56  }
0xa1: {  	v3 =	vshrl.u32 v3, $0xE;
	v58 =	vor.u32 v12, v48;
	[tilespmem:$0x1A70] =	vst v57  }
0xa2: {  	v20 =	vcvt.s32.f32 v3;
	v0 =	vor.u32 v13, v48;
	[tilespmem:$0x1B70] =	vst v58  }
0xa3: {  	v1 =	vshrl.u32 v1, $0xE;
	[tilespmem:$0x1C70] =	vst v0  }
0xa4: {  	v1 =	vcvt.s32.f32 v1;
	v2 =	vtrunc.f32 v63;
	[tilespmem:$0x1F6D0] =	vst v20  }
0xa5: {  	v2 =	vcvt.f32.s32 v2;
	[tilespmem:$0xF00] =	vst v20  }
0xa6: {  	[tilespmem:$0x1F6C0] =	vst v1  }
0xa7: {  	v0 =	vor.u32 v13, v59;
	[tilespmem:$0xE80] =	vst v1;
	v21 =	vand.u32 $0x3FFF, v2  }
0xa8: {  	[tilespmem:$0x1C80] =	vst v0;
	v22 =	vor.u32 v4, v21  }
0xa9: {  	v25 =	vld [tilespmem:$0xA0];
	v23 =	vor.u32 v5, v21;
	[tilespmem:$0x1390] =	vst v22  }
0xaa: {  	v24 =	vor.u32 v6, v21;
	[tilespmem:$0x1490] =	vst v23  }
0xab: {  	v26 =	vor.u32 v7, v21;
	[tilespmem:$0x1590] =	vst v24  }
0xac: {  	v27 =	vor.u32 v8, v21;
	[tilespmem:$0x1690] =	vst v26  }
0xad: {  	v28 =	vor.u32 v9, v21;
	[tilespmem:$0x1790] =	vst v27  }
0xae: {  	v3 =	vtrunc.f32 v25;
	v29 =	vor.u32 v10, v21;
	[tilespmem:$0x1890] =	vst v28  }
0xaf: {  	v3 =	vcvt.f32.s32 v3;
	v30 =	vor.u32 v11, v21;
	[tilespmem:$0x1990] =	vst v29  }
0xb0: {  	v31 =	vor.u32 v12, v21;
	[tilespmem:$0x1A90] =	vst v30  }
0xb1: {  	v33 =	vand.u32 $0x3FFF, v3;
	v0 =	vor.u32 v13, v21;
	[tilespmem:$0x1B90] =	vst v31  }
0xb2: {  	v34 =	vor.u32 v4, v33;
	[tilespmem:$0x1C90] =	vst v0  }
0xb3: {  	v35 =	vor.u32 v5, v33;
	[tilespmem:$0x13A0] =	vst v34  }
0xb4: {  	v36 =	vor.u32 v6, v33;
	[tilespmem:$0x14A0] =	vst v35  }
0xb5: {  	v38 =	vor.u32 v7, v33;
	[tilespmem:$0x15A0] =	vst v36  }
0xb6: {  	v39 =	vor.u32 v8, v33;
	[tilespmem:$0x16A0] =	vst v38  }
0xb7: {  	v37 =	vld [tilespmem:$0xB0];
	v40 =	vor.u32 v9, v33;
	[tilespmem:$0x17A0] =	vst v39  }
0xb8: {  	v41 =	vor.u32 v10, v33;
	[tilespmem:$0x18A0] =	vst v40  }
0xb9: {  	v2 =	vshrl.u32 v2, $0xE;
	v42 =	vor.u32 v11, v33;
	[tilespmem:$0x19A0] =	vst v41  }
0xba: {  	v32 =	vcvt.s32.f32 v2;
	v43 =	vor.u32 v12, v33;
	[tilespmem:$0x1AA0] =	vst v42  }
0xbb: {  	v3 =	vshrl.u32 v3, $0xE;
	[tilespmem:$0x1BA0] =	vst v43  }
0xbc: {  	v2 =	vtrunc.f32 v37;
	v44 =	vcvt.s32.f32 v3;
	[tilespmem:$0x1F6E0] =	vst v32  }
0xbd: {  	v2 =	vcvt.f32.s32 v2;
	[tilespmem:$0xF80] =	vst v32  }
0xbe: {  	v0 =	vor.u32 v13, v33;
	[tilespmem:$0x1F6F0] =	vst v44  }
0xbf: {  	[tilespmem:$0x1CA0] =	vst v0;
	v45 =	vand.u32 $0x3FFF, v2  }
0xc0: {  	[tilespmem:$0x1000] =	vst v44;
	v46 =	vor.u32 v4, v45  }
0xc1: {  	v47 =	vor.u32 v5, v45;
	[tilespmem:$0x13B0] =	vst v46  }
0xc2: {  	v49 =	vld [tilespmem:$0xC0];
	v48 =	vor.u32 v6, v45;
	[tilespmem:$0x14B0] =	vst v47  }
0xc3: {  	v50 =	vor.u32 v7, v45;
	[tilespmem:$0x15B0] =	vst v48  }
0xc4: {  	v51 =	vor.u32 v8, v45;
	[tilespmem:$0x16B0] =	vst v50  }
0xc5: {  	v52 =	vor.u32 v9, v45;
	[tilespmem:$0x17B0] =	vst v51  }
0xc6: {  	v53 =	vor.u32 v10, v45;
	[tilespmem:$0x18B0] =	vst v52  }
0xc7: {  	v3 =	vtrunc.f32 v49;
	v54 =	vor.u32 v11, v45;
	[tilespmem:$0x19B0] =	vst v53  }
0xc8: {  	v2 =	vshrl.u32 v2, $0xE;
	v3 =	vcvt.f32.s32 v3;
	v55 =	vor.u32 v12, v45;
	[tilespmem:$0x1AB0] =	vst v54  }
0xc9: {  	v0 =	vor.u32 v13, v45;
	v56 =	vcvt.s32.f32 v2;
	[tilespmem:$0x1BB0] =	vst v55  }
0xca: {  	[tilespmem:$0x1CB0] =	vst v0;
	v57 =	vand.u32 $0x3FFF, v3  }
0xcb: {  	[tilespmem:$0x1080] =	vst v56;
	v58 =	vor.u32 v4, v57  }
0xcc: {  	v59 =	vor.u32 v5, v57;
	[tilespmem:$0x13C0] =	vst v58  }
0xcd: {  	v61 =	vld [tilespmem:$0xD0];
	v60 =	vor.u32 v6, v57;
	[tilespmem:$0x14C0] =	vst v59  }
0xce: {  	v62 =	vor.u32 v7, v57;
	[tilespmem:$0x15C0] =	vst v60  }
0xcf: {  	v63 =	vor.u32 v8, v57;
	[tilespmem:$0x16C0] =	vst v62  }
0xd0: {  	v14 =	vor.u32 v9, v57;
	[tilespmem:$0x17C0] =	vst v63  }
0xd1: {  	v15 =	vor.u32 v10, v57;
	[tilespmem:$0x18C0] =	vst v14  }
0xd2: {  	v2 =	vtrunc.f32 v61;
	v16 =	vor.u32 v11, v57;
	[tilespmem:$0x19C0] =	vst v15  }
0xd3: {  	v3 =	vshrl.u32 v3, $0xE;
	v2 =	vcvt.f32.s32 v2;
	v17 =	vor.u32 v12, v57;
	[tilespmem:$0x1AC0] =	vst v16  }
0xd4: {  	v0 =	vor.u32 v13, v57;
	v18 =	vcvt.s32.f32 v3;
	[tilespmem:$0x1BC0] =	vst v17  }
0xd5: {  	[tilespmem:$0x1CC0] =	vst v0;
	v19 =	vand.u32 $0x3FFF, v2  }
0xd6: {  	[tilespmem:$0x1100] =	vst v18;
	v20 =	vor.u32 v4, v19  }
0xd7: {  	v21 =	vor.u32 v5, v19;
	[tilespmem:$0x13D0] =	vst v20  }
0xd8: {  	v23 =	vld [tilespmem:$0xE0];
	v22 =	vor.u32 v6, v19;
	[tilespmem:$0x14D0] =	vst v21  }
0xd9: {  	v24 =	vor.u32 v7, v19;
	[tilespmem:$0x15D0] =	vst v22  }
0xda: {  	v25 =	vor.u32 v8, v19;
	[tilespmem:$0x16D0] =	vst v24  }
0xdb: {  	v26 =	vor.u32 v9, v19;
	[tilespmem:$0x17D0] =	vst v25  }
0xdc: {  	v27 =	vor.u32 v10, v19;
	[tilespmem:$0x18D0] =	vst v26  }
0xdd: {  	v3 =	vtrunc.f32 v23;
	v28 =	vor.u32 v11, v19;
	[tilespmem:$0x19D0] =	vst v27  }
0xde: {  	v2 =	vshrl.u32 v2, $0xE;
	v3 =	vcvt.f32.s32 v3;
	v29 =	vor.u32 v12, v19;
	[tilespmem:$0x1AD0] =	vst v28  }
0xdf: {  	v0 =	vor.u32 v13, v19;
	v61 =	vcvt.s32.f32 v2;
	[tilespmem:$0x1BD0] =	vst v29  }
0xe0: {  	[tilespmem:$0x1CD0] =	vst v0;
	v30 =	vand.u32 $0x3FFF, v3  }
0xe1: {  	[tilespmem:$0x1180] =	vst v61;
	v31 =	vor.u32 v4, v30  }
0xe2: {  	v32 =	vor.u32 v5, v30;
	[tilespmem:$0x13E0] =	vst v31  }
0xe3: {  	v34 =	vld [tilespmem:$0xF0];
	v33 =	vor.u32 v6, v30;
	[tilespmem:$0x14E0] =	vst v32  }
0xe4: {  	v35 =	vor.u32 v7, v30;
	[tilespmem:$0x15E0] =	vst v33  }
0xe5: {  	v36 =	vor.u32 v8, v30;
	[tilespmem:$0x16E0] =	vst v35  }
0xe6: {  	v37 =	vor.u32 v9, v30;
	[tilespmem:$0x17E0] =	vst v36  }
0xe7: {  	v38 =	vor.u32 v10, v30;
	[tilespmem:$0x18E0] =	vst v37  }
0xe8: {  	v2 =	vtrunc.f32 v34;
	v39 =	vor.u32 v11, v30;
	[tilespmem:$0x19E0] =	vst v38  }
0xe9: {  	v3 =	vshrl.u32 v3, $0xE;
	v2 =	vcvt.f32.s32 v2;
	v40 =	vor.u32 v12, v30;
	[tilespmem:$0x1AE0] =	vst v39  }
0xea: {  	v0 =	vor.u32 v13, v30;
	v41 =	vcvt.s32.f32 v3;
	[tilespmem:$0x1BE0] =	vst v40  }
0xeb: {  	[tilespmem:$0x1CE0] =	vst v0;
	v42 =	vand.u32 $0x3FFF, v2  }
0xec: {  	[tilespmem:$0x1200] =	vst v41;
	v43 =	vor.u32 v4, v42  }
0xed: {  	v44 =	vor.u32 v5, v42;
	[tilespmem:$0x13F0] =	vst v43  }
0xee: {  	v45 =	vor.u32 v6, v42;
	[tilespmem:$0x14F0] =	vst v44  }
0xef: {  	v46 =	vor.u32 v7, v42;
	[tilespmem:$0x15F0] =	vst v45  }
0xf0: {  	v47 =	vor.u32 v8, v42;
	[tilespmem:$0x16F0] =	vst v46  }
0xf1: {  	v48 =	vor.u32 v9, v42;
	[tilespmem:$0x17F0] =	vst v47  }
0xf2: {  	v49 =	vor.u32 v10, v42;
	[tilespmem:$0x18F0] =	vst v48  }
0xf3: {  	v50 =	vor.u32 v11, v42;
	[tilespmem:$0x19F0] =	vst v49  }
0xf4: {  	v2 =	vshrl.u32 v2, $0xE;
	v51 =	vor.u32 v12, v42;
	[tilespmem:$0x1AF0] =	vst v50  }
0xf5: {  	v0 =	vor.u32 v13, v42;
	v52 =	vcvt.s32.f32 v2;
	[tilespmem:$0x1BF0] =	vst v51  }
0xf6: {  	[tilespmem:$0x1CF0] =	vst v0  }
0xf7: {  	[tilespmem:$0x1280] =	vst v52  }
0xf8: {  	[tilespmem:s21], [sflag:$0x1] =	stream.indirect.gather [hbm4b:s1+s11], $0x1, s20, s11, $0xb8;
	[tilespmem:$0x2F00] =	vst v63  }
0xf9: {  	[tilespmem:$0x1F700] =	vst v56  }
0xfa: {  	[tilespmem:s23], [sflag:$0x1] =	stream.indirect.gather [hbm4b:s1+s11], $0x1, s22, s11, $0xb8;
	[tilespmem:$0x2F00] =	vst v63  }
0xfb: {  	[tilespmem:$0x1F710] =	vst v18  }
0xfc: {  	[tilespmem:s25], [sflag:$0x1] =	stream.indirect.gather [hbm4b:s1+s11], $0x1, s24, s11, $0xb8;
	[tilespmem:$0x2F00] =	vst v63  }
0xfd: {  	[tilespmem:$0x1FF30] =	vst v41  }
0xfe: {  	[tilespmem:s28], [sflag:$0x1] =	stream.indirect.gather [hbm4b:s1+s11], $0x1, s26, s11, $0xb8;
	[tilespmem:$0x2F00] =	vst v63  }
0xff: {  	[tilespmem:$0x1FF50] =	vst v52  }
0x100: {  	[tilespmem:s30], [sflag:$0x1] =	stream.indirect.gather [hbm4b:s1+s11], $0x1, s29, s11, $0xb8;
	[tilespmem:$0x2F00] =	vst v63  }
0x101: {  	_ =	swait.ge [sflag:s31], $0x100  }
0x102: {  	[sflag:s31] =	ssyncset.done $0x0  }
0x103: {  	[sflag:s31] =	ssyncadd.s32 $0xFFFFFF00  }
0x104: {  	_ =	swait.ge [sflag:s31], $0x100  }
0x105: {  	[sflag:s31] =	ssyncset.done $0x0  }
0x106: {  	[sflag:s31] =	ssyncadd.s32 $0xFFFFFF00  }
0x107: {  	_ =	swait.ge [sflag:s31], $0x100  }
0x108: {  	[sflag:s31] =	ssyncset.done $0x0  }
0x109: {  	[sflag:s31] =	ssyncadd.s32 $0xFFFFFF00  }
0x10a: {  	_ =	swait.ge [sflag:s31], $0x100  }
0x10b: {  	[sflag:s31] =	ssyncset.done $0x0  }
0x10c: {  	[sflag:s31] =	ssyncadd.s32 $0xFFFFFF00  }
0x10d: {  	_ =	swait.ge [sflag:s31], $0x100  }
0x10e: {  	[sflag:s31] =	ssyncset.done $0x0  }
0x10f: {  	[sflag:s31] =	ssyncadd.s32 $0xFFFFFF00  }
0x110: {  	_ =	swait.ge [sflag:s31], $0x100  }
0x111: {  	[sflag:s31] =	ssyncset.done $0x0  }
0x112: {  	[sflag:s31] =	ssyncadd.s32 $0xFFFFFF00  }
0x113: {  	_ =	swait.ge [sflag:s31], $0x100  }
0x114: {  	[sflag:s31] =	ssyncset.done $0x0  }
0x115: {  	[sflag:s31] =	ssyncadd.s32 $0xFFFFFF00  }
0x116: {  	_ =	swait.ge [sflag:s31], $0x100  }
0x117: {  	[sflag:s31] =	ssyncset.done $0x0  }
0x118: {  	[sflag:s31] =	ssyncadd.s32 $0xFFFFFF00  }
0x119: {  	_ =	swait.ge [sflag:s31], $0x100  }
0x11a: {  	[sflag:s31] =	ssyncset.done $0x0  }
0x11b: {  	[sflag:s31] =	ssyncadd.s32 $0xFFFFFF00  }
0x11c: {  	_ =	swait.ge [sflag:s31], $0x100  }
0x11d: {  	[sflag:s31] =	ssyncset.done $0x0  }
0x11e: {  	[sflag:s31] =	ssyncadd.s32 $0xFFFFFF00  }
0x11f: {  	_ =	swait.ge [sflag:s4], $0x200  }
0x120: {  	[sflag:s4] =	ssyncset.done $0x0  }
0x121: {  	[sflag:s4] =	ssyncadd.s32 $0xFFFFFE00  }
0x122: {  	v57 =	vld [tilespmem:$0x1D00]  }
0x123: {  	v1 =	vld [tilespmem:$0x100]  }
0x124: {  	v28 =	vld [tilespmem:$0xB00]  }
0x125: {  	v12 =	vld [tilespmem:$0x1D10]  }
0x126: {  	v11 =	vld [tilespmem:$0x110]  }
0x127: {  	v27 =	vld [tilespmem:$0xB80]  }
0x128: {  	v45 =	vld [tilespmem:$0x1D20]  }
0x129: {  	v46 =	vld [tilespmem:$0x120]  }
0x12a: {  	v26 =	vld [tilespmem:$0xC00]  }
0x12b: {  	v43 =	vld [tilespmem:$0x1D30]  }
0x12c: {  	v44 =	vld [tilespmem:$0x130]  }
0x12d: {  	v25 =	vld [tilespmem:$0xC80]  }
0x12e: {  	v41 =	vld [tilespmem:$0x1D40]  }
0x12f: {  	v42 =	vld [tilespmem:$0x140]  }
0x130: {  	v24 =	vld [tilespmem:$0xD00]  }
0x131: {  	v62 =	vld [tilespmem:$0x1D50]  }
0x132: {  	v63 =	vld [tilespmem:$0x150]  }
0x133: {  	v23 =	vld [tilespmem:$0xD80]  }
0x134: {  	v48 =	vld [tilespmem:$0x1D60]  }
0x135: {  	v60 =	vld [tilespmem:$0x160]  }
0x136: {  	v22 =	vld [tilespmem:$0xE00]  }
0x137: {  	v49 =	vld [tilespmem:$0x1D70]  }
0x138: {  	v58 =	vld [tilespmem:$0x170]  }
0x139: {  	v21 =	vld [tilespmem:$0xE80]  }
0x13a: {  	v52 =	vld [tilespmem:$0x1D80]  }
0x13b: {  	v59 =	vld [tilespmem:$0x180]  }
0x13c: {  	v20 =	vld [tilespmem:$0xF00]  }
0x13d: {  	v56 =	vld [tilespmem:$0x1D90]  }
0x13e: {  	v54 =	vld [tilespmem:$0x190]  }
0x13f: {  	v19 =	vld [tilespmem:$0xF80]  }
0x140: {  	v10 =	vld [tilespmem:$0x1DA0]  }
0x141: {  	v0 =	vld [tilespmem:$0x1A0]  }
0x142: {  	v18 =	vld [tilespmem:$0x1000]  }
0x143: {  	v31 =	vld [tilespmem:$0x1DB0]  }
0x144: {  	v40 =	vld [tilespmem:$0x1B0]  }
0x145: {  	v17 =	vld [tilespmem:$0x1080]  }
0x146: {  	v47 =	vld [tilespmem:$0x1DC0]  }
0x147: {  	v36 =	vld [tilespmem:$0x1C0]  }
0x148: {  	v16 =	vld [tilespmem:$0x1100]  }
0x149: {  	v53 =	vld [tilespmem:$0x1DD0]  }
0x14a: {  	v55 =	vld [tilespmem:$0x1D0]  }
0x14b: {  	v15 =	vld [tilespmem:$0x1180]  }
0x14c: {  	v4 =	vld [tilespmem:$0x1DE0]  }
0x14d: {  	v5 =	vld [tilespmem:$0x1E0]  }
0x14e: {  	v14 =	vld [tilespmem:$0x1200]  }
0x14f: {  	v6 =	vld [tilespmem:$0x1DF0]  }
0x150: {  	v7 =	vld [tilespmem:$0x1F0]  }
0x151: {  	v13 =	vld [tilespmem:$0x1280]  }
0x152: {  	v50 =	vld [tilespmem:$0x1E00]  }
0x153: {  	v51 =	vld [tilespmem:$0x200]  }
0x154: {  	v29 =	vld [tilespmem:$0x1E20]  }
0x155: {  	v2 =	vld [tilespmem:$0x220]  }
0x156: {  	v8 =	vld [tilespmem:$0x1E70]  }
0x157: {  	v9 =	vld [tilespmem:$0x270]  }
0x158: {  	v30 =	vld [tilespmem:$0x1E30]  }
0x159: {  	[tilespmem:$0x1F7A0] =	vst v6;
	v6 =	vld [tilespmem:$0x1E80]  }
0x15a: {  	[tilespmem:$0x1F7B0] =	vst v7;
	v7 =	vld [tilespmem:$0x280]  }
0x15b: {  	[tilespmem:$0x1F760] =	vst v8;
	v8 =	vld [tilespmem:$0x1E90]  }
0x15c: {  	[tilespmem:$0x1F770] =	vst v9;
	v9 =	vld [tilespmem:$0x290]  }
0x15d: {  	v32 =	vld [tilespmem:$0x230];
	[tilespmem:$0x1F720] =	vst v53  }
0x15e: {  	[tilespmem:$0x1F780] =	vst v6;
	v6 =	vld [tilespmem:$0x1EA0]  }
0x15f: {  	[tilespmem:$0x1F790] =	vst v7;
	v7 =	vld [tilespmem:$0x2A0]  }
0x160: {  	[tilespmem:$0x1F7C0] =	vst v8;
	v8 =	vld [tilespmem:$0x1EB0]  }
0x161: {  	[tilespmem:$0x1F7D0] =	vst v9;
	v9 =	vld [tilespmem:$0x2B0]  }
0x162: {  	v34 =	vld [tilespmem:$0x1E40];
	[tilespmem:$0x1F730] =	vst v55  }
0x163: {  	[tilespmem:$0x1F800] =	vst v6;
	v6 =	vld [tilespmem:$0x1EC0]  }
0x164: {  	[tilespmem:$0x1F810] =	vst v7;
	v7 =	vld [tilespmem:$0x2C0]  }
0x165: {  	[tilespmem:$0x1F860] =	vst v8;
	v8 =	vld [tilespmem:$0x1ED0]  }
0x166: {  	[tilespmem:$0x1F870] =	vst v9;
	v9 =	vld [tilespmem:$0x2D0]  }
0x167: {  	v33 =	vld [tilespmem:$0x240];
	[tilespmem:$0x1F740] =	vst v4  }
0x168: {  	[tilespmem:$0x1F8C0] =	vst v6;
	v6 =	vld [tilespmem:$0x1EE0]  }
0x169: {  	[tilespmem:$0x1F8D0] =	vst v7;
	v7 =	vld [tilespmem:$0x2E0]  }
0x16a: {  	[tilespmem:$0x1F920] =	vst v8;
	v8 =	vld [tilespmem:$0x1EF0]  }
0x16b: {  	[tilespmem:$0x1F930] =	vst v9;
	v9 =	vld [tilespmem:$0x2F0]  }
0x16c: {  	v37 =	vld [tilespmem:$0x1E50];
	[tilespmem:$0x1F750] =	vst v5  }
0x16d: {  	v35 =	vld [tilespmem:$0x250];
	[tilespmem:$0x1F980] =	vst v6  }
0x16e: {  	v39 =	vld [tilespmem:$0x1E60];
	[tilespmem:$0x1F990] =	vst v7  }
0x16f: {  	v38 =	vld [tilespmem:$0x260];
	[tilespmem:$0x1F9C0] =	vst v8  }
0x170: {  	v55 =	vld [tilespmem:$0x1E10];
	[tilespmem:$0x1F9D0] =	vst v9  }
0x171: {  	v53 =	vld [tilespmem:$0x210];
	_ =	swait.ge [sflag:s4], $0x200  }
0x172: {  	[sflag:s4] =	ssyncset.done $0x0  }
0x173: {  	[sflag:s4] =	ssyncadd.s32 $0xFFFFFE00  }
0x174: {  	v6 =	vld [tilespmem:$0x1F00]  }
0x175: {  	v7 =	vld [tilespmem:$0x300];
	_ =	sdelay $0x1  }
0x176: {  	v8 =	vld [tilespmem:$0x1F10]  }
0x177: {  	v9 =	vld [tilespmem:$0x310]  }
0x178: {  	[tilespmem:$0x1F7E0] =	vst v6;
	v6 =	vld [tilespmem:$0x1F20]  }
0x179: {  	[tilespmem:$0x1F7F0] =	vst v7;
	v7 =	vld [tilespmem:$0x320];
	_ =	sdelay $0x1  }
0x17a: {  	[tilespmem:$0x1F820] =	vst v8;
	v8 =	vld [tilespmem:$0x1F30]  }
0x17b: {  	[tilespmem:$0x1F830] =	vst v9;
	v9 =	vld [tilespmem:$0x330]  }
0x17c: {  	[tilespmem:$0x1F840] =	vst v6;
	v6 =	vld [tilespmem:$0x1F40]  }
0x17d: {  	[tilespmem:$0x1F850] =	vst v7;
	v7 =	vld [tilespmem:$0x340];
	_ =	sdelay $0x1  }
0x17e: {  	[tilespmem:$0x1F880] =	vst v8;
	v8 =	vld [tilespmem:$0x1F50]  }
0x17f: {  	[tilespmem:$0x1F890] =	vst v9;
	v9 =	vld [tilespmem:$0x350]  }
0x180: {  	[tilespmem:$0x1F8A0] =	vst v6;
	v6 =	vld [tilespmem:$0x1F60]  }
0x181: {  	[tilespmem:$0x1F8B0] =	vst v7;
	v7 =	vld [tilespmem:$0x360];
	_ =	sdelay $0x1  }
0x182: {  	[tilespmem:$0x1F8E0] =	vst v8  }
0x183: {  	[tilespmem:$0x1F8F0] =	vst v9  }
0x184: {  	[tilespmem:$0x1F900] =	vst v6  }
0x185: {  	[tilespmem:$0x1F910] =	vst v7  }
0x186: {  	v3 =	vld [tilespmem:$0x1F70]  }
0x187: {  	v8 =	vld [tilespmem:$0x370]  }
0x188: {  	v9 =	vld [tilespmem:$0x1F80];
	_ =	sdelay $0x3  }
0x189: {  	[tilespmem:$0x1F950] =	vst v8;
	v8 =	vld [tilespmem:$0x390]  }
0x18a: {  	[tilespmem:$0x1F960] =	vst v9;
	v9 =	vld [tilespmem:$0x1FA0];
	_ =	sdelay $0x3  }
0x18b: {  	[tilespmem:$0x1F9B0] =	vst v8;
	v8 =	vld [tilespmem:$0x3B0]  }
0x18c: {  	[tilespmem:$0x1F9E0] =	vst v9;
	v9 =	vld [tilespmem:$0x1FC0];
	_ =	sdelay $0x3  }
0x18d: {  	[tilespmem:$0x1FA50] =	vst v8;
	v8 =	vld [tilespmem:$0x3D0]  }
0x18e: {  	[tilespmem:$0x1FAA0] =	vst v9;
	v9 =	vld [tilespmem:$0x1FE0];
	_ =	sdelay $0x1  }
0x18f: {  	v6 =	vld [tilespmem:$0x380]  }
0x190: {  	v7 =	vld [tilespmem:$0x1F90]  }
0x191: {  	[tilespmem:$0x1FB10] =	vst v8;
	v8 =	vld [tilespmem:$0x3F0]  }
0x192: {  	[tilespmem:$0x1FB60] =	vst v9;
	v9 =	vld [tilespmem:$0x2000];
	_ =	sdelay $0x1  }
0x193: {  	[tilespmem:$0x1F970] =	vst v6;
	v6 =	vld [tilespmem:$0x3A0]  }
0x194: {  	[tilespmem:$0x1F9A0] =	vst v7;
	v7 =	vld [tilespmem:$0x1FB0]  }
0x195: {  	[tilespmem:$0x1FBD0] =	vst v8;
	v8 =	vld [tilespmem:$0x410]  }
0x196: {  	[tilespmem:$0x1FA00] =	vst v9;
	v9 =	vld [tilespmem:$0x2020];
	_ =	sdelay $0x1  }
0x197: {  	[tilespmem:$0x1F9F0] =	vst v6;
	v6 =	vld [tilespmem:$0x3C0]  }
0x198: {  	[tilespmem:$0x1FA40] =	vst v7;
	v7 =	vld [tilespmem:$0x1FD0]  }
0x199: {  	[tilespmem:$0x1FA30] =	vst v8;
	v8 =	vld [tilespmem:$0x430]  }
0x19a: {  	[tilespmem:$0x1FA60] =	vst v9;
	v9 =	vld [tilespmem:$0x2040];
	_ =	sdelay $0x1  }
0x19b: {  	[tilespmem:$0x1FAB0] =	vst v6;
	v6 =	vld [tilespmem:$0x3E0]  }
0x19c: {  	[tilespmem:$0x1FB00] =	vst v7;
	v7 =	vld [tilespmem:$0x1FF0]  }
0x19d: {  	[tilespmem:$0x1FA90] =	vst v8;
	v8 =	vld [tilespmem:$0x450]  }
0x19e: {  	[tilespmem:$0x1FAC0] =	vst v9;
	v9 =	vld [tilespmem:$0x2060];
	_ =	sdelay $0x1  }
0x19f: {  	[tilespmem:$0x1FB70] =	vst v6;
	v6 =	vld [tilespmem:$0x400]  }
0x1a0: {  	[tilespmem:$0x1FBC0] =	vst v7;
	v7 =	vld [tilespmem:$0x2010]  }
0x1a1: {  	[tilespmem:$0x1FAF0] =	vst v8;
	v8 =	vld [tilespmem:$0x470]  }
0x1a2: {  	[tilespmem:$0x1FB20] =	vst v9;
	v9 =	vld [tilespmem:$0x2080]  }
0x1a3: {  	v1 =	vsub.f32 v57, v1;
	v57 =	vld [tilespmem:$0x490]  }
0x1a4: {  	[tilespmem:$0x1FA10] =	vst v6;
	v6 =	vld [tilespmem:$0x420]  }
0x1a5: {  	[tilespmem:$0x1FA20] =	vst v7;
	v7 =	vld [tilespmem:$0x2030]  }
0x1a6: {  	[tilespmem:$0x1FB50] =	vst v8;
	v8 =	vld [tilespmem:$0x1F650]  }
0x1a7: {  	[tilespmem:$0x1FB80] =	vst v9;
	v9 =	vld [tilespmem:$0x1F660]  }
0x1a8: {  	v12 =	vsub.f32 v12, v11;
	v11 =	vld [tilespmem:$0x4B0]  }
0x1a9: {  	[tilespmem:$0x1FA70] =	vst v6;
	v6 =	vld [tilespmem:$0x440]  }
0x1aa: {  	v4 =	vand.u32 $0x7FFFFFFF, v12;
	v12 =	vld [tilespmem:$0x1F690]  }
0x1ab: {  	[tilespmem:$0x1FA80] =	vst v7;
	v7 =	vld [tilespmem:$0x2050]  }
0x1ac: {  	[tilespmem:$0x1F940] =	vst v3;
	v3 =	vadd.f32 v8, v9;
	v8 =	vld [tilespmem:$0x20A0]  }
0x1ad: {  	v43 =	vsub.f32 v43, v44;
	v44 =	vld [tilespmem:$0x4D0]  }
0x1ae: {  	[tilespmem:$0x1FAD0] =	vst v6;
	v6 =	vld [tilespmem:$0x460]  }
0x1af: {  	v9 =	vld [tilespmem:$0x1F670]  }
0x1b0: {  	[tilespmem:$0x1FAE0] =	vst v7;
	v7 =	vld [tilespmem:$0x2070]  }
0x1b1: {  	[tilespmem:$0x1FBE0] =	vst v8;
	v8 =	vld [tilespmem:$0x1F680]  }
0x1b2: {  	[tilespmem:$0x1FBB0] =	vst v57;
	v57 =	vld [tilespmem:$0x4A0]  }
0x1b3: {  	v41 =	vsub.f32 v41, v42;
	v42 =	vld [tilespmem:$0x4E0]  }
0x1b4: {  	[tilespmem:$0x1FB30] =	vst v6;
	v6 =	vld [tilespmem:$0x480];
	v3 =	vadd.f32 v9, v3  }
0x1b5: {  	[tilespmem:$0x1FB40] =	vst v7;
	v7 =	vld [tilespmem:$0x2090]  }
0x1b6: {  	v1 =	vand.u32 $0x7FFFFFFF, v1;
	[tilespmem:$0x1FC10] =	vst v11;
	v11 =	vld [tilespmem:$0x20D0];
	v3 =	vadd.f32 v8, v3  }
0x1b7: {  	v1 =	vmul.f32 v1, v28;
	[tilespmem:$0x1FBF0] =	vst v57;
	v57 =	vld [tilespmem:$0x20B0]  }
0x1b8: {  	v9 =	vsub.f32 v45, v46;
	v3 =	vadd.f32 v12, v3;
	v12 =	vld [tilespmem:$0x1F6A0]  }
0x1b9: {  	v4 =	vmul.f32 v4, v27;
	v1 =	vadd.f32 $0.0e+00, v1;
	[tilespmem:$0x1FB90] =	vst v6;
	v6 =	vand.u32 $0x7FFFFFFF, v43;
	v43 =	vld [tilespmem:$0x1F6B0]  }
0x1ba: {  	[tilespmem:$0x1FBA0] =	vst v7;
	v7 =	vld [tilespmem:$0x20F0];
	v5 =	vand.u32 $0x7FFFFFFF, v9  }
0x1bb: {  	v1 =	vadd.f32 v4, v1;
	v45 =	vld [tilespmem:$0x20C0];
	v4 =	vmul.f32 v5, v26  }
0x1bc: {  	v46 =	vld [tilespmem:$0x4C0];
	v5 =	vand.u32 $0x7FFFFFFF, v41;
	v41 =	vsub.f32 v48, v60  }
0x1bd: {  	v9 =	vld [tilespmem:$0x20E0];
	v1 =	vadd.f32 v4, v1;
	v3 =	vadd.f32 v12, v3;
	v12 =	vmul.f32 v6, v25  }
0x1be: {  	v60 =	vsub.f32 v49, v58;
	v58 =	vsub.f32 v56, v54;
	v8 =	vld [tilespmem:$0x4F0]  }
0x1bf: {  	v62 =	vsub.f32 v62, v63;
	v1 =	vadd.f32 v12, v1;
	v12 =	vld [tilespmem:$0x1F6C0];
	_ =	swait.ge [sflag:s4], $0x200  }
0x1c0: {  	v0 =	vsub.f32 v10, v0;
	v63 =	vmul.f32 v5, v24;
	v10 =	vand.u32 $0x7FFFFFFF, v58;
	v48 =	vld [tilespmem:$0x1F6D0]  }
0x1c1: {  	v5 =	vand.u32 $0x7FFFFFFF, v41;
	v41 =	vmul.f32 v10, v19;
	v10 =	vsub.f32 v47, v36;
	v47 =	vld [tilespmem:$0x1F720]  }
0x1c2: {  	v54 =	vsub.f32 v50, v51;
	v50 =	vld [tilespmem:$0x1F730]  }
0x1c3: {  	v32 =	vsub.f32 v30, v32;
	[sflag:s4] =	ssyncset.done $0x0;
	v30 =	vld [tilespmem:$0x1F770]  }
0x1c4: {  	v1 =	vadd.f32 v63, v1;
	[sflag:s4] =	ssyncadd.s32 $0xFFFFFE00;
	v63 =	vld [tilespmem:$0x1F6E0]  }
0x1c5: {  	v6 =	vand.u32 $0x7FFFFFFF, v62;
	v49 =	vld [tilespmem:$0x500]  }
0x1c6: {  	v3 =	vadd.f32 v43, v3;
	v43 =	vmul.f32 v6, v23;
	v6 =	vand.u32 $0x7FFFFFFF, v60;
	v60 =	vld [tilespmem:$0x510]  }
0x1c7: {  	v58 =	vld [tilespmem:$0x530]  }
0x1c8: {  	v56 =	vsub.f32 v31, v40;
	v31 =	vld [tilespmem:$0x2140]  }
0x1c9: {  	v2 =	vsub.f32 v29, v2;
	v29 =	vld [tilespmem:$0x2150]  }
0x1ca: {  	v51 =	vld [tilespmem:$0x2160]  }
0x1cb: {  	v40 =	vld [tilespmem:$0x560]  }
0x1cc: {  	v36 =	vand.u32 $0x7FFFFFFF, v10;
	v10 =	vld [tilespmem:$0x590]  }
0x1cd: {  	v62 =	vmul.f32 v5, v22;
	v1 =	vadd.f32 v43, v1;
	v43 =	vld [tilespmem:$0x2100]  }
0x1ce: {  	v3 =	vadd.f32 v12, v3;
	v12 =	vsub.f32 v52, v59;
	v52 =	vld [tilespmem:$0x1F6F0]  }
0x1cf: {  	v1 =	vadd.f32 v62, v1;
	v62 =	vld [tilespmem:$0x1F700]  }
0x1d0: {  	v5 =	vand.u32 $0x7FFFFFFF, v12;
	v12 =	vld [tilespmem:$0x2120]  }
0x1d1: {  	v3 =	vadd.f32 v48, v3;
	v48 =	vmul.f32 v6, v21;
	v6 =	vsub.f32 v47, v50;
	v47 =	vld [tilespmem:$0x1F7D0]  }
0x1d2: {  	[tilespmem:$0x1FC00] =	vst v49;
	v49 =	vld [tilespmem:$0x520]  }
0x1d3: {  	[tilespmem:$0x1FC20] =	vst v60;
	v60 =	vand.u32 $0x7FFFFFFF, v56;
	v56 =	vld [tilespmem:$0x580]  }
0x1d4: {  	[tilespmem:$0x1FC50] =	vst v58;
	v58 =	vsub.f32 v39, v38;
	v38 =	vld [tilespmem:$0x1F7A0]  }
0x1d5: {  	v39 =	vld [tilespmem:$0x1F7B0]  }
0x1d6: {  	[tilespmem:$0x1FC80] =	vst v40;
	v40 =	vld [tilespmem:$0x5B0]  }
0x1d7: {  	[tilespmem:$0x1FCB0] =	vst v10;
	v10 =	vld [tilespmem:$0x1F810]  }
0x1d8: {  	v59 =	vmul.f32 v5, v20;
	v3 =	vadd.f32 v63, v3;
	v63 =	vld [tilespmem:$0x2110];
	v1 =	vadd.f32 v48, v1  }
0x1d9: {  	v48 =	vld [tilespmem:$0x2130]  }
0x1da: {  	v3 =	vadd.f32 v52, v3;
	v1 =	vadd.f32 v59, v1;
	v52 =	vld [tilespmem:$0x1F710]  }
0x1db: {  	v59 =	vsub.f32 v55, v53;
	v53 =	vsub.f32 v37, v35;
	v35 =	vld [tilespmem:$0x1F780]  }
0x1dc: {  	v37 =	vld [tilespmem:$0x21B0]  }
0x1dd: {  	[tilespmem:$0x1FC30] =	vst v12;
	v12 =	vld [tilespmem:$0x550]  }
0x1de: {  	v3 =	vadd.f32 v62, v3;
	v62 =	vld [tilespmem:$0x540]  }
0x1df: {  	[tilespmem:$0x1FC40] =	vst v49;
	v49 =	vld [tilespmem:$0x2170]  }
0x1e0: {  	v0 =	vand.u32 $0x7FFFFFFF, v0;
	v1 =	vadd.f32 v41, v1;
	v41 =	vsub.f32 v34, v33;
	v34 =	vld [tilespmem:$0x5A0]  }
0x1e1: {  	v0 =	vmul.f32 v0, v18;
	[tilespmem:$0x1FCA0] =	vst v56;
	v56 =	vld [tilespmem:$0x1F7E0]  }
0x1e2: {  	[tilespmem:$0x1FCE0] =	vst v40;
	v40 =	vld [tilespmem:$0x1F870]  }
0x1e3: {  	v0 =	vadd.f32 v0, v1;
	v1 =	vmul.f32 v60, v17;
	v60 =	vld [tilespmem:$0x2190]  }
0x1e4: {  	v5 =	vand.u32 $0x7FFFFFFF, v54;
	v54 =	vand.u32 $0x7FFFFFFF, v41;
	v41 =	vld [tilespmem:$0x1F7C0]  }
0x1e5: {  	v3 =	vadd.f32 v52, v3;
	v52 =	vld [tilespmem:$0x570]  }
0x1e6: {  	[tilespmem:$0x1FCD0] =	vst v37;
	v37 =	vld [tilespmem:$0x1F850]  }
0x1e7: {  	[tilespmem:$0x1FC70] =	vst v12;
	v0 =	vadd.f32 v1, v0;
	v12 =	vld [tilespmem:$0x1F760];
	v3 =	vadd.f32 v61, v3  }
0x1e8: {  	v1 =	vand.u32 $0x7FFFFFFF, v32;
	v32 =	vand.u32 $0x7FFFFFFF, v58;
	v58 =	vld [tilespmem:$0x1F7F0];
	v61 =	vmul.f32 v5, v28  }
0x1e9: {  	[tilespmem:$0x1FF40] =	vst v3;
	v3 =	vand.u32 $0x7FFFFFFF, v59;
	v59 =	vld [tilespmem:$0x1F740]  }
0x1ea: {  	v4 =	vadd.f32 $0.0e+00, v61;
	v61 =	vld [tilespmem:$0x1F750];
	v3 =	vmul.f32 v3, v27  }
0x1eb: {  	v2 =	vand.u32 $0x7FFFFFFF, v2;
	[tilespmem:$0x1FC60] =	vst v62;
	v62 =	vld [tilespmem:$0x2180]  }
0x1ec: {  	v2 =	vmul.f32 v2, v26;
	[tilespmem:$0x1FC90] =	vst v52;
	v52 =	vld [tilespmem:$0x21A0];
	v3 =	vadd.f32 v3, v4  }
0x1ed: {  	v4 =	vmul.f32 v36, v16;
	v36 =	vld [tilespmem:$0x1F790]  }
0x1ee: {  	v2 =	vadd.f32 v2, v3;
	v3 =	vand.u32 $0x7FFFFFFF, v53;
	v53 =	vld [tilespmem:$0x21C0]  }
0x1ef: {  	v55 =	vand.u32 $0x7FFFFFFF, v6;
	v1 =	vmul.f32 v1, v25;
	v6 =	vsub.f32 v59, v61;
	v59 =	vld [tilespmem:$0x21D0]  }
0x1f0: {  	v61 =	vld [tilespmem:$0x1F800]  }
0x1f1: {  	v1 =	vadd.f32 v1, v2;
	v2 =	vmul.f32 v55, v15;
	v55 =	vld [tilespmem:$0x5C0]  }
0x1f2: {  	v33 =	vand.u32 $0x7FFFFFFF, v6;
	v6 =	vsub.f32 v38, v39;
	v38 =	vld [tilespmem:$0x21F0]  }
0x1f3: {  	v39 =	vld [tilespmem:$0x1F860]  }
0x1f4: {  	v0 =	vadd.f32 v4, v0;
	v5 =	vsub.f32 v35, v36;
	v35 =	vld [tilespmem:$0x5E0]  }
0x1f5: {  	v36 =	vld [tilespmem:$0x1F840]  }
0x1f6: {  	v4 =	vmul.f32 v54, v24;
	v0 =	vadd.f32 v2, v0;
	v2 =	vsub.f32 v12, v30;
	v12 =	vld [tilespmem:$0x5D0]  }
0x1f7: {  	v30 =	vld [tilespmem:$0x1F820]  }
0x1f8: {  	v1 =	vadd.f32 v4, v1;
	v4 =	vmul.f32 v32, v22;
	v32 =	vld [tilespmem:$0x1F830]  }
0x1f9: {  	[tilespmem:$0x1FD50] =	vst v59;
	v59 =	vld [tilespmem:$0x2210]  }
0x1fa: {  	v3 =	vmul.f32 v3, v23;
	v50 =	vand.u32 $0x7FFFFFFF, v5;
	v5 =	vsub.f32 v56, v58;
	v56 =	vld [tilespmem:$0x1F8C0]  }
0x1fb: {  	v58 =	vld [tilespmem:$0x1F8D0]  }
0x1fc: {  	v1 =	vadd.f32 v3, v1;
	[tilespmem:$0x1FD20] =	vst v55;
	v55 =	vld [tilespmem:$0x1F8B0]  }
0x1fd: {  	v3 =	vmul.f32 v33, v14;
	v33 =	vand.u32 $0x7FFFFFFF, v5;
	v5 =	vsub.f32 v39, v40;
	v40 =	vld [tilespmem:$0x610]  }
0x1fe: {  	[tilespmem:$0x1FDC0] =	vst v38;
	v38 =	vld [tilespmem:$0x1F930]  }
0x1ff: {  	v39 =	vld [tilespmem:$0x1F940]  }
0x200: {  	v0 =	vadd.f32 v3, v0;
	v3 =	vsub.f32 v41, v47;
	v41 =	vld [tilespmem:$0x5F0]  }
0x201: {  	v47 =	vld [tilespmem:$0x1F880]  }
0x202: {  	v2 =	vand.u32 $0x7FFFFFFF, v2;
	v1 =	vadd.f32 v4, v1;
	v4 =	vmul.f32 v50, v20;
	v50 =	vld [tilespmem:$0x1F890]  }
0x203: {  	v2 =	vmul.f32 v2, v21;
	[tilespmem:$0x1FDA0] =	vst v35;
	v35 =	vld [tilespmem:$0x1F910]  }
0x204: {  	v54 =	vand.u32 $0x7FFFFFFF, v6;
	[tilespmem:$0x1FD60] =	vst v12;
	v12 =	vld [tilespmem:$0x1F8E0]  }
0x205: {  	v1 =	vadd.f32 v2, v1;
	v2 =	vmul.f32 v54, v13;
	v54 =	vld [tilespmem:$0x1F8A0]  }
0x206: {  	v6 =	vsub.f32 v56, v58;
	v58 =	vld [tilespmem:$0x620]  }
0x207: {  	v56 =	vld [tilespmem:$0x1F960];
	v1 =	vadd.f32 v4, v1  }
0x208: {  	v4 =	vsub.f32 v61, v10;
	v0 =	vadd.f32 v2, v0;
	v61 =	vld [tilespmem:$0x21E0]  }
0x209: {  	[tilespmem:$0x1FDD0] =	vst v41;
	v41 =	vld [tilespmem:$0x1F950]  }
0x20a: {  	[tilespmem:$0x1FEE0] =	vst v0;
	v0 =	vsub.f32 v30, v32;
	v32 =	vld [tilespmem:$0x600]  }
0x20b: {  	v3 =	vand.u32 $0x7FFFFFFF, v3;
	v30 =	vld [tilespmem:$0x1F8F0]  }
0x20c: {  	[tilespmem:$0x1FCC0] =	vst v34;
	v3 =	vmul.f32 v3, v19;
	v34 =	vand.u32 $0x7FFFFFFF, v4;
	v4 =	vsub.f32 v36, v37;
	v36 =	vld [tilespmem:$0x2230]  }
0x20d: {  	v37 =	vld [tilespmem:$0x1F920]  }
0x20e: {  	v1 =	vadd.f32 v3, v1;
	v3 =	vmul.f32 v34, v18;
	v34 =	vld [tilespmem:$0x1F900]  }
0x20f: {  	[tilespmem:$0x1FD10] =	vst v53;
	v53 =	vand.u32 $0x7FFFFFFF, v5;
	v5 =	vsub.f32 v54, v55;
	v54 =	vld [tilespmem:$0x2240]  }
0x210: {  	v1 =	vadd.f32 v3, v1;
	v3 =	vsub.f32 v47, v50;
	v50 =	vld [tilespmem:$0x2200]  }
0x211: {  	v2 =	vmul.f32 v33, v28;
	v47 =	vld [tilespmem:$0x630]  }
0x212: {  	v0 =	vand.u32 $0x7FFFFFFF, v0;
	v10 =	vsub.f32 v37, v38;
	v37 =	vld [tilespmem:$0x640]  }
0x213: {  	v2 =	vadd.f32 $0.0e+00, v2;
	v0 =	vmul.f32 v0, v27;
	[tilespmem:$0x1FCF0] =	vst v36;
	v36 =	vld [tilespmem:$0x1F9B0]  }
0x214: {  	v33 =	vand.u32 $0x7FFFFFFF, v6;
	v4 =	vand.u32 $0x7FFFFFFF, v4;
	v6 =	vsub.f32 v34, v35;
	v34 =	vld [tilespmem:$0x1F990]  }
0x215: {  	v4 =	vmul.f32 v4, v26;
	v0 =	vadd.f32 v0, v2;
	v35 =	vld [tilespmem:$0x1F9A0]  }
0x216: {  	v2 =	vmul.f32 v53, v17;
	v3 =	vand.u32 $0x7FFFFFFF, v3;
	[tilespmem:$0x1FD00] =	vst v54;
	v54 =	vld [tilespmem:$0x1F9D0]  }
0x217: {  	v3 =	vmul.f32 v3, v25;
	v4 =	vadd.f32 v4, v0;
	v0 =	vld [tilespmem:$0x2220]  }
0x218: {  	v1 =	vadd.f32 v2, v1;
	v2 =	vsub.f32 v12, v30;
	v12 =	vld [tilespmem:$0x1F970]  }
0x219: {  	v5 =	vand.u32 $0x7FFFFFFF, v5;
	v30 =	vld [tilespmem:$0x2250];
	v3 =	vadd.f32 v3, v4;
	v4 =	vmul.f32 v33, v16  }
0x21a: {  	v5 =	vmul.f32 v5, v24;
	v33 =	vld [tilespmem:$0x1F980]  }
0x21b: {  	v53 =	vand.u32 $0x7FFFFFFF, v6;
	v1 =	vadd.f32 v4, v1;
	v4 =	vsub.f32 v39, v41;
	v39 =	vld [tilespmem:$0x2260]  }
0x21c: {  	v3 =	vadd.f32 v5, v3;
	v5 =	vmul.f32 v53, v22;
	v53 =	vld [tilespmem:$0x1F9C0]  }
0x21d: {  	v2 =	vand.u32 $0x7FFFFFFF, v2;
	v6 =	vsub.f32 v56, v12;
	v56 =	vld [tilespmem:$0x650]  }
0x21e: {  	v2 =	vmul.f32 v2, v23;
	[tilespmem:$0x1FD30] =	vst v30;
	v30 =	vld [tilespmem:$0x660]  }
0x21f: {  	v55 =	vand.u32 $0x7FFFFFFF, v10;
	v12 =	vld [tilespmem:$0x1F9E0]  }
0x220: {  	v2 =	vadd.f32 v2, v3;
	v3 =	vmul.f32 v55, v15;
	v55 =	vld [tilespmem:$0x2270]  }
0x221: {  	v10 =	vsub.f32 v33, v34;
	v33 =	vld [tilespmem:$0x1F9F0]  }
0x222: {  	v34 =	vld [tilespmem:$0x670]  }
0x223: {  	v1 =	vadd.f32 v3, v1;
	v3 =	vsub.f32 v35, v36;
	v35 =	vld [tilespmem:$0x1FA00]  }
0x224: {  	v38 =	vand.u32 $0x7FFFFFFF, v6;
	v36 =	vld [tilespmem:$0x1FA10]  }
0x225: {  	v2 =	vadd.f32 v5, v2;
	v5 =	vmul.f32 v38, v20;
	v38 =	vld [tilespmem:$0x2280]  }
0x226: {  	v4 =	vand.u32 $0x7FFFFFFF, v4;
	v6 =	vsub.f32 v53, v54;
	v54 =	vld [tilespmem:$0x680]  }
0x227: {  	v4 =	vmul.f32 v4, v21;
	v53 =	vld [tilespmem:$0x1FA30]  }
0x228: {  	v41 =	vand.u32 $0x7FFFFFFF, v10;
	v10 =	vld [tilespmem:$0x1FA40]  }
0x229: {  	v2 =	vadd.f32 v4, v2;
	v4 =	vmul.f32 v41, v14;
	v41 =	vld [tilespmem:$0x1FA20]  }
0x22a: {  	[tilespmem:$0x1FD70] =	vst v55;
	v55 =	vld [tilespmem:$0x2290]  }
0x22b: {  	v2 =	vadd.f32 v5, v2;
	v5 =	vsub.f32 v12, v33;
	v12 =	vld [tilespmem:$0x1FA50]  }
0x22c: {  	v6 =	vand.u32 $0x7FFFFFFF, v6;
	[tilespmem:$0x1FD80] =	vst v34;
	v34 =	vld [tilespmem:$0x1FA60]  }
0x22d: {  	[tilespmem:$0x1FD40] =	vst v39;
	v1 =	vadd.f32 v4, v1;
	v39 =	vmul.f32 v6, v13;
	v4 =	vsub.f32 v35, v36;
	v35 =	vld [tilespmem:$0x1FA70]  }
0x22e: {  	[tilespmem:$0x1FD90] =	vst v38;
	v38 =	vld [tilespmem:$0x22A0]  }
0x22f: {  	v1 =	vadd.f32 v39, v1;
	v39 =	vld [tilespmem:$0x6A0]  }
0x230: {  	v6 =	vsub.f32 v41, v53;
	v41 =	vld [tilespmem:$0x1FA80]  }
0x231: {  	v3 =	vand.u32 $0x7FFFFFFF, v3;
	v4 =	vand.u32 $0x7FFFFFFF, v4;
	v53 =	vld [tilespmem:$0x1FA90]  }
0x232: {  	v3 =	vmul.f32 v3, v19;
	[tilespmem:$0x1FDB0] =	vst v55;
	v33 =	vmul.f32 v4, v28;
	v55 =	vld [tilespmem:$0x690]  }
0x233: {  	[tilespmem:$0x1FEF0] =	vst v1;
	v1 =	vsub.f32 v10, v12;
	v12 =	vld [tilespmem:$0x22B0]  }
0x234: {  	v2 =	vadd.f32 v3, v2;
	v5 =	vand.u32 $0x7FFFFFFF, v5;
	v3 =	vadd.f32 $0.0e+00, v33;
	v33 =	vld [tilespmem:$0x1FAA0]  }
0x235: {  	v5 =	vmul.f32 v5, v18;
	v4 =	vsub.f32 v34, v35;
	v34 =	vld [tilespmem:$0x1FAB0]  }
0x236: {  	v36 =	vand.u32 $0x7FFFFFFF, v6;
	v35 =	vld [tilespmem:$0x6B0]  }
0x237: {  	v2 =	vadd.f32 v5, v2;
	v5 =	vmul.f32 v36, v27;
	v36 =	vld [tilespmem:$0x1FAC0]  }
0x238: {  	[tilespmem:$0x1FDE0] =	vst v38;
	v38 =	vld [tilespmem:$0x1FAD0]  }
0x239: {  	v6 =	vsub.f32 v41, v53;
	v41 =	vld [tilespmem:$0x22C0]  }
0x23a: {  	[tilespmem:$0x1FE00] =	vst v12;
	v12 =	vld [tilespmem:$0x6C0]  }
0x23b: {  	v1 =	vand.u32 $0x7FFFFFFF, v1;
	v10 =	vsub.f32 v33, v34;
	v33 =	vld [tilespmem:$0x1FAE0]  }
0x23c: {  	v1 =	vmul.f32 v1, v17;
	v34 =	vld [tilespmem:$0x1FAF0]  }
0x23d: {  	[tilespmem:$0x1FE10] =	vst v35;
	v35 =	vld [tilespmem:$0x22D0]  }
0x23e: {  	v1 =	vadd.f32 v1, v2;
	v2 =	vsub.f32 v36, v38;
	v36 =	vld [tilespmem:$0x1FB00]  }
0x23f: {  	[tilespmem:$0x1FDF0] =	vst v39;
	v4 =	vand.u32 $0x7FFFFFFF, v4;
	v39 =	vand.u32 $0x7FFFFFFF, v6;
	v38 =	vld [tilespmem:$0x1FB10]  }
0x240: {  	v3 =	vadd.f32 v5, v3;
	v4 =	vmul.f32 v4, v26;
	v5 =	vmul.f32 v39, v25;
	v39 =	vld [tilespmem:$0x6D0]  }
0x241: {  	[tilespmem:$0x1FE20] =	vst v41;
	v53 =	vand.u32 $0x7FFFFFFF, v10;
	v41 =	vld [tilespmem:$0x1FB20]  }
0x242: {  	v3 =	vadd.f32 v4, v3;
	v4 =	vmul.f32 v53, v16;
	v53 =	vld [tilespmem:$0x1FB30]  }
0x243: {  	[tilespmem:$0x1FE30] =	vst v12;
	v6 =	vsub.f32 v33, v34;
	v33 =	vld [tilespmem:$0x22E0]  }
0x244: {  	[tilespmem:$0x1FE40] =	vst v35;
	v35 =	vld [tilespmem:$0x6E0]  }
0x245: {  	[tilespmem:$0x1FE50] =	vst v39;
	v39 =	vld [tilespmem:$0x22F0];
	v12 =	vand.u32 $0x7FFFFFFF, v6  }
0x246: {  	v3 =	vadd.f32 v5, v3;
	v5 =	vmul.f32 v12, v23;
	v12 =	vld [tilespmem:$0x6F0]  }
0x247: {  	v10 =	vsub.f32 v36, v38;
	v36 =	vld [tilespmem:$0x1FB40]  }
0x248: {  	v2 =	vand.u32 $0x7FFFFFFF, v2;
	v38 =	vld [tilespmem:$0x1FB50];
	[tilespmem:$0x1FE60] =	vst v33  }
0x249: {  	v2 =	vmul.f32 v2, v24;
	v1 =	vadd.f32 v4, v1;
	v4 =	vsub.f32 v41, v53;
	v41 =	vld [tilespmem:$0x1FB60];
	[tilespmem:$0x1FE70] =	vst v35  }
0x24a: {  	v34 =	vand.u32 $0x7FFFFFFF, v10;
	v53 =	vld [tilespmem:$0x1FB70];
	[tilespmem:$0x1FE80] =	vst v39  }
0x24b: {  	v2 =	vadd.f32 v2, v3;
	v3 =	vmul.f32 v34, v15;
	v34 =	vld [tilespmem:$0x1FB90];
	[tilespmem:$0x1FE90] =	vst v12  }
0x24c: {  	v33 =	vld [tilespmem:$0x1FB80];
	_ =	swait.ge [sflag:s4], $0x200  }
0x24d: {  	v6 =	vsub.f32 v36, v38;
	v38 =	vld [tilespmem:$0x1FBA0]  }
0x24e: {  	v39 =	vld [tilespmem:$0x1FBB0];
	_ =	sdelay $0x4  }
0x24f: {  	v35 =	vand.u32 $0x7FFFFFFF, v6;
	v6 =	vsub.f32 v38, v39;
	v39 =	vld [tilespmem:$0x1FC00]  }
0x250: {  	v4 =	vand.u32 $0x7FFFFFFF, v4  }
0x251: {  	v2 =	vadd.f32 v5, v2;
	v4 =	vmul.f32 v4, v22;
	v10 =	vsub.f32 v41, v53;
	v41 =	vld [tilespmem:$0x1FBC0]  }
0x252: {  	v1 =	vadd.f32 v3, v1;
	v3 =	vsub.f32 v33, v34;
	v53 =	vld [tilespmem:$0x1FBD0]  }
0x253: {  	v2 =	vadd.f32 v4, v2;
	v5 =	vmul.f32 v35, v21  }
0x254: {  	v3 =	vand.u32 $0x7FFFFFFF, v3;
	v34 =	vand.u32 $0x7FFFFFFF, v6;
	v6 =	vsub.f32 v43, v39;
	v43 =	vld [tilespmem:$0x1FC10]  }
0x255: {  	v2 =	vadd.f32 v5, v2;
	v12 =	vld [tilespmem:$0x1FBE0];
	v3 =	vmul.f32 v3, v20  }
0x256: {  	v36 =	vand.u32 $0x7FFFFFFF, v10;
	v33 =	vld [tilespmem:$0x1FBF0]  }
0x257: {  	v10 =	vsub.f32 v41, v53;
	v2 =	vadd.f32 v3, v2;
	v5 =	vmul.f32 v34, v19  }
0x258: {  	v4 =	vmul.f32 v36, v14  }
0x259: {  	[sflag:s4] =	ssyncset.done $0x0;
	v35 =	vand.u32 $0x7FFFFFFF, v10;
	v2 =	vadd.f32 v5, v2;
	v5 =	vsub.f32 v57, v43;
	v57 =	vld [tilespmem:$0x1FC20]  }
0x25a: {  	[sflag:s4] =	ssyncadd.s32 $0xFFFFFE00;
	v36 =	vld [tilespmem:$0x1FC30];
	v1 =	vadd.f32 v4, v1;
	v3 =	vmul.f32 v35, v13  }
0x25b: {  	v40 =	vsub.f32 v59, v40;
	v59 =	vld [tilespmem:$0x23D0];
	v4 =	vsub.f32 v12, v33  }
0x25c: {  	v41 =	vld [tilespmem:$0x2300];
	v1 =	vadd.f32 v3, v1  }
0x25d: {  	v4 =	vand.u32 $0x7FFFFFFF, v4;
	v34 =	vld [tilespmem:$0x1FC50]  }
0x25e: {  	v4 =	vmul.f32 v4, v18;
	[tilespmem:$0x1FF00] =	vst v1;
	v1 =	vsub.f32 v63, v57;
	v57 =	vld [tilespmem:$0x1FC40]  }
0x25f: {  	v0 =	vsub.f32 v0, v58;
	v53 =	vld [tilespmem:$0x700];
	v12 =	vand.u32 $0x7FFFFFFF, v6;
	v35 =	vand.u32 $0x7FFFFFFF, v5  }
0x260: {  	v58 =	vld [tilespmem:$0x7D0];
	v2 =	vadd.f32 v4, v2;
	v3 =	vmul.f32 v12, v28;
	v4 =	vmul.f32 v35, v17  }
0x261: {  	v63 =	vsub.f32 v45, v46;
	v46 =	vld [tilespmem:$0x1FC60]  }
0x262: {  	v38 =	vld [tilespmem:$0x2310];
	v3 =	vadd.f32 $0.0e+00, v3;
	v2 =	vadd.f32 v4, v2;
	v1 =	vand.u32 $0x7FFFFFFF, v1  }
0x263: {  	v4 =	vsub.f32 v48, v34;
	v48 =	vld [tilespmem:$0x1FC70];
	v1 =	vmul.f32 v1, v27;
	v5 =	vsub.f32 v36, v57  }
0x264: {  	v11 =	vsub.f32 v11, v44;
	v10 =	vld [tilespmem:$0x710];
	v41 =	vsub.f32 v41, v53;
	v35 =	vand.u32 $0x7FFFFFFF, v63  }
0x265: {  	v33 =	vld [tilespmem:$0x720];
	v1 =	vadd.f32 v1, v3;
	v3 =	vmul.f32 v35, v16;
	v5 =	vand.u32 $0x7FFFFFFF, v5  }
0x266: {  	v39 =	vld [tilespmem:$0x2330];
	v4 =	vand.u32 $0x7FFFFFFF, v4;
	v6 =	vsub.f32 v31, v46;
	v5 =	vmul.f32 v5, v26  }
0x267: {  	v31 =	vand.u32 $0x7FFFFFFF, v11;
	v11 =	vsub.f32 v9, v42;
	v9 =	vld [tilespmem:$0x1FC90];
	v2 =	vadd.f32 v3, v2  }
0x268: {  	v4 =	vmul.f32 v4, v25;
	v3 =	vsub.f32 v29, v48;
	v48 =	vld [tilespmem:$0x1FC80];
	v1 =	vadd.f32 v5, v1  }
0x269: {  	v53 =	vld [tilespmem:$0x2470];
	v10 =	vsub.f32 v38, v10  }
0x26a: {  	v38 =	vand.u32 $0x7FFFFFFF, v41;
	v41 =	vld [tilespmem:$0x1FE00];
	v1 =	vadd.f32 v4, v1;
	v4 =	vmul.f32 v31, v15  }
0x26b: {  	v12 =	vld [tilespmem:$0x730];
	v29 =	vand.u32 $0x7FFFFFFF, v6  }
0x26c: {  	v5 =	vmul.f32 v29, v24;
	v2 =	vadd.f32 v4, v2;
	v4 =	vsub.f32 v49, v9;
	v49 =	vld [tilespmem:$0x1FCA0]  }
0x26d: {  	v43 =	vld [tilespmem:$0x2320];
	v3 =	vand.u32 $0x7FFFFFFF, v3;
	v6 =	vsub.f32 v51, v48  }
0x26e: {  	v45 =	vld [tilespmem:$0x2340];
	v3 =	vmul.f32 v3, v23;
	v1 =	vadd.f32 v5, v1  }
0x26f: {  	v34 =	vld [tilespmem:$0x740];
	v29 =	vand.u32 $0x7FFFFFFF, v6  }
0x270: {  	v63 =	vld [tilespmem:$0x2360];
	v44 =	vand.u32 $0x7FFFFFFF, v11;
	v5 =	vmul.f32 v29, v22;
	v1 =	vadd.f32 v3, v1  }
0x271: {  	v36 =	vld [tilespmem:$0x2350];
	v4 =	vand.u32 $0x7FFFFFFF, v4;
	v6 =	vsub.f32 v62, v49;
	v62 =	vsub.f32 v7, v8  }
0x272: {  	v57 =	vld [tilespmem:$0x750];
	v3 =	vmul.f32 v44, v14;
	v4 =	vmul.f32 v4, v21;
	v1 =	vadd.f32 v5, v1  }
0x273: {  	v35 =	vld [tilespmem:$0x760];
	v9 =	vand.u32 $0x7FFFFFFF, v62  }
0x274: {  	v46 =	vld [tilespmem:$0x2370];
	v2 =	vadd.f32 v3, v2;
	v1 =	vadd.f32 v4, v1;
	v4 =	vmul.f32 v9, v13  }
0x275: {  	v7 =	vld [tilespmem:$0x1FCB0]  }
0x276: {  	v11 =	vsub.f32 v50, v32;
	v32 =	vld [tilespmem:$0x1FCC0];
	v2 =	vadd.f32 v4, v2  }
0x277: {  	v42 =	vld [tilespmem:$0x780]  }
0x278: {  	v8 =	vand.u32 $0x7FFFFFFF, v6;
	[tilespmem:$0x1FF10] =	vst v2;
	v2 =	vand.u32 $0x7FFFFFFF, v40;
	v40 =	vld [tilespmem:$0x23E0]  }
0x279: {  	v50 =	vld [tilespmem:$0x7B0];
	v5 =	vmul.f32 v8, v20  }
0x27a: {  	v8 =	vand.u32 $0x7FFFFFFF, v11;
	v11 =	vld [tilespmem:$0x1FCD0];
	v3 =	vsub.f32 v60, v7  }
0x27b: {  	v1 =	vadd.f32 v5, v1;
	v5 =	vsub.f32 v52, v32;
	v32 =	vld [tilespmem:$0x1FCE0]  }
0x27c: {  	v4 =	vmul.f32 v8, v28;
	v8 =	vld [tilespmem:$0x1FCF0];
	v3 =	vand.u32 $0x7FFFFFFF, v3  }
0x27d: {  	v3 =	vmul.f32 v3, v19;
	[tilespmem:$0x1FEA0] =	vst v40;
	v40 =	vld [tilespmem:$0x1FD00]  }
0x27e: {  	v31 =	vld [tilespmem:$0x770];
	v9 =	vand.u32 $0x7FFFFFFF, v5  }
0x27f: {  	v51 =	vld [tilespmem:$0x2380];
	v1 =	vadd.f32 v3, v1;
	v3 =	vmul.f32 v9, v18  }
0x280: {  	v4 =	vadd.f32 $0.0e+00, v4;
	v5 =	vsub.f32 v11, v32;
	v9 =	vld [tilespmem:$0x7E0]  }
0x281: {  	v1 =	vadd.f32 v3, v1;
	v3 =	vsub.f32 v8, v47;
	v47 =	vld [tilespmem:$0x7F0]  }
0x282: {  	v2 =	vmul.f32 v2, v27;
	v11 =	vand.u32 $0x7FFFFFFF, v5;
	v5 =	vsub.f32 v40, v37;
	v40 =	vld [tilespmem:$0x1FD30]  }
0x283: {  	v32 =	vld [tilespmem:$0x23F0]  }
0x284: {  	v2 =	vadd.f32 v2, v4;
	v4 =	vmul.f32 v11, v17;
	v11 =	vld [tilespmem:$0x1FD20]  }
0x285: {  	[tilespmem:$0x1FEB0] =	vst v9;
	v9 =	vld [tilespmem:$0x1FD10]  }
0x286: {  	v48 =	vld [tilespmem:$0x2390]  }
0x287: {  	v0 =	vand.u32 $0x7FFFFFFF, v0;
	[tilespmem:$0x1FED0] =	vst v47;
	v47 =	vsub.f32 v40, v56;
	v40 =	vld [tilespmem:$0x1FD40]  }
0x288: {  	v0 =	vmul.f32 v0, v26;
	v29 =	vld [tilespmem:$0x790]  }
0x289: {  	v44 =	vld [tilespmem:$0x7A0];
	v31 =	vsub.f32 v46, v31;
	v3 =	vand.u32 $0x7FFFFFFF, v3  }
0x28a: {  	v46 =	vld [tilespmem:$0x1FE60];
	v0 =	vadd.f32 v0, v2;
	[tilespmem:$0x1FEC0] =	vst v32;
	v32 =	vmul.f32 v3, v25;
	v6 =	vsub.f32 v9, v11  }
0x28b: {  	v1 =	vadd.f32 v4, v1;
	v4 =	vand.u32 $0x7FFFFFFF, v47;
	v47 =	vld [tilespmem:$0x1FD50]  }
0x28c: {  	v2 =	vadd.f32 v32, v0;
	v32 =	vand.u32 $0x7FFFFFFF, v6;
	v6 =	vsub.f32 v40, v30;
	v30 =	vld [tilespmem:$0x1FD60]  }
0x28d: {  	v49 =	vld [tilespmem:$0x23A0]  }
0x28e: {  	v62 =	vld [tilespmem:$0x23B0]  }
0x28f: {  	v52 =	vld [tilespmem:$0x23C0]  }
0x290: {  	v11 =	vmul.f32 v32, v16;
	v32 =	vld [tilespmem:$0x1FD70]  }
0x291: {  	v30 =	vsub.f32 v47, v30;
	v47 =	vld [tilespmem:$0x1FD80]  }
0x292: {  	v60 =	vld [tilespmem:$0x7C0];
	v5 =	vand.u32 $0x7FFFFFFF, v5  }
0x293: {  	v5 =	vmul.f32 v5, v24;
	v9 =	vld [tilespmem:$0x1FD90]  }
0x294: {  	v7 =	vld [tilespmem:$0x1FDC0]  }
0x295: {  	v3 =	vld [tilespmem:$0x800];
	v2 =	vadd.f32 v5, v2;
	v5 =	vmul.f32 v4, v23  }
0x296: {  	v37 =	vld [tilespmem:$0x2400];
	v1 =	vadd.f32 v11, v1;
	v6 =	vand.u32 $0x7FFFFFFF, v6;
	v11 =	vsub.f32 v32, v47  }
0x297: {  	v0 =	vld [tilespmem:$0x810];
	v5 =	vadd.f32 v5, v2;
	v6 =	vmul.f32 v6, v22  }
0x298: {  	v56 =	vld [tilespmem:$0x2410];
	v2 =	vand.u32 $0x7FFFFFFF, v30;
	v32 =	vsub.f32 v9, v54;
	v11 =	vand.u32 $0x7FFFFFFF, v11  }
0x299: {  	v6 =	vadd.f32 v6, v5;
	v30 =	vld [tilespmem:$0x1FDA0];
	v54 =	vmul.f32 v2, v15;
	v11 =	vmul.f32 v11, v21  }
0x29a: {  	v4 =	vld [tilespmem:$0x820];
	v32 =	vand.u32 $0x7FFFFFFF, v32  }
0x29b: {  	v1 =	vadd.f32 v54, v1;
	v54 =	vld [tilespmem:$0x1FDB0];
	v32 =	vmul.f32 v32, v20;
	v6 =	vadd.f32 v11, v6  }
0x29c: {  	v40 =	vld [tilespmem:$0x2420]  }
0x29d: {  	v8 =	vadd.f32 v32, v6;
	v6 =	vld [tilespmem:$0x1FDE0]  }
0x29e: {  	v61 =	vsub.f32 v61, v30;
	v32 =	vld [tilespmem:$0x1FDF0]  }
0x29f: {  	v5 =	vld [tilespmem:$0x840]  }
0x2a0: {  	v11 =	vand.u32 $0x7FFFFFFF, v61;
	v61 =	vld [tilespmem:$0x1FDD0];
	v54 =	vsub.f32 v54, v55  }
0x2a1: {  	v47 =	vld [tilespmem:$0x2430]  }
0x2a2: {  	v2 =	vld [tilespmem:$0x830];
	v54 =	vand.u32 $0x7FFFFFFF, v54  }
0x2a3: {  	v30 =	vld [tilespmem:$0x2440];
	v54 =	vmul.f32 v54, v19;
	v9 =	vsub.f32 v6, v32  }
0x2a4: {  	v11 =	vmul.f32 v11, v14;
	v55 =	vld [tilespmem:$0x2450]  }
0x2a5: {  	v7 =	vsub.f32 v7, v61;
	v8 =	vadd.f32 v54, v8;
	v54 =	vld [tilespmem:$0x1FE10];
	v9 =	vand.u32 $0x7FFFFFFF, v9  }
0x2a6: {  	v1 =	vadd.f32 v11, v1;
	v11 =	vld [tilespmem:$0x870];
	v9 =	vmul.f32 v9, v18  }
0x2a7: {  	v38 =	vmul.f32 v38, v28;
	v61 =	vld [tilespmem:$0x850];
	v7 =	vand.u32 $0x7FFFFFFF, v7  }
0x2a8: {  	v32 =	vld [tilespmem:$0x2460];
	v7 =	vmul.f32 v7, v13;
	v8 =	vadd.f32 v9, v8;
	v9 =	vsub.f32 v43, v33  }
0x2a9: {  	v33 =	vadd.f32 $0.0e+00, v38;
	v38 =	vsub.f32 v39, v12;
	v39 =	vld [tilespmem:$0x1FE20]  }
0x2aa: {  	v1 =	vadd.f32 v7, v1;
	v7 =	vsub.f32 v41, v54;
	v41 =	vld [tilespmem:$0x1FE30]  }
0x2ab: {  	v6 =	vld [tilespmem:$0x860]  }
0x2ac: {  	v54 =	vld [tilespmem:$0x2480]  }
0x2ad: {  	[tilespmem:$0x1FF20] =	vst v1;
	v1 =	vld [tilespmem:$0x880]  }
0x2ae: {  	v10 =	vand.u32 $0x7FFFFFFF, v10;
	v43 =	vld [tilespmem:$0x2490]  }
0x2af: {  	v39 =	vsub.f32 v39, v41;
	v41 =	vand.u32 $0x7FFFFFFF, v38;
	v38 =	vsub.f32 v36, v57;
	v36 =	vld [tilespmem:$0x1FE40]  }
0x2b0: {  	v10 =	vmul.f32 v10, v27;
	v7 =	vand.u32 $0x7FFFFFFF, v7;
	v57 =	vld [tilespmem:$0x1FE50]  }
0x2b1: {  	v12 =	vld [tilespmem:$0x890];
	v9 =	vand.u32 $0x7FFFFFFF, v9;
	v7 =	vmul.f32 v7, v17  }
0x2b2: {  	v33 =	vadd.f32 v10, v33;
	v10 =	vld [tilespmem:$0x24A0];
	v9 =	vmul.f32 v9, v26  }
0x2b3: {  	v7 =	vadd.f32 v7, v8;
	v8 =	vsub.f32 v45, v34;
	v45 =	vld [tilespmem:$0x8A0]  }
0x2b4: {  	v9 =	vadd.f32 v9, v33;
	v34 =	vmul.f32 v41, v25;
	v41 =	vld [tilespmem:$0x8B0];
	v33 =	vand.u32 $0x7FFFFFFF, v39  }
0x2b5: {  	v39 =	vld [tilespmem:$0x24B0];
	v8 =	vand.u32 $0x7FFFFFFF, v8;
	v33 =	vmul.f32 v33, v16;
	v57 =	vsub.f32 v36, v57  }
0x2b6: {  	v9 =	vadd.f32 v34, v9;
	v8 =	vmul.f32 v8, v24;
	v34 =	vand.u32 $0x7FFFFFFF, v38;
	v38 =	vld [tilespmem:$0x8C0]  }
0x2b7: {  	v36 =	vld [tilespmem:$0x24C0];
	v7 =	vadd.f32 v33, v7;
	v33 =	vsub.f32 v63, v35;
	v63 =	vand.u32 $0x7FFFFFFF, v57  }
0x2b8: {  	v8 =	vadd.f32 v8, v9;
	v9 =	vmul.f32 v63, v15;
	v63 =	vld [tilespmem:$0x1FE70]  }
0x2b9: {  	v35 =	vld [tilespmem:$0x8D0];
	v57 =	vmul.f32 v34, v23  }
0x2ba: {  	v34 =	vld [tilespmem:$0x24D0]  }
0x2bb: {  	v3 =	vsub.f32 v37, v3;
	v8 =	vadd.f32 v57, v8;
	v57 =	vld [tilespmem:$0x24E0]  }
0x2bc: {  	v33 =	vand.u32 $0x7FFFFFFF, v33;
	v7 =	vadd.f32 v9, v7;
	v9 =	vsub.f32 v51, v42;
	v42 =	vld [tilespmem:$0x8F0]  }
0x2bd: {  	v51 =	vld [tilespmem:$0x1FE80];
	v46 =	vsub.f32 v46, v63;
	v63 =	vmul.f32 v33, v22  }
0x2be: {  	v3 =	vand.u32 $0x7FFFFFFF, v3;
	v0 =	vsub.f32 v56, v0;
	v33 =	vld [tilespmem:$0x8E0]  }
0x2bf: {  	v3 =	vmul.f32 v3, v28;
	v8 =	vadd.f32 v63, v8;
	v63 =	vand.u32 $0x7FFFFFFF, v46;
	v46 =	vld [tilespmem:$0x24F0]  }
0x2c0: {  	v29 =	vsub.f32 v48, v29;
	v0 =	vand.u32 $0x7FFFFFFF, v0;
	v48 =	vmul.f32 v63, v14;
	v63 =	vld [tilespmem:$0x1FE90];
	_ =	swait.ge [sflag:s4], $0x200  }
0x2c1: {  	v3 =	vadd.f32 $0.0e+00, v3;
	v0 =	vmul.f32 v0, v27;
	[sflag:s4] =	ssyncset.done $0x0  }
0x2c2: {  	v31 =	vand.u32 $0x7FFFFFFF, v31;
	v4 =	vsub.f32 v40, v4;
	[sflag:s4] =	ssyncadd.s32 $0xFFFFFE00  }
0x2c3: {  	v31 =	vmul.f32 v31, v21;
	v49 =	vsub.f32 v49, v44;
	v0 =	vadd.f32 v0, v3;
	v44 =	vld [tilespmem:$0x2500]  }
0x2c4: {  	v4 =	vand.u32 $0x7FFFFFFF, v4;
	v2 =	vsub.f32 v47, v2;
	v7 =	vadd.f32 v48, v7;
	v48 =	vld [tilespmem:$0x900]  }
0x2c5: {  	v4 =	vmul.f32 v4, v26;
	v8 =	vadd.f32 v31, v8;
	v31 =	vand.u32 $0x7FFFFFFF, v49;
	v49 =	vld [tilespmem:$0x920]  }
0x2c6: {  	v2 =	vand.u32 $0x7FFFFFFF, v2;
	v40 =	vld [tilespmem:$0x930]  }
0x2c7: {  	v0 =	vadd.f32 v4, v0;
	v5 =	vsub.f32 v30, v5;
	v2 =	vmul.f32 v2, v25;
	v30 =	vld [tilespmem:$0x2540]  }
0x2c8: {  	v4 =	vld [tilespmem:$0x940]  }
0x2c9: {  	v60 =	vsub.f32 v52, v60;
	v5 =	vand.u32 $0x7FFFFFFF, v5;
	v0 =	vadd.f32 v2, v0;
	v47 =	vld [tilespmem:$0x950]  }
0x2ca: {  	v5 =	vmul.f32 v5, v24;
	v6 =	vsub.f32 v32, v6;
	v9 =	vand.u32 $0x7FFFFFFF, v9;
	v32 =	vld [tilespmem:$0x2560]  }
0x2cb: {  	v52 =	vsub.f32 v55, v61;
	v61 =	vsub.f32 v53, v11;
	v9 =	vmul.f32 v9, v20;
	v11 =	vld [tilespmem:$0x2570]  }
0x2cc: {  	v29 =	vand.u32 $0x7FFFFFFF, v29;
	v0 =	vadd.f32 v5, v0;
	v5 =	vld [tilespmem:$0x970]  }
0x2cd: {  	v29 =	vmul.f32 v29, v19;
	v12 =	vsub.f32 v43, v12;
	v8 =	vadd.f32 v9, v8;
	v43 =	vld [tilespmem:$0x2590]  }
0x2ce: {  	v34 =	vsub.f32 v34, v35;
	v35 =	vld [tilespmem:$0xA60]  }
0x2cf: {  	v31 =	vmul.f32 v31, v18;
	v8 =	vadd.f32 v29, v8;
	v29 =	vld [tilespmem:$0x910]  }
0x2d0: {  	v51 =	vsub.f32 v51, v63;
	v63 =	vsub.f32 v62, v50;
	v62 =	vand.u32 $0x7FFFFFFF, v60;
	v50 =	vld [tilespmem:$0x2550]  }
0x2d1: {  	v3 =	vmul.f32 v62, v16;
	v62 =	vld [tilespmem:$0x1FEC0]  }
0x2d2: {  	v8 =	vadd.f32 v31, v8;
	v31 =	vld [tilespmem:$0x2520]  }
0x2d3: {  	v56 =	vand.u32 $0x7FFFFFFF, v63;
	v63 =	vsub.f32 v59, v58;
	v58 =	vld [tilespmem:$0x1FEB0]  }
0x2d4: {  	v51 =	vand.u32 $0x7FFFFFFF, v51;
	v44 =	vsub.f32 v44, v48;
	v48 =	vld [tilespmem:$0x25A0]  }
0x2d5: {  	v34 =	vand.u32 $0x7FFFFFFF, v34;
	v9 =	vmul.f32 v51, v13;
	v4 =	vsub.f32 v30, v4;
	v30 =	vld [tilespmem:$0x25E0]  }
0x2d6: {  	v1 =	vsub.f32 v54, v1;
	v5 =	vsub.f32 v11, v5;
	v11 =	vmul.f32 v34, v15;
	v34 =	vld [tilespmem:$0x26E0]  }
0x2d7: {  	v55 =	vand.u32 $0x7FFFFFFF, v63;
	v63 =	vld [tilespmem:$0x1FED0];
	v37 =	vadd.f32 v9, v7;
	v9 =	vmul.f32 v56, v17  }
0x2d8: {  	v56 =	vld [tilespmem:$0x1FEA0]  }
0x2d9: {  	v1 =	vand.u32 $0x7FFFFFFF, v1;
	v12 =	vand.u32 $0x7FFFFFFF, v12;
	v7 =	vld [tilespmem:$0x2510];
	v8 =	vadd.f32 v9, v8  }
0x2da: {  	v60 =	vand.u32 $0x7FFFFFFF, v6;
	v6 =	vand.u32 $0x7FFFFFFF, v61;
	v61 =	vand.u32 $0x7FFFFFFF, v44;
	v44 =	vld [tilespmem:$0x25B0]  }
0x2db: {  	v33 =	vsub.f32 v57, v33;
	v9 =	vld [tilespmem:$0x2530];
	v3 =	vadd.f32 v3, v8;
	v8 =	vand.u32 $0x7FFFFFFF, v52  }
0x2dc: {  	v2 =	vmul.f32 v55, v15;
	v52 =	vld [tilespmem:$0x2580];
	v53 =	vsub.f32 v62, v63;
	v59 =	vmul.f32 v8, v23  }
0x2dd: {  	v1 =	vmul.f32 v1, v20;
	v63 =	vsub.f32 v31, v49;
	v49 =	vld [tilespmem:$0x25C0];
	v51 =	vsub.f32 v56, v58  }
0x2de: {  	v31 =	vld [tilespmem:$0x9F0];
	v2 =	vadd.f32 v2, v3;
	v3 =	vmul.f32 v60, v22;
	v0 =	vadd.f32 v59, v0  }
0x2df: {  	v4 =	vand.u32 $0x7FFFFFFF, v4;
	v8 =	vld [tilespmem:$0x960];
	v56 =	vmul.f32 v6, v21;
	v51 =	vand.u32 $0x7FFFFFFF, v51  }
0x2e0: {  	v6 =	vld [tilespmem:$0x980];
	v7 =	vsub.f32 v7, v29;
	v51 =	vmul.f32 v51, v14;
	v0 =	vadd.f32 v3, v0  }
0x2e1: {  	v58 =	vand.u32 $0x7FFFFFFF, v53;
	v60 =	vsub.f32 v10, v45;
	v45 =	vld [tilespmem:$0x9A0];
	v53 =	vsub.f32 v39, v41  }
0x2e2: {  	v39 =	vld [tilespmem:$0x9C0];
	v2 =	vadd.f32 v51, v2;
	v51 =	vmul.f32 v58, v13;
	v0 =	vadd.f32 v56, v0  }
0x2e3: {  	v54 =	vand.u32 $0x7FFFFFFF, v63;
	v63 =	vld [tilespmem:$0x2610];
	v59 =	vmul.f32 v12, v19;
	v7 =	vand.u32 $0x7FFFFFFF, v7  }
0x2e4: {  	v41 =	vld [tilespmem:$0x2620];
	v10 =	vadd.f32 v51, v2;
	v2 =	vmul.f32 v61, v28;
	v0 =	vadd.f32 v1, v0  }
0x2e5: {  	v12 =	vld [tilespmem:$0x9B0];
	v9 =	vsub.f32 v9, v40;
	v62 =	vand.u32 $0x7FFFFFFF, v60;
	v7 =	vmul.f32 v7, v27  }
0x2e6: {  	v40 =	vld [tilespmem:$0x25D0];
	v1 =	vmul.f32 v62, v18;
	v2 =	vadd.f32 $0.0e+00, v2;
	v0 =	vadd.f32 v59, v0  }
0x2e7: {  	v5 =	vand.u32 $0x7FFFFFFF, v5;
	v4 =	vmul.f32 v4, v24;
	v55 =	vand.u32 $0x7FFFFFFF, v53;
	v60 =	vld [tilespmem:$0x2600]  }
0x2e8: {  	v53 =	vld [tilespmem:$0x2630];
	v2 =	vadd.f32 v7, v2;
	v1 =	vadd.f32 v1, v0;
	v0 =	vmul.f32 v54, v26  }
0x2e9: {  	v3 =	vld [tilespmem:$0x990];
	v29 =	vmul.f32 v55, v17;
	v9 =	vand.u32 $0x7FFFFFFF, v9;
	v58 =	vsub.f32 v50, v47  }
0x2ea: {  	v55 =	vld [tilespmem:$0xA30];
	v9 =	vmul.f32 v9, v25;
	v8 =	vsub.f32 v32, v8;
	v2 =	vadd.f32 v0, v2  }
0x2eb: {  	v47 =	vmul.f32 v5, v21;
	v50 =	vsub.f32 v52, v6;
	v56 =	vsub.f32 v36, v38;
	v62 =	vld [tilespmem:$0xA00]  }
0x2ec: {  	v52 =	vand.u32 $0x7FFFFFFF, v33;
	v33 =	vld [tilespmem:$0xAD0];
	v36 =	vand.u32 $0x7FFFFFFF, v58;
	v2 =	vadd.f32 v9, v2  }
0x2ed: {  	v51 =	vld [tilespmem:$0xA20];
	v12 =	vsub.f32 v44, v12;
	v38 =	vand.u32 $0x7FFFFFFF, v56;
	v61 =	vmul.f32 v36, v23  }
0x2ee: {  	v3 =	vsub.f32 v43, v3;
	v59 =	vmul.f32 v38, v16;
	v38 =	vld [tilespmem:$0xA10];
	v2 =	vadd.f32 v4, v2  }
0x2ef: {  	v8 =	vand.u32 $0x7FFFFFFF, v8;
	v58 =	vld [tilespmem:$0xA40];
	v5 =	vsub.f32 v53, v55;
	v1 =	vadd.f32 v29, v1  }
0x2f0: {  	v36 =	vmul.f32 v8, v22;
	v56 =	vld [tilespmem:$0x2640];
	v32 =	vsub.f32 v60, v62;
	v2 =	vadd.f32 v61, v2  }
0x2f1: {  	v53 =	vld [tilespmem:$0x2690];
	v3 =	vand.u32 $0x7FFFFFFF, v3;
	v54 =	vand.u32 $0x7FFFFFFF, v50;
	v1 =	vadd.f32 v59, v1  }
0x2f2: {  	v55 =	vld [tilespmem:$0xA90];
	v6 =	vsub.f32 v41, v51;
	v32 =	vand.u32 $0x7FFFFFFF, v32;
	v2 =	vadd.f32 v36, v2  }
0x2f3: {  	v7 =	vld [tilespmem:$0x9D0];
	v8 =	vsub.f32 v63, v38;
	v1 =	vadd.f32 v11, v1;
	v11 =	vmul.f32 v52, v14  }
0x2f4: {  	v62 =	vld [tilespmem:$0x2660];
	v57 =	vmul.f32 v32, v28;
	v4 =	vmul.f32 v54, v20;
	v2 =	vadd.f32 v47, v2  }
0x2f5: {  	v3 =	vmul.f32 v3, v19;
	v60 =	vld [tilespmem:$0x2650];
	v59 =	vand.u32 $0x7FFFFFFF, v8;
	v1 =	vadd.f32 v11, v1  }
0x2f6: {  	v11 =	vadd.f32 $0.0e+00, v57;
	v61 =	vld [tilespmem:$0xA50];
	v2 =	vadd.f32 v4, v2;
	v4 =	vmul.f32 v59, v27  }
0x2f7: {  	v41 =	vld [tilespmem:$0x2670];
	v6 =	vand.u32 $0x7FFFFFFF, v6;
	v63 =	vsub.f32 v48, v45;
	v38 =	vsub.f32 v56, v58  }
0x2f8: {  	v50 =	vld [tilespmem:$0xA80];
	v6 =	vmul.f32 v6, v26;
	v7 =	vsub.f32 v40, v7;
	v4 =	vadd.f32 v4, v11  }
0x2f9: {  	v0 =	vld [tilespmem:$0x9E0];
	v43 =	vand.u32 $0x7FFFFFFF, v63;
	v52 =	vsub.f32 v62, v35;
	v36 =	vand.u32 $0x7FFFFFFF, v5  }
0x2fa: {  	v45 =	vld [tilespmem:$0xA70];
	v2 =	vadd.f32 v3, v2;
	v3 =	vmul.f32 v36, v25;
	v4 =	vadd.f32 v6, v4  }
0x2fb: {  	v29 =	vld [tilespmem:$0x25F0];
	v54 =	vand.u32 $0x7FFFFFFF, v12;
	v5 =	vand.u32 $0x7FFFFFFF, v38;
	v8 =	vsub.f32 v60, v61  }
0x2fc: {  	v48 =	vmul.f32 v5, v24;
	v47 =	vld [tilespmem:$0x2680];
	v6 =	vmul.f32 v43, v18;
	v3 =	vadd.f32 v3, v4  }
0x2fd: {  	v56 =	vld [tilespmem:$0x26A0];
	v32 =	vand.u32 $0x7FFFFFFF, v7;
	v35 =	vsub.f32 v46, v42;
	v51 =	vand.u32 $0x7FFFFFFF, v8  }
0x2fe: {  	v26 =	vld [tilespmem:$0xAC0];
	v2 =	vadd.f32 v6, v2;
	v6 =	vmul.f32 v51, v23;
	v3 =	vadd.f32 v48, v3  }
0x2ff: {  	v28 =	vld [tilespmem:$0x26D0];
	v0 =	vsub.f32 v30, v0;
	v9 =	vsub.f32 v41, v45;
	v8 =	vand.u32 $0x7FFFFFFF, v52  }
0x300: {  	v59 =	vld [tilespmem:$0xAA0];
	v58 =	vmul.f32 v8, v22;
	v4 =	vmul.f32 v54, v17;
	v3 =	vadd.f32 v6, v3  }
0x301: {  	v63 =	vld [tilespmem:$0xAB0];
	v57 =	vsub.f32 v49, v39;
	v60 =	vand.u32 $0x7FFFFFFF, v9;
	v5 =	vsub.f32 v47, v50  }
0x302: {  	v61 =	vld [tilespmem:$0x26B0];
	v2 =	vadd.f32 v4, v2;
	v4 =	vmul.f32 v60, v21;
	v3 =	vadd.f32 v58, v3  }
0x303: {  	v40 =	vld [tilespmem:$0x26F0];
	v62 =	vand.u32 $0x7FFFFFFF, v57;
	v11 =	vsub.f32 v53, v55;
	v5 =	vand.u32 $0x7FFFFFFF, v5  }
0x304: {  	v24 =	vld [tilespmem:$0x26C0];
	v25 =	vmul.f32 v5, v20;
	v6 =	vmul.f32 v62, v16;
	v3 =	vadd.f32 v4, v3  }
0x305: {  	v46 =	vld [tilespmem:$0x1FEE0];
	v42 =	vand.u32 $0x7FFFFFFF, v35;
	v27 =	vand.u32 $0x7FFFFFFF, v11;
	v8 =	vsub.f32 v56, v59  }
0x306: {  	v38 =	vld [tilespmem:$0xAE0];
	v2 =	vadd.f32 v6, v2;
	v6 =	vmul.f32 v27, v19;
	v3 =	vadd.f32 v25, v3  }
0x307: {  	v41 =	vld [tilespmem:$0xAF0];
	v7 =	vsub.f32 v28, v33;
	v9 =	vsub.f32 v61, v63;
	v8 =	vand.u32 $0x7FFFFFFF, v8  }
0x308: {  	v49 =	vld [tilespmem:$0x1FEF0];
	v36 =	vmul.f32 v8, v18;
	v4 =	vmul.f32 v32, v15;
	v3 =	vadd.f32 v6, v3  }
0x309: {  	v0 =	vand.u32 $0x7FFFFFFF, v0;
	v57 =	vld [tilespmem:$0x1FF20];
	v39 =	vand.u32 $0x7FFFFFFF, v9;
	v5 =	vsub.f32 v24, v26  }
0x30a: {  	v59 =	vld [tilespmem:$0x1FF30];
	v2 =	vadd.f32 v4, v2;
	v4 =	vmul.f32 v39, v17;
	v3 =	vadd.f32 v36, v3  }
0x30b: {  	[tilespmem:$0x2980] =	vst v37;
	v0 =	vmul.f32 v0, v14;
	v45 =	vsub.f32 v34, v38;
	v5 =	vand.u32 $0x7FFFFFFF, v5;
	v60 =	vld [tilespmem:$0x1FF40]  }
0x30c: {  	[tilespmem:$0x2A00] =	vst v10;
	v44 =	vand.u32 $0x7FFFFFFF, v7;
	v51 =	vld [tilespmem:$0x1FF00];
	v43 =	vmul.f32 v5, v16;
	v3 =	vadd.f32 v4, v3  }
0x30d: {  	[tilespmem:$0x2700] =	vst v46;
	v47 =	vsub.f32 v29, v31;
	v50 =	vand.u32 $0x7FFFFFFF, v45;
	v11 =	vmul.f32 v42, v13;
	v62 =	vld [tilespmem:$0x1FF50]  }
0x30e: {  	[tilespmem:$0x2780] =	vst v49;
	v53 =	vmul.f32 v50, v14;
	v54 =	vld [tilespmem:$0x1FF10];
	v48 =	vmul.f32 v44, v15;
	v3 =	vadd.f32 v43, v3  }
0x30f: {  	[tilespmem:$0x2900] =	vst v57;
	v63 =	vimm.f32 $0.0e+00;
	v1 =	vadd.f32 v11, v1;
	v6 =	vsub.f32 v40, v41  }
0x310: {  	v52 =	vand.u32 $0x7FFFFFFF, v47;
	[tilespmem:$0x2C80] =	vst v63;
	v5 =	vadd.f32 v59, v60;
	v3 =	vadd.f32 v48, v3  }
0x311: {  	v55 =	vmul.f32 v52, v13;
	[tilespmem:$0x2A80] =	vst v1;
	v0 =	vadd.f32 v0, v2;
	v56 =	vand.u32 $0x7FFFFFFF, v6  }
0x312: {  	[tilespmem:$0x2800] =	vst v51;
	v1 =	vadd.f32 v62, v5;
	v58 =	vmul.f32 v56, v13;
	v3 =	vadd.f32 v53, v3  }
0x313: {  	[tilespmem:$0x2880] =	vst v54;
	v0 =	vadd.f32 v55, v0  }
0x314: {  	[tilespmem:$0x2C00] =	vst v1;
	v61 =	vadd.f32 v58, v3  }
0x315: {  	p0 =	sne.s32 s8, $0x1;
	[tilespmem:$0x2B00] =	vst v0  }
.Ltmp0:
0x316: {  	[tilespmem:$0x2B80] =	vst v61;
	(pc) =	sbr.rel @p0 .LBB2_1-.Ltmp0, $4  }
0x317: {  	[hbm4b:s7+s3] =	stream.linear.scatter [tilespmem:s0], [sflag:$0x3], $0x600, $0x38;
	[tilespmem:$0x2F00] =	vst v63  }
0x318: {  	_ =	swait.ge [sflag:s9], $0x600  }
0x319: {  	[sflag:s9] =	ssyncset.done $0x0  }
0x31a: {  	s8 =	sadd.s32 $0xFFFFFFFF, s8;
	[sflag:s9] =	ssyncadd.s32 $0xFFFFFA00  }
0x31b: {  	_ =	sfence.sel $0x180000  }
0x31c: {  	[bflag:$0x0] =	sbarrier.arrive $0xFFFF  }
0x31d: {  	_ =	strace $0x90000047  }
0x31e: {  	s0 =	stileid.u32;
	[bflag:$0x2] =	sbarrier.arrive $0xFFFF  }
0x31f: {  	p0 =	sne.s32 s0, $0x0;
	s0 =	rddreg [dreg:$0x2]  }
0x320: {  	s0 =	sadd.s32 @!p0 $0x100000, s0  }
0x321: {  	[sflag:s0] =	ssyncadd.tile.s32 @!p0 $0x1;
	_ =	shalt  }
.Lfunc_end2:
_tile_overlayer_lowered:
.L_overlay_start_2:
0x322: {  	(tag) =	ssettag $0x2  }
0x323: {  	s0 =	rddreg [dreg:$0x0];
	s2 =	stileid.u32  }
0x324: {  	s1 =	rddreg [dreg:$0x1];
	p0 =	sne.s32 s2, $0x0  }
0x325: {  	s3 =	rddreg [dreg:$0x2];
	[bflag:$0x3] =	sbarrier.arrive $0xFFFF;
	s2 =	simm.s32 @!p0 $0x1C03  }
0x326: {  	[timem:s3], [sflag:s2] =	dma.local @!p0 [hbm:s0], s1  }
0x327: {  	s0 =	simm.s32 @!p0 $0x3  }
0x328: {  	_ =	swait.ge @!p0 [sflag:s0], s1  }
0x329: {  	s1 =	ssub.s32 @!p0 $0x0, s1;
	[sflag:s0] =	ssyncset.done @!p0 $0x0  }
0x32a: {  	[sflag:s0] =	ssyncadd.s32 @!p0 s1  }
0x32b: {  	[bflag:$0x3] =	sbarrier.arrive $0xFFFF  }
0x32c: {  	_ =	shalt  }

</sc_bundles>
